<compile_context>
chip_gen: v7x
topology: tpu7x:2x2x1
jax: 0.10.2.dev20260603
libtpu: 0.0.44.dev20260713+nightly
codegen_flags: <defaults>
</compile_context>

<pallas_src>
import functools

import jax
import jax.numpy as jnp
from jax import lax
from jax.experimental import pallas as pl
from jax.experimental.pallas import tpu as pltpu
from jax.experimental.pallas import tpu_sc as plsc

NN = 10000
EE = 320000
FF = 128
GG = 128
NC, NS = 2, 16
NW = NC * NS
CHUNK = 80
EPW = EE // NW
NCHUNK = EPW // CHUNK
NP = 10240
RPT = NP // NS
ZCH = 40
DEGW = 128

_f32 = jnp.float32



def _fill_rows(buf, nrows, width, value):
    vec = jnp.full((16,), value, _f32)

    def body(r, c):
        for k in range(width // 16):
            buf[r, pl.ds(k * 16, 16)] = vec
        return c

    lax.fori_loop(0, nrows, body, 0)


def _deg_body(dst3, deg_out, idx_v, ones_v, zbuf, deg_sh, dsem):
    cid = lax.axis_index("c")
    sid = lax.axis_index("s")
    wid = cid * NS + sid
    pltpu.sync_copy(dst3.at[wid], idx_v)
    _fill_rows(ones_v, CHUNK, DEGW, 1.0)
    _fill_rows(zbuf, ZCH, DEGW, 0.0)
    for t in range(RPT // ZCH):
        pltpu.sync_copy(zbuf, deg_sh.at[pl.ds(sid * RPT + t * ZCH, ZCH)])
    plsc.subcore_barrier()

    def body(jj, c):
        ds = [pltpu.async_copy(ones_v, deg_sh.at[idx_v.at[jj * 5 + k]],
                               dsem, add=True) for k in range(5)]
        for d in ds:
            d.wait()
        return c

    lax.fori_loop(0, NCHUNK // 5, body, 0)
    plsc.subcore_barrier()
    pltpu.sync_copy(deg_sh.at[pl.ds(sid * RPT, RPT)],
                    deg_out.at[cid, pl.ds(sid * RPT, RPT)])


_sc_deg = functools.partial(
    pl.kernel,
    out_type=jax.ShapeDtypeStruct((NC, NP, DEGW), _f32),
    mesh=plsc.VectorSubcoreMesh(core_axis_name="c", subcore_axis_name="s",
                                num_cores=NC, num_subcores=NS),
    scratch_types=[
        pltpu.VMEM((NCHUNK, CHUNK), jnp.int32),
        pltpu.VMEM((CHUNK, DEGW), _f32),
        pltpu.VMEM((ZCH, DEGW), _f32),
        pltpu.VMEM_SHARED((NP, DEGW), _f32),
        pltpu.SemaphoreType.DMA,
    ],
)(_deg_body)


def _agg_body(y, src3, dst3, out, idx_s, idx_d, rows, zbuf, acc_sh,
              sem, sem2, sem3, sem4):
    cid = lax.axis_index("c")
    sid = lax.axis_index("s")
    wid = cid * NS + sid
    _fill_rows(zbuf, ZCH, FF, 0.0)
    for t in range(RPT // ZCH):
        pltpu.sync_copy(zbuf, acc_sh.at[pl.ds(sid * RPT + t * ZCH, ZCH)])
    plsc.subcore_barrier()

    for boff, bsz in ((0, 64), (64, 56), (120, 5)):
        pltpu.sync_copy(src3.at[wid, pl.ds(boff, bsz)],
                        idx_s.at[pl.ds(0, bsz)])
        pltpu.sync_copy(dst3.at[wid, pl.ds(boff, bsz)],
                        idx_d.at[pl.ds(0, bsz)])

        def body(jj, c):
            j0 = jj * 2
            j1 = j0 + 1
            ga = pltpu.async_copy(y.at[idx_s.at[j0]], rows.at[0], sem)
            gb = pltpu.async_copy(y.at[idx_s.at[j1]], rows.at[1], sem2)
            ga.wait()
            sa = pltpu.async_copy(rows.at[0], acc_sh.at[idx_d.at[j0]], sem3,
                                  add=True)
            gb.wait()
            sb = pltpu.async_copy(rows.at[1], acc_sh.at[idx_d.at[j1]], sem4,
                                  add=True)
            sa.wait()
            sb.wait()
            return c

        lax.fori_loop(0, bsz // 2, body, 0)
        if bsz % 2:
            j = bsz - 1
            pltpu.async_copy(y.at[idx_s.at[j]], rows.at[0], sem).wait()
            pltpu.sync_copy(rows.at[0], acc_sh.at[idx_d.at[j]], add=True)
    plsc.subcore_barrier()
    pltpu.sync_copy(acc_sh.at[pl.ds(sid * RPT, RPT)],
                    out.at[cid, pl.ds(sid * RPT, RPT)])


_sc_agg = functools.partial(
    pl.kernel,
    out_type=jax.ShapeDtypeStruct((NC, NP, FF), _f32),
    mesh=plsc.VectorSubcoreMesh(core_axis_name="c", subcore_axis_name="s",
                                num_cores=NC, num_subcores=NS),
    scratch_types=[
        pltpu.VMEM((64, CHUNK), jnp.int32),
        pltpu.VMEM((64, CHUNK), jnp.int32),
        pltpu.VMEM((2, CHUNK, FF), _f32),
        pltpu.VMEM((ZCH, FF), _f32),
        pltpu.VMEM_SHARED((NP, FF), _f32),
        pltpu.SemaphoreType.DMA,
        pltpu.SemaphoreType.DMA,
        pltpu.SemaphoreType.DMA,
        pltpu.SemaphoreType.DMA,
    ],
)(_agg_body)



def _pre_body(x_ref, w_ref, deg_ref, y_ref, dinv_ref):
    deg = deg_ref[0, :NN, 0:1] + deg_ref[1, :NN, 0:1] + 1.0
    dinv = lax.rsqrt(deg)
    dinv_b = jnp.broadcast_to(dinv, (NN, FF))
    dinv_ref[...] = dinv_b
    xw = jnp.dot(x_ref[...], w_ref[...], preferred_element_type=_f32)
    y_ref[...] = xw * dinv_b


def _tc_pre(x, w1, deg):
    return pl.pallas_call(
        _pre_body,
        out_shape=(jax.ShapeDtypeStruct((NN, FF), _f32),
                   jax.ShapeDtypeStruct((NN, FF), _f32)),
    )(x, w1, deg)


def _layer_tail(prev, y, agg0, agg1, dinv, b, g, be):
    conv = dinv * (agg0 + agg1 + y) + b
    t = prev + conv
    m = jnp.mean(t, axis=0, keepdims=True)
    v = jnp.mean((t - m) * (t - m), axis=0, keepdims=True)
    xh = (t - m) * lax.rsqrt(v + 1e-5) * g + be
    neg = jnp.where(xh > 0, 0.0, xh)
    return jnp.where(xh > 0, xh, jnp.exp(neg) - 1.0)


def _mid_body(prev_ref, y_ref, agg_ref, dinv_ref, b_ref, g_ref, be_ref,
              wn_ref, hn_ref, yn_ref):
    dinv = dinv_ref[...]
    hn = _layer_tail(prev_ref[...], y_ref[...], agg_ref[0, :NN], agg_ref[1, :NN],
                     dinv, b_ref[...], g_ref[...], be_ref[...])
    hn_ref[...] = hn
    yn_ref[...] = jnp.dot(hn, wn_ref[...], preferred_element_type=_f32) * dinv


def _tc_mid(prev, y, agg, dinv, b, g, be, wn):
    return pl.pallas_call(
        _mid_body,
        out_shape=(jax.ShapeDtypeStruct((NN, FF), _f32),
                   jax.ShapeDtypeStruct((NN, FF), _f32)),
    )(prev, y, agg, dinv, b, g, be, wn)


def _final_body(prev_ref, y_ref, agg_ref, dinv_ref, b_ref, g_ref, be_ref,
                batch_ref, wr_ref, br_ref, out_ref):
    hn = _layer_tail(prev_ref[...], y_ref[...], agg_ref[0, :NN], agg_ref[1, :NN],
                     dinv_ref[...], b_ref[...], g_ref[...], be_ref[...])
    cols = lax.broadcasted_iota(jnp.int32, (NN, GG), 1)
    oh = (batch_ref[...] == cols).astype(_f32)
    dn = (((0,), (0,)), ((), ()))
    sums = lax.dot_general(oh, hn, dn, preferred_element_type=_f32)
    ones = jnp.ones((NN, 8), _f32)
    counts = lax.dot_general(oh, ones, dn, preferred_element_type=_f32)[:, 0:1]
    pooled = sums / jnp.maximum(counts, 1.0)
    out_ref[...] = (jnp.dot(pooled, wr_ref[...], preferred_element_type=_f32)
                    + br_ref[...])


def _tc_final(prev, y, agg, dinv, b, g, be, batch2d, wr, br):
    return pl.pallas_call(
        _final_body,
        out_shape=jax.ShapeDtypeStruct((GG, 2), _f32),
    )(prev, y, agg, dinv, b, g, be, batch2d, wr, br)



def kernel(x, edge_index, batch, W1, b1, g1, be1, W2, b2, g2, be2,
           W3, b3, g3, be3, Wr, br):
    src3 = edge_index[0].reshape(NW, NCHUNK, CHUNK)
    dst3 = edge_index[1].reshape(NW, NCHUNK, CHUNK)
    batch2d = batch.reshape(NN, 1)
    b1r, g1r, be1r = b1.reshape(1, FF), g1.reshape(1, FF), be1.reshape(1, FF)
    b2r, g2r, be2r = b2.reshape(1, FF), g2.reshape(1, FF), be2.reshape(1, FF)
    b3r, g3r, be3r = b3.reshape(1, FF), g3.reshape(1, FF), be3.reshape(1, FF)
    brr = br.reshape(1, 2)
    zeros = jnp.zeros((NN, FF), _f32)

    deg = _sc_deg(dst3)
    y1, dinv = _tc_pre(x, W1, deg)
    agg1 = _sc_agg(y1, src3, dst3)
    h1, y2 = _tc_mid(zeros, y1, agg1, dinv, b1r, g1r, be1r, W2)
    agg2 = _sc_agg(y2, src3, dst3)
    h2, y3 = _tc_mid(x, y2, agg2, dinv, b2r, g2r, be2r, W3)
    agg3 = _sc_agg(y3, src3, dst3)
    out = _tc_final(h1, y3, agg3, dinv, b3r, g3r, be3r, batch2d, Wr, brr)
    return out

# --- scband reference (transcript-rebuilt; emitter-appended) ---
"""Pipeline reference for scband-model-32667521254286 (READ-ONLY COPY).

The authoritative reference and input builder live on the scoring server;
editing this copy changes nothing except your own understanding.
"""

import jax, jax.numpy as jnp
import numpy as np

N = 10000
E = 320000
D = 128
G = 128


def gcn_conv(x, src, dst, W, b, num_nodes):
    # PyG GCNConv: x' = D^{-1/2} (A + I) D^{-1/2} (X W) + b, aggregation at dst (target)
    xw = x @ W
    loop = jnp.arange(num_nodes, dtype=src.dtype)
    s = jnp.concatenate([src, loop])
    d = jnp.concatenate([dst, loop])
    deg = jnp.zeros((num_nodes,), dtype=xw.dtype).at[d].add(1.0)
    dinv = jnp.where(deg > 0, jax.lax.rsqrt(deg), 0.0)
    norm = dinv[s] * dinv[d]
    msg = xw[s] * norm[:, None]
    out = jnp.zeros_like(xw).at[d].add(msg)
    return out + b


def batch_norm(h, g, b):
    # BatchNorm1d in training mode: batch statistics, biased variance, eps=1e-5
    m = jnp.mean(h, axis=0)
    v = jnp.var(h, axis=0)
    return (h - m) * jax.lax.rsqrt(v + 1e-5) * g + b


def setup_inputs(seed: int = 0):
    key = jax.random.key(seed)
    ks = jax.random.split(key, 16)
    x = jax.random.normal(ks[0], (N, D), dtype=jnp.float32)
    edge_index = jax.random.randint(ks[1], (2, E), 0, N, dtype=jnp.int32)
    batch = jnp.sort(jax.random.randint(ks[2], (N,), 0, G, dtype=jnp.int32))
    s = (1.0 / np.sqrt(D)).astype(np.float32) if hasattr(1.0 / np.sqrt(D), 'astype') else np.float32(1.0 / np.sqrt(D))
    s = np.float32(1.0 / np.sqrt(D))
    W1 = jax.random.normal(ks[3], (D, 128), dtype=jnp.float32) * s
    b1 = jnp.zeros((128,), dtype=jnp.float32)
    g1 = jnp.ones((128,), dtype=jnp.float32)
    be1 = jnp.zeros((128,), dtype=jnp.float32)
    W2 = jax.random.normal(ks[4], (128, 128), dtype=jnp.float32) * s
    b2 = jnp.zeros((128,), dtype=jnp.float32)
    g2 = jnp.ones((128,), dtype=jnp.float32)
    be2 = jnp.zeros((128,), dtype=jnp.float32)
    W3 = jax.random.normal(ks[5], (128, 128), dtype=jnp.float32) * s
    b3 = jnp.zeros((128,), dtype=jnp.float32)
    g3 = jnp.ones((128,), dtype=jnp.float32)
    be3 = jnp.zeros((128,), dtype=jnp.float32)
    Wr = jax.random.normal(ks[6], (128, 2), dtype=jnp.float32) * s
    br = jnp.zeros((2,), dtype=jnp.float32)
    return {"x": x, "edge_index": edge_index, "batch": batch,
            "W1": W1, "b1": b1, "g1": g1, "be1": be1,
            "W2": W2, "b2": b2, "g2": g2, "be2": be2,
            "W3": W3, "b3": b3, "g3": g3, "be3": be3,
            "Wr": Wr, "br": br}


def reference(x, edge_index, batch, W1, b1, g1, be1, W2, b2, g2, be2, W3, b3, g3, be3, Wr, br):
    src = edge_index[0]
    dst = edge_index[1]
    internal_dim = 128
    h = x
    prev = jnp.zeros((x.shape[0], internal_dim), dtype=x.dtype)
    params = [(W1, b1, g1, be1), (W2, b2, g2, be2), (W3, b3, g3, be3)]
    for (W, b, g, be) in params:
        conv = gcn_conv(h, src, dst, W, b, x.shape[0])
        block_out = jax.nn.elu(batch_norm(prev + conv, g, be))
        prev = h[:, :internal_dim]
        h = block_out
    # global mean pool over graphs in the batch
    sums = jax.ops.segment_sum(h, batch, num_segments=G)
    counts = jax.ops.segment_sum(jnp.ones((h.shape[0],), dtype=h.dtype), batch, num_segments=G)
    pooled = sums / jnp.clip(counts, 1.0, None)[:, None]
    out = pooled @ Wr + br
    return out

if __name__ == "__main__":
    import jax
    _d = setup_inputs()
    print(jax.jit(kernel)(*tuple(_d.values())))

</pallas_src>

<mosaic_0001>
#map = affine_map<(d0, d1) -> (0, 0)>
#map1 = affine_map<(d0, d1) -> (0, 0, 0)>
module attributes {stable_mosaic.version = 14 : i64} {
  func.func @_agg_body(%arg0: i32, %arg1: i32, %arg2: memref<10000x128xf32, #tpu.memory_space<hbm>>, %arg3: memref<32x125x80xi32, #tpu.memory_space<hbm>>, %arg4: memref<32x125x80xi32, #tpu.memory_space<hbm>>, %arg5: memref<2x10240x128xf32, #tpu.memory_space<hbm>>, %arg6: memref<64x80xi32, #tpu.memory_space<vmem>>, %arg7: memref<64x80xi32, #tpu.memory_space<vmem>>, %arg8: memref<2x80x128xf32, #tpu.memory_space<vmem>>, %arg9: memref<40x128xf32, #tpu.memory_space<vmem>>, %arg10: memref<10240x128xf32, #tpu.memory_space<vmem_shared>>, %arg11: memref<!tpu.dma_semaphore, #tpu.memory_space<semaphore_mem>>, %arg12: memref<!tpu.dma_semaphore, #tpu.memory_space<semaphore_mem>>, %arg13: memref<!tpu.dma_semaphore, #tpu.memory_space<semaphore_mem>>, %arg14: memref<!tpu.dma_semaphore, #tpu.memory_space<semaphore_mem>>) attributes {dimension_semantics = [#tpu.dimension_semantics<core_parallel>, #tpu.dimension_semantics<subcore_parallel>], iteration_bounds = array<i64: 2, 16>, scalar_prefetch = 0 : i64, scratch_operands = 9 : i64, tpu.core_type = #tpu.core_type<sc_vector_subcore>, window_params = [{transform_indices = #map}, {transform_indices = #map1}, {transform_indices = #map1}, {transform_indices = #map1}]} {
    %mul3A = arith.constant 16 : i32
    %mul3A_0 = arith.muli %arg0, %mul3A : i32
    %add3A = arith.addi %mul3A_0, %arg1 : i32
    %broadcast_in_dim3A = arith.constant 0.000000e+00 : f32
    %broadcast_in_dim3A_1 = vector.broadcast %broadcast_in_dim3A : f32 to vector<16xf32>
    %scan3A = arith.constant 0 : i32
    %scan3A_2 = arith.constant 0 : i32
    %scan3A_3 = arith.constant 40 : i32
    %scan3A_4 = arith.addi %scan3A_2, %scan3A_3 : i32
    %scan3A_5 = arith.constant 1 : i32
    scf.for %scan3A_117 = %scan3A_2 to %scan3A_4 step %scan3A_5  : i32 {
      %swap3A = arith.index_cast %scan3A_117 : i32 to index
      %swap3A_118 = arith.constant 0 : index
      %swap3A_119 = tpu.vector_load %arg9[%swap3A, %swap3A_118] {strides = array<i32>} : memref<40x128xf32, #tpu.memory_space<vmem>>, vector<1x16xf32>,
      %swap3A_120 = vector.shape_cast %swap3A_119 : vector<1x16xf32> to vector<16xf32>
      %swap3A_121 = vector.shape_cast %broadcast_in_dim3A_1 : vector<16xf32> to vector<1x16xf32>
      tpu.vector_store %arg9[%swap3A, %swap3A_118], %swap3A_121 {strides = array<i32>} : memref<40x128xf32, #tpu.memory_space<vmem>>, vector<1x16xf32>,
      %swap3A_122 = arith.index_cast %scan3A_117 : i32 to index
      %swap3A_123 = arith.constant 16 : index
      %swap3A_124 = tpu.vector_load %arg9[%swap3A_122, %swap3A_123] {strides = array<i32>} : memref<40x128xf32, #tpu.memory_space<vmem>>, vector<1x16xf32>,
      %swap3A_125 = vector.shape_cast %swap3A_124 : vector<1x16xf32> to vector<16xf32>
      %swap3A_126 = vector.shape_cast %broadcast_in_dim3A_1 : vector<16xf32> to vector<1x16xf32>
      tpu.vector_store %arg9[%swap3A_122, %swap3A_123], %swap3A_126 {strides = array<i32>} : memref<40x128xf32, #tpu.memory_space<vmem>>, vector<1x16xf32>,
      %swap3A_127 = arith.index_cast %scan3A_117 : i32 to index
      %swap3A_128 = arith.constant 32 : index
      %swap3A_129 = tpu.vector_load %arg9[%swap3A_127, %swap3A_128] {strides = array<i32>} : memref<40x128xf32, #tpu.memory_space<vmem>>, vector<1x16xf32>,
      %swap3A_130 = vector.shape_cast %swap3A_129 : vector<1x16xf32> to vector<16xf32>
      %swap3A_131 = vector.shape_cast %broadcast_in_dim3A_1 : vector<16xf32> to vector<1x16xf32>
      tpu.vector_store %arg9[%swap3A_127, %swap3A_128], %swap3A_131 {strides = array<i32>} : memref<40x128xf32, #tpu.memory_space<vmem>>, vector<1x16xf32>,
      %swap3A_132 = arith.index_cast %scan3A_117 : i32 to index
      %swap3A_133 = arith.constant 48 : index
      %swap3A_134 = tpu.vector_load %arg9[%swap3A_132, %swap3A_133] {strides = array<i32>} : memref<40x128xf32, #tpu.memory_space<vmem>>, vector<1x16xf32>,
      %swap3A_135 = vector.shape_cast %swap3A_134 : vector<1x16xf32> to vector<16xf32>
      %swap3A_136 = vector.shape_cast %broadcast_in_dim3A_1 : vector<16xf32> to vector<1x16xf32>
      tpu.vector_store %arg9[%swap3A_132, %swap3A_133], %swap3A_136 {strides = array<i32>} : memref<40x128xf32, #tpu.memory_space<vmem>>, vector<1x16xf32>,
      %swap3A_137 = arith.index_cast %scan3A_117 : i32 to index
      %swap3A_138 = arith.constant 64 : index
      %swap3A_139 = tpu.vector_load %arg9[%swap3A_137, %swap3A_138] {strides = array<i32>} : memref<40x128xf32, #tpu.memory_space<vmem>>, vector<1x16xf32>,
      %swap3A_140 = vector.shape_cast %swap3A_139 : vector<1x16xf32> to vector<16xf32>
      %swap3A_141 = vector.shape_cast %broadcast_in_dim3A_1 : vector<16xf32> to vector<1x16xf32>
      tpu.vector_store %arg9[%swap3A_137, %swap3A_138], %swap3A_141 {strides = array<i32>} : memref<40x128xf32, #tpu.memory_space<vmem>>, vector<1x16xf32>,
      %swap3A_142 = arith.index_cast %scan3A_117 : i32 to index
      %swap3A_143 = arith.constant 80 : index
      %swap3A_144 = tpu.vector_load %arg9[%swap3A_142, %swap3A_143] {strides = array<i32>} : memref<40x128xf32, #tpu.memory_space<vmem>>, vector<1x16xf32>,
      %swap3A_145 = vector.shape_cast %swap3A_144 : vector<1x16xf32> to vector<16xf32>
      %swap3A_146 = vector.shape_cast %broadcast_in_dim3A_1 : vector<16xf32> to vector<1x16xf32>
      tpu.vector_store %arg9[%swap3A_142, %swap3A_143], %swap3A_146 {strides = array<i32>} : memref<40x128xf32, #tpu.memory_space<vmem>>, vector<1x16xf32>,
      %swap3A_147 = arith.index_cast %scan3A_117 : i32 to index
      %swap3A_148 = arith.constant 96 : index
      %swap3A_149 = tpu.vector_load %arg9[%swap3A_147, %swap3A_148] {strides = array<i32>} : memref<40x128xf32, #tpu.memory_space<vmem>>, vector<1x16xf32>,
      %swap3A_150 = vector.shape_cast %swap3A_149 : vector<1x16xf32> to vector<16xf32>
      %swap3A_151 = vector.shape_cast %broadcast_in_dim3A_1 : vector<16xf32> to vector<1x16xf32>
      tpu.vector_store %arg9[%swap3A_147, %swap3A_148], %swap3A_151 {strides = array<i32>} : memref<40x128xf32, #tpu.memory_space<vmem>>, vector<1x16xf32>,
      %swap3A_152 = arith.index_cast %scan3A_117 : i32 to index
      %swap3A_153 = arith.constant 112 : index
      %swap3A_154 = tpu.vector_load %arg9[%swap3A_152, %swap3A_153] {strides = array<i32>} : memref<40x128xf32, #tpu.memory_space<vmem>>, vector<1x16xf32>,
      %swap3A_155 = vector.shape_cast %swap3A_154 : vector<1x16xf32> to vector<16xf32>
      %swap3A_156 = vector.shape_cast %broadcast_in_dim3A_1 : vector<16xf32> to vector<1x16xf32>
      tpu.vector_store %arg9[%swap3A_152, %swap3A_153], %swap3A_156 {strides = array<i32>} : memref<40x128xf32, #tpu.memory_space<vmem>>, vector<1x16xf32>,
    }
    %scan3A_6 = arith.constant 40 : i32
    %mul3A_7 = arith.constant 640 : i32
    %mul3A_8 = arith.muli %arg1, %mul3A_7 : i32
    %add3A_9 = arith.constant 0 : i32
    %add3A_10 = arith.addi %mul3A_8, %add3A_9 : i32
    "tpu.region"() ({
      %run_scoped3A_117 = tpu.sem_alloc : memref<!tpu.dma_semaphore, #tpu.memory_space<semaphore_mem>>
      %dma_start3A_118 = arith.constant 0 : i32
      %dma_start3A_119 = tpu.memref_slice %arg10[%add3A_10, %dma_start3A_118] : memref<10240x128xf32, #tpu.memory_space<vmem_shared>> -> memref<40x128xf32, #tpu.memory_space<vmem_shared>>
      %dma_start3A_120 = arith.constant 0 : i32
      %dma_start3A_121 = tpu.memref_slice %arg10[%add3A_10, %dma_start3A_120] : memref<10240x128xf32, #tpu.memory_space<vmem_shared>> -> memref<40x128xf32, #tpu.memory_space<vmem_shared>>
      tpu.enqueue_dma source(%arg9 : memref<40x128xf32, #tpu.memory_space<vmem>>) target(%dma_start3A_121 : memref<40x128xf32, #tpu.memory_space<vmem_shared>>) target_semaphore(%run_scoped3A_117 : memref<!tpu.dma_semaphore, #tpu.memory_space<semaphore_mem>>)
      %dma_wait3A_122 = arith.constant 0 : i32
      %dma_wait3A_123 = tpu.memref_slice %arg10[%add3A_10, %dma_wait3A_122] : memref<10240x128xf32, #tpu.memory_space<vmem_shared>> -> memref<40x128xf32, #tpu.memory_space<vmem_shared>>
      %dma_wait3A_124 = arith.constant 0 : i32
      %dma_wait3A_125 = tpu.memref_slice %arg10[%add3A_10, %dma_wait3A_124] : memref<10240x128xf32, #tpu.memory_space<vmem_shared>> -> memref<40x128xf32, #tpu.memory_space<vmem_shared>>
      tpu.wait_dma2 semaphore(%run_scoped3A_117 : memref<!tpu.dma_semaphore, #tpu.memory_space<semaphore_mem>>) src(%arg9 : memref<40x128xf32, #tpu.memory_space<vmem>>) dst(%dma_wait3A_125 : memref<40x128xf32, #tpu.memory_space<vmem_shared>>)
      tpu.yield
    }) : () -> ()
    %mul3A_11 = arith.constant 640 : i32
    %mul3A_12 = arith.muli %arg1, %mul3A_11 : i32
    %add3A_13 = arith.constant 40 : i32
    %add3A_14 = arith.addi %mul3A_12, %add3A_13 : i32
    "tpu.region"() ({
      %run_scoped3A_117 = tpu.sem_alloc : memref<!tpu.dma_semaphore, #tpu.memory_space<semaphore_mem>>
      %dma_start3A_118 = arith.constant 0 : i32
      %dma_start3A_119 = tpu.memref_slice %arg10[%add3A_14, %dma_start3A_118] : memref<10240x128xf32, #tpu.memory_space<vmem_shared>> -> memref<40x128xf32, #tpu.memory_space<vmem_shared>>
      %dma_start3A_120 = arith.constant 0 : i32
      %dma_start3A_121 = tpu.memref_slice %arg10[%add3A_14, %dma_start3A_120] : memref<10240x128xf32, #tpu.memory_space<vmem_shared>> -> memref<40x128xf32, #tpu.memory_space<vmem_shared>>
      tpu.enqueue_dma source(%arg9 : memref<40x128xf32, #tpu.memory_space<vmem>>) target(%dma_start3A_121 : memref<40x128xf32, #tpu.memory_space<vmem_shared>>) target_semaphore(%run_scoped3A_117 : memref<!tpu.dma_semaphore, #tpu.memory_space<semaphore_mem>>)
      %dma_wait3A_122 = arith.constant 0 : i32
      %dma_wait3A_123 = tpu.memref_slice %arg10[%add3A_14, %dma_wait3A_122] : memref<10240x128xf32, #tpu.memory_space<vmem_shared>> -> memref<40x128xf32, #tpu.memory_space<vmem_shared>>
      %dma_wait3A_124 = arith.constant 0 : i32
      %dma_wait3A_125 = tpu.memref_slice %arg10[%add3A_14, %dma_wait3A_124] : memref<10240x128xf32, #tpu.memory_space<vmem_shared>> -> memref<40x128xf32, #tpu.memory_space<vmem_shared>>
      tpu.wait_dma2 semaphore(%run_scoped3A_117 : memref<!tpu.dma_semaphore, #tpu.memory_space<semaphore_mem>>) src(%arg9 : memref<40x128xf32, #tpu.memory_space<vmem>>) dst(%dma_wait3A_125 : memref<40x128xf32, #tpu.memory_space<vmem_shared>>)
      tpu.yield
    }) : () -> ()
    %mul3A_15 = arith.constant 640 : i32
    %mul3A_16 = arith.muli %arg1, %mul3A_15 : i32
    %add3A_17 = arith.constant 80 : i32
    %add3A_18 = arith.addi %mul3A_16, %add3A_17 : i32
    "tpu.region"() ({
      %run_scoped3A_117 = tpu.sem_alloc : memref<!tpu.dma_semaphore, #tpu.memory_space<semaphore_mem>>
      %dma_start3A_118 = arith.constant 0 : i32
      %dma_start3A_119 = tpu.memref_slice %arg10[%add3A_18, %dma_start3A_118] : memref<10240x128xf32, #tpu.memory_space<vmem_shared>> -> memref<40x128xf32, #tpu.memory_space<vmem_shared>>
      %dma_start3A_120 = arith.constant 0 : i32
      %dma_start3A_121 = tpu.memref_slice %arg10[%add3A_18, %dma_start3A_120] : memref<10240x128xf32, #tpu.memory_space<vmem_shared>> -> memref<40x128xf32, #tpu.memory_space<vmem_shared>>
      tpu.enqueue_dma source(%arg9 : memref<40x128xf32, #tpu.memory_space<vmem>>) target(%dma_start3A_121 : memref<40x128xf32, #tpu.memory_space<vmem_shared>>) target_semaphore(%run_scoped3A_117 : memref<!tpu.dma_semaphore, #tpu.memory_space<semaphore_mem>>)
      %dma_wait3A_122 = arith.constant 0 : i32
      %dma_wait3A_123 = tpu.memref_slice %arg10[%add3A_18, %dma_wait3A_122] : memref<10240x128xf32, #tpu.memory_space<vmem_shared>> -> memref<40x128xf32, #tpu.memory_space<vmem_shared>>
      %dma_wait3A_124 = arith.constant 0 : i32
      %dma_wait3A_125 = tpu.memref_slice %arg10[%add3A_18, %dma_wait3A_124] : memref<10240x128xf32, #tpu.memory_space<vmem_shared>> -> memref<40x128xf32, #tpu.memory_space<vmem_shared>>
      tpu.wait_dma2 semaphore(%run_scoped3A_117 : memref<!tpu.dma_semaphore, #tpu.memory_space<semaphore_mem>>) src(%arg9 : memref<40x128xf32, #tpu.memory_space<vmem>>) dst(%dma_wait3A_125 : memref<40x128xf32, #tpu.memory_space<vmem_shared>>)
      tpu.yield
    }) : () -> ()
    %mul3A_19 = arith.constant 640 : i32
    %mul3A_20 = arith.muli %arg1, %mul3A_19 : i32
    %add3A_21 = arith.constant 120 : i32
    %add3A_22 = arith.addi %mul3A_20, %add3A_21 : i32
    "tpu.region"() ({
      %run_scoped3A_117 = tpu.sem_alloc : memref<!tpu.dma_semaphore, #tpu.memory_space<semaphore_mem>>
      %dma_start3A_118 = arith.constant 0 : i32
      %dma_start3A_119 = tpu.memref_slice %arg10[%add3A_22, %dma_start3A_118] : memref<10240x128xf32, #tpu.memory_space<vmem_shared>> -> memref<40x128xf32, #tpu.memory_space<vmem_shared>>
      %dma_start3A_120 = arith.constant 0 : i32
      %dma_start3A_121 = tpu.memref_slice %arg10[%add3A_22, %dma_start3A_120] : memref<10240x128xf32, #tpu.memory_space<vmem_shared>> -> memref<40x128xf32, #tpu.memory_space<vmem_shared>>
      tpu.enqueue_dma source(%arg9 : memref<40x128xf32, #tpu.memory_space<vmem>>) target(%dma_start3A_121 : memref<40x128xf32, #tpu.memory_space<vmem_shared>>) target_semaphore(%run_scoped3A_117 : memref<!tpu.dma_semaphore, #tpu.memory_space<semaphore_mem>>)
      %dma_wait3A_122 = arith.constant 0 : i32
      %dma_wait3A_123 = tpu.memref_slice %arg10[%add3A_22, %dma_wait3A_122] : memref<10240x128xf32, #tpu.memory_space<vmem_shared>> -> memref<40x128xf32, #tpu.memory_space<vmem_shared>>
      %dma_wait3A_124 = arith.constant 0 : i32
      %dma_wait3A_125 = tpu.memref_slice %arg10[%add3A_22, %dma_wait3A_124] : memref<10240x128xf32, #tpu.memory_space<vmem_shared>> -> memref<40x128xf32, #tpu.memory_space<vmem_shared>>
      tpu.wait_dma2 semaphore(%run_scoped3A_117 : memref<!tpu.dma_semaphore, #tpu.memory_space<semaphore_mem>>) src(%arg9 : memref<40x128xf32, #tpu.memory_space<vmem>>) dst(%dma_wait3A_125 : memref<40x128xf32, #tpu.memory_space<vmem_shared>>)
      tpu.yield
    }) : () -> ()
    %mul3A_23 = arith.constant 640 : i32
    %mul3A_24 = arith.muli %arg1, %mul3A_23 : i32
    %add3A_25 = arith.constant 160 : i32
    %add3A_26 = arith.addi %mul3A_24, %add3A_25 : i32
    "tpu.region"() ({
      %run_scoped3A_117 = tpu.sem_alloc : memref<!tpu.dma_semaphore, #tpu.memory_space<semaphore_mem>>
      %dma_start3A_118 = arith.constant 0 : i32
      %dma_start3A_119 = tpu.memref_slice %arg10[%add3A_26, %dma_start3A_118] : memref<10240x128xf32, #tpu.memory_space<vmem_shared>> -> memref<40x128xf32, #tpu.memory_space<vmem_shared>>
      %dma_start3A_120 = arith.constant 0 : i32
      %dma_start3A_121 = tpu.memref_slice %arg10[%add3A_26, %dma_start3A_120] : memref<10240x128xf32, #tpu.memory_space<vmem_shared>> -> memref<40x128xf32, #tpu.memory_space<vmem_shared>>
      tpu.enqueue_dma source(%arg9 : memref<40x128xf32, #tpu.memory_space<vmem>>) target(%dma_start3A_121 : memref<40x128xf32, #tpu.memory_space<vmem_shared>>) target_semaphore(%run_scoped3A_117 : memref<!tpu.dma_semaphore, #tpu.memory_space<semaphore_mem>>)
      %dma_wait3A_122 = arith.constant 0 : i32
      %dma_wait3A_123 = tpu.memref_slice %arg10[%add3A_26, %dma_wait3A_122] : memref<10240x128xf32, #tpu.memory_space<vmem_shared>> -> memref<40x128xf32, #tpu.memory_space<vmem_shared>>
      %dma_wait3A_124 = arith.constant 0 : i32
      %dma_wait3A_125 = tpu.memref_slice %arg10[%add3A_26, %dma_wait3A_124] : memref<10240x128xf32, #tpu.memory_space<vmem_shared>> -> memref<40x128xf32, #tpu.memory_space<vmem_shared>>
      tpu.wait_dma2 semaphore(%run_scoped3A_117 : memref<!tpu.dma_semaphore, #tpu.memory_space<semaphore_mem>>) src(%arg9 : memref<40x128xf32, #tpu.memory_space<vmem>>) dst(%dma_wait3A_125 : memref<40x128xf32, #tpu.memory_space<vmem_shared>>)
      tpu.yield
    }) : () -> ()
    %mul3A_27 = arith.constant 640 : i32
    %mul3A_28 = arith.muli %arg1, %mul3A_27 : i32
    %add3A_29 = arith.constant 200 : i32
    %add3A_30 = arith.addi %mul3A_28, %add3A_29 : i32
    "tpu.region"() ({
      %run_scoped3A_117 = tpu.sem_alloc : memref<!tpu.dma_semaphore, #tpu.memory_space<semaphore_mem>>
      %dma_start3A_118 = arith.constant 0 : i32
      %dma_start3A_119 = tpu.memref_slice %arg10[%add3A_30, %dma_start3A_118] : memref<10240x128xf32, #tpu.memory_space<vmem_shared>> -> memref<40x128xf32, #tpu.memory_space<vmem_shared>>
      %dma_start3A_120 = arith.constant 0 : i32
      %dma_start3A_121 = tpu.memref_slice %arg10[%add3A_30, %dma_start3A_120] : memref<10240x128xf32, #tpu.memory_space<vmem_shared>> -> memref<40x128xf32, #tpu.memory_space<vmem_shared>>
      tpu.enqueue_dma source(%arg9 : memref<40x128xf32, #tpu.memory_space<vmem>>) target(%dma_start3A_121 : memref<40x128xf32, #tpu.memory_space<vmem_shared>>) target_semaphore(%run_scoped3A_117 : memref<!tpu.dma_semaphore, #tpu.memory_space<semaphore_mem>>)
      %dma_wait3A_122 = arith.constant 0 : i32
      %dma_wait3A_123 = tpu.memref_slice %arg10[%add3A_30, %dma_wait3A_122] : memref<10240x128xf32, #tpu.memory_space<vmem_shared>> -> memref<40x128xf32, #tpu.memory_space<vmem_shared>>
      %dma_wait3A_124 = arith.constant 0 : i32
      %dma_wait3A_125 = tpu.memref_slice %arg10[%add3A_30, %dma_wait3A_124] : memref<10240x128xf32, #tpu.memory_space<vmem_shared>> -> memref<40x128xf32, #tpu.memory_space<vmem_shared>>
      tpu.wait_dma2 semaphore(%run_scoped3A_117 : memref<!tpu.dma_semaphore, #tpu.memory_space<semaphore_mem>>) src(%arg9 : memref<40x128xf32, #tpu.memory_space<vmem>>) dst(%dma_wait3A_125 : memref<40x128xf32, #tpu.memory_space<vmem_shared>>)
      tpu.yield
    }) : () -> ()
    %mul3A_31 = arith.constant 640 : i32
    %mul3A_32 = arith.muli %arg1, %mul3A_31 : i32
    %add3A_33 = arith.constant 240 : i32
    %add3A_34 = arith.addi %mul3A_32, %add3A_33 : i32
    "tpu.region"() ({
      %run_scoped3A_117 = tpu.sem_alloc : memref<!tpu.dma_semaphore, #tpu.memory_space<semaphore_mem>>
      %dma_start3A_118 = arith.constant 0 : i32
      %dma_start3A_119 = tpu.memref_slice %arg10[%add3A_34, %dma_start3A_118] : memref<10240x128xf32, #tpu.memory_space<vmem_shared>> -> memref<40x128xf32, #tpu.memory_space<vmem_shared>>
      %dma_start3A_120 = arith.constant 0 : i32
      %dma_start3A_121 = tpu.memref_slice %arg10[%add3A_34, %dma_start3A_120] : memref<10240x128xf32, #tpu.memory_space<vmem_shared>> -> memref<40x128xf32, #tpu.memory_space<vmem_shared>>
      tpu.enqueue_dma source(%arg9 : memref<40x128xf32, #tpu.memory_space<vmem>>) target(%dma_start3A_121 : memref<40x128xf32, #tpu.memory_space<vmem_shared>>) target_semaphore(%run_scoped3A_117 : memref<!tpu.dma_semaphore, #tpu.memory_space<semaphore_mem>>)
      %dma_wait3A_122 = arith.constant 0 : i32
      %dma_wait3A_123 = tpu.memref_slice %arg10[%add3A_34, %dma_wait3A_122] : memref<10240x128xf32, #tpu.memory_space<vmem_shared>> -> memref<40x128xf32, #tpu.memory_space<vmem_shared>>
      %dma_wait3A_124 = arith.constant 0 : i32
      %dma_wait3A_125 = tpu.memref_slice %arg10[%add3A_34, %dma_wait3A_124] : memref<10240x128xf32, #tpu.memory_space<vmem_shared>> -> memref<40x128xf32, #tpu.memory_space<vmem_shared>>
      tpu.wait_dma2 semaphore(%run_scoped3A_117 : memref<!tpu.dma_semaphore, #tpu.memory_space<semaphore_mem>>) src(%arg9 : memref<40x128xf32, #tpu.memory_space<vmem>>) dst(%dma_wait3A_125 : memref<40x128xf32, #tpu.memory_space<vmem_shared>>)
      tpu.yield
    }) : () -> ()
    %mul3A_35 = arith.constant 640 : i32
    %mul3A_36 = arith.muli %arg1, %mul3A_35 : i32
    %add3A_37 = arith.constant 280 : i32
    %add3A_38 = arith.addi %mul3A_36, %add3A_37 : i32
    "tpu.region"() ({
      %run_scoped3A_117 = tpu.sem_alloc : memref<!tpu.dma_semaphore, #tpu.memory_space<semaphore_mem>>
      %dma_start3A_118 = arith.constant 0 : i32
      %dma_start3A_119 = tpu.memref_slice %arg10[%add3A_38, %dma_start3A_118] : memref<10240x128xf32, #tpu.memory_space<vmem_shared>> -> memref<40x128xf32, #tpu.memory_space<vmem_shared>>
      %dma_start3A_120 = arith.constant 0 : i32
      %dma_start3A_121 = tpu.memref_slice %arg10[%add3A_38, %dma_start3A_120] : memref<10240x128xf32, #tpu.memory_space<vmem_shared>> -> memref<40x128xf32, #tpu.memory_space<vmem_shared>>
      tpu.enqueue_dma source(%arg9 : memref<40x128xf32, #tpu.memory_space<vmem>>) target(%dma_start3A_121 : memref<40x128xf32, #tpu.memory_space<vmem_shared>>) target_semaphore(%run_scoped3A_117 : memref<!tpu.dma_semaphore, #tpu.memory_space<semaphore_mem>>)
      %dma_wait3A_122 = arith.constant 0 : i32
      %dma_wait3A_123 = tpu.memref_slice %arg10[%add3A_38, %dma_wait3A_122] : memref<10240x128xf32, #tpu.memory_space<vmem_shared>> -> memref<40x128xf32, #tpu.memory_space<vmem_shared>>
      %dma_wait3A_124 = arith.constant 0 : i32
      %dma_wait3A_125 = tpu.memref_slice %arg10[%add3A_38, %dma_wait3A_124] : memref<10240x128xf32, #tpu.memory_space<vmem_shared>> -> memref<40x128xf32, #tpu.memory_space<vmem_shared>>
      tpu.wait_dma2 semaphore(%run_scoped3A_117 : memref<!tpu.dma_semaphore, #tpu.memory_space<semaphore_mem>>) src(%arg9 : memref<40x128xf32, #tpu.memory_space<vmem>>) dst(%dma_wait3A_125 : memref<40x128xf32, #tpu.memory_space<vmem_shared>>)
      tpu.yield
    }) : () -> ()
    %mul3A_39 = arith.constant 640 : i32
    %mul3A_40 = arith.muli %arg1, %mul3A_39 : i32
    %add3A_41 = arith.constant 320 : i32
    %add3A_42 = arith.addi %mul3A_40, %add3A_41 : i32
    "tpu.region"() ({
      %run_scoped3A_117 = tpu.sem_alloc : memref<!tpu.dma_semaphore, #tpu.memory_space<semaphore_mem>>
      %dma_start3A_118 = arith.constant 0 : i32
      %dma_start3A_119 = tpu.memref_slice %arg10[%add3A_42, %dma_start3A_118] : memref<10240x128xf32, #tpu.memory_space<vmem_shared>> -> memref<40x128xf32, #tpu.memory_space<vmem_shared>>
      %dma_start3A_120 = arith.constant 0 : i32
      %dma_start3A_121 = tpu.memref_slice %arg10[%add3A_42, %dma_start3A_120] : memref<10240x128xf32, #tpu.memory_space<vmem_shared>> -> memref<40x128xf32, #tpu.memory_space<vmem_shared>>
      tpu.enqueue_dma source(%arg9 : memref<40x128xf32, #tpu.memory_space<vmem>>) target(%dma_start3A_121 : memref<40x128xf32, #tpu.memory_space<vmem_shared>>) target_semaphore(%run_scoped3A_117 : memref<!tpu.dma_semaphore, #tpu.memory_space<semaphore_mem>>)
      %dma_wait3A_122 = arith.constant 0 : i32
      %dma_wait3A_123 = tpu.memref_slice %arg10[%add3A_42, %dma_wait3A_122] : memref<10240x128xf32, #tpu.memory_space<vmem_shared>> -> memref<40x128xf32, #tpu.memory_space<vmem_shared>>
      %dma_wait3A_124 = arith.constant 0 : i32
      %dma_wait3A_125 = tpu.memref_slice %arg10[%add3A_42, %dma_wait3A_124] : memref<10240x128xf32, #tpu.memory_space<vmem_shared>> -> memref<40x128xf32, #tpu.memory_space<vmem_shared>>
      tpu.wait_dma2 semaphore(%run_scoped3A_117 : memref<!tpu.dma_semaphore, #tpu.memory_space<semaphore_mem>>) src(%arg9 : memref<40x128xf32, #tpu.memory_space<vmem>>) dst(%dma_wait3A_125 : memref<40x128xf32, #tpu.memory_space<vmem_shared>>)
      tpu.yield
    }) : () -> ()
    %mul3A_43 = arith.constant 640 : i32
    %mul3A_44 = arith.muli %arg1, %mul3A_43 : i32
    %add3A_45 = arith.constant 360 : i32
    %add3A_46 = arith.addi %mul3A_44, %add3A_45 : i32
    "tpu.region"() ({
      %run_scoped3A_117 = tpu.sem_alloc : memref<!tpu.dma_semaphore, #tpu.memory_space<semaphore_mem>>
      %dma_start3A_118 = arith.constant 0 : i32
      %dma_start3A_119 = tpu.memref_slice %arg10[%add3A_46, %dma_start3A_118] : memref<10240x128xf32, #tpu.memory_space<vmem_shared>> -> memref<40x128xf32, #tpu.memory_space<vmem_shared>>
      %dma_start3A_120 = arith.constant 0 : i32
      %dma_start3A_121 = tpu.memref_slice %arg10[%add3A_46, %dma_start3A_120] : memref<10240x128xf32, #tpu.memory_space<vmem_shared>> -> memref<40x128xf32, #tpu.memory_space<vmem_shared>>
      tpu.enqueue_dma source(%arg9 : memref<40x128xf32, #tpu.memory_space<vmem>>) target(%dma_start3A_121 : memref<40x128xf32, #tpu.memory_space<vmem_shared>>) target_semaphore(%run_scoped3A_117 : memref<!tpu.dma_semaphore, #tpu.memory_space<semaphore_mem>>)
      %dma_wait3A_122 = arith.constant 0 : i32
      %dma_wait3A_123 = tpu.memref_slice %arg10[%add3A_46, %dma_wait3A_122] : memref<10240x128xf32, #tpu.memory_space<vmem_shared>> -> memref<40x128xf32, #tpu.memory_space<vmem_shared>>
      %dma_wait3A_124 = arith.constant 0 : i32
      %dma_wait3A_125 = tpu.memref_slice %arg10[%add3A_46, %dma_wait3A_124] : memref<10240x128xf32, #tpu.memory_space<vmem_shared>> -> memref<40x128xf32, #tpu.memory_space<vmem_shared>>
      tpu.wait_dma2 semaphore(%run_scoped3A_117 : memref<!tpu.dma_semaphore, #tpu.memory_space<semaphore_mem>>) src(%arg9 : memref<40x128xf32, #tpu.memory_space<vmem>>) dst(%dma_wait3A_125 : memref<40x128xf32, #tpu.memory_space<vmem_shared>>)
      tpu.yield
    }) : () -> ()
    %mul3A_47 = arith.constant 640 : i32
    %mul3A_48 = arith.muli %arg1, %mul3A_47 : i32
    %add3A_49 = arith.constant 400 : i32
    %add3A_50 = arith.addi %mul3A_48, %add3A_49 : i32
    "tpu.region"() ({
      %run_scoped3A_117 = tpu.sem_alloc : memref<!tpu.dma_semaphore, #tpu.memory_space<semaphore_mem>>
      %dma_start3A_118 = arith.constant 0 : i32
      %dma_start3A_119 = tpu.memref_slice %arg10[%add3A_50, %dma_start3A_118] : memref<10240x128xf32, #tpu.memory_space<vmem_shared>> -> memref<40x128xf32, #tpu.memory_space<vmem_shared>>
      %dma_start3A_120 = arith.constant 0 : i32
      %dma_start3A_121 = tpu.memref_slice %arg10[%add3A_50, %dma_start3A_120] : memref<10240x128xf32, #tpu.memory_space<vmem_shared>> -> memref<40x128xf32, #tpu.memory_space<vmem_shared>>
      tpu.enqueue_dma source(%arg9 : memref<40x128xf32, #tpu.memory_space<vmem>>) target(%dma_start3A_121 : memref<40x128xf32, #tpu.memory_space<vmem_shared>>) target_semaphore(%run_scoped3A_117 : memref<!tpu.dma_semaphore, #tpu.memory_space<semaphore_mem>>)
      %dma_wait3A_122 = arith.constant 0 : i32
      %dma_wait3A_123 = tpu.memref_slice %arg10[%add3A_50, %dma_wait3A_122] : memref<10240x128xf32, #tpu.memory_space<vmem_shared>> -> memref<40x128xf32, #tpu.memory_space<vmem_shared>>
      %dma_wait3A_124 = arith.constant 0 : i32
      %dma_wait3A_125 = tpu.memref_slice %arg10[%add3A_50, %dma_wait3A_124] : memref<10240x128xf32, #tpu.memory_space<vmem_shared>> -> memref<40x128xf32, #tpu.memory_space<vmem_shared>>
      tpu.wait_dma2 semaphore(%run_scoped3A_117 : memref<!tpu.dma_semaphore, #tpu.memory_space<semaphore_mem>>) src(%arg9 : memref<40x128xf32, #tpu.memory_space<vmem>>) dst(%dma_wait3A_125 : memref<40x128xf32, #tpu.memory_space<vmem_shared>>)
      tpu.yield
    }) : () -> ()
    %mul3A_51 = arith.constant 640 : i32
    %mul3A_52 = arith.muli %arg1, %mul3A_51 : i32
    %add3A_53 = arith.constant 440 : i32
    %add3A_54 = arith.addi %mul3A_52, %add3A_53 : i32
    "tpu.region"() ({
      %run_scoped3A_117 = tpu.sem_alloc : memref<!tpu.dma_semaphore, #tpu.memory_space<semaphore_mem>>
      %dma_start3A_118 = arith.constant 0 : i32
      %dma_start3A_119 = tpu.memref_slice %arg10[%add3A_54, %dma_start3A_118] : memref<10240x128xf32, #tpu.memory_space<vmem_shared>> -> memref<40x128xf32, #tpu.memory_space<vmem_shared>>
      %dma_start3A_120 = arith.constant 0 : i32
      %dma_start3A_121 = tpu.memref_slice %arg10[%add3A_54, %dma_start3A_120] : memref<10240x128xf32, #tpu.memory_space<vmem_shared>> -> memref<40x128xf32, #tpu.memory_space<vmem_shared>>
      tpu.enqueue_dma source(%arg9 : memref<40x128xf32, #tpu.memory_space<vmem>>) target(%dma_start3A_121 : memref<40x128xf32, #tpu.memory_space<vmem_shared>>) target_semaphore(%run_scoped3A_117 : memref<!tpu.dma_semaphore, #tpu.memory_space<semaphore_mem>>)
      %dma_wait3A_122 = arith.constant 0 : i32
      %dma_wait3A_123 = tpu.memref_slice %arg10[%add3A_54, %dma_wait3A_122] : memref<10240x128xf32, #tpu.memory_space<vmem_shared>> -> memref<40x128xf32, #tpu.memory_space<vmem_shared>>
      %dma_wait3A_124 = arith.constant 0 : i32
      %dma_wait3A_125 = tpu.memref_slice %arg10[%add3A_54, %dma_wait3A_124] : memref<10240x128xf32, #tpu.memory_space<vmem_shared>> -> memref<40x128xf32, #tpu.memory_space<vmem_shared>>
      tpu.wait_dma2 semaphore(%run_scoped3A_117 : memref<!tpu.dma_semaphore, #tpu.memory_space<semaphore_mem>>) src(%arg9 : memref<40x128xf32, #tpu.memory_space<vmem>>) dst(%dma_wait3A_125 : memref<40x128xf32, #tpu.memory_space<vmem_shared>>)
      tpu.yield
    }) : () -> ()
    %mul3A_55 = arith.constant 640 : i32
    %mul3A_56 = arith.muli %arg1, %mul3A_55 : i32
    %add3A_57 = arith.constant 480 : i32
    %add3A_58 = arith.addi %mul3A_56, %add3A_57 : i32
    "tpu.region"() ({
      %run_scoped3A_117 = tpu.sem_alloc : memref<!tpu.dma_semaphore, #tpu.memory_space<semaphore_mem>>
      %dma_start3A_118 = arith.constant 0 : i32
      %dma_start3A_119 = tpu.memref_slice %arg10[%add3A_58, %dma_start3A_118] : memref<10240x128xf32, #tpu.memory_space<vmem_shared>> -> memref<40x128xf32, #tpu.memory_space<vmem_shared>>
      %dma_start3A_120 = arith.constant 0 : i32
      %dma_start3A_121 = tpu.memref_slice %arg10[%add3A_58, %dma_start3A_120] : memref<10240x128xf32, #tpu.memory_space<vmem_shared>> -> memref<40x128xf32, #tpu.memory_space<vmem_shared>>
      tpu.enqueue_dma source(%arg9 : memref<40x128xf32, #tpu.memory_space<vmem>>) target(%dma_start3A_121 : memref<40x128xf32, #tpu.memory_space<vmem_shared>>) target_semaphore(%run_scoped3A_117 : memref<!tpu.dma_semaphore, #tpu.memory_space<semaphore_mem>>)
      %dma_wait3A_122 = arith.constant 0 : i32
      %dma_wait3A_123 = tpu.memref_slice %arg10[%add3A_58, %dma_wait3A_122] : memref<10240x128xf32, #tpu.memory_space<vmem_shared>> -> memref<40x128xf32, #tpu.memory_space<vmem_shared>>
      %dma_wait3A_124 = arith.constant 0 : i32
      %dma_wait3A_125 = tpu.memref_slice %arg10[%add3A_58, %dma_wait3A_124] : memref<10240x128xf32, #tpu.memory_space<vmem_shared>> -> memref<40x128xf32, #tpu.memory_space<vmem_shared>>
      tpu.wait_dma2 semaphore(%run_scoped3A_117 : memref<!tpu.dma_semaphore, #tpu.memory_space<semaphore_mem>>) src(%arg9 : memref<40x128xf32, #tpu.memory_space<vmem>>) dst(%dma_wait3A_125 : memref<40x128xf32, #tpu.memory_space<vmem_shared>>)
      tpu.yield
    }) : () -> ()
    %mul3A_59 = arith.constant 640 : i32
    %mul3A_60 = arith.muli %arg1, %mul3A_59 : i32
    %add3A_61 = arith.constant 520 : i32
    %add3A_62 = arith.addi %mul3A_60, %add3A_61 : i32
    "tpu.region"() ({
      %run_scoped3A_117 = tpu.sem_alloc : memref<!tpu.dma_semaphore, #tpu.memory_space<semaphore_mem>>
      %dma_start3A_118 = arith.constant 0 : i32
      %dma_start3A_119 = tpu.memref_slice %arg10[%add3A_62, %dma_start3A_118] : memref<10240x128xf32, #tpu.memory_space<vmem_shared>> -> memref<40x128xf32, #tpu.memory_space<vmem_shared>>
      %dma_start3A_120 = arith.constant 0 : i32
      %dma_start3A_121 = tpu.memref_slice %arg10[%add3A_62, %dma_start3A_120] : memref<10240x128xf32, #tpu.memory_space<vmem_shared>> -> memref<40x128xf32, #tpu.memory_space<vmem_shared>>
      tpu.enqueue_dma source(%arg9 : memref<40x128xf32, #tpu.memory_space<vmem>>) target(%dma_start3A_121 : memref<40x128xf32, #tpu.memory_space<vmem_shared>>) target_semaphore(%run_scoped3A_117 : memref<!tpu.dma_semaphore, #tpu.memory_space<semaphore_mem>>)
      %dma_wait3A_122 = arith.constant 0 : i32
      %dma_wait3A_123 = tpu.memref_slice %arg10[%add3A_62, %dma_wait3A_122] : memref<10240x128xf32, #tpu.memory_space<vmem_shared>> -> memref<40x128xf32, #tpu.memory_space<vmem_shared>>
      %dma_wait3A_124 = arith.constant 0 : i32
      %dma_wait3A_125 = tpu.memref_slice %arg10[%add3A_62, %dma_wait3A_124] : memref<10240x128xf32, #tpu.memory_space<vmem_shared>> -> memref<40x128xf32, #tpu.memory_space<vmem_shared>>
      tpu.wait_dma2 semaphore(%run_scoped3A_117 : memref<!tpu.dma_semaphore, #tpu.memory_space<semaphore_mem>>) src(%arg9 : memref<40x128xf32, #tpu.memory_space<vmem>>) dst(%dma_wait3A_125 : memref<40x128xf32, #tpu.memory_space<vmem_shared>>)
      tpu.yield
    }) : () -> ()
    %mul3A_63 = arith.constant 640 : i32
    %mul3A_64 = arith.muli %arg1, %mul3A_63 : i32
    %add3A_65 = arith.constant 560 : i32
    %add3A_66 = arith.addi %mul3A_64, %add3A_65 : i32
    "tpu.region"() ({
      %run_scoped3A_117 = tpu.sem_alloc : memref<!tpu.dma_semaphore, #tpu.memory_space<semaphore_mem>>
      %dma_start3A_118 = arith.constant 0 : i32
      %dma_start3A_119 = tpu.memref_slice %arg10[%add3A_66, %dma_start3A_118] : memref<10240x128xf32, #tpu.memory_space<vmem_shared>> -> memref<40x128xf32, #tpu.memory_space<vmem_shared>>
      %dma_start3A_120 = arith.constant 0 : i32
      %dma_start3A_121 = tpu.memref_slice %arg10[%add3A_66, %dma_start3A_120] : memref<10240x128xf32, #tpu.memory_space<vmem_shared>> -> memref<40x128xf32, #tpu.memory_space<vmem_shared>>
      tpu.enqueue_dma source(%arg9 : memref<40x128xf32, #tpu.memory_space<vmem>>) target(%dma_start3A_121 : memref<40x128xf32, #tpu.memory_space<vmem_shared>>) target_semaphore(%run_scoped3A_117 : memref<!tpu.dma_semaphore, #tpu.memory_space<semaphore_mem>>)
      %dma_wait3A_122 = arith.constant 0 : i32
      %dma_wait3A_123 = tpu.memref_slice %arg10[%add3A_66, %dma_wait3A_122] : memref<10240x128xf32, #tpu.memory_space<vmem_shared>> -> memref<40x128xf32, #tpu.memory_space<vmem_shared>>
      %dma_wait3A_124 = arith.constant 0 : i32
      %dma_wait3A_125 = tpu.memref_slice %arg10[%add3A_66, %dma_wait3A_124] : memref<10240x128xf32, #tpu.memory_space<vmem_shared>> -> memref<40x128xf32, #tpu.memory_space<vmem_shared>>
      tpu.wait_dma2 semaphore(%run_scoped3A_117 : memref<!tpu.dma_semaphore, #tpu.memory_space<semaphore_mem>>) src(%arg9 : memref<40x128xf32, #tpu.memory_space<vmem>>) dst(%dma_wait3A_125 : memref<40x128xf32, #tpu.memory_space<vmem_shared>>)
      tpu.yield
    }) : () -> ()
    %mul3A_67 = arith.constant 640 : i32
    %mul3A_68 = arith.muli %arg1, %mul3A_67 : i32
    %add3A_69 = arith.constant 600 : i32
    %add3A_70 = arith.addi %mul3A_68, %add3A_69 : i32
    "tpu.region"() ({
      %run_scoped3A_117 = tpu.sem_alloc : memref<!tpu.dma_semaphore, #tpu.memory_space<semaphore_mem>>
      %dma_start3A_118 = arith.constant 0 : i32
      %dma_start3A_119 = tpu.memref_slice %arg10[%add3A_70, %dma_start3A_118] : memref<10240x128xf32, #tpu.memory_space<vmem_shared>> -> memref<40x128xf32, #tpu.memory_space<vmem_shared>>
      %dma_start3A_120 = arith.constant 0 : i32
      %dma_start3A_121 = tpu.memref_slice %arg10[%add3A_70, %dma_start3A_120] : memref<10240x128xf32, #tpu.memory_space<vmem_shared>> -> memref<40x128xf32, #tpu.memory_space<vmem_shared>>
      tpu.enqueue_dma source(%arg9 : memref<40x128xf32, #tpu.memory_space<vmem>>) target(%dma_start3A_121 : memref<40x128xf32, #tpu.memory_space<vmem_shared>>) target_semaphore(%run_scoped3A_117 : memref<!tpu.dma_semaphore, #tpu.memory_space<semaphore_mem>>)
      %dma_wait3A_122 = arith.constant 0 : i32
      %dma_wait3A_123 = tpu.memref_slice %arg10[%add3A_70, %dma_wait3A_122] : memref<10240x128xf32, #tpu.memory_space<vmem_shared>> -> memref<40x128xf32, #tpu.memory_space<vmem_shared>>
      %dma_wait3A_124 = arith.constant 0 : i32
      %dma_wait3A_125 = tpu.memref_slice %arg10[%add3A_70, %dma_wait3A_124] : memref<10240x128xf32, #tpu.memory_space<vmem_shared>> -> memref<40x128xf32, #tpu.memory_space<vmem_shared>>
      tpu.wait_dma2 semaphore(%run_scoped3A_117 : memref<!tpu.dma_semaphore, #tpu.memory_space<semaphore_mem>>) src(%arg9 : memref<40x128xf32, #tpu.memory_space<vmem>>) dst(%dma_wait3A_125 : memref<40x128xf32, #tpu.memory_space<vmem_shared>>)
      tpu.yield
    }) : () -> ()
    %barrier3A = arith.constant 0 : index
    tpu.barrier barrier_id(%barrier3A)
    "tpu.region"() ({
      %run_scoped3A_117 = tpu.sem_alloc : memref<!tpu.dma_semaphore, #tpu.memory_space<semaphore_mem>>
      %dma_start3A_118 = arith.constant 0 : i32
      %dma_start3A_119 = arith.constant 0 : i32
      %dma_start3A_120 = tpu.memref_slice %arg6[%dma_start3A_118, %dma_start3A_119] : memref<64x80xi32, #tpu.memory_space<vmem>> -> memref<64x80xi32, #tpu.memory_space<vmem>>
      %dma_start3A_121 = arith.constant 0 : i32
      %dma_start3A_122 = arith.constant 0 : i32
      %dma_start3A_123 = tpu.memref_slice %arg3[%add3A, %dma_start3A_121, %dma_start3A_122] : memref<32x125x80xi32, #tpu.memory_space<hbm>> -> memref<1x64x80xi32, #tpu.memory_space<hbm>>
      %dma_start3A_124 = tpu.memref_squeeze %dma_start3A_123 : memref<1x64x80xi32, #tpu.memory_space<hbm>> -> memref<64x80xi32, #tpu.memory_space<hbm>>
      %dma_start3A_125 = arith.constant 0 : i32
      %dma_start3A_126 = arith.constant 0 : i32
      %dma_start3A_127 = tpu.memref_slice %arg6[%dma_start3A_125, %dma_start3A_126] : memref<64x80xi32, #tpu.memory_space<vmem>> -> memref<64x80xi32, #tpu.memory_space<vmem>>
      %dma_start3A_128 = arith.constant 0 : i32
      %dma_start3A_129 = arith.constant 0 : i32
      %dma_start3A_130 = tpu.memref_slice %arg3[%add3A, %dma_start3A_128, %dma_start3A_129] : memref<32x125x80xi32, #tpu.memory_space<hbm>> -> memref<1x64x80xi32, #tpu.memory_space<hbm>>
      %dma_start3A_131 = tpu.memref_squeeze %dma_start3A_130 : memref<1x64x80xi32, #tpu.memory_space<hbm>> -> memref<64x80xi32, #tpu.memory_space<hbm>>
      tpu.enqueue_dma source(%dma_start3A_131 : memref<64x80xi32, #tpu.memory_space<hbm>>) target(%dma_start3A_127 : memref<64x80xi32, #tpu.memory_space<vmem>>) target_semaphore(%run_scoped3A_117 : memref<!tpu.dma_semaphore, #tpu.memory_space<semaphore_mem>>)
      %dma_wait3A_132 = arith.constant 0 : i32
      %dma_wait3A_133 = arith.constant 0 : i32
      %dma_wait3A_134 = tpu.memref_slice %arg6[%dma_wait3A_132, %dma_wait3A_133] : memref<64x80xi32, #tpu.memory_space<vmem>> -> memref<64x80xi32, #tpu.memory_space<vmem>>
      %dma_wait3A_135 = arith.constant 0 : i32
      %dma_wait3A_136 = arith.constant 0 : i32
      %dma_wait3A_137 = tpu.memref_slice %arg3[%add3A, %dma_wait3A_135, %dma_wait3A_136] : memref<32x125x80xi32, #tpu.memory_space<hbm>> -> memref<1x64x80xi32, #tpu.memory_space<hbm>>
      %dma_wait3A_138 = tpu.memref_squeeze %dma_wait3A_137 : memref<1x64x80xi32, #tpu.memory_space<hbm>> -> memref<64x80xi32, #tpu.memory_space<hbm>>
      %dma_wait3A_139 = arith.constant 0 : i32
      %dma_wait3A_140 = arith.constant 0 : i32
      %dma_wait3A_141 = tpu.memref_slice %arg6[%dma_wait3A_139, %dma_wait3A_140] : memref<64x80xi32, #tpu.memory_space<vmem>> -> memref<64x80xi32, #tpu.memory_space<vmem>>
      %dma_wait3A_142 = arith.constant 0 : i32
      %dma_wait3A_143 = arith.constant 0 : i32
      %dma_wait3A_144 = tpu.memref_slice %arg3[%add3A, %dma_wait3A_142, %dma_wait3A_143] : memref<32x125x80xi32, #tpu.memory_space<hbm>> -> memref<1x64x80xi32, #tpu.memory_space<hbm>>
      %dma_wait3A_145 = tpu.memref_squeeze %dma_wait3A_144 : memref<1x64x80xi32, #tpu.memory_space<hbm>> -> memref<64x80xi32, #tpu.memory_space<hbm>>
      tpu.wait_dma2 semaphore(%run_scoped3A_117 : memref<!tpu.dma_semaphore, #tpu.memory_space<semaphore_mem>>) src(%dma_wait3A_145 : memref<64x80xi32, #tpu.memory_space<hbm>>) dst(%dma_wait3A_141 : memref<64x80xi32, #tpu.memory_space<vmem>>)
      tpu.yield
    }) : () -> ()
    "tpu.region"() ({
      %run_scoped3A_117 = tpu.sem_alloc : memref<!tpu.dma_semaphore, #tpu.memory_space<semaphore_mem>>
      %dma_start3A_118 = arith.constant 0 : i32
      %dma_start3A_119 = arith.constant 0 : i32
      %dma_start3A_120 = tpu.memref_slice %arg7[%dma_start3A_118, %dma_start3A_119] : memref<64x80xi32, #tpu.memory_space<vmem>> -> memref<64x80xi32, #tpu.memory_space<vmem>>
      %dma_start3A_121 = arith.constant 0 : i32
      %dma_start3A_122 = arith.constant 0 : i32
      %dma_start3A_123 = tpu.memref_slice %arg4[%add3A, %dma_start3A_121, %dma_start3A_122] : memref<32x125x80xi32, #tpu.memory_space<hbm>> -> memref<1x64x80xi32, #tpu.memory_space<hbm>>
      %dma_start3A_124 = tpu.memref_squeeze %dma_start3A_123 : memref<1x64x80xi32, #tpu.memory_space<hbm>> -> memref<64x80xi32, #tpu.memory_space<hbm>>
      %dma_start3A_125 = arith.constant 0 : i32
      %dma_start3A_126 = arith.constant 0 : i32
      %dma_start3A_127 = tpu.memref_slice %arg7[%dma_start3A_125, %dma_start3A_126] : memref<64x80xi32, #tpu.memory_space<vmem>> -> memref<64x80xi32, #tpu.memory_space<vmem>>
      %dma_start3A_128 = arith.constant 0 : i32
      %dma_start3A_129 = arith.constant 0 : i32
      %dma_start3A_130 = tpu.memref_slice %arg4[%add3A, %dma_start3A_128, %dma_start3A_129] : memref<32x125x80xi32, #tpu.memory_space<hbm>> -> memref<1x64x80xi32, #tpu.memory_space<hbm>>
      %dma_start3A_131 = tpu.memref_squeeze %dma_start3A_130 : memref<1x64x80xi32, #tpu.memory_space<hbm>> -> memref<64x80xi32, #tpu.memory_space<hbm>>
      tpu.enqueue_dma source(%dma_start3A_131 : memref<64x80xi32, #tpu.memory_space<hbm>>) target(%dma_start3A_127 : memref<64x80xi32, #tpu.memory_space<vmem>>) target_semaphore(%run_scoped3A_117 : memref<!tpu.dma_semaphore, #tpu.memory_space<semaphore_mem>>)
      %dma_wait3A_132 = arith.constant 0 : i32
      %dma_wait3A_133 = arith.constant 0 : i32
      %dma_wait3A_134 = tpu.memref_slice %arg7[%dma_wait3A_132, %dma_wait3A_133] : memref<64x80xi32, #tpu.memory_space<vmem>> -> memref<64x80xi32, #tpu.memory_space<vmem>>
      %dma_wait3A_135 = arith.constant 0 : i32
      %dma_wait3A_136 = arith.constant 0 : i32
      %dma_wait3A_137 = tpu.memref_slice %arg4[%add3A, %dma_wait3A_135, %dma_wait3A_136] : memref<32x125x80xi32, #tpu.memory_space<hbm>> -> memref<1x64x80xi32, #tpu.memory_space<hbm>>
      %dma_wait3A_138 = tpu.memref_squeeze %dma_wait3A_137 : memref<1x64x80xi32, #tpu.memory_space<hbm>> -> memref<64x80xi32, #tpu.memory_space<hbm>>
      %dma_wait3A_139 = arith.constant 0 : i32
      %dma_wait3A_140 = arith.constant 0 : i32
      %dma_wait3A_141 = tpu.memref_slice %arg7[%dma_wait3A_139, %dma_wait3A_140] : memref<64x80xi32, #tpu.memory_space<vmem>> -> memref<64x80xi32, #tpu.memory_space<vmem>>
      %dma_wait3A_142 = arith.constant 0 : i32
      %dma_wait3A_143 = arith.constant 0 : i32
      %dma_wait3A_144 = tpu.memref_slice %arg4[%add3A, %dma_wait3A_142, %dma_wait3A_143] : memref<32x125x80xi32, #tpu.memory_space<hbm>> -> memref<1x64x80xi32, #tpu.memory_space<hbm>>
      %dma_wait3A_145 = tpu.memref_squeeze %dma_wait3A_144 : memref<1x64x80xi32, #tpu.memory_space<hbm>> -> memref<64x80xi32, #tpu.memory_space<hbm>>
      tpu.wait_dma2 semaphore(%run_scoped3A_117 : memref<!tpu.dma_semaphore, #tpu.memory_space<semaphore_mem>>) src(%dma_wait3A_145 : memref<64x80xi32, #tpu.memory_space<hbm>>) dst(%dma_wait3A_141 : memref<64x80xi32, #tpu.memory_space<vmem>>)
      tpu.yield
    }) : () -> ()
    %scan3A_71 = arith.constant 0 : i32
    %scan3A_72 = arith.constant 0 : i32
    %scan3A_73 = arith.constant 32 : i32
    %scan3A_74 = arith.addi %scan3A_72, %scan3A_73 : i32
    %scan3A_75 = arith.constant 1 : i32
    scf.for %scan3A_117 = %scan3A_72 to %scan3A_74 step %scan3A_75  : i32 {
      %mul3A_118 = arith.constant 2 : i32
      %mul3A_119 = arith.muli %scan3A_117, %mul3A_118 : i32
      %add3A_120 = arith.constant 1 : i32
      %add3A_121 = arith.addi %mul3A_119, %add3A_120 : i32
      %dma_start3A_122 = arith.constant 0 : i32
      %dma_start3A_123 = arith.constant 0 : i32
      %dma_start3A_124 = arith.constant 0 : i32
      %dma_start3A_125 = tpu.memref_slice %arg8[%dma_start3A_122, %dma_start3A_123, %dma_start3A_124] : memref<2x80x128xf32, #tpu.memory_space<vmem>> -> memref<1x80x128xf32, #tpu.memory_space<vmem>>
      %dma_start3A_126 = tpu.memref_squeeze %dma_start3A_125 : memref<1x80x128xf32, #tpu.memory_space<vmem>> -> memref<80x128xf32, #tpu.memory_space<vmem>>
      %dma_start3A_127 = arith.constant 0 : i32
      %dma_start3A_128 = tpu.memref_slice %arg6[%mul3A_119, %dma_start3A_127] : memref<64x80xi32, #tpu.memory_space<vmem>> -> memref<1x80xi32, #tpu.memory_space<vmem>>
      %dma_start3A_129 = tpu.memref_squeeze %dma_start3A_128 : memref<1x80xi32, #tpu.memory_space<vmem>> -> memref<80xi32, #tpu.memory_space<vmem>>
      %dma_start3A_130 = arith.constant 0 : i32
      %dma_start3A_131 = arith.constant 0 : i32
      %dma_start3A_132 = tpu.memref_slice %arg2[%dma_start3A_130, %dma_start3A_131] : memref<10000x128xf32, #tpu.memory_space<hbm>> -> memref<10000x128xf32, #tpu.memory_space<hbm>>
      tpu.enqueue_indirect_dma source(%dma_start3A_132 : memref<10000x128xf32, #tpu.memory_space<hbm>>) target(%dma_start3A_126 : memref<80x128xf32, #tpu.memory_space<vmem>>) offsets(%dma_start3A_129 : memref<80xi32, #tpu.memory_space<vmem>>) semaphore(%arg11 : memref<!tpu.dma_semaphore, #tpu.memory_space<semaphore_mem>>)
      %dma_start3A_133 = arith.constant 1 : i32
      %dma_start3A_134 = arith.constant 0 : i32
      %dma_start3A_135 = arith.constant 0 : i32
      %dma_start3A_136 = tpu.memref_slice %arg8[%dma_start3A_133, %dma_start3A_134, %dma_start3A_135] : memref<2x80x128xf32, #tpu.memory_space<vmem>> -> memref<1x80x128xf32, #tpu.memory_space<vmem>>
      %dma_start3A_137 = tpu.memref_squeeze %dma_start3A_136 : memref<1x80x128xf32, #tpu.memory_space<vmem>> -> memref<80x128xf32, #tpu.memory_space<vmem>>
      %dma_start3A_138 = arith.constant 0 : i32
      %dma_start3A_139 = tpu.memref_slice %arg6[%add3A_121, %dma_start3A_138] : memref<64x80xi32, #tpu.memory_space<vmem>> -> memref<1x80xi32, #tpu.memory_space<vmem>>
      %dma_start3A_140 = tpu.memref_squeeze %dma_start3A_139 : memref<1x80xi32, #tpu.memory_space<vmem>> -> memref<80xi32, #tpu.memory_space<vmem>>
      %dma_start3A_141 = arith.constant 0 : i32
      %dma_start3A_142 = arith.constant 0 : i32
      %dma_start3A_143 = tpu.memref_slice %arg2[%dma_start3A_141, %dma_start3A_142] : memref<10000x128xf32, #tpu.memory_space<hbm>> -> memref<10000x128xf32, #tpu.memory_space<hbm>>
      tpu.enqueue_indirect_dma source(%dma_start3A_143 : memref<10000x128xf32, #tpu.memory_space<hbm>>) target(%dma_start3A_137 : memref<80x128xf32, #tpu.memory_space<vmem>>) offsets(%dma_start3A_140 : memref<80xi32, #tpu.memory_space<vmem>>) semaphore(%arg12 : memref<!tpu.dma_semaphore, #tpu.memory_space<semaphore_mem>>)
      %dma_wait3A_144 = arith.constant 0 : i32
      %dma_wait3A_145 = arith.constant 0 : i32
      %dma_wait3A_146 = arith.constant 0 : i32
      %dma_wait3A_147 = tpu.memref_slice %arg8[%dma_wait3A_144, %dma_wait3A_145, %dma_wait3A_146] : memref<2x80x128xf32, #tpu.memory_space<vmem>> -> memref<1x80x128xf32, #tpu.memory_space<vmem>>
      %dma_wait3A_148 = tpu.memref_squeeze %dma_wait3A_147 : memref<1x80x128xf32, #tpu.memory_space<vmem>> -> memref<80x128xf32, #tpu.memory_space<vmem>>
      %dma_wait3A_149 = arith.constant 0 : i32
      %dma_wait3A_150 = tpu.memref_slice %arg6[%mul3A_119, %dma_wait3A_149] : memref<64x80xi32, #tpu.memory_space<vmem>> -> memref<1x80xi32, #tpu.memory_space<vmem>>
      %dma_wait3A_151 = tpu.memref_squeeze %dma_wait3A_150 : memref<1x80xi32, #tpu.memory_space<vmem>> -> memref<80xi32, #tpu.memory_space<vmem>>
      %dma_wait3A_152 = arith.constant 0 : i32
      %dma_wait3A_153 = arith.constant 0 : i32
      %dma_wait3A_154 = tpu.memref_slice %arg2[%dma_wait3A_152, %dma_wait3A_153] : memref<10000x128xf32, #tpu.memory_space<hbm>> -> memref<10000x128xf32, #tpu.memory_space<hbm>>
      tpu.wait_indirect_dma semaphore(%arg11 : memref<!tpu.dma_semaphore, #tpu.memory_space<semaphore_mem>>) src(%dma_wait3A_154 : memref<10000x128xf32, #tpu.memory_space<hbm>>) dst(%dma_wait3A_148 : memref<80x128xf32, #tpu.memory_space<vmem>>)
      %dma_start3A_155 = arith.constant 0 : i32
      %dma_start3A_156 = arith.constant 0 : i32
      %dma_start3A_157 = arith.constant 0 : i32
      %dma_start3A_158 = tpu.memref_slice %arg8[%dma_start3A_155, %dma_start3A_156, %dma_start3A_157] : memref<2x80x128xf32, #tpu.memory_space<vmem>> -> memref<1x80x128xf32, #tpu.memory_space<vmem>>
      %dma_start3A_159 = tpu.memref_squeeze %dma_start3A_158 : memref<1x80x128xf32, #tpu.memory_space<vmem>> -> memref<80x128xf32, #tpu.memory_space<vmem>>
      %dma_start3A_160 = arith.constant 0 : i32
      %dma_start3A_161 = tpu.memref_slice %arg7[%mul3A_119, %dma_start3A_160] : memref<64x80xi32, #tpu.memory_space<vmem>> -> memref<1x80xi32, #tpu.memory_space<vmem>>
      %dma_start3A_162 = tpu.memref_squeeze %dma_start3A_161 : memref<1x80xi32, #tpu.memory_space<vmem>> -> memref<80xi32, #tpu.memory_space<vmem>>
      %dma_start3A_163 = arith.constant 0 : i32
      %dma_start3A_164 = arith.constant 0 : i32
      %dma_start3A_165 = tpu.memref_slice %arg10[%dma_start3A_163, %dma_start3A_164] : memref<10240x128xf32, #tpu.memory_space<vmem_shared>> -> memref<10240x128xf32, #tpu.memory_space<vmem_shared>>
      tpu.enqueue_indirect_dma source(%dma_start3A_159 : memref<80x128xf32, #tpu.memory_space<vmem>>) target(%dma_start3A_165 : memref<10240x128xf32, #tpu.memory_space<vmem_shared>>) offsets(%dma_start3A_162 : memref<80xi32, #tpu.memory_space<vmem>>) semaphore(%arg13 : memref<!tpu.dma_semaphore, #tpu.memory_space<semaphore_mem>>) {add = true}
      %dma_wait3A_166 = arith.constant 1 : i32
      %dma_wait3A_167 = arith.constant 0 : i32
      %dma_wait3A_168 = arith.constant 0 : i32
      %dma_wait3A_169 = tpu.memref_slice %arg8[%dma_wait3A_166, %dma_wait3A_167, %dma_wait3A_168] : memref<2x80x128xf32, #tpu.memory_space<vmem>> -> memref<1x80x128xf32, #tpu.memory_space<vmem>>
      %dma_wait3A_170 = tpu.memref_squeeze %dma_wait3A_169 : memref<1x80x128xf32, #tpu.memory_space<vmem>> -> memref<80x128xf32, #tpu.memory_space<vmem>>
      %dma_wait3A_171 = arith.constant 0 : i32
      %dma_wait3A_172 = tpu.memref_slice %arg6[%add3A_121, %dma_wait3A_171] : memref<64x80xi32, #tpu.memory_space<vmem>> -> memref<1x80xi32, #tpu.memory_space<vmem>>
      %dma_wait3A_173 = tpu.memref_squeeze %dma_wait3A_172 : memref<1x80xi32, #tpu.memory_space<vmem>> -> memref<80xi32, #tpu.memory_space<vmem>>
      %dma_wait3A_174 = arith.constant 0 : i32
      %dma_wait3A_175 = arith.constant 0 : i32
      %dma_wait3A_176 = tpu.memref_slice %arg2[%dma_wait3A_174, %dma_wait3A_175] : memref<10000x128xf32, #tpu.memory_space<hbm>> -> memref<10000x128xf32, #tpu.memory_space<hbm>>
      tpu.wait_indirect_dma semaphore(%arg12 : memref<!tpu.dma_semaphore, #tpu.memory_space<semaphore_mem>>) src(%dma_wait3A_176 : memref<10000x128xf32, #tpu.memory_space<hbm>>) dst(%dma_wait3A_170 : memref<80x128xf32, #tpu.memory_space<vmem>>)
      %dma_start3A_177 = arith.constant 1 : i32
      %dma_start3A_178 = arith.constant 0 : i32
      %dma_start3A_179 = arith.constant 0 : i32
      %dma_start3A_180 = tpu.memref_slice %arg8[%dma_start3A_177, %dma_start3A_178, %dma_start3A_179] : memref<2x80x128xf32, #tpu.memory_space<vmem>> -> memref<1x80x128xf32, #tpu.memory_space<vmem>>
      %dma_start3A_181 = tpu.memref_squeeze %dma_start3A_180 : memref<1x80x128xf32, #tpu.memory_space<vmem>> -> memref<80x128xf32, #tpu.memory_space<vmem>>
      %dma_start3A_182 = arith.constant 0 : i32
      %dma_start3A_183 = tpu.memref_slice %arg7[%add3A_121, %dma_start3A_182] : memref<64x80xi32, #tpu.memory_space<vmem>> -> memref<1x80xi32, #tpu.memory_space<vmem>>
      %dma_start3A_184 = tpu.memref_squeeze %dma_start3A_183 : memref<1x80xi32, #tpu.memory_space<vmem>> -> memref<80xi32, #tpu.memory_space<vmem>>
      %dma_start3A_185 = arith.constant 0 : i32
      %dma_start3A_186 = arith.constant 0 : i32
      %dma_start3A_187 = tpu.memref_slice %arg10[%dma_start3A_185, %dma_start3A_186] : memref<10240x128xf32, #tpu.memory_space<vmem_shared>> -> memref<10240x128xf32, #tpu.memory_space<vmem_shared>>
      tpu.enqueue_indirect_dma source(%dma_start3A_181 : memref<80x128xf32, #tpu.memory_space<vmem>>) target(%dma_start3A_187 : memref<10240x128xf32, #tpu.memory_space<vmem_shared>>) offsets(%dma_start3A_184 : memref<80xi32, #tpu.memory_space<vmem>>) semaphore(%arg14 : memref<!tpu.dma_semaphore, #tpu.memory_space<semaphore_mem>>) {add = true}
      %dma_wait3A_188 = arith.constant 0 : i32
      %dma_wait3A_189 = arith.constant 0 : i32
      %dma_wait3A_190 = arith.constant 0 : i32
      %dma_wait3A_191 = tpu.memref_slice %arg8[%dma_wait3A_188, %dma_wait3A_189, %dma_wait3A_190] : memref<2x80x128xf32, #tpu.memory_space<vmem>> -> memref<1x80x128xf32, #tpu.memory_space<vmem>>
      %dma_wait3A_192 = tpu.memref_squeeze %dma_wait3A_191 : memref<1x80x128xf32, #tpu.memory_space<vmem>> -> memref<80x128xf32, #tpu.memory_space<vmem>>
      %dma_wait3A_193 = arith.constant 0 : i32
      %dma_wait3A_194 = tpu.memref_slice %arg7[%mul3A_119, %dma_wait3A_193] : memref<64x80xi32, #tpu.memory_space<vmem>> -> memref<1x80xi32, #tpu.memory_space<vmem>>
      %dma_wait3A_195 = tpu.memref_squeeze %dma_wait3A_194 : memref<1x80xi32, #tpu.memory_space<vmem>> -> memref<80xi32, #tpu.memory_space<vmem>>
      %dma_wait3A_196 = arith.constant 0 : i32
      %dma_wait3A_197 = arith.constant 0 : i32
      %dma_wait3A_198 = tpu.memref_slice %arg10[%dma_wait3A_196, %dma_wait3A_197] : memref<10240x128xf32, #tpu.memory_space<vmem_shared>> -> memref<10240x128xf32, #tpu.memory_space<vmem_shared>>
      tpu.wait_indirect_dma semaphore(%arg13 : memref<!tpu.dma_semaphore, #tpu.memory_space<semaphore_mem>>) src(%dma_wait3A_192 : memref<80x128xf32, #tpu.memory_space<vmem>>) dst(%dma_wait3A_198 : memref<10240x128xf32, #tpu.memory_space<vmem_shared>>)
      %dma_wait3A_199 = arith.constant 1 : i32
      %dma_wait3A_200 = arith.constant 0 : i32
      %dma_wait3A_201 = arith.constant 0 : i32
      %dma_wait3A_202 = tpu.memref_slice %arg8[%dma_wait3A_199, %dma_wait3A_200, %dma_wait3A_201] : memref<2x80x128xf32, #tpu.memory_space<vmem>> -> memref<1x80x128xf32, #tpu.memory_space<vmem>>
      %dma_wait3A_203 = tpu.memref_squeeze %dma_wait3A_202 : memref<1x80x128xf32, #tpu.memory_space<vmem>> -> memref<80x128xf32, #tpu.memory_space<vmem>>
      %dma_wait3A_204 = arith.constant 0 : i32
      %dma_wait3A_205 = tpu.memref_slice %arg7[%add3A_121, %dma_wait3A_204] : memref<64x80xi32, #tpu.memory_space<vmem>> -> memref<1x80xi32, #tpu.memory_space<vmem>>
      %dma_wait3A_206 = tpu.memref_squeeze %dma_wait3A_205 : memref<1x80xi32, #tpu.memory_space<vmem>> -> memref<80xi32, #tpu.memory_space<vmem>>
      %dma_wait3A_207 = arith.constant 0 : i32
      %dma_wait3A_208 = arith.constant 0 : i32
      %dma_wait3A_209 = tpu.memref_slice %arg10[%dma_wait3A_207, %dma_wait3A_208] : memref<10240x128xf32, #tpu.memory_space<vmem_shared>> -> memref<10240x128xf32, #tpu.memory_space<vmem_shared>>
      tpu.wait_indirect_dma semaphore(%arg14 : memref<!tpu.dma_semaphore, #tpu.memory_space<semaphore_mem>>) src(%dma_wait3A_203 : memref<80x128xf32, #tpu.memory_space<vmem>>) dst(%dma_wait3A_209 : memref<10240x128xf32, #tpu.memory_space<vmem_shared>>)
    }
    %scan3A_76 = arith.constant 32 : i32
    "tpu.region"() ({
      %run_scoped3A_117 = tpu.sem_alloc : memref<!tpu.dma_semaphore, #tpu.memory_space<semaphore_mem>>
      %dma_start3A_118 = arith.constant 0 : i32
      %dma_start3A_119 = arith.constant 0 : i32
      %dma_start3A_120 = tpu.memref_slice %arg6[%dma_start3A_118, %dma_start3A_119] : memref<64x80xi32, #tpu.memory_space<vmem>> -> memref<56x80xi32, #tpu.memory_space<vmem>>
      %dma_start3A_121 = arith.constant 64 : i32
      %dma_start3A_122 = arith.constant 0 : i32
      %dma_start3A_123 = tpu.memref_slice %arg3[%add3A, %dma_start3A_121, %dma_start3A_122] : memref<32x125x80xi32, #tpu.memory_space<hbm>> -> memref<1x56x80xi32, #tpu.memory_space<hbm>>
      %dma_start3A_124 = tpu.memref_squeeze %dma_start3A_123 : memref<1x56x80xi32, #tpu.memory_space<hbm>> -> memref<56x80xi32, #tpu.memory_space<hbm>>
      %dma_start3A_125 = arith.constant 0 : i32
      %dma_start3A_126 = arith.constant 0 : i32
      %dma_start3A_127 = tpu.memref_slice %arg6[%dma_start3A_125, %dma_start3A_126] : memref<64x80xi32, #tpu.memory_space<vmem>> -> memref<56x80xi32, #tpu.memory_space<vmem>>
      %dma_start3A_128 = arith.constant 64 : i32
      %dma_start3A_129 = arith.constant 0 : i32
      %dma_start3A_130 = tpu.memref_slice %arg3[%add3A, %dma_start3A_128, %dma_start3A_129] : memref<32x125x80xi32, #tpu.memory_space<hbm>> -> memref<1x56x80xi32, #tpu.memory_space<hbm>>
      %dma_start3A_131 = tpu.memref_squeeze %dma_start3A_130 : memref<1x56x80xi32, #tpu.memory_space<hbm>> -> memref<56x80xi32, #tpu.memory_space<hbm>>
      tpu.enqueue_dma source(%dma_start3A_131 : memref<56x80xi32, #tpu.memory_space<hbm>>) target(%dma_start3A_127 : memref<56x80xi32, #tpu.memory_space<vmem>>) target_semaphore(%run_scoped3A_117 : memref<!tpu.dma_semaphore, #tpu.memory_space<semaphore_mem>>)
      %dma_wait3A_132 = arith.constant 0 : i32
      %dma_wait3A_133 = arith.constant 0 : i32
      %dma_wait3A_134 = tpu.memref_slice %arg6[%dma_wait3A_132, %dma_wait3A_133] : memref<64x80xi32, #tpu.memory_space<vmem>> -> memref<56x80xi32, #tpu.memory_space<vmem>>
      %dma_wait3A_135 = arith.constant 64 : i32
      %dma_wait3A_136 = arith.constant 0 : i32
      %dma_wait3A_137 = tpu.memref_slice %arg3[%add3A, %dma_wait3A_135, %dma_wait3A_136] : memref<32x125x80xi32, #tpu.memory_space<hbm>> -> memref<1x56x80xi32, #tpu.memory_space<hbm>>
      %dma_wait3A_138 = tpu.memref_squeeze %dma_wait3A_137 : memref<1x56x80xi32, #tpu.memory_space<hbm>> -> memref<56x80xi32, #tpu.memory_space<hbm>>
      %dma_wait3A_139 = arith.constant 0 : i32
      %dma_wait3A_140 = arith.constant 0 : i32
      %dma_wait3A_141 = tpu.memref_slice %arg6[%dma_wait3A_139, %dma_wait3A_140] : memref<64x80xi32, #tpu.memory_space<vmem>> -> memref<56x80xi32, #tpu.memory_space<vmem>>
      %dma_wait3A_142 = arith.constant 64 : i32
      %dma_wait3A_143 = arith.constant 0 : i32
      %dma_wait3A_144 = tpu.memref_slice %arg3[%add3A, %dma_wait3A_142, %dma_wait3A_143] : memref<32x125x80xi32, #tpu.memory_space<hbm>> -> memref<1x56x80xi32, #tpu.memory_space<hbm>>
      %dma_wait3A_145 = tpu.memref_squeeze %dma_wait3A_144 : memref<1x56x80xi32, #tpu.memory_space<hbm>> -> memref<56x80xi32, #tpu.memory_space<hbm>>
      tpu.wait_dma2 semaphore(%run_scoped3A_117 : memref<!tpu.dma_semaphore, #tpu.memory_space<semaphore_mem>>) src(%dma_wait3A_145 : memref<56x80xi32, #tpu.memory_space<hbm>>) dst(%dma_wait3A_141 : memref<56x80xi32, #tpu.memory_space<vmem>>)
      tpu.yield
    }) : () -> ()
    "tpu.region"() ({
      %run_scoped3A_117 = tpu.sem_alloc : memref<!tpu.dma_semaphore, #tpu.memory_space<semaphore_mem>>
      %dma_start3A_118 = arith.constant 0 : i32
      %dma_start3A_119 = arith.constant 0 : i32
      %dma_start3A_120 = tpu.memref_slice %arg7[%dma_start3A_118, %dma_start3A_119] : memref<64x80xi32, #tpu.memory_space<vmem>> -> memref<56x80xi32, #tpu.memory_space<vmem>>
      %dma_start3A_121 = arith.constant 64 : i32
      %dma_start3A_122 = arith.constant 0 : i32
      %dma_start3A_123 = tpu.memref_slice %arg4[%add3A, %dma_start3A_121, %dma_start3A_122] : memref<32x125x80xi32, #tpu.memory_space<hbm>> -> memref<1x56x80xi32, #tpu.memory_space<hbm>>
      %dma_start3A_124 = tpu.memref_squeeze %dma_start3A_123 : memref<1x56x80xi32, #tpu.memory_space<hbm>> -> memref<56x80xi32, #tpu.memory_space<hbm>>
      %dma_start3A_125 = arith.constant 0 : i32
      %dma_start3A_126 = arith.constant 0 : i32
      %dma_start3A_127 = tpu.memref_slice %arg7[%dma_start3A_125, %dma_start3A_126] : memref<64x80xi32, #tpu.memory_space<vmem>> -> memref<56x80xi32, #tpu.memory_space<vmem>>
      %dma_start3A_128 = arith.constant 64 : i32
      %dma_start3A_129 = arith.constant 0 : i32
      %dma_start3A_130 = tpu.memref_slice %arg4[%add3A, %dma_start3A_128, %dma_start3A_129] : memref<32x125x80xi32, #tpu.memory_space<hbm>> -> memref<1x56x80xi32, #tpu.memory_space<hbm>>
      %dma_start3A_131 = tpu.memref_squeeze %dma_start3A_130 : memref<1x56x80xi32, #tpu.memory_space<hbm>> -> memref<56x80xi32, #tpu.memory_space<hbm>>
      tpu.enqueue_dma source(%dma_start3A_131 : memref<56x80xi32, #tpu.memory_space<hbm>>) target(%dma_start3A_127 : memref<56x80xi32, #tpu.memory_space<vmem>>) target_semaphore(%run_scoped3A_117 : memref<!tpu.dma_semaphore, #tpu.memory_space<semaphore_mem>>)
      %dma_wait3A_132 = arith.constant 0 : i32
      %dma_wait3A_133 = arith.constant 0 : i32
      %dma_wait3A_134 = tpu.memref_slice %arg7[%dma_wait3A_132, %dma_wait3A_133] : memref<64x80xi32, #tpu.memory_space<vmem>> -> memref<56x80xi32, #tpu.memory_space<vmem>>
      %dma_wait3A_135 = arith.constant 64 : i32
      %dma_wait3A_136 = arith.constant 0 : i32
      %dma_wait3A_137 = tpu.memref_slice %arg4[%add3A, %dma_wait3A_135, %dma_wait3A_136] : memref<32x125x80xi32, #tpu.memory_space<hbm>> -> memref<1x56x80xi32, #tpu.memory_space<hbm>>
      %dma_wait3A_138 = tpu.memref_squeeze %dma_wait3A_137 : memref<1x56x80xi32, #tpu.memory_space<hbm>> -> memref<56x80xi32, #tpu.memory_space<hbm>>
      %dma_wait3A_139 = arith.constant 0 : i32
      %dma_wait3A_140 = arith.constant 0 : i32
      %dma_wait3A_141 = tpu.memref_slice %arg7[%dma_wait3A_139, %dma_wait3A_140] : memref<64x80xi32, #tpu.memory_space<vmem>> -> memref<56x80xi32, #tpu.memory_space<vmem>>
      %dma_wait3A_142 = arith.constant 64 : i32
      %dma_wait3A_143 = arith.constant 0 : i32
      %dma_wait3A_144 = tpu.memref_slice %arg4[%add3A, %dma_wait3A_142, %dma_wait3A_143] : memref<32x125x80xi32, #tpu.memory_space<hbm>> -> memref<1x56x80xi32, #tpu.memory_space<hbm>>
      %dma_wait3A_145 = tpu.memref_squeeze %dma_wait3A_144 : memref<1x56x80xi32, #tpu.memory_space<hbm>> -> memref<56x80xi32, #tpu.memory_space<hbm>>
      tpu.wait_dma2 semaphore(%run_scoped3A_117 : memref<!tpu.dma_semaphore, #tpu.memory_space<semaphore_mem>>) src(%dma_wait3A_145 : memref<56x80xi32, #tpu.memory_space<hbm>>) dst(%dma_wait3A_141 : memref<56x80xi32, #tpu.memory_space<vmem>>)
      tpu.yield
    }) : () -> ()
    %scan3A_77 = arith.constant 0 : i32
    %scan3A_78 = arith.constant 0 : i32
    %scan3A_79 = arith.constant 28 : i32
    %scan3A_80 = arith.addi %scan3A_78, %scan3A_79 : i32
    %scan3A_81 = arith.constant 1 : i32
    scf.for %scan3A_117 = %scan3A_78 to %scan3A_80 step %scan3A_81  : i32 {
      %mul3A_118 = arith.constant 2 : i32
      %mul3A_119 = arith.muli %scan3A_117, %mul3A_118 : i32
      %add3A_120 = arith.constant 1 : i32
      %add3A_121 = arith.addi %mul3A_119, %add3A_120 : i32
      %dma_start3A_122 = arith.constant 0 : i32
      %dma_start3A_123 = arith.constant 0 : i32
      %dma_start3A_124 = arith.constant 0 : i32
      %dma_start3A_125 = tpu.memref_slice %arg8[%dma_start3A_122, %dma_start3A_123, %dma_start3A_124] : memref<2x80x128xf32, #tpu.memory_space<vmem>> -> memref<1x80x128xf32, #tpu.memory_space<vmem>>
      %dma_start3A_126 = tpu.memref_squeeze %dma_start3A_125 : memref<1x80x128xf32, #tpu.memory_space<vmem>> -> memref<80x128xf32, #tpu.memory_space<vmem>>
      %dma_start3A_127 = arith.constant 0 : i32
      %dma_start3A_128 = tpu.memref_slice %arg6[%mul3A_119, %dma_start3A_127] : memref<64x80xi32, #tpu.memory_space<vmem>> -> memref<1x80xi32, #tpu.memory_space<vmem>>
      %dma_start3A_129 = tpu.memref_squeeze %dma_start3A_128 : memref<1x80xi32, #tpu.memory_space<vmem>> -> memref<80xi32, #tpu.memory_space<vmem>>
      %dma_start3A_130 = arith.constant 0 : i32
      %dma_start3A_131 = arith.constant 0 : i32
      %dma_start3A_132 = tpu.memref_slice %arg2[%dma_start3A_130, %dma_start3A_131] : memref<10000x128xf32, #tpu.memory_space<hbm>> -> memref<10000x128xf32, #tpu.memory_space<hbm>>
      tpu.enqueue_indirect_dma source(%dma_start3A_132 : memref<10000x128xf32, #tpu.memory_space<hbm>>) target(%dma_start3A_126 : memref<80x128xf32, #tpu.memory_space<vmem>>) offsets(%dma_start3A_129 : memref<80xi32, #tpu.memory_space<vmem>>) semaphore(%arg11 : memref<!tpu.dma_semaphore, #tpu.memory_space<semaphore_mem>>)
      %dma_start3A_133 = arith.constant 1 : i32
      %dma_start3A_134 = arith.constant 0 : i32
      %dma_start3A_135 = arith.constant 0 : i32
      %dma_start3A_136 = tpu.memref_slice %arg8[%dma_start3A_133, %dma_start3A_134, %dma_start3A_135] : memref<2x80x128xf32, #tpu.memory_space<vmem>> -> memref<1x80x128xf32, #tpu.memory_space<vmem>>
      %dma_start3A_137 = tpu.memref_squeeze %dma_start3A_136 : memref<1x80x128xf32, #tpu.memory_space<vmem>> -> memref<80x128xf32, #tpu.memory_space<vmem>>
      %dma_start3A_138 = arith.constant 0 : i32
      %dma_start3A_139 = tpu.memref_slice %arg6[%add3A_121, %dma_start3A_138] : memref<64x80xi32, #tpu.memory_space<vmem>> -> memref<1x80xi32, #tpu.memory_space<vmem>>
      %dma_start3A_140 = tpu.memref_squeeze %dma_start3A_139 : memref<1x80xi32, #tpu.memory_space<vmem>> -> memref<80xi32, #tpu.memory_space<vmem>>
      %dma_start3A_141 = arith.constant 0 : i32
      %dma_start3A_142 = arith.constant 0 : i32
      %dma_start3A_143 = tpu.memref_slice %arg2[%dma_start3A_141, %dma_start3A_142] : memref<10000x128xf32, #tpu.memory_space<hbm>> -> memref<10000x128xf32, #tpu.memory_space<hbm>>
      tpu.enqueue_indirect_dma source(%dma_start3A_143 : memref<10000x128xf32, #tpu.memory_space<hbm>>) target(%dma_start3A_137 : memref<80x128xf32, #tpu.memory_space<vmem>>) offsets(%dma_start3A_140 : memref<80xi32, #tpu.memory_space<vmem>>) semaphore(%arg12 : memref<!tpu.dma_semaphore, #tpu.memory_space<semaphore_mem>>)
      %dma_wait3A_144 = arith.constant 0 : i32
      %dma_wait3A_145 = arith.constant 0 : i32
      %dma_wait3A_146 = arith.constant 0 : i32
      %dma_wait3A_147 = tpu.memref_slice %arg8[%dma_wait3A_144, %dma_wait3A_145, %dma_wait3A_146] : memref<2x80x128xf32, #tpu.memory_space<vmem>> -> memref<1x80x128xf32, #tpu.memory_space<vmem>>
      %dma_wait3A_148 = tpu.memref_squeeze %dma_wait3A_147 : memref<1x80x128xf32, #tpu.memory_space<vmem>> -> memref<80x128xf32, #tpu.memory_space<vmem>>
      %dma_wait3A_149 = arith.constant 0 : i32
      %dma_wait3A_150 = tpu.memref_slice %arg6[%mul3A_119, %dma_wait3A_149] : memref<64x80xi32, #tpu.memory_space<vmem>> -> memref<1x80xi32, #tpu.memory_space<vmem>>
      %dma_wait3A_151 = tpu.memref_squeeze %dma_wait3A_150 : memref<1x80xi32, #tpu.memory_space<vmem>> -> memref<80xi32, #tpu.memory_space<vmem>>
      %dma_wait3A_152 = arith.constant 0 : i32
      %dma_wait3A_153 = arith.constant 0 : i32
      %dma_wait3A_154 = tpu.memref_slice %arg2[%dma_wait3A_152, %dma_wait3A_153] : memref<10000x128xf32, #tpu.memory_space<hbm>> -> memref<10000x128xf32, #tpu.memory_space<hbm>>
      tpu.wait_indirect_dma semaphore(%arg11 : memref<!tpu.dma_semaphore, #tpu.memory_space<semaphore_mem>>) src(%dma_wait3A_154 : memref<10000x128xf32, #tpu.memory_space<hbm>>) dst(%dma_wait3A_148 : memref<80x128xf32, #tpu.memory_space<vmem>>)
      %dma_start3A_155 = arith.constant 0 : i32
      %dma_start3A_156 = arith.constant 0 : i32
      %dma_start3A_157 = arith.constant 0 : i32
      %dma_start3A_158 = tpu.memref_slice %arg8[%dma_start3A_155, %dma_start3A_156, %dma_start3A_157] : memref<2x80x128xf32, #tpu.memory_space<vmem>> -> memref<1x80x128xf32, #tpu.memory_space<vmem>>
      %dma_start3A_159 = tpu.memref_squeeze %dma_start3A_158 : memref<1x80x128xf32, #tpu.memory_space<vmem>> -> memref<80x128xf32, #tpu.memory_space<vmem>>
      %dma_start3A_160 = arith.constant 0 : i32
      %dma_start3A_161 = tpu.memref_slice %arg7[%mul3A_119, %dma_start3A_160] : memref<64x80xi32, #tpu.memory_space<vmem>> -> memref<1x80xi32, #tpu.memory_space<vmem>>
      %dma_start3A_162 = tpu.memref_squeeze %dma_start3A_161 : memref<1x80xi32, #tpu.memory_space<vmem>> -> memref<80xi32, #tpu.memory_space<vmem>>
      %dma_start3A_163 = arith.constant 0 : i32
      %dma_start3A_164 = arith.constant 0 : i32
      %dma_start3A_165 = tpu.memref_slice %arg10[%dma_start3A_163, %dma_start3A_164] : memref<10240x128xf32, #tpu.memory_space<vmem_shared>> -> memref<10240x128xf32, #tpu.memory_space<vmem_shared>>
      tpu.enqueue_indirect_dma source(%dma_start3A_159 : memref<80x128xf32, #tpu.memory_space<vmem>>) target(%dma_start3A_165 : memref<10240x128xf32, #tpu.memory_space<vmem_shared>>) offsets(%dma_start3A_162 : memref<80xi32, #tpu.memory_space<vmem>>) semaphore(%arg13 : memref<!tpu.dma_semaphore, #tpu.memory_space<semaphore_mem>>) {add = true}
      %dma_wait3A_166 = arith.constant 1 : i32
      %dma_wait3A_167 = arith.constant 0 : i32
      %dma_wait3A_168 = arith.constant 0 : i32
      %dma_wait3A_169 = tpu.memref_slice %arg8[%dma_wait3A_166, %dma_wait3A_167, %dma_wait3A_168] : memref<2x80x128xf32, #tpu.memory_space<vmem>> -> memref<1x80x128xf32, #tpu.memory_space<vmem>>
      %dma_wait3A_170 = tpu.memref_squeeze %dma_wait3A_169 : memref<1x80x128xf32, #tpu.memory_space<vmem>> -> memref<80x128xf32, #tpu.memory_space<vmem>>
      %dma_wait3A_171 = arith.constant 0 : i32
      %dma_wait3A_172 = tpu.memref_slice %arg6[%add3A_121, %dma_wait3A_171] : memref<64x80xi32, #tpu.memory_space<vmem>> -> memref<1x80xi32, #tpu.memory_space<vmem>>
      %dma_wait3A_173 = tpu.memref_squeeze %dma_wait3A_172 : memref<1x80xi32, #tpu.memory_space<vmem>> -> memref<80xi32, #tpu.memory_space<vmem>>
      %dma_wait3A_174 = arith.constant 0 : i32
      %dma_wait3A_175 = arith.constant 0 : i32
      %dma_wait3A_176 = tpu.memref_slice %arg2[%dma_wait3A_174, %dma_wait3A_175] : memref<10000x128xf32, #tpu.memory_space<hbm>> -> memref<10000x128xf32, #tpu.memory_space<hbm>>
      tpu.wait_indirect_dma semaphore(%arg12 : memref<!tpu.dma_semaphore, #tpu.memory_space<semaphore_mem>>) src(%dma_wait3A_176 : memref<10000x128xf32, #tpu.memory_space<hbm>>) dst(%dma_wait3A_170 : memref<80x128xf32, #tpu.memory_space<vmem>>)
      %dma_start3A_177 = arith.constant 1 : i32
      %dma_start3A_178 = arith.constant 0 : i32
      %dma_start3A_179 = arith.constant 0 : i32
      %dma_start3A_180 = tpu.memref_slice %arg8[%dma_start3A_177, %dma_start3A_178, %dma_start3A_179] : memref<2x80x128xf32, #tpu.memory_space<vmem>> -> memref<1x80x128xf32, #tpu.memory_space<vmem>>
      %dma_start3A_181 = tpu.memref_squeeze %dma_start3A_180 : memref<1x80x128xf32, #tpu.memory_space<vmem>> -> memref<80x128xf32, #tpu.memory_space<vmem>>
      %dma_start3A_182 = arith.constant 0 : i32
      %dma_start3A_183 = tpu.memref_slice %arg7[%add3A_121, %dma_start3A_182] : memref<64x80xi32, #tpu.memory_space<vmem>> -> memref<1x80xi32, #tpu.memory_space<vmem>>
      %dma_start3A_184 = tpu.memref_squeeze %dma_start3A_183 : memref<1x80xi32, #tpu.memory_space<vmem>> -> memref<80xi32, #tpu.memory_space<vmem>>
      %dma_start3A_185 = arith.constant 0 : i32
      %dma_start3A_186 = arith.constant 0 : i32
      %dma_start3A_187 = tpu.memref_slice %arg10[%dma_start3A_185, %dma_start3A_186] : memref<10240x128xf32, #tpu.memory_space<vmem_shared>> -> memref<10240x128xf32, #tpu.memory_space<vmem_shared>>
      tpu.enqueue_indirect_dma source(%dma_start3A_181 : memref<80x128xf32, #tpu.memory_space<vmem>>) target(%dma_start3A_187 : memref<10240x128xf32, #tpu.memory_space<vmem_shared>>) offsets(%dma_start3A_184 : memref<80xi32, #tpu.memory_space<vmem>>) semaphore(%arg14 : memref<!tpu.dma_semaphore, #tpu.memory_space<semaphore_mem>>) {add = true}
      %dma_wait3A_188 = arith.constant 0 : i32
      %dma_wait3A_189 = arith.constant 0 : i32
      %dma_wait3A_190 = arith.constant 0 : i32
      %dma_wait3A_191 = tpu.memref_slice %arg8[%dma_wait3A_188, %dma_wait3A_189, %dma_wait3A_190] : memref<2x80x128xf32, #tpu.memory_space<vmem>> -> memref<1x80x128xf32, #tpu.memory_space<vmem>>
      %dma_wait3A_192 = tpu.memref_squeeze %dma_wait3A_191 : memref<1x80x128xf32, #tpu.memory_space<vmem>> -> memref<80x128xf32, #tpu.memory_space<vmem>>
      %dma_wait3A_193 = arith.constant 0 : i32
      %dma_wait3A_194 = tpu.memref_slice %arg7[%mul3A_119, %dma_wait3A_193] : memref<64x80xi32, #tpu.memory_space<vmem>> -> memref<1x80xi32, #tpu.memory_space<vmem>>
      %dma_wait3A_195 = tpu.memref_squeeze %dma_wait3A_194 : memref<1x80xi32, #tpu.memory_space<vmem>> -> memref<80xi32, #tpu.memory_space<vmem>>
      %dma_wait3A_196 = arith.constant 0 : i32
      %dma_wait3A_197 = arith.constant 0 : i32
      %dma_wait3A_198 = tpu.memref_slice %arg10[%dma_wait3A_196, %dma_wait3A_197] : memref<10240x128xf32, #tpu.memory_space<vmem_shared>> -> memref<10240x128xf32, #tpu.memory_space<vmem_shared>>
      tpu.wait_indirect_dma semaphore(%arg13 : memref<!tpu.dma_semaphore, #tpu.memory_space<semaphore_mem>>) src(%dma_wait3A_192 : memref<80x128xf32, #tpu.memory_space<vmem>>) dst(%dma_wait3A_198 : memref<10240x128xf32, #tpu.memory_space<vmem_shared>>)
      %dma_wait3A_199 = arith.constant 1 : i32
      %dma_wait3A_200 = arith.constant 0 : i32
      %dma_wait3A_201 = arith.constant 0 : i32
      %dma_wait3A_202 = tpu.memref_slice %arg8[%dma_wait3A_199, %dma_wait3A_200, %dma_wait3A_201] : memref<2x80x128xf32, #tpu.memory_space<vmem>> -> memref<1x80x128xf32, #tpu.memory_space<vmem>>
      %dma_wait3A_203 = tpu.memref_squeeze %dma_wait3A_202 : memref<1x80x128xf32, #tpu.memory_space<vmem>> -> memref<80x128xf32, #tpu.memory_space<vmem>>
      %dma_wait3A_204 = arith.constant 0 : i32
      %dma_wait3A_205 = tpu.memref_slice %arg7[%add3A_121, %dma_wait3A_204] : memref<64x80xi32, #tpu.memory_space<vmem>> -> memref<1x80xi32, #tpu.memory_space<vmem>>
      %dma_wait3A_206 = tpu.memref_squeeze %dma_wait3A_205 : memref<1x80xi32, #tpu.memory_space<vmem>> -> memref<80xi32, #tpu.memory_space<vmem>>
      %dma_wait3A_207 = arith.constant 0 : i32
      %dma_wait3A_208 = arith.constant 0 : i32
      %dma_wait3A_209 = tpu.memref_slice %arg10[%dma_wait3A_207, %dma_wait3A_208] : memref<10240x128xf32, #tpu.memory_space<vmem_shared>> -> memref<10240x128xf32, #tpu.memory_space<vmem_shared>>
      tpu.wait_indirect_dma semaphore(%arg14 : memref<!tpu.dma_semaphore, #tpu.memory_space<semaphore_mem>>) src(%dma_wait3A_203 : memref<80x128xf32, #tpu.memory_space<vmem>>) dst(%dma_wait3A_209 : memref<10240x128xf32, #tpu.memory_space<vmem_shared>>)
    }
    %scan3A_82 = arith.constant 28 : i32
    "tpu.region"() ({
      %run_scoped3A_117 = tpu.sem_alloc : memref<!tpu.dma_semaphore, #tpu.memory_space<semaphore_mem>>
      %dma_start3A_118 = arith.constant 0 : i32
      %dma_start3A_119 = arith.constant 0 : i32
      %dma_start3A_120 = tpu.memref_slice %arg6[%dma_start3A_118, %dma_start3A_119] : memref<64x80xi32, #tpu.memory_space<vmem>> -> memref<5x80xi32, #tpu.memory_space<vmem>>
      %dma_start3A_121 = arith.constant 120 : i32
      %dma_start3A_122 = arith.constant 0 : i32
      %dma_start3A_123 = tpu.memref_slice %arg3[%add3A, %dma_start3A_121, %dma_start3A_122] : memref<32x125x80xi32, #tpu.memory_space<hbm>> -> memref<1x5x80xi32, #tpu.memory_space<hbm>>
      %dma_start3A_124 = tpu.memref_squeeze %dma_start3A_123 : memref<1x5x80xi32, #tpu.memory_space<hbm>> -> memref<5x80xi32, #tpu.memory_space<hbm>>
      %dma_start3A_125 = arith.constant 0 : i32
      %dma_start3A_126 = arith.constant 0 : i32
      %dma_start3A_127 = tpu.memref_slice %arg6[%dma_start3A_125, %dma_start3A_126] : memref<64x80xi32, #tpu.memory_space<vmem>> -> memref<5x80xi32, #tpu.memory_space<vmem>>
      %dma_start3A_128 = arith.constant 120 : i32
      %dma_start3A_129 = arith.constant 0 : i32
      %dma_start3A_130 = tpu.memref_slice %arg3[%add3A, %dma_start3A_128, %dma_start3A_129] : memref<32x125x80xi32, #tpu.memory_space<hbm>> -> memref<1x5x80xi32, #tpu.memory_space<hbm>>
      %dma_start3A_131 = tpu.memref_squeeze %dma_start3A_130 : memref<1x5x80xi32, #tpu.memory_space<hbm>> -> memref<5x80xi32, #tpu.memory_space<hbm>>
      tpu.enqueue_dma source(%dma_start3A_131 : memref<5x80xi32, #tpu.memory_space<hbm>>) target(%dma_start3A_127 : memref<5x80xi32, #tpu.memory_space<vmem>>) target_semaphore(%run_scoped3A_117 : memref<!tpu.dma_semaphore, #tpu.memory_space<semaphore_mem>>)
      %dma_wait3A_132 = arith.constant 0 : i32
      %dma_wait3A_133 = arith.constant 0 : i32
      %dma_wait3A_134 = tpu.memref_slice %arg6[%dma_wait3A_132, %dma_wait3A_133] : memref<64x80xi32, #tpu.memory_space<vmem>> -> memref<5x80xi32, #tpu.memory_space<vmem>>
      %dma_wait3A_135 = arith.constant 120 : i32
      %dma_wait3A_136 = arith.constant 0 : i32
      %dma_wait3A_137 = tpu.memref_slice %arg3[%add3A, %dma_wait3A_135, %dma_wait3A_136] : memref<32x125x80xi32, #tpu.memory_space<hbm>> -> memref<1x5x80xi32, #tpu.memory_space<hbm>>
      %dma_wait3A_138 = tpu.memref_squeeze %dma_wait3A_137 : memref<1x5x80xi32, #tpu.memory_space<hbm>> -> memref<5x80xi32, #tpu.memory_space<hbm>>
      %dma_wait3A_139 = arith.constant 0 : i32
      %dma_wait3A_140 = arith.constant 0 : i32
      %dma_wait3A_141 = tpu.memref_slice %arg6[%dma_wait3A_139, %dma_wait3A_140] : memref<64x80xi32, #tpu.memory_space<vmem>> -> memref<5x80xi32, #tpu.memory_space<vmem>>
      %dma_wait3A_142 = arith.constant 120 : i32
      %dma_wait3A_143 = arith.constant 0 : i32
      %dma_wait3A_144 = tpu.memref_slice %arg3[%add3A, %dma_wait3A_142, %dma_wait3A_143] : memref<32x125x80xi32, #tpu.memory_space<hbm>> -> memref<1x5x80xi32, #tpu.memory_space<hbm>>
      %dma_wait3A_145 = tpu.memref_squeeze %dma_wait3A_144 : memref<1x5x80xi32, #tpu.memory_space<hbm>> -> memref<5x80xi32, #tpu.memory_space<hbm>>
      tpu.wait_dma2 semaphore(%run_scoped3A_117 : memref<!tpu.dma_semaphore, #tpu.memory_space<semaphore_mem>>) src(%dma_wait3A_145 : memref<5x80xi32, #tpu.memory_space<hbm>>) dst(%dma_wait3A_141 : memref<5x80xi32, #tpu.memory_space<vmem>>)
      tpu.yield
    }) : () -> ()
    "tpu.region"() ({
      %run_scoped3A_117 = tpu.sem_alloc : memref<!tpu.dma_semaphore, #tpu.memory_space<semaphore_mem>>
      %dma_start3A_118 = arith.constant 0 : i32
      %dma_start3A_119 = arith.constant 0 : i32
      %dma_start3A_120 = tpu.memref_slice %arg7[%dma_start3A_118, %dma_start3A_119] : memref<64x80xi32, #tpu.memory_space<vmem>> -> memref<5x80xi32, #tpu.memory_space<vmem>>
      %dma_start3A_121 = arith.constant 120 : i32
      %dma_start3A_122 = arith.constant 0 : i32
      %dma_start3A_123 = tpu.memref_slice %arg4[%add3A, %dma_start3A_121, %dma_start3A_122] : memref<32x125x80xi32, #tpu.memory_space<hbm>> -> memref<1x5x80xi32, #tpu.memory_space<hbm>>
      %dma_start3A_124 = tpu.memref_squeeze %dma_start3A_123 : memref<1x5x80xi32, #tpu.memory_space<hbm>> -> memref<5x80xi32, #tpu.memory_space<hbm>>
      %dma_start3A_125 = arith.constant 0 : i32
      %dma_start3A_126 = arith.constant 0 : i32
      %dma_start3A_127 = tpu.memref_slice %arg7[%dma_start3A_125, %dma_start3A_126] : memref<64x80xi32, #tpu.memory_space<vmem>> -> memref<5x80xi32, #tpu.memory_space<vmem>>
      %dma_start3A_128 = arith.constant 120 : i32
      %dma_start3A_129 = arith.constant 0 : i32
      %dma_start3A_130 = tpu.memref_slice %arg4[%add3A, %dma_start3A_128, %dma_start3A_129] : memref<32x125x80xi32, #tpu.memory_space<hbm>> -> memref<1x5x80xi32, #tpu.memory_space<hbm>>
      %dma_start3A_131 = tpu.memref_squeeze %dma_start3A_130 : memref<1x5x80xi32, #tpu.memory_space<hbm>> -> memref<5x80xi32, #tpu.memory_space<hbm>>
      tpu.enqueue_dma source(%dma_start3A_131 : memref<5x80xi32, #tpu.memory_space<hbm>>) target(%dma_start3A_127 : memref<5x80xi32, #tpu.memory_space<vmem>>) target_semaphore(%run_scoped3A_117 : memref<!tpu.dma_semaphore, #tpu.memory_space<semaphore_mem>>)
      %dma_wait3A_132 = arith.constant 0 : i32
      %dma_wait3A_133 = arith.constant 0 : i32
      %dma_wait3A_134 = tpu.memref_slice %arg7[%dma_wait3A_132, %dma_wait3A_133] : memref<64x80xi32, #tpu.memory_space<vmem>> -> memref<5x80xi32, #tpu.memory_space<vmem>>
      %dma_wait3A_135 = arith.constant 120 : i32
      %dma_wait3A_136 = arith.constant 0 : i32
      %dma_wait3A_137 = tpu.memref_slice %arg4[%add3A, %dma_wait3A_135, %dma_wait3A_136] : memref<32x125x80xi32, #tpu.memory_space<hbm>> -> memref<1x5x80xi32, #tpu.memory_space<hbm>>
      %dma_wait3A_138 = tpu.memref_squeeze %dma_wait3A_137 : memref<1x5x80xi32, #tpu.memory_space<hbm>> -> memref<5x80xi32, #tpu.memory_space<hbm>>
      %dma_wait3A_139 = arith.constant 0 : i32
      %dma_wait3A_140 = arith.constant 0 : i32
      %dma_wait3A_141 = tpu.memref_slice %arg7[%dma_wait3A_139, %dma_wait3A_140] : memref<64x80xi32, #tpu.memory_space<vmem>> -> memref<5x80xi32, #tpu.memory_space<vmem>>
      %dma_wait3A_142 = arith.constant 120 : i32
      %dma_wait3A_143 = arith.constant 0 : i32
      %dma_wait3A_144 = tpu.memref_slice %arg4[%add3A, %dma_wait3A_142, %dma_wait3A_143] : memref<32x125x80xi32, #tpu.memory_space<hbm>> -> memref<1x5x80xi32, #tpu.memory_space<hbm>>
      %dma_wait3A_145 = tpu.memref_squeeze %dma_wait3A_144 : memref<1x5x80xi32, #tpu.memory_space<hbm>> -> memref<5x80xi32, #tpu.memory_space<hbm>>
      tpu.wait_dma2 semaphore(%run_scoped3A_117 : memref<!tpu.dma_semaphore, #tpu.memory_space<semaphore_mem>>) src(%dma_wait3A_145 : memref<5x80xi32, #tpu.memory_space<hbm>>) dst(%dma_wait3A_141 : memref<5x80xi32, #tpu.memory_space<vmem>>)
      tpu.yield
    }) : () -> ()
    %scan3A_83 = arith.constant 0 : i32
    %scan3A_84 = arith.constant 0 : i32
    %scan3A_85 = arith.constant 2 : i32
    %scan3A_86 = arith.addi %scan3A_84, %scan3A_85 : i32
    %scan3A_87 = arith.constant 1 : i32
    scf.for %scan3A_117 = %scan3A_84 to %scan3A_86 step %scan3A_87  : i32 {
      %mul3A_118 = arith.constant 2 : i32
      %mul3A_119 = arith.muli %scan3A_117, %mul3A_118 : i32
      %add3A_120 = arith.constant 1 : i32
      %add3A_121 = arith.addi %mul3A_119, %add3A_120 : i32
      %dma_start3A_122 = arith.constant 0 : i32
      %dma_start3A_123 = arith.constant 0 : i32
      %dma_start3A_124 = arith.constant 0 : i32
      %dma_start3A_125 = tpu.memref_slice %arg8[%dma_start3A_122, %dma_start3A_123, %dma_start3A_124] : memref<2x80x128xf32, #tpu.memory_space<vmem>> -> memref<1x80x128xf32, #tpu.memory_space<vmem>>
      %dma_start3A_126 = tpu.memref_squeeze %dma_start3A_125 : memref<1x80x128xf32, #tpu.memory_space<vmem>> -> memref<80x128xf32, #tpu.memory_space<vmem>>
      %dma_start3A_127 = arith.constant 0 : i32
      %dma_start3A_128 = tpu.memref_slice %arg6[%mul3A_119, %dma_start3A_127] : memref<64x80xi32, #tpu.memory_space<vmem>> -> memref<1x80xi32, #tpu.memory_space<vmem>>
      %dma_start3A_129 = tpu.memref_squeeze %dma_start3A_128 : memref<1x80xi32, #tpu.memory_space<vmem>> -> memref<80xi32, #tpu.memory_space<vmem>>
      %dma_start3A_130 = arith.constant 0 : i32
      %dma_start3A_131 = arith.constant 0 : i32
      %dma_start3A_132 = tpu.memref_slice %arg2[%dma_start3A_130, %dma_start3A_131] : memref<10000x128xf32, #tpu.memory_space<hbm>> -> memref<10000x128xf32, #tpu.memory_space<hbm>>
      tpu.enqueue_indirect_dma source(%dma_start3A_132 : memref<10000x128xf32, #tpu.memory_space<hbm>>) target(%dma_start3A_126 : memref<80x128xf32, #tpu.memory_space<vmem>>) offsets(%dma_start3A_129 : memref<80xi32, #tpu.memory_space<vmem>>) semaphore(%arg11 : memref<!tpu.dma_semaphore, #tpu.memory_space<semaphore_mem>>)
      %dma_start3A_133 = arith.constant 1 : i32
      %dma_start3A_134 = arith.constant 0 : i32
      %dma_start3A_135 = arith.constant 0 : i32
      %dma_start3A_136 = tpu.memref_slice %arg8[%dma_start3A_133, %dma_start3A_134, %dma_start3A_135] : memref<2x80x128xf32, #tpu.memory_space<vmem>> -> memref<1x80x128xf32, #tpu.memory_space<vmem>>
      %dma_start3A_137 = tpu.memref_squeeze %dma_start3A_136 : memref<1x80x128xf32, #tpu.memory_space<vmem>> -> memref<80x128xf32, #tpu.memory_space<vmem>>
      %dma_start3A_138 = arith.constant 0 : i32
      %dma_start3A_139 = tpu.memref_slice %arg6[%add3A_121, %dma_start3A_138] : memref<64x80xi32, #tpu.memory_space<vmem>> -> memref<1x80xi32, #tpu.memory_space<vmem>>
      %dma_start3A_140 = tpu.memref_squeeze %dma_start3A_139 : memref<1x80xi32, #tpu.memory_space<vmem>> -> memref<80xi32, #tpu.memory_space<vmem>>
      %dma_start3A_141 = arith.constant 0 : i32
      %dma_start3A_142 = arith.constant 0 : i32
      %dma_start3A_143 = tpu.memref_slice %arg2[%dma_start3A_141, %dma_start3A_142] : memref<10000x128xf32, #tpu.memory_space<hbm>> -> memref<10000x128xf32, #tpu.memory_space<hbm>>
      tpu.enqueue_indirect_dma source(%dma_start3A_143 : memref<10000x128xf32, #tpu.memory_space<hbm>>) target(%dma_start3A_137 : memref<80x128xf32, #tpu.memory_space<vmem>>) offsets(%dma_start3A_140 : memref<80xi32, #tpu.memory_space<vmem>>) semaphore(%arg12 : memref<!tpu.dma_semaphore, #tpu.memory_space<semaphore_mem>>)
      %dma_wait3A_144 = arith.constant 0 : i32
      %dma_wait3A_145 = arith.constant 0 : i32
      %dma_wait3A_146 = arith.constant 0 : i32
      %dma_wait3A_147 = tpu.memref_slice %arg8[%dma_wait3A_144, %dma_wait3A_145, %dma_wait3A_146] : memref<2x80x128xf32, #tpu.memory_space<vmem>> -> memref<1x80x128xf32, #tpu.memory_space<vmem>>
      %dma_wait3A_148 = tpu.memref_squeeze %dma_wait3A_147 : memref<1x80x128xf32, #tpu.memory_space<vmem>> -> memref<80x128xf32, #tpu.memory_space<vmem>>
      %dma_wait3A_149 = arith.constant 0 : i32
      %dma_wait3A_150 = tpu.memref_slice %arg6[%mul3A_119, %dma_wait3A_149] : memref<64x80xi32, #tpu.memory_space<vmem>> -> memref<1x80xi32, #tpu.memory_space<vmem>>
      %dma_wait3A_151 = tpu.memref_squeeze %dma_wait3A_150 : memref<1x80xi32, #tpu.memory_space<vmem>> -> memref<80xi32, #tpu.memory_space<vmem>>
      %dma_wait3A_152 = arith.constant 0 : i32
      %dma_wait3A_153 = arith.constant 0 : i32
      %dma_wait3A_154 = tpu.memref_slice %arg2[%dma_wait3A_152, %dma_wait3A_153] : memref<10000x128xf32, #tpu.memory_space<hbm>> -> memref<10000x128xf32, #tpu.memory_space<hbm>>
      tpu.wait_indirect_dma semaphore(%arg11 : memref<!tpu.dma_semaphore, #tpu.memory_space<semaphore_mem>>) src(%dma_wait3A_154 : memref<10000x128xf32, #tpu.memory_space<hbm>>) dst(%dma_wait3A_148 : memref<80x128xf32, #tpu.memory_space<vmem>>)
      %dma_start3A_155 = arith.constant 0 : i32
      %dma_start3A_156 = arith.constant 0 : i32
      %dma_start3A_157 = arith.constant 0 : i32
      %dma_start3A_158 = tpu.memref_slice %arg8[%dma_start3A_155, %dma_start3A_156, %dma_start3A_157] : memref<2x80x128xf32, #tpu.memory_space<vmem>> -> memref<1x80x128xf32, #tpu.memory_space<vmem>>
      %dma_start3A_159 = tpu.memref_squeeze %dma_start3A_158 : memref<1x80x128xf32, #tpu.memory_space<vmem>> -> memref<80x128xf32, #tpu.memory_space<vmem>>
      %dma_start3A_160 = arith.constant 0 : i32
      %dma_start3A_161 = tpu.memref_slice %arg7[%mul3A_119, %dma_start3A_160] : memref<64x80xi32, #tpu.memory_space<vmem>> -> memref<1x80xi32, #tpu.memory_space<vmem>>
      %dma_start3A_162 = tpu.memref_squeeze %dma_start3A_161 : memref<1x80xi32, #tpu.memory_space<vmem>> -> memref<80xi32, #tpu.memory_space<vmem>>
      %dma_start3A_163 = arith.constant 0 : i32
      %dma_start3A_164 = arith.constant 0 : i32
      %dma_start3A_165 = tpu.memref_slice %arg10[%dma_start3A_163, %dma_start3A_164] : memref<10240x128xf32, #tpu.memory_space<vmem_shared>> -> memref<10240x128xf32, #tpu.memory_space<vmem_shared>>
      tpu.enqueue_indirect_dma source(%dma_start3A_159 : memref<80x128xf32, #tpu.memory_space<vmem>>) target(%dma_start3A_165 : memref<10240x128xf32, #tpu.memory_space<vmem_shared>>) offsets(%dma_start3A_162 : memref<80xi32, #tpu.memory_space<vmem>>) semaphore(%arg13 : memref<!tpu.dma_semaphore, #tpu.memory_space<semaphore_mem>>) {add = true}
      %dma_wait3A_166 = arith.constant 1 : i32
      %dma_wait3A_167 = arith.constant 0 : i32
      %dma_wait3A_168 = arith.constant 0 : i32
      %dma_wait3A_169 = tpu.memref_slice %arg8[%dma_wait3A_166, %dma_wait3A_167, %dma_wait3A_168] : memref<2x80x128xf32, #tpu.memory_space<vmem>> -> memref<1x80x128xf32, #tpu.memory_space<vmem>>
      %dma_wait3A_170 = tpu.memref_squeeze %dma_wait3A_169 : memref<1x80x128xf32, #tpu.memory_space<vmem>> -> memref<80x128xf32, #tpu.memory_space<vmem>>
      %dma_wait3A_171 = arith.constant 0 : i32
      %dma_wait3A_172 = tpu.memref_slice %arg6[%add3A_121, %dma_wait3A_171] : memref<64x80xi32, #tpu.memory_space<vmem>> -> memref<1x80xi32, #tpu.memory_space<vmem>>
      %dma_wait3A_173 = tpu.memref_squeeze %dma_wait3A_172 : memref<1x80xi32, #tpu.memory_space<vmem>> -> memref<80xi32, #tpu.memory_space<vmem>>
      %dma_wait3A_174 = arith.constant 0 : i32
      %dma_wait3A_175 = arith.constant 0 : i32
      %dma_wait3A_176 = tpu.memref_slice %arg2[%dma_wait3A_174, %dma_wait3A_175] : memref<10000x128xf32, #tpu.memory_space<hbm>> -> memref<10000x128xf32, #tpu.memory_space<hbm>>
      tpu.wait_indirect_dma semaphore(%arg12 : memref<!tpu.dma_semaphore, #tpu.memory_space<semaphore_mem>>) src(%dma_wait3A_176 : memref<10000x128xf32, #tpu.memory_space<hbm>>) dst(%dma_wait3A_170 : memref<80x128xf32, #tpu.memory_space<vmem>>)
      %dma_start3A_177 = arith.constant 1 : i32
      %dma_start3A_178 = arith.constant 0 : i32
      %dma_start3A_179 = arith.constant 0 : i32
      %dma_start3A_180 = tpu.memref_slice %arg8[%dma_start3A_177, %dma_start3A_178, %dma_start3A_179] : memref<2x80x128xf32, #tpu.memory_space<vmem>> -> memref<1x80x128xf32, #tpu.memory_space<vmem>>
      %dma_start3A_181 = tpu.memref_squeeze %dma_start3A_180 : memref<1x80x128xf32, #tpu.memory_space<vmem>> -> memref<80x128xf32, #tpu.memory_space<vmem>>
      %dma_start3A_182 = arith.constant 0 : i32
      %dma_start3A_183 = tpu.memref_slice %arg7[%add3A_121, %dma_start3A_182] : memref<64x80xi32, #tpu.memory_space<vmem>> -> memref<1x80xi32, #tpu.memory_space<vmem>>
      %dma_start3A_184 = tpu.memref_squeeze %dma_start3A_183 : memref<1x80xi32, #tpu.memory_space<vmem>> -> memref<80xi32, #tpu.memory_space<vmem>>
      %dma_start3A_185 = arith.constant 0 : i32
      %dma_start3A_186 = arith.constant 0 : i32
      %dma_start3A_187 = tpu.memref_slice %arg10[%dma_start3A_185, %dma_start3A_186] : memref<10240x128xf32, #tpu.memory_space<vmem_shared>> -> memref<10240x128xf32, #tpu.memory_space<vmem_shared>>
      tpu.enqueue_indirect_dma source(%dma_start3A_181 : memref<80x128xf32, #tpu.memory_space<vmem>>) target(%dma_start3A_187 : memref<10240x128xf32, #tpu.memory_space<vmem_shared>>) offsets(%dma_start3A_184 : memref<80xi32, #tpu.memory_space<vmem>>) semaphore(%arg14 : memref<!tpu.dma_semaphore, #tpu.memory_space<semaphore_mem>>) {add = true}
      %dma_wait3A_188 = arith.constant 0 : i32
      %dma_wait3A_189 = arith.constant 0 : i32
      %dma_wait3A_190 = arith.constant 0 : i32
      %dma_wait3A_191 = tpu.memref_slice %arg8[%dma_wait3A_188, %dma_wait3A_189, %dma_wait3A_190] : memref<2x80x128xf32, #tpu.memory_space<vmem>> -> memref<1x80x128xf32, #tpu.memory_space<vmem>>
      %dma_wait3A_192 = tpu.memref_squeeze %dma_wait3A_191 : memref<1x80x128xf32, #tpu.memory_space<vmem>> -> memref<80x128xf32, #tpu.memory_space<vmem>>
      %dma_wait3A_193 = arith.constant 0 : i32
      %dma_wait3A_194 = tpu.memref_slice %arg7[%mul3A_119, %dma_wait3A_193] : memref<64x80xi32, #tpu.memory_space<vmem>> -> memref<1x80xi32, #tpu.memory_space<vmem>>
      %dma_wait3A_195 = tpu.memref_squeeze %dma_wait3A_194 : memref<1x80xi32, #tpu.memory_space<vmem>> -> memref<80xi32, #tpu.memory_space<vmem>>
      %dma_wait3A_196 = arith.constant 0 : i32
      %dma_wait3A_197 = arith.constant 0 : i32
      %dma_wait3A_198 = tpu.memref_slice %arg10[%dma_wait3A_196, %dma_wait3A_197] : memref<10240x128xf32, #tpu.memory_space<vmem_shared>> -> memref<10240x128xf32, #tpu.memory_space<vmem_shared>>
      tpu.wait_indirect_dma semaphore(%arg13 : memref<!tpu.dma_semaphore, #tpu.memory_space<semaphore_mem>>) src(%dma_wait3A_192 : memref<80x128xf32, #tpu.memory_space<vmem>>) dst(%dma_wait3A_198 : memref<10240x128xf32, #tpu.memory_space<vmem_shared>>)
      %dma_wait3A_199 = arith.constant 1 : i32
      %dma_wait3A_200 = arith.constant 0 : i32
      %dma_wait3A_201 = arith.constant 0 : i32
      %dma_wait3A_202 = tpu.memref_slice %arg8[%dma_wait3A_199, %dma_wait3A_200, %dma_wait3A_201] : memref<2x80x128xf32, #tpu.memory_space<vmem>> -> memref<1x80x128xf32, #tpu.memory_space<vmem>>
      %dma_wait3A_203 = tpu.memref_squeeze %dma_wait3A_202 : memref<1x80x128xf32, #tpu.memory_space<vmem>> -> memref<80x128xf32, #tpu.memory_space<vmem>>
      %dma_wait3A_204 = arith.constant 0 : i32
      %dma_wait3A_205 = tpu.memref_slice %arg7[%add3A_121, %dma_wait3A_204] : memref<64x80xi32, #tpu.memory_space<vmem>> -> memref<1x80xi32, #tpu.memory_space<vmem>>
      %dma_wait3A_206 = tpu.memref_squeeze %dma_wait3A_205 : memref<1x80xi32, #tpu.memory_space<vmem>> -> memref<80xi32, #tpu.memory_space<vmem>>
      %dma_wait3A_207 = arith.constant 0 : i32
      %dma_wait3A_208 = arith.constant 0 : i32
      %dma_wait3A_209 = tpu.memref_slice %arg10[%dma_wait3A_207, %dma_wait3A_208] : memref<10240x128xf32, #tpu.memory_space<vmem_shared>> -> memref<10240x128xf32, #tpu.memory_space<vmem_shared>>
      tpu.wait_indirect_dma semaphore(%arg14 : memref<!tpu.dma_semaphore, #tpu.memory_space<semaphore_mem>>) src(%dma_wait3A_203 : memref<80x128xf32, #tpu.memory_space<vmem>>) dst(%dma_wait3A_209 : memref<10240x128xf32, #tpu.memory_space<vmem_shared>>)
    }
    %scan3A_88 = arith.constant 2 : i32
    %dma_start3A = arith.constant 4 : i32
    %dma_start3A_89 = arith.constant 0 : i32
    %dma_start3A_90 = arith.constant 0 : i32
    %dma_start3A_91 = arith.constant 0 : i32
    %dma_start3A_92 = tpu.memref_slice %arg8[%dma_start3A_89, %dma_start3A_90, %dma_start3A_91] : memref<2x80x128xf32, #tpu.memory_space<vmem>> -> memref<1x80x128xf32, #tpu.memory_space<vmem>>
    %dma_start3A_93 = tpu.memref_squeeze %dma_start3A_92 : memref<1x80x128xf32, #tpu.memory_space<vmem>> -> memref<80x128xf32, #tpu.memory_space<vmem>>
    %dma_start3A_94 = arith.constant 0 : i32
    %dma_start3A_95 = tpu.memref_slice %arg6[%dma_start3A, %dma_start3A_94] : memref<64x80xi32, #tpu.memory_space<vmem>> -> memref<1x80xi32, #tpu.memory_space<vmem>>
    %dma_start3A_96 = tpu.memref_squeeze %dma_start3A_95 : memref<1x80xi32, #tpu.memory_space<vmem>> -> memref<80xi32, #tpu.memory_space<vmem>>
    %dma_start3A_97 = arith.constant 0 : i32
    %dma_start3A_98 = arith.constant 0 : i32
    %dma_start3A_99 = tpu.memref_slice %arg2[%dma_start3A_97, %dma_start3A_98] : memref<10000x128xf32, #tpu.memory_space<hbm>> -> memref<10000x128xf32, #tpu.memory_space<hbm>>
    tpu.enqueue_indirect_dma source(%dma_start3A_99 : memref<10000x128xf32, #tpu.memory_space<hbm>>) target(%dma_start3A_93 : memref<80x128xf32, #tpu.memory_space<vmem>>) offsets(%dma_start3A_96 : memref<80xi32, #tpu.memory_space<vmem>>) semaphore(%arg11 : memref<!tpu.dma_semaphore, #tpu.memory_space<semaphore_mem>>)
    %dma_wait3A = arith.constant 4 : i32
    %dma_wait3A_100 = arith.constant 0 : i32
    %dma_wait3A_101 = arith.constant 0 : i32
    %dma_wait3A_102 = arith.constant 0 : i32
    %dma_wait3A_103 = tpu.memref_slice %arg8[%dma_wait3A_100, %dma_wait3A_101, %dma_wait3A_102] : memref<2x80x128xf32, #tpu.memory_space<vmem>> -> memref<1x80x128xf32, #tpu.memory_space<vmem>>
    %dma_wait3A_104 = tpu.memref_squeeze %dma_wait3A_103 : memref<1x80x128xf32, #tpu.memory_space<vmem>> -> memref<80x128xf32, #tpu.memory_space<vmem>>
    %dma_wait3A_105 = arith.constant 0 : i32
    %dma_wait3A_106 = tpu.memref_slice %arg6[%dma_wait3A, %dma_wait3A_105] : memref<64x80xi32, #tpu.memory_space<vmem>> -> memref<1x80xi32, #tpu.memory_space<vmem>>
    %dma_wait3A_107 = tpu.memref_squeeze %dma_wait3A_106 : memref<1x80xi32, #tpu.memory_space<vmem>> -> memref<80xi32, #tpu.memory_space<vmem>>
    %dma_wait3A_108 = arith.constant 0 : i32
    %dma_wait3A_109 = arith.constant 0 : i32
    %dma_wait3A_110 = tpu.memref_slice %arg2[%dma_wait3A_108, %dma_wait3A_109] : memref<10000x128xf32, #tpu.memory_space<hbm>> -> memref<10000x128xf32, #tpu.memory_space<hbm>>
    tpu.wait_indirect_dma semaphore(%arg11 : memref<!tpu.dma_semaphore, #tpu.memory_space<semaphore_mem>>) src(%dma_wait3A_110 : memref<10000x128xf32, #tpu.memory_space<hbm>>) dst(%dma_wait3A_104 : memref<80x128xf32, #tpu.memory_space<vmem>>)
    %run_scoped3A = arith.constant 0 : i32
    %run_scoped3A_111 = arith.constant 4 : i32
    "tpu.region"() ({
      %run_scoped3A_117 = tpu.sem_alloc : memref<!tpu.dma_semaphore, #tpu.memory_space<semaphore_mem>>
      %dma_start3A_118 = arith.constant 0 : i32
      %dma_start3A_119 = arith.constant 0 : i32
      %dma_start3A_120 = tpu.memref_slice %arg8[%run_scoped3A, %dma_start3A_118, %dma_start3A_119] : memref<2x80x128xf32, #tpu.memory_space<vmem>> -> memref<1x80x128xf32, #tpu.memory_space<vmem>>
      %dma_start3A_121 = tpu.memref_squeeze %dma_start3A_120 : memref<1x80x128xf32, #tpu.memory_space<vmem>> -> memref<80x128xf32, #tpu.memory_space<vmem>>
      %dma_start3A_122 = arith.constant 0 : i32
      %dma_start3A_123 = tpu.memref_slice %arg7[%run_scoped3A_111, %dma_start3A_122] : memref<64x80xi32, #tpu.memory_space<vmem>> -> memref<1x80xi32, #tpu.memory_space<vmem>>
      %dma_start3A_124 = tpu.memref_squeeze %dma_start3A_123 : memref<1x80xi32, #tpu.memory_space<vmem>> -> memref<80xi32, #tpu.memory_space<vmem>>
      %dma_start3A_125 = arith.constant 0 : i32
      %dma_start3A_126 = arith.constant 0 : i32
      %dma_start3A_127 = tpu.memref_slice %arg10[%dma_start3A_125, %dma_start3A_126] : memref<10240x128xf32, #tpu.memory_space<vmem_shared>> -> memref<10240x128xf32, #tpu.memory_space<vmem_shared>>
      tpu.enqueue_indirect_dma source(%dma_start3A_121 : memref<80x128xf32, #tpu.memory_space<vmem>>) target(%dma_start3A_127 : memref<10240x128xf32, #tpu.memory_space<vmem_shared>>) offsets(%dma_start3A_124 : memref<80xi32, #tpu.memory_space<vmem>>) semaphore(%run_scoped3A_117 : memref<!tpu.dma_semaphore, #tpu.memory_space<semaphore_mem>>) {add = true}
      %dma_wait3A_128 = arith.constant 0 : i32
      %dma_wait3A_129 = arith.constant 0 : i32
      %dma_wait3A_130 = tpu.memref_slice %arg8[%run_scoped3A, %dma_wait3A_128, %dma_wait3A_129] : memref<2x80x128xf32, #tpu.memory_space<vmem>> -> memref<1x80x128xf32, #tpu.memory_space<vmem>>
      %dma_wait3A_131 = tpu.memref_squeeze %dma_wait3A_130 : memref<1x80x128xf32, #tpu.memory_space<vmem>> -> memref<80x128xf32, #tpu.memory_space<vmem>>
      %dma_wait3A_132 = arith.constant 0 : i32
      %dma_wait3A_133 = tpu.memref_slice %arg7[%run_scoped3A_111, %dma_wait3A_132] : memref<64x80xi32, #tpu.memory_space<vmem>> -> memref<1x80xi32, #tpu.memory_space<vmem>>
      %dma_wait3A_134 = tpu.memref_squeeze %dma_wait3A_133 : memref<1x80xi32, #tpu.memory_space<vmem>> -> memref<80xi32, #tpu.memory_space<vmem>>
      %dma_wait3A_135 = arith.constant 0 : i32
      %dma_wait3A_136 = arith.constant 0 : i32
      %dma_wait3A_137 = tpu.memref_slice %arg10[%dma_wait3A_135, %dma_wait3A_136] : memref<10240x128xf32, #tpu.memory_space<vmem_shared>> -> memref<10240x128xf32, #tpu.memory_space<vmem_shared>>
      tpu.wait_indirect_dma semaphore(%run_scoped3A_117 : memref<!tpu.dma_semaphore, #tpu.memory_space<semaphore_mem>>) src(%dma_wait3A_131 : memref<80x128xf32, #tpu.memory_space<vmem>>) dst(%dma_wait3A_137 : memref<10240x128xf32, #tpu.memory_space<vmem_shared>>)
      tpu.yield
    }) : () -> ()
    %barrier3A_112 = arith.constant 0 : index
    tpu.barrier barrier_id(%barrier3A_112)
    %mul3A_113 = arith.constant 640 : i32
    %mul3A_114 = arith.muli %arg1, %mul3A_113 : i32
    %mul3A_115 = arith.constant 640 : i32
    %mul3A_116 = arith.muli %arg1, %mul3A_115 : i32
    "tpu.region"() ({
      %run_scoped3A_117 = tpu.sem_alloc : memref<!tpu.dma_semaphore, #tpu.memory_space<semaphore_mem>>
      %dma_start3A_118 = arith.constant 0 : i32
      %dma_start3A_119 = tpu.memref_slice %arg5[%arg0, %mul3A_116, %dma_start3A_118] : memref<2x10240x128xf32, #tpu.memory_space<hbm>> -> memref<1x640x128xf32, #tpu.memory_space<hbm>>
      %dma_start3A_120 = tpu.memref_squeeze %dma_start3A_119 : memref<1x640x128xf32, #tpu.memory_space<hbm>> -> memref<640x128xf32, #tpu.memory_space<hbm>>
      %dma_start3A_121 = arith.constant 0 : i32
      %dma_start3A_122 = tpu.memref_slice %arg10[%mul3A_114, %dma_start3A_121] : memref<10240x128xf32, #tpu.memory_space<vmem_shared>> -> memref<640x128xf32, #tpu.memory_space<vmem_shared>>
      tpu.enqueue_dma source(%dma_start3A_122 : memref<640x128xf32, #tpu.memory_space<vmem_shared>>) target(%dma_start3A_120 : memref<640x128xf32, #tpu.memory_space<hbm>>) target_semaphore(%run_scoped3A_117 : memref<!tpu.dma_semaphore, #tpu.memory_space<semaphore_mem>>)
      %dma_wait3A_123 = arith.constant 0 : i32
      %dma_wait3A_124 = tpu.memref_slice %arg5[%arg0, %mul3A_116, %dma_wait3A_123] : memref<2x10240x128xf32, #tpu.memory_space<hbm>> -> memref<1x640x128xf32, #tpu.memory_space<hbm>>
      %dma_wait3A_125 = tpu.memref_squeeze %dma_wait3A_124 : memref<1x640x128xf32, #tpu.memory_space<hbm>> -> memref<640x128xf32, #tpu.memory_space<hbm>>
      %dma_wait3A_126 = arith.constant 0 : i32
      %dma_wait3A_127 = tpu.memref_slice %arg10[%mul3A_114, %dma_wait3A_126] : memref<10240x128xf32, #tpu.memory_space<vmem_shared>> -> memref<640x128xf32, #tpu.memory_space<vmem_shared>>
      tpu.wait_dma2 semaphore(%run_scoped3A_117 : memref<!tpu.dma_semaphore, #tpu.memory_space<semaphore_mem>>) src(%dma_wait3A_127 : memref<640x128xf32, #tpu.memory_space<vmem_shared>>) dst(%dma_wait3A_125 : memref<640x128xf32, #tpu.memory_space<hbm>>)
      tpu.yield
    }) : () -> ()
    return
  }
}

#map = affine_map<(d0, d1) -> (0, 0)>
#map1 = affine_map<(d0, d1) -> (0, 0, 0)>
module attributes {stable_mosaic.version = 14 : i64} {
  func.func @_agg_body(%arg0: i32, %arg1: i32, %arg2: memref<10000x128xf32, #tpu.memory_space<hbm>>, %arg3: memref<32x125x80xi32, #tpu.memory_space<hbm>>, %arg4: memref<32x125x80xi32, #tpu.memory_space<hbm>>, %arg5: memref<2x10240x128xf32, #tpu.memory_space<hbm>>, %arg6: memref<64x80xi32, #tpu.memory_space<vmem>>, %arg7: memref<64x80xi32, #tpu.memory_space<vmem>>, %arg8: memref<2x80x128xf32, #tpu.memory_space<vmem>>, %arg9: memref<40x128xf32, #tpu.memory_space<vmem>>, %arg10: memref<10240x128xf32, #tpu.memory_space<vmem_shared>>, %arg11: memref<!tpu.dma_semaphore, #tpu.memory_space<semaphore_mem>>, %arg12: memref<!tpu.dma_semaphore, #tpu.memory_space<semaphore_mem>>, %arg13: memref<!tpu.dma_semaphore, #tpu.memory_space<semaphore_mem>>, %arg14: memref<!tpu.dma_semaphore, #tpu.memory_space<semaphore_mem>>) attributes {dimension_semantics = [#tpu.dimension_semantics<core_parallel>, #tpu.dimension_semantics<subcore_parallel>], iteration_bounds = array<i64: 2, 16>, scalar_prefetch = 0 : i64, scratch_operands = 9 : i64, tpu.core_type = #tpu.core_type<sc_vector_subcore>, window_params = [{transform_indices = #map}, {transform_indices = #map1}, {transform_indices = #map1}, {transform_indices = #map1}]} {
    %mul3A = arith.constant 16 : i32
    %mul3A_0 = arith.muli %arg0, %mul3A : i32
    %add3A = arith.addi %mul3A_0, %arg1 : i32
    %broadcast_in_dim3A = arith.constant 0.000000e+00 : f32
    %broadcast_in_dim3A_1 = vector.broadcast %broadcast_in_dim3A : f32 to vector<16xf32>
    %scan3A = arith.constant 0 : i32
    %scan3A_2 = arith.constant 0 : i32
    %scan3A_3 = arith.constant 40 : i32
    %scan3A_4 = arith.addi %scan3A_2, %scan3A_3 : i32
    %scan3A_5 = arith.constant 1 : i32
    scf.for %scan3A_117 = %scan3A_2 to %scan3A_4 step %scan3A_5  : i32 {
      %swap3A = arith.index_cast %scan3A_117 : i32 to index
      %swap3A_118 = arith.constant 0 : index
      %swap3A_119 = tpu.vector_load %arg9[%swap3A, %swap3A_118] {strides = array<i32>} : memref<40x128xf32, #tpu.memory_space<vmem>>, vector<1x16xf32>,
      %swap3A_120 = vector.shape_cast %swap3A_119 : vector<1x16xf32> to vector<16xf32>
      %swap3A_121 = vector.shape_cast %broadcast_in_dim3A_1 : vector<16xf32> to vector<1x16xf32>
      tpu.vector_store %arg9[%swap3A, %swap3A_118], %swap3A_121 {strides = array<i32>} : memref<40x128xf32, #tpu.memory_space<vmem>>, vector<1x16xf32>,
      %swap3A_122 = arith.index_cast %scan3A_117 : i32 to index
      %swap3A_123 = arith.constant 16 : index
      %swap3A_124 = tpu.vector_load %arg9[%swap3A_122, %swap3A_123] {strides = array<i32>} : memref<40x128xf32, #tpu.memory_space<vmem>>, vector<1x16xf32>,
      %swap3A_125 = vector.shape_cast %swap3A_124 : vector<1x16xf32> to vector<16xf32>
      %swap3A_126 = vector.shape_cast %broadcast_in_dim3A_1 : vector<16xf32> to vector<1x16xf32>
      tpu.vector_store %arg9[%swap3A_122, %swap3A_123], %swap3A_126 {strides = array<i32>} : memref<40x128xf32, #tpu.memory_space<vmem>>, vector<1x16xf32>,
      %swap3A_127 = arith.index_cast %scan3A_117 : i32 to index
      %swap3A_128 = arith.constant 32 : index
      %swap3A_129 = tpu.vector_load %arg9[%swap3A_127, %swap3A_128] {strides = array<i32>} : memref<40x128xf32, #tpu.memory_space<vmem>>, vector<1x16xf32>,
      %swap3A_130 = vector.shape_cast %swap3A_129 : vector<1x16xf32> to vector<16xf32>
      %swap3A_131 = vector.shape_cast %broadcast_in_dim3A_1 : vector<16xf32> to vector<1x16xf32>
      tpu.vector_store %arg9[%swap3A_127, %swap3A_128], %swap3A_131 {strides = array<i32>} : memref<40x128xf32, #tpu.memory_space<vmem>>, vector<1x16xf32>,
      %swap3A_132 = arith.index_cast %scan3A_117 : i32 to index
      %swap3A_133 = arith.constant 48 : index
      %swap3A_134 = tpu.vector_load %arg9[%swap3A_132, %swap3A_133] {strides = array<i32>} : memref<40x128xf32, #tpu.memory_space<vmem>>, vector<1x16xf32>,
      %swap3A_135 = vector.shape_cast %swap3A_134 : vector<1x16xf32> to vector<16xf32>
      %swap3A_136 = vector.shape_cast %broadcast_in_dim3A_1 : vector<16xf32> to vector<1x16xf32>
      tpu.vector_store %arg9[%swap3A_132, %swap3A_133], %swap3A_136 {strides = array<i32>} : memref<40x128xf32, #tpu.memory_space<vmem>>, vector<1x16xf32>,
      %swap3A_137 = arith.index_cast %scan3A_117 : i32 to index
      %swap3A_138 = arith.constant 64 : index
      %swap3A_139 = tpu.vector_load %arg9[%swap3A_137, %swap3A_138] {strides = array<i32>} : memref<40x128xf32, #tpu.memory_space<vmem>>, vector<1x16xf32>,
      %swap3A_140 = vector.shape_cast %swap3A_139 : vector<1x16xf32> to vector<16xf32>
      %swap3A_141 = vector.shape_cast %broadcast_in_dim3A_1 : vector<16xf32> to vector<1x16xf32>
      tpu.vector_store %arg9[%swap3A_137, %swap3A_138], %swap3A_141 {strides = array<i32>} : memref<40x128xf32, #tpu.memory_space<vmem>>, vector<1x16xf32>,
      %swap3A_142 = arith.index_cast %scan3A_117 : i32 to index
      %swap3A_143 = arith.constant 80 : index
      %swap3A_144 = tpu.vector_load %arg9[%swap3A_142, %swap3A_143] {strides = array<i32>} : memref<40x128xf32, #tpu.memory_space<vmem>>, vector<1x16xf32>,
      %swap3A_145 = vector.shape_cast %swap3A_144 : vector<1x16xf32> to vector<16xf32>
      %swap3A_146 = vector.shape_cast %broadcast_in_dim3A_1 : vector<16xf32> to vector<1x16xf32>
      tpu.vector_store %arg9[%swap3A_142, %swap3A_143], %swap3A_146 {strides = array<i32>} : memref<40x128xf32, #tpu.memory_space<vmem>>, vector<1x16xf32>,
      %swap3A_147 = arith.index_cast %scan3A_117 : i32 to index
      %swap3A_148 = arith.constant 96 : index
      %swap3A_149 = tpu.vector_load %arg9[%swap3A_147, %swap3A_148] {strides = array<i32>} : memref<40x128xf32, #tpu.memory_space<vmem>>, vector<1x16xf32>,
      %swap3A_150 = vector.shape_cast %swap3A_149 : vector<1x16xf32> to vector<16xf32>
      %swap3A_151 = vector.shape_cast %broadcast_in_dim3A_1 : vector<16xf32> to vector<1x16xf32>
      tpu.vector_store %arg9[%swap3A_147, %swap3A_148], %swap3A_151 {strides = array<i32>} : memref<40x128xf32, #tpu.memory_space<vmem>>, vector<1x16xf32>,
      %swap3A_152 = arith.index_cast %scan3A_117 : i32 to index
      %swap3A_153 = arith.constant 112 : index
      %swap3A_154 = tpu.vector_load %arg9[%swap3A_152, %swap3A_153] {strides = array<i32>} : memref<40x128xf32, #tpu.memory_space<vmem>>, vector<1x16xf32>,
      %swap3A_155 = vector.shape_cast %swap3A_154 : vector<1x16xf32> to vector<16xf32>
      %swap3A_156 = vector.shape_cast %broadcast_in_dim3A_1 : vector<16xf32> to vector<1x16xf32>
      tpu.vector_store %arg9[%swap3A_152, %swap3A_153], %swap3A_156 {strides = array<i32>} : memref<40x128xf32, #tpu.memory_space<vmem>>, vector<1x16xf32>,
    }
    %scan3A_6 = arith.constant 40 : i32
    %mul3A_7 = arith.constant 640 : i32
    %mul3A_8 = arith.muli %arg1, %mul3A_7 : i32
    %add3A_9 = arith.constant 0 : i32
    %add3A_10 = arith.addi %mul3A_8, %add3A_9 : i32
    "tpu.region"() ({
      %run_scoped3A_117 = tpu.sem_alloc : memref<!tpu.dma_semaphore, #tpu.memory_space<semaphore_mem>>
      %dma_start3A_118 = arith.constant 0 : i32
      %dma_start3A_119 = tpu.memref_slice %arg10[%add3A_10, %dma_start3A_118] : memref<10240x128xf32, #tpu.memory_space<vmem_shared>> -> memref<40x128xf32, #tpu.memory_space<vmem_shared>>
      %dma_start3A_120 = arith.constant 0 : i32
      %dma_start3A_121 = tpu.memref_slice %arg10[%add3A_10, %dma_start3A_120] : memref<10240x128xf32, #tpu.memory_space<vmem_shared>> -> memref<40x128xf32, #tpu.memory_space<vmem_shared>>
      tpu.enqueue_dma source(%arg9 : memref<40x128xf32, #tpu.memory_space<vmem>>) target(%dma_start3A_121 : memref<40x128xf32, #tpu.memory_space<vmem_shared>>) target_semaphore(%run_scoped3A_117 : memref<!tpu.dma_semaphore, #tpu.memory_space<semaphore_mem>>)
      %dma_wait3A_122 = arith.constant 0 : i32
      %dma_wait3A_123 = tpu.memref_slice %arg10[%add3A_10, %dma_wait3A_122] : memref<10240x128xf32, #tpu.memory_space<vmem_shared>> -> memref<40x128xf32, #tpu.memory_space<vmem_shared>>
      %dma_wait3A_124 = arith.constant 0 : i32
      %dma_wait3A_125 = tpu.memref_slice %arg10[%add3A_10, %dma_wait3A_124] : memref<10240x128xf32, #tpu.memory_space<vmem_shared>> -> memref<40x128xf32, #tpu.memory_space<vmem_shared>>
      tpu.wait_dma2 semaphore(%run_scoped3A_117 : memref<!tpu.dma_semaphore, #tpu.memory_space<semaphore_mem>>) src(%arg9 : memref<40x128xf32, #tpu.memory_space<vmem>>) dst(%dma_wait3A_125 : memref<40x128xf32, #tpu.memory_space<vmem_shared>>)
      tpu.yield
    }) : () -> ()
    %mul3A_11 = arith.constant 640 : i32
    %mul3A_12 = arith.muli %arg1, %mul3A_11 : i32
    %add3A_13 = arith.constant 40 : i32
    %add3A_14 = arith.addi %mul3A_12, %add3A_13 : i32
    "tpu.region"() ({
      %run_scoped3A_117 = tpu.sem_alloc : memref<!tpu.dma_semaphore, #tpu.memory_space<semaphore_mem>>
      %dma_start3A_118 = arith.constant 0 : i32
      %dma_start3A_119 = tpu.memref_slice %arg10[%add3A_14, %dma_start3A_118] : memref<10240x128xf32, #tpu.memory_space<vmem_shared>> -> memref<40x128xf32, #tpu.memory_space<vmem_shared>>
      %dma_start3A_120 = arith.constant 0 : i32
      %dma_start3A_121 = tpu.memref_slice %arg10[%add3A_14, %dma_start3A_120] : memref<10240x128xf32, #tpu.memory_space<vmem_shared>> -> memref<40x128xf32, #tpu.memory_space<vmem_shared>>
      tpu.enqueue_dma source(%arg9 : memref<40x128xf32, #tpu.memory_space<vmem>>) target(%dma_start3A_121 : memref<40x128xf32, #tpu.memory_space<vmem_shared>>) target_semaphore(%run_scoped3A_117 : memref<!tpu.dma_semaphore, #tpu.memory_space<semaphore_mem>>)
      %dma_wait3A_122 = arith.constant 0 : i32
      %dma_wait3A_123 = tpu.memref_slice %arg10[%add3A_14, %dma_wait3A_122] : memref<10240x128xf32, #tpu.memory_space<vmem_shared>> -> memref<40x128xf32, #tpu.memory_space<vmem_shared>>
      %dma_wait3A_124 = arith.constant 0 : i32
      %dma_wait3A_125 = tpu.memref_slice %arg10[%add3A_14, %dma_wait3A_124] : memref<10240x128xf32, #tpu.memory_space<vmem_shared>> -> memref<40x128xf32, #tpu.memory_space<vmem_shared>>
      tpu.wait_dma2 semaphore(%run_scoped3A_117 : memref<!tpu.dma_semaphore, #tpu.memory_space<semaphore_mem>>) src(%arg9 : memref<40x128xf32, #tpu.memory_space<vmem>>) dst(%dma_wait3A_125 : memref<40x128xf32, #tpu.memory_space<vmem_shared>>)
      tpu.yield
    }) : () -> ()
    %mul3A_15 = arith.constant 640 : i32
    %mul3A_16 = arith.muli %arg1, %mul3A_15 : i32
    %add3A_17 = arith.constant 80 : i32
    %add3A_18 = arith.addi %mul3A_16, %add3A_17 : i32
    "tpu.region"() ({
      %run_scoped3A_117 = tpu.sem_alloc : memref<!tpu.dma_semaphore, #tpu.memory_space<semaphore_mem>>
      %dma_start3A_118 = arith.constant 0 : i32
      %dma_start3A_119 = tpu.memref_slice %arg10[%add3A_18, %dma_start3A_118] : memref<10240x128xf32, #tpu.memory_space<vmem_shared>> -> memref<40x128xf32, #tpu.memory_space<vmem_shared>>
      %dma_start3A_120 = arith.constant 0 : i32
      %dma_start3A_121 = tpu.memref_slice %arg10[%add3A_18, %dma_start3A_120] : memref<10240x128xf32, #tpu.memory_space<vmem_shared>> -> memref<40x128xf32, #tpu.memory_space<vmem_shared>>
      tpu.enqueue_dma source(%arg9 : memref<40x128xf32, #tpu.memory_space<vmem>>) target(%dma_start3A_121 : memref<40x128xf32, #tpu.memory_space<vmem_shared>>) target_semaphore(%run_scoped3A_117 : memref<!tpu.dma_semaphore, #tpu.memory_space<semaphore_mem>>)
      %dma_wait3A_122 = arith.constant 0 : i32
      %dma_wait3A_123 = tpu.memref_slice %arg10[%add3A_18, %dma_wait3A_122] : memref<10240x128xf32, #tpu.memory_space<vmem_shared>> -> memref<40x128xf32, #tpu.memory_space<vmem_shared>>
      %dma_wait3A_124 = arith.constant 0 : i32
      %dma_wait3A_125 = tpu.memref_slice %arg10[%add3A_18, %dma_wait3A_124] : memref<10240x128xf32, #tpu.memory_space<vmem_shared>> -> memref<40x128xf32, #tpu.memory_space<vmem_shared>>
      tpu.wait_dma2 semaphore(%run_scoped3A_117 : memref<!tpu.dma_semaphore, #tpu.memory_space<semaphore_mem>>) src(%arg9 : memref<40x128xf32, #tpu.memory_space<vmem>>) dst(%dma_wait3A_125 : memref<40x128xf32, #tpu.memory_space<vmem_shared>>)
      tpu.yield
    }) : () -> ()
    %mul3A_19 = arith.constant 640 : i32
    %mul3A_20 = arith.muli %arg1, %mul3A_19 : i32
    %add3A_21 = arith.constant 120 : i32
    %add3A_22 = arith.addi %mul3A_20, %add3A_21 : i32
    "tpu.region"() ({
      %run_scoped3A_117 = tpu.sem_alloc : memref<!tpu.dma_semaphore, #tpu.memory_space<semaphore_mem>>
      %dma_start3A_118 = arith.constant 0 : i32
      %dma_start3A_119 = tpu.memref_slice %arg10[%add3A_22, %dma_start3A_118] : memref<10240x128xf32, #tpu.memory_space<vmem_shared>> -> memref<40x128xf32, #tpu.memory_space<vmem_shared>>
      %dma_start3A_120 = arith.constant 0 : i32
      %dma_start3A_121 = tpu.memref_slice %arg10[%add3A_22, %dma_start3A_120] : memref<10240x128xf32, #tpu.memory_space<vmem_shared>> -> memref<40x128xf32, #tpu.memory_space<vmem_shared>>
      tpu.enqueue_dma source(%arg9 : memref<40x128xf32, #tpu.memory_space<vmem>>) target(%dma_start3A_121 : memref<40x128xf32, #tpu.memory_space<vmem_shared>>) target_semaphore(%run_scoped3A_117 : memref<!tpu.dma_semaphore, #tpu.memory_space<semaphore_mem>>)
      %dma_wait3A_122 = arith.constant 0 : i32
      %dma_wait3A_123 = tpu.memref_slice %arg10[%add3A_22, %dma_wait3A_122] : memref<10240x128xf32, #tpu.memory_space<vmem_shared>> -> memref<40x128xf32, #tpu.memory_space<vmem_shared>>
      %dma_wait3A_124 = arith.constant 0 : i32
      %dma_wait3A_125 = tpu.memref_slice %arg10[%add3A_22, %dma_wait3A_124] : memref<10240x128xf32, #tpu.memory_space<vmem_shared>> -> memref<40x128xf32, #tpu.memory_space<vmem_shared>>
      tpu.wait_dma2 semaphore(%run_scoped3A_117 : memref<!tpu.dma_semaphore, #tpu.memory_space<semaphore_mem>>) src(%arg9 : memref<40x128xf32, #tpu.memory_space<vmem>>) dst(%dma_wait3A_125 : memref<40x128xf32, #tpu.memory_space<vmem_shared>>)
      tpu.yield
    }) : () -> ()
    %mul3A_23 = arith.constant 640 : i32
    %mul3A_24 = arith.muli %arg1, %mul3A_23 : i32
    %add3A_25 = arith.constant 160 : i32
    %add3A_26 = arith.addi %mul3A_24, %add3A_25 : i32
    "tpu.region"() ({
      %run_scoped3A_117 = tpu.sem_alloc : memref<!tpu.dma_semaphore, #tpu.memory_space<semaphore_mem>>
      %dma_start3A_118 = arith.constant 0 : i32
      %dma_start3A_119 = tpu.memref_slice %arg10[%add3A_26, %dma_start3A_118] : memref<10240x128xf32, #tpu.memory_space<vmem_shared>> -> memref<40x128xf32, #tpu.memory_space<vmem_shared>>
      %dma_start3A_120 = arith.constant 0 : i32
      %dma_start3A_121 = tpu.memref_slice %arg10[%add3A_26, %dma_start3A_120] : memref<10240x128xf32, #tpu.memory_space<vmem_shared>> -> memref<40x128xf32, #tpu.memory_space<vmem_shared>>
      tpu.enqueue_dma source(%arg9 : memref<40x128xf32, #tpu.memory_space<vmem>>) target(%dma_start3A_121 : memref<40x128xf32, #tpu.memory_space<vmem_shared>>) target_semaphore(%run_scoped3A_117 : memref<!tpu.dma_semaphore, #tpu.memory_space<semaphore_mem>>)
      %dma_wait3A_122 = arith.constant 0 : i32
      %dma_wait3A_123 = tpu.memref_slice %arg10[%add3A_26, %dma_wait3A_122] : memref<10240x128xf32, #tpu.memory_space<vmem_shared>> -> memref<40x128xf32, #tpu.memory_space<vmem_shared>>
      %dma_wait3A_124 = arith.constant 0 : i32
      %dma_wait3A_125 = tpu.memref_slice %arg10[%add3A_26, %dma_wait3A_124] : memref<10240x128xf32, #tpu.memory_space<vmem_shared>> -> memref<40x128xf32, #tpu.memory_space<vmem_shared>>
      tpu.wait_dma2 semaphore(%run_scoped3A_117 : memref<!tpu.dma_semaphore, #tpu.memory_space<semaphore_mem>>) src(%arg9 : memref<40x128xf32, #tpu.memory_space<vmem>>) dst(%dma_wait3A_125 : memref<40x128xf32, #tpu.memory_space<vmem_shared>>)
      tpu.yield
    }) : () -> ()
    %mul3A_27 = arith.constant 640 : i32
    %mul3A_28 = arith.muli %arg1, %mul3A_27 : i32
    %add3A_29 = arith.constant 200 : i32
    %add3A_30 = arith.addi %mul3A_28, %add3A_29 : i32
    "tpu.region"() ({
      %run_scoped3A_117 = tpu.sem_alloc : memref<!tpu.dma_semaphore, #tpu.memory_space<semaphore_mem>>
      %dma_start3A_118 = arith.constant 0 : i32
      %dma_start3A_119 = tpu.memref_slice %arg10[%add3A_30, %dma_start3A_118] : memref<10240x128xf32, #tpu.memory_space<vmem_shared>> -> memref<40x128xf32, #tpu.memory_space<vmem_shared>>
      %dma_start3A_120 = arith.constant 0 : i32
      %dma_start3A_121 = tpu.memref_slice %arg10[%add3A_30, %dma_start3A_120] : memref<10240x128xf32, #tpu.memory_space<vmem_shared>> -> memref<40x128xf32, #tpu.memory_space<vmem_shared>>
      tpu.enqueue_dma source(%arg9 : memref<40x128xf32, #tpu.memory_space<vmem>>) target(%dma_start3A_121 : memref<40x128xf32, #tpu.memory_space<vmem_shared>>) target_semaphore(%run_scoped3A_117 : memref<!tpu.dma_semaphore, #tpu.memory_space<semaphore_mem>>)
      %dma_wait3A_122 = arith.constant 0 : i32
      %dma_wait3A_123 = tpu.memref_slice %arg10[%add3A_30, %dma_wait3A_122] : memref<10240x128xf32, #tpu.memory_space<vmem_shared>> -> memref<40x128xf32, #tpu.memory_space<vmem_shared>>
      %dma_wait3A_124 = arith.constant 0 : i32
      %dma_wait3A_125 = tpu.memref_slice %arg10[%add3A_30, %dma_wait3A_124] : memref<10240x128xf32, #tpu.memory_space<vmem_shared>> -> memref<40x128xf32, #tpu.memory_space<vmem_shared>>
      tpu.wait_dma2 semaphore(%run_scoped3A_117 : memref<!tpu.dma_semaphore, #tpu.memory_space<semaphore_mem>>) src(%arg9 : memref<40x128xf32, #tpu.memory_space<vmem>>) dst(%dma_wait3A_125 : memref<40x128xf32, #tpu.memory_space<vmem_shared>>)
      tpu.yield
    }) : () -> ()
    %mul3A_31 = arith.constant 640 : i32
    %mul3A_32 = arith.muli %arg1, %mul3A_31 : i32
    %add3A_33 = arith.constant 240 : i32
    %add3A_34 = arith.addi %mul3A_32, %add3A_33 : i32
    "tpu.region"() ({
      %run_scoped3A_117 = tpu.sem_alloc : memref<!tpu.dma_semaphore, #tpu.memory_space<semaphore_mem>>
      %dma_start3A_118 = arith.constant 0 : i32
      %dma_start3A_119 = tpu.memref_slice %arg10[%add3A_34, %dma_start3A_118] : memref<10240x128xf32, #tpu.memory_space<vmem_shared>> -> memref<40x128xf32, #tpu.memory_space<vmem_shared>>
      %dma_start3A_120 = arith.constant 0 : i32
      %dma_start3A_121 = tpu.memref_slice %arg10[%add3A_34, %dma_start3A_120] : memref<10240x128xf32, #tpu.memory_space<vmem_shared>> -> memref<40x128xf32, #tpu.memory_space<vmem_shared>>
      tpu.enqueue_dma source(%arg9 : memref<40x128xf32, #tpu.memory_space<vmem>>) target(%dma_start3A_121 : memref<40x128xf32, #tpu.memory_space<vmem_shared>>) target_semaphore(%run_scoped3A_117 : memref<!tpu.dma_semaphore, #tpu.memory_space<semaphore_mem>>)
      %dma_wait3A_122 = arith.constant 0 : i32
      %dma_wait3A_123 = tpu.memref_slice %arg10[%add3A_34, %dma_wait3A_122] : memref<10240x128xf32, #tpu.memory_space<vmem_shared>> -> memref<40x128xf32, #tpu.memory_space<vmem_shared>>
      %dma_wait3A_124 = arith.constant 0 : i32
      %dma_wait3A_125 = tpu.memref_slice %arg10[%add3A_34, %dma_wait3A_124] : memref<10240x128xf32, #tpu.memory_space<vmem_shared>> -> memref<40x128xf32, #tpu.memory_space<vmem_shared>>
      tpu.wait_dma2 semaphore(%run_scoped3A_117 : memref<!tpu.dma_semaphore, #tpu.memory_space<semaphore_mem>>) src(%arg9 : memref<40x128xf32, #tpu.memory_space<vmem>>) dst(%dma_wait3A_125 : memref<40x128xf32, #tpu.memory_space<vmem_shared>>)
      tpu.yield
    }) : () -> ()
    %mul3A_35 = arith.constant 640 : i32
    %mul3A_36 = arith.muli %arg1, %mul3A_35 : i32
    %add3A_37 = arith.constant 280 : i32
    %add3A_38 = arith.addi %mul3A_36, %add3A_37 : i32
    "tpu.region"() ({
      %run_scoped3A_117 = tpu.sem_alloc : memref<!tpu.dma_semaphore, #tpu.memory_space<semaphore_mem>>
      %dma_start3A_118 = arith.constant 0 : i32
      %dma_start3A_119 = tpu.memref_slice %arg10[%add3A_38, %dma_start3A_118] : memref<10240x128xf32, #tpu.memory_space<vmem_shared>> -> memref<40x128xf32, #tpu.memory_space<vmem_shared>>
      %dma_start3A_120 = arith.constant 0 : i32
      %dma_start3A_121 = tpu.memref_slice %arg10[%add3A_38, %dma_start3A_120] : memref<10240x128xf32, #tpu.memory_space<vmem_shared>> -> memref<40x128xf32, #tpu.memory_space<vmem_shared>>
      tpu.enqueue_dma source(%arg9 : memref<40x128xf32, #tpu.memory_space<vmem>>) target(%dma_start3A_121 : memref<40x128xf32, #tpu.memory_space<vmem_shared>>) target_semaphore(%run_scoped3A_117 : memref<!tpu.dma_semaphore, #tpu.memory_space<semaphore_mem>>)
      %dma_wait3A_122 = arith.constant 0 : i32
      %dma_wait3A_123 = tpu.memref_slice %arg10[%add3A_38, %dma_wait3A_122] : memref<10240x128xf32, #tpu.memory_space<vmem_shared>> -> memref<40x128xf32, #tpu.memory_space<vmem_shared>>
      %dma_wait3A_124 = arith.constant 0 : i32
      %dma_wait3A_125 = tpu.memref_slice %arg10[%add3A_38, %dma_wait3A_124] : memref<10240x128xf32, #tpu.memory_space<vmem_shared>> -> memref<40x128xf32, #tpu.memory_space<vmem_shared>>
      tpu.wait_dma2 semaphore(%run_scoped3A_117 : memref<!tpu.dma_semaphore, #tpu.memory_space<semaphore_mem>>) src(%arg9 : memref<40x128xf32, #tpu.memory_space<vmem>>) dst(%dma_wait3A_125 : memref<40x128xf32, #tpu.memory_space<vmem_shared>>)
      tpu.yield
    }) : () -> ()
    %mul3A_39 = arith.constant 640 : i32
    %mul3A_40 = arith.muli %arg1, %mul3A_39 : i32
    %add3A_41 = arith.constant 320 : i32
    %add3A_42 = arith.addi %mul3A_40, %add3A_41 : i32
    "tpu.region"() ({
      %run_scoped3A_117 = tpu.sem_alloc : memref<!tpu.dma_semaphore, #tpu.memory_space<semaphore_mem>>
      %dma_start3A_118 = arith.constant 0 : i32
      %dma_start3A_119 = tpu.memref_slice %arg10[%add3A_42, %dma_start3A_118] : memref<10240x128xf32, #tpu.memory_space<vmem_shared>> -> memref<40x128xf32, #tpu.memory_space<vmem_shared>>
      %dma_start3A_120 = arith.constant 0 : i32
      %dma_start3A_121 = tpu.memref_slice %arg10[%add3A_42, %dma_start3A_120] : memref<10240x128xf32, #tpu.memory_space<vmem_shared>> -> memref<40x128xf32, #tpu.memory_space<vmem_shared>>
      tpu.enqueue_dma source(%arg9 : memref<40x128xf32, #tpu.memory_space<vmem>>) target(%dma_start3A_121 : memref<40x128xf32, #tpu.memory_space<vmem_shared>>) target_semaphore(%run_scoped3A_117 : memref<!tpu.dma_semaphore, #tpu.memory_space<semaphore_mem>>)
      %dma_wait3A_122 = arith.constant 0 : i32
      %dma_wait3A_123 = tpu.memref_slice %arg10[%add3A_42, %dma_wait3A_122] : memref<10240x128xf32, #tpu.memory_space<vmem_shared>> -> memref<40x128xf32, #tpu.memory_space<vmem_shared>>
      %dma_wait3A_124 = arith.constant 0 : i32
      %dma_wait3A_125 = tpu.memref_slice %arg10[%add3A_42, %dma_wait3A_124] : memref<10240x128xf32, #tpu.memory_space<vmem_shared>> -> memref<40x128xf32, #tpu.memory_space<vmem_shared>>
      tpu.wait_dma2 semaphore(%run_scoped3A_117 : memref<!tpu.dma_semaphore, #tpu.memory_space<semaphore_mem>>) src(%arg9 : memref<40x128xf32, #tpu.memory_space<vmem>>) dst(%dma_wait3A_125 : memref<40x128xf32, #tpu.memory_space<vmem_shared>>)
      tpu.yield
    }) : () -> ()
    %mul3A_43 = arith.constant 640 : i32
    %mul3A_44 = arith.muli %arg1, %mul3A_43 : i32
    %add3A_45 = arith.constant 360 : i32
    %add3A_46 = arith.addi %mul3A_44, %add3A_45 : i32
    "tpu.region"() ({
      %run_scoped3A_117 = tpu.sem_alloc : memref<!tpu.dma_semaphore, #tpu.memory_space<semaphore_mem>>
      %dma_start3A_118 = arith.constant 0 : i32
      %dma_start3A_119 = tpu.memref_slice %arg10[%add3A_46, %dma_start3A_118] : memref<10240x128xf32, #tpu.memory_space<vmem_shared>> -> memref<40x128xf32, #tpu.memory_space<vmem_shared>>
      %dma_start3A_120 = arith.constant 0 : i32
      %dma_start3A_121 = tpu.memref_slice %arg10[%add3A_46, %dma_start3A_120] : memref<10240x128xf32, #tpu.memory_space<vmem_shared>> -> memref<40x128xf32, #tpu.memory_space<vmem_shared>>
      tpu.enqueue_dma source(%arg9 : memref<40x128xf32, #tpu.memory_space<vmem>>) target(%dma_start3A_121 : memref<40x128xf32, #tpu.memory_space<vmem_shared>>) target_semaphore(%run_scoped3A_117 : memref<!tpu.dma_semaphore, #tpu.memory_space<semaphore_mem>>)
      %dma_wait3A_122 = arith.constant 0 : i32
      %dma_wait3A_123 = tpu.memref_slice %arg10[%add3A_46, %dma_wait3A_122] : memref<10240x128xf32, #tpu.memory_space<vmem_shared>> -> memref<40x128xf32, #tpu.memory_space<vmem_shared>>
      %dma_wait3A_124 = arith.constant 0 : i32
      %dma_wait3A_125 = tpu.memref_slice %arg10[%add3A_46, %dma_wait3A_124] : memref<10240x128xf32, #tpu.memory_space<vmem_shared>> -> memref<40x128xf32, #tpu.memory_space<vmem_shared>>
      tpu.wait_dma2 semaphore(%run_scoped3A_117 : memref<!tpu.dma_semaphore, #tpu.memory_space<semaphore_mem>>) src(%arg9 : memref<40x128xf32, #tpu.memory_space<vmem>>) dst(%dma_wait3A_125 : memref<40x128xf32, #tpu.memory_space<vmem_shared>>)
      tpu.yield
    }) : () -> ()
    %mul3A_47 = arith.constant 640 : i32
    %mul3A_48 = arith.muli %arg1, %mul3A_47 : i32
    %add3A_49 = arith.constant 400 : i32
    %add3A_50 = arith.addi %mul3A_48, %add3A_49 : i32
    "tpu.region"() ({
      %run_scoped3A_117 = tpu.sem_alloc : memref<!tpu.dma_semaphore, #tpu.memory_space<semaphore_mem>>
      %dma_start3A_118 = arith.constant 0 : i32
      %dma_start3A_119 = tpu.memref_slice %arg10[%add3A_50, %dma_start3A_118] : memref<10240x128xf32, #tpu.memory_space<vmem_shared>> -> memref<40x128xf32, #tpu.memory_space<vmem_shared>>
      %dma_start3A_120 = arith.constant 0 : i32
      %dma_start3A_121 = tpu.memref_slice %arg10[%add3A_50, %dma_start3A_120] : memref<10240x128xf32, #tpu.memory_space<vmem_shared>> -> memref<40x128xf32, #tpu.memory_space<vmem_shared>>
      tpu.enqueue_dma source(%arg9 : memref<40x128xf32, #tpu.memory_space<vmem>>) target(%dma_start3A_121 : memref<40x128xf32, #tpu.memory_space<vmem_shared>>) target_semaphore(%run_scoped3A_117 : memref<!tpu.dma_semaphore, #tpu.memory_space<semaphore_mem>>)
      %dma_wait3A_122 = arith.constant 0 : i32
      %dma_wait3A_123 = tpu.memref_slice %arg10[%add3A_50, %dma_wait3A_122] : memref<10240x128xf32, #tpu.memory_space<vmem_shared>> -> memref<40x128xf32, #tpu.memory_space<vmem_shared>>
      %dma_wait3A_124 = arith.constant 0 : i32
      %dma_wait3A_125 = tpu.memref_slice %arg10[%add3A_50, %dma_wait3A_124] : memref<10240x128xf32, #tpu.memory_space<vmem_shared>> -> memref<40x128xf32, #tpu.memory_space<vmem_shared>>
      tpu.wait_dma2 semaphore(%run_scoped3A_117 : memref<!tpu.dma_semaphore, #tpu.memory_space<semaphore_mem>>) src(%arg9 : memref<40x128xf32, #tpu.memory_space<vmem>>) dst(%dma_wait3A_125 : memref<40x128xf32, #tpu.memory_space<vmem_shared>>)
      tpu.yield
    }) : () -> ()
    %mul3A_51 = arith.constant 640 : i32
    %mul3A_52 = arith.muli %arg1, %mul3A_51 : i32
    %add3A_53 = arith.constant 440 : i32
    %add3A_54 = arith.addi %mul3A_52, %add3A_53 : i32
    "tpu.region"() ({
      %run_scoped3A_117 = tpu.sem_alloc : memref<!tpu.dma_semaphore, #tpu.memory_space<semaphore_mem>>
      %dma_start3A_118 = arith.constant 0 : i32
      %dma_start3A_119 = tpu.memref_slice %arg10[%add3A_54, %dma_start3A_118] : memref<10240x128xf32, #tpu.memory_space<vmem_shared>> -> memref<40x128xf32, #tpu.memory_space<vmem_shared>>
      %dma_start3A_120 = arith.constant 0 : i32
      %dma_start3A_121 = tpu.memref_slice %arg10[%add3A_54, %dma_start3A_120] : memref<10240x128xf32, #tpu.memory_space<vmem_shared>> -> memref<40x128xf32, #tpu.memory_space<vmem_shared>>
      tpu.enqueue_dma source(%arg9 : memref<40x128xf32, #tpu.memory_space<vmem>>) target(%dma_start3A_121 : memref<40x128xf32, #tpu.memory_space<vmem_shared>>) target_semaphore(%run_scoped3A_117 : memref<!tpu.dma_semaphore, #tpu.memory_space<semaphore_mem>>)
      %dma_wait3A_122 = arith.constant 0 : i32
      %dma_wait3A_123 = tpu.memref_slice %arg10[%add3A_54, %dma_wait3A_122] : memref<10240x128xf32, #tpu.memory_space<vmem_shared>> -> memref<40x128xf32, #tpu.memory_space<vmem_shared>>
      %dma_wait3A_124 = arith.constant 0 : i32
      %dma_wait3A_125 = tpu.memref_slice %arg10[%add3A_54, %dma_wait3A_124] : memref<10240x128xf32, #tpu.memory_space<vmem_shared>> -> memref<40x128xf32, #tpu.memory_space<vmem_shared>>
      tpu.wait_dma2 semaphore(%run_scoped3A_117 : memref<!tpu.dma_semaphore, #tpu.memory_space<semaphore_mem>>) src(%arg9 : memref<40x128xf32, #tpu.memory_space<vmem>>) dst(%dma_wait3A_125 : memref<40x128xf32, #tpu.memory_space<vmem_shared>>)
      tpu.yield
    }) : () -> ()
    %mul3A_55 = arith.constant 640 : i32
    %mul3A_56 = arith.muli %arg1, %mul3A_55 : i32
    %add3A_57 = arith.constant 480 : i32
    %add3A_58 = arith.addi %mul3A_56, %add3A_57 : i32
    "tpu.region"() ({
      %run_scoped3A_117 = tpu.sem_alloc : memref<!tpu.dma_semaphore, #tpu.memory_space<semaphore_mem>>
      %dma_start3A_118 = arith.constant 0 : i32
      %dma_start3A_119 = tpu.memref_slice %arg10[%add3A_58, %dma_start3A_118] : memref<10240x128xf32, #tpu.memory_space<vmem_shared>> -> memref<40x128xf32, #tpu.memory_space<vmem_shared>>
      %dma_start3A_120 = arith.constant 0 : i32
      %dma_start3A_121 = tpu.memref_slice %arg10[%add3A_58, %dma_start3A_120] : memref<10240x128xf32, #tpu.memory_space<vmem_shared>> -> memref<40x128xf32, #tpu.memory_space<vmem_shared>>
      tpu.enqueue_dma source(%arg9 : memref<40x128xf32, #tpu.memory_space<vmem>>) target(%dma_start3A_121 : memref<40x128xf32, #tpu.memory_space<vmem_shared>>) target_semaphore(%run_scoped3A_117 : memref<!tpu.dma_semaphore, #tpu.memory_space<semaphore_mem>>)
      %dma_wait3A_122 = arith.constant 0 : i32
      %dma_wait3A_123 = tpu.memref_slice %arg10[%add3A_58, %dma_wait3A_122] : memref<10240x128xf32, #tpu.memory_space<vmem_shared>> -> memref<40x128xf32, #tpu.memory_space<vmem_shared>>
      %dma_wait3A_124 = arith.constant 0 : i32
      %dma_wait3A_125 = tpu.memref_slice %arg10[%add3A_58, %dma_wait3A_124] : memref<10240x128xf32, #tpu.memory_space<vmem_shared>> -> memref<40x128xf32, #tpu.memory_space<vmem_shared>>
      tpu.wait_dma2 semaphore(%run_scoped3A_117 : memref<!tpu.dma_semaphore, #tpu.memory_space<semaphore_mem>>) src(%arg9 : memref<40x128xf32, #tpu.memory_space<vmem>>) dst(%dma_wait3A_125 : memref<40x128xf32, #tpu.memory_space<vmem_shared>>)
      tpu.yield
    }) : () -> ()
    %mul3A_59 = arith.constant 640 : i32
    %mul3A_60 = arith.muli %arg1, %mul3A_59 : i32
    %add3A_61 = arith.constant 520 : i32
    %add3A_62 = arith.addi %mul3A_60, %add3A_61 : i32
    "tpu.region"() ({
      %run_scoped3A_117 = tpu.sem_alloc : memref<!tpu.dma_semaphore, #tpu.memory_space<semaphore_mem>>
      %dma_start3A_118 = arith.constant 0 : i32
      %dma_start3A_119 = tpu.memref_slice %arg10[%add3A_62, %dma_start3A_118] : memref<10240x128xf32, #tpu.memory_space<vmem_shared>> -> memref<40x128xf32, #tpu.memory_space<vmem_shared>>
      %dma_start3A_120 = arith.constant 0 : i32
      %dma_start3A_121 = tpu.memref_slice %arg10[%add3A_62, %dma_start3A_120] : memref<10240x128xf32, #tpu.memory_space<vmem_shared>> -> memref<40x128xf32, #tpu.memory_space<vmem_shared>>
      tpu.enqueue_dma source(%arg9 : memref<40x128xf32, #tpu.memory_space<vmem>>) target(%dma_start3A_121 : memref<40x128xf32, #tpu.memory_space<vmem_shared>>) target_semaphore(%run_scoped3A_117 : memref<!tpu.dma_semaphore, #tpu.memory_space<semaphore_mem>>)
      %dma_wait3A_122 = arith.constant 0 : i32
      %dma_wait3A_123 = tpu.memref_slice %arg10[%add3A_62, %dma_wait3A_122] : memref<10240x128xf32, #tpu.memory_space<vmem_shared>> -> memref<40x128xf32, #tpu.memory_space<vmem_shared>>
      %dma_wait3A_124 = arith.constant 0 : i32
      %dma_wait3A_125 = tpu.memref_slice %arg10[%add3A_62, %dma_wait3A_124] : memref<10240x128xf32, #tpu.memory_space<vmem_shared>> -> memref<40x128xf32, #tpu.memory_space<vmem_shared>>
      tpu.wait_dma2 semaphore(%run_scoped3A_117 : memref<!tpu.dma_semaphore, #tpu.memory_space<semaphore_mem>>) src(%arg9 : memref<40x128xf32, #tpu.memory_space<vmem>>) dst(%dma_wait3A_125 : memref<40x128xf32, #tpu.memory_space<vmem_shared>>)
      tpu.yield
    }) : () -> ()
    %mul3A_63 = arith.constant 640 : i32
    %mul3A_64 = arith.muli %arg1, %mul3A_63 : i32
    %add3A_65 = arith.constant 560 : i32
    %add3A_66 = arith.addi %mul3A_64, %add3A_65 : i32
    "tpu.region"() ({
      %run_scoped3A_117 = tpu.sem_alloc : memref<!tpu.dma_semaphore, #tpu.memory_space<semaphore_mem>>
      %dma_start3A_118 = arith.constant 0 : i32
      %dma_start3A_119 = tpu.memref_slice %arg10[%add3A_66, %dma_start3A_118] : memref<10240x128xf32, #tpu.memory_space<vmem_shared>> -> memref<40x128xf32, #tpu.memory_space<vmem_shared>>
      %dma_start3A_120 = arith.constant 0 : i32
      %dma_start3A_121 = tpu.memref_slice %arg10[%add3A_66, %dma_start3A_120] : memref<10240x128xf32, #tpu.memory_space<vmem_shared>> -> memref<40x128xf32, #tpu.memory_space<vmem_shared>>
      tpu.enqueue_dma source(%arg9 : memref<40x128xf32, #tpu.memory_space<vmem>>) target(%dma_start3A_121 : memref<40x128xf32, #tpu.memory_space<vmem_shared>>) target_semaphore(%run_scoped3A_117 : memref<!tpu.dma_semaphore, #tpu.memory_space<semaphore_mem>>)
      %dma_wait3A_122 = arith.constant 0 : i32
      %dma_wait3A_123 = tpu.memref_slice %arg10[%add3A_66, %dma_wait3A_122] : memref<10240x128xf32, #tpu.memory_space<vmem_shared>> -> memref<40x128xf32, #tpu.memory_space<vmem_shared>>
      %dma_wait3A_124 = arith.constant 0 : i32
      %dma_wait3A_125 = tpu.memref_slice %arg10[%add3A_66, %dma_wait3A_124] : memref<10240x128xf32, #tpu.memory_space<vmem_shared>> -> memref<40x128xf32, #tpu.memory_space<vmem_shared>>
      tpu.wait_dma2 semaphore(%run_scoped3A_117 : memref<!tpu.dma_semaphore, #tpu.memory_space<semaphore_mem>>) src(%arg9 : memref<40x128xf32, #tpu.memory_space<vmem>>) dst(%dma_wait3A_125 : memref<40x128xf32, #tpu.memory_space<vmem_shared>>)
      tpu.yield
    }) : () -> ()
    %mul3A_67 = arith.constant 640 : i32
    %mul3A_68 = arith.muli %arg1, %mul3A_67 : i32
    %add3A_69 = arith.constant 600 : i32
    %add3A_70 = arith.addi %mul3A_68, %add3A_69 : i32
    "tpu.region"() ({
      %run_scoped3A_117 = tpu.sem_alloc : memref<!tpu.dma_semaphore, #tpu.memory_space<semaphore_mem>>
      %dma_start3A_118 = arith.constant 0 : i32
      %dma_start3A_119 = tpu.memref_slice %arg10[%add3A_70, %dma_start3A_118] : memref<10240x128xf32, #tpu.memory_space<vmem_shared>> -> memref<40x128xf32, #tpu.memory_space<vmem_shared>>
      %dma_start3A_120 = arith.constant 0 : i32
      %dma_start3A_121 = tpu.memref_slice %arg10[%add3A_70, %dma_start3A_120] : memref<10240x128xf32, #tpu.memory_space<vmem_shared>> -> memref<40x128xf32, #tpu.memory_space<vmem_shared>>
      tpu.enqueue_dma source(%arg9 : memref<40x128xf32, #tpu.memory_space<vmem>>) target(%dma_start3A_121 : memref<40x128xf32, #tpu.memory_space<vmem_shared>>) target_semaphore(%run_scoped3A_117 : memref<!tpu.dma_semaphore, #tpu.memory_space<semaphore_mem>>)
      %dma_wait3A_122 = arith.constant 0 : i32
      %dma_wait3A_123 = tpu.memref_slice %arg10[%add3A_70, %dma_wait3A_122] : memref<10240x128xf32, #tpu.memory_space<vmem_shared>> -> memref<40x128xf32, #tpu.memory_space<vmem_shared>>
      %dma_wait3A_124 = arith.constant 0 : i32
      %dma_wait3A_125 = tpu.memref_slice %arg10[%add3A_70, %dma_wait3A_124] : memref<10240x128xf32, #tpu.memory_space<vmem_shared>> -> memref<40x128xf32, #tpu.memory_space<vmem_shared>>
      tpu.wait_dma2 semaphore(%run_scoped3A_117 : memref<!tpu.dma_semaphore, #tpu.memory_space<semaphore_mem>>) src(%arg9 : memref<40x128xf32, #tpu.memory_space<vmem>>) dst(%dma_wait3A_125 : memref<40x128xf32, #tpu.memory_space<vmem_shared>>)
      tpu.yield
    }) : () -> ()
    %barrier3A = arith.constant 0 : index
    tpu.barrier barrier_id(%barrier3A)
    "tpu.region"() ({
      %run_scoped3A_117 = tpu.sem_alloc : memref<!tpu.dma_semaphore, #tpu.memory_space<semaphore_mem>>
      %dma_start3A_118 = arith.constant 0 : i32
      %dma_start3A_119 = arith.constant 0 : i32
      %dma_start3A_120 = tpu.memref_slice %arg6[%dma_start3A_118, %dma_start3A_119] : memref<64x80xi32, #tpu.memory_space<vmem>> -> memref<64x80xi32, #tpu.memory_space<vmem>>
      %dma_start3A_121 = arith.constant 0 : i32
      %dma_start3A_122 = arith.constant 0 : i32
      %dma_start3A_123 = tpu.memref_slice %arg3[%add3A, %dma_start3A_121, %dma_start3A_122] : memref<32x125x80xi32, #tpu.memory_space<hbm>> -> memref<1x64x80xi32, #tpu.memory_space<hbm>>
      %dma_start3A_124 = tpu.memref_squeeze %dma_start3A_123 : memref<1x64x80xi32, #tpu.memory_space<hbm>> -> memref<64x80xi32, #tpu.memory_space<hbm>>
      %dma_start3A_125 = arith.constant 0 : i32
      %dma_start3A_126 = arith.constant 0 : i32
      %dma_start3A_127 = tpu.memref_slice %arg6[%dma_start3A_125, %dma_start3A_126] : memref<64x80xi32, #tpu.memory_space<vmem>> -> memref<64x80xi32, #tpu.memory_space<vmem>>
      %dma_start3A_128 = arith.constant 0 : i32
      %dma_start3A_129 = arith.constant 0 : i32
      %dma_start3A_130 = tpu.memref_slice %arg3[%add3A, %dma_start3A_128, %dma_start3A_129] : memref<32x125x80xi32, #tpu.memory_space<hbm>> -> memref<1x64x80xi32, #tpu.memory_space<hbm>>
      %dma_start3A_131 = tpu.memref_squeeze %dma_start3A_130 : memref<1x64x80xi32, #tpu.memory_space<hbm>> -> memref<64x80xi32, #tpu.memory_space<hbm>>
      tpu.enqueue_dma source(%dma_start3A_131 : memref<64x80xi32, #tpu.memory_space<hbm>>) target(%dma_start3A_127 : memref<64x80xi32, #tpu.memory_space<vmem>>) target_semaphore(%run_scoped3A_117 : memref<!tpu.dma_semaphore, #tpu.memory_space<semaphore_mem>>)
      %dma_wait3A_132 = arith.constant 0 : i32
      %dma_wait3A_133 = arith.constant 0 : i32
      %dma_wait3A_134 = tpu.memref_slice %arg6[%dma_wait3A_132, %dma_wait3A_133] : memref<64x80xi32, #tpu.memory_space<vmem>> -> memref<64x80xi32, #tpu.memory_space<vmem>>
      %dma_wait3A_135 = arith.constant 0 : i32
      %dma_wait3A_136 = arith.constant 0 : i32
      %dma_wait3A_137 = tpu.memref_slice %arg3[%add3A, %dma_wait3A_135, %dma_wait3A_136] : memref<32x125x80xi32, #tpu.memory_space<hbm>> -> memref<1x64x80xi32, #tpu.memory_space<hbm>>
      %dma_wait3A_138 = tpu.memref_squeeze %dma_wait3A_137 : memref<1x64x80xi32, #tpu.memory_space<hbm>> -> memref<64x80xi32, #tpu.memory_space<hbm>>
      %dma_wait3A_139 = arith.constant 0 : i32
      %dma_wait3A_140 = arith.constant 0 : i32
      %dma_wait3A_141 = tpu.memref_slice %arg6[%dma_wait3A_139, %dma_wait3A_140] : memref<64x80xi32, #tpu.memory_space<vmem>> -> memref<64x80xi32, #tpu.memory_space<vmem>>
      %dma_wait3A_142 = arith.constant 0 : i32
      %dma_wait3A_143 = arith.constant 0 : i32
      %dma_wait3A_144 = tpu.memref_slice %arg3[%add3A, %dma_wait3A_142, %dma_wait3A_143] : memref<32x125x80xi32, #tpu.memory_space<hbm>> -> memref<1x64x80xi32, #tpu.memory_space<hbm>>
      %dma_wait3A_145 = tpu.memref_squeeze %dma_wait3A_144 : memref<1x64x80xi32, #tpu.memory_space<hbm>> -> memref<64x80xi32, #tpu.memory_space<hbm>>
      tpu.wait_dma2 semaphore(%run_scoped3A_117 : memref<!tpu.dma_semaphore, #tpu.memory_space<semaphore_mem>>) src(%dma_wait3A_145 : memref<64x80xi32, #tpu.memory_space<hbm>>) dst(%dma_wait3A_141 : memref<64x80xi32, #tpu.memory_space<vmem>>)
      tpu.yield
    }) : () -> ()
    "tpu.region"() ({
      %run_scoped3A_117 = tpu.sem_alloc : memref<!tpu.dma_semaphore, #tpu.memory_space<semaphore_mem>>
      %dma_start3A_118 = arith.constant 0 : i32
      %dma_start3A_119 = arith.constant 0 : i32
      %dma_start3A_120 = tpu.memref_slice %arg7[%dma_start3A_118, %dma_start3A_119] : memref<64x80xi32, #tpu.memory_space<vmem>> -> memref<64x80xi32, #tpu.memory_space<vmem>>
      %dma_start3A_121 = arith.constant 0 : i32
      %dma_start3A_122 = arith.constant 0 : i32
      %dma_start3A_123 = tpu.memref_slice %arg4[%add3A, %dma_start3A_121, %dma_start3A_122] : memref<32x125x80xi32, #tpu.memory_space<hbm>> -> memref<1x64x80xi32, #tpu.memory_space<hbm>>
      %dma_start3A_124 = tpu.memref_squeeze %dma_start3A_123 : memref<1x64x80xi32, #tpu.memory_space<hbm>> -> memref<64x80xi32, #tpu.memory_space<hbm>>
      %dma_start3A_125 = arith.constant 0 : i32
      %dma_start3A_126 = arith.constant 0 : i32
      %dma_start3A_127 = tpu.memref_slice %arg7[%dma_start3A_125, %dma_start3A_126] : memref<64x80xi32, #tpu.memory_space<vmem>> -> memref<64x80xi32, #tpu.memory_space<vmem>>
      %dma_start3A_128 = arith.constant 0 : i32
      %dma_start3A_129 = arith.constant 0 : i32
      %dma_start3A_130 = tpu.memref_slice %arg4[%add3A, %dma_start3A_128, %dma_start3A_129] : memref<32x125x80xi32, #tpu.memory_space<hbm>> -> memref<1x64x80xi32, #tpu.memory_space<hbm>>
      %dma_start3A_131 = tpu.memref_squeeze %dma_start3A_130 : memref<1x64x80xi32, #tpu.memory_space<hbm>> -> memref<64x80xi32, #tpu.memory_space<hbm>>
      tpu.enqueue_dma source(%dma_start3A_131 : memref<64x80xi32, #tpu.memory_space<hbm>>) target(%dma_start3A_127 : memref<64x80xi32, #tpu.memory_space<vmem>>) target_semaphore(%run_scoped3A_117 : memref<!tpu.dma_semaphore, #tpu.memory_space<semaphore_mem>>)
      %dma_wait3A_132 = arith.constant 0 : i32
      %dma_wait3A_133 = arith.constant 0 : i32
      %dma_wait3A_134 = tpu.memref_slice %arg7[%dma_wait3A_132, %dma_wait3A_133] : memref<64x80xi32, #tpu.memory_space<vmem>> -> memref<64x80xi32, #tpu.memory_space<vmem>>
      %dma_wait3A_135 = arith.constant 0 : i32
      %dma_wait3A_136 = arith.constant 0 : i32
      %dma_wait3A_137 = tpu.memref_slice %arg4[%add3A, %dma_wait3A_135, %dma_wait3A_136] : memref<32x125x80xi32, #tpu.memory_space<hbm>> -> memref<1x64x80xi32, #tpu.memory_space<hbm>>
      %dma_wait3A_138 = tpu.memref_squeeze %dma_wait3A_137 : memref<1x64x80xi32, #tpu.memory_space<hbm>> -> memref<64x80xi32, #tpu.memory_space<hbm>>
      %dma_wait3A_139 = arith.constant 0 : i32
      %dma_wait3A_140 = arith.constant 0 : i32
      %dma_wait3A_141 = tpu.memref_slice %arg7[%dma_wait3A_139, %dma_wait3A_140] : memref<64x80xi32, #tpu.memory_space<vmem>> -> memref<64x80xi32, #tpu.memory_space<vmem>>
      %dma_wait3A_142 = arith.constant 0 : i32
      %dma_wait3A_143 = arith.constant 0 : i32
      %dma_wait3A_144 = tpu.memref_slice %arg4[%add3A, %dma_wait3A_142, %dma_wait3A_143] : memref<32x125x80xi32, #tpu.memory_space<hbm>> -> memref<1x64x80xi32, #tpu.memory_space<hbm>>
      %dma_wait3A_145 = tpu.memref_squeeze %dma_wait3A_144 : memref<1x64x80xi32, #tpu.memory_space<hbm>> -> memref<64x80xi32, #tpu.memory_space<hbm>>
      tpu.wait_dma2 semaphore(%run_scoped3A_117 : memref<!tpu.dma_semaphore, #tpu.memory_space<semaphore_mem>>) src(%dma_wait3A_145 : memref<64x80xi32, #tpu.memory_space<hbm>>) dst(%dma_wait3A_141 : memref<64x80xi32, #tpu.memory_space<vmem>>)
      tpu.yield
    }) : () -> ()
    %scan3A_71 = arith.constant 0 : i32
    %scan3A_72 = arith.constant 0 : i32
    %scan3A_73 = arith.constant 32 : i32
    %scan3A_74 = arith.addi %scan3A_72, %scan3A_73 : i32
    %scan3A_75 = arith.constant 1 : i32
    scf.for %scan3A_117 = %scan3A_72 to %scan3A_74 step %scan3A_75  : i32 {
      %mul3A_118 = arith.constant 2 : i32
      %mul3A_119 = arith.muli %scan3A_117, %mul3A_118 : i32
      %add3A_120 = arith.constant 1 : i32
      %add3A_121 = arith.addi %mul3A_119, %add3A_120 : i32
      %dma_start3A_122 = arith.constant 0 : i32
      %dma_start3A_123 = arith.constant 0 : i32
      %dma_start3A_124 = arith.constant 0 : i32
      %dma_start3A_125 = tpu.memref_slice %arg8[%dma_start3A_122, %dma_start3A_123, %dma_start3A_124] : memref<2x80x128xf32, #tpu.memory_space<vmem>> -> memref<1x80x128xf32, #tpu.memory_space<vmem>>
      %dma_start3A_126 = tpu.memref_squeeze %dma_start3A_125 : memref<1x80x128xf32, #tpu.memory_space<vmem>> -> memref<80x128xf32, #tpu.memory_space<vmem>>
      %dma_start3A_127 = arith.constant 0 : i32
      %dma_start3A_128 = tpu.memref_slice %arg6[%mul3A_119, %dma_start3A_127] : memref<64x80xi32, #tpu.memory_space<vmem>> -> memref<1x80xi32, #tpu.memory_space<vmem>>
      %dma_start3A_129 = tpu.memref_squeeze %dma_start3A_128 : memref<1x80xi32, #tpu.memory_space<vmem>> -> memref<80xi32, #tpu.memory_space<vmem>>
      %dma_start3A_130 = arith.constant 0 : i32
      %dma_start3A_131 = arith.constant 0 : i32
      %dma_start3A_132 = tpu.memref_slice %arg2[%dma_start3A_130, %dma_start3A_131] : memref<10000x128xf32, #tpu.memory_space<hbm>> -> memref<10000x128xf32, #tpu.memory_space<hbm>>
      tpu.enqueue_indirect_dma source(%dma_start3A_132 : memref<10000x128xf32, #tpu.memory_space<hbm>>) target(%dma_start3A_126 : memref<80x128xf32, #tpu.memory_space<vmem>>) offsets(%dma_start3A_129 : memref<80xi32, #tpu.memory_space<vmem>>) semaphore(%arg11 : memref<!tpu.dma_semaphore, #tpu.memory_space<semaphore_mem>>)
      %dma_start3A_133 = arith.constant 1 : i32
      %dma_start3A_134 = arith.constant 0 : i32
      %dma_start3A_135 = arith.constant 0 : i32
      %dma_start3A_136 = tpu.memref_slice %arg8[%dma_start3A_133, %dma_start3A_134, %dma_start3A_135] : memref<2x80x128xf32, #tpu.memory_space<vmem>> -> memref<1x80x128xf32, #tpu.memory_space<vmem>>
      %dma_start3A_137 = tpu.memref_squeeze %dma_start3A_136 : memref<1x80x128xf32, #tpu.memory_space<vmem>> -> memref<80x128xf32, #tpu.memory_space<vmem>>
      %dma_start3A_138 = arith.constant 0 : i32
      %dma_start3A_139 = tpu.memref_slice %arg6[%add3A_121, %dma_start3A_138] : memref<64x80xi32, #tpu.memory_space<vmem>> -> memref<1x80xi32, #tpu.memory_space<vmem>>
      %dma_start3A_140 = tpu.memref_squeeze %dma_start3A_139 : memref<1x80xi32, #tpu.memory_space<vmem>> -> memref<80xi32, #tpu.memory_space<vmem>>
      %dma_start3A_141 = arith.constant 0 : i32
      %dma_start3A_142 = arith.constant 0 : i32
      %dma_start3A_143 = tpu.memref_slice %arg2[%dma_start3A_141, %dma_start3A_142] : memref<10000x128xf32, #tpu.memory_space<hbm>> -> memref<10000x128xf32, #tpu.memory_space<hbm>>
      tpu.enqueue_indirect_dma source(%dma_start3A_143 : memref<10000x128xf32, #tpu.memory_space<hbm>>) target(%dma_start3A_137 : memref<80x128xf32, #tpu.memory_space<vmem>>) offsets(%dma_start3A_140 : memref<80xi32, #tpu.memory_space<vmem>>) semaphore(%arg12 : memref<!tpu.dma_semaphore, #tpu.memory_space<semaphore_mem>>)
      %dma_wait3A_144 = arith.constant 0 : i32
      %dma_wait3A_145 = arith.constant 0 : i32
      %dma_wait3A_146 = arith.constant 0 : i32
      %dma_wait3A_147 = tpu.memref_slice %arg8[%dma_wait3A_144, %dma_wait3A_145, %dma_wait3A_146] : memref<2x80x128xf32, #tpu.memory_space<vmem>> -> memref<1x80x128xf32, #tpu.memory_space<vmem>>
      %dma_wait3A_148 = tpu.memref_squeeze %dma_wait3A_147 : memref<1x80x128xf32, #tpu.memory_space<vmem>> -> memref<80x128xf32, #tpu.memory_space<vmem>>
      %dma_wait3A_149 = arith.constant 0 : i32
      %dma_wait3A_150 = tpu.memref_slice %arg6[%mul3A_119, %dma_wait3A_149] : memref<64x80xi32, #tpu.memory_space<vmem>> -> memref<1x80xi32, #tpu.memory_space<vmem>>
      %dma_wait3A_151 = tpu.memref_squeeze %dma_wait3A_150 : memref<1x80xi32, #tpu.memory_space<vmem>> -> memref<80xi32, #tpu.memory_space<vmem>>
      %dma_wait3A_152 = arith.constant 0 : i32
      %dma_wait3A_153 = arith.constant 0 : i32
      %dma_wait3A_154 = tpu.memref_slice %arg2[%dma_wait3A_152, %dma_wait3A_153] : memref<10000x128xf32, #tpu.memory_space<hbm>> -> memref<10000x128xf32, #tpu.memory_space<hbm>>
      tpu.wait_indirect_dma semaphore(%arg11 : memref<!tpu.dma_semaphore, #tpu.memory_space<semaphore_mem>>) src(%dma_wait3A_154 : memref<10000x128xf32, #tpu.memory_space<hbm>>) dst(%dma_wait3A_148 : memref<80x128xf32, #tpu.memory_space<vmem>>)
      %dma_start3A_155 = arith.constant 0 : i32
      %dma_start3A_156 = arith.constant 0 : i32
      %dma_start3A_157 = arith.constant 0 : i32
      %dma_start3A_158 = tpu.memref_slice %arg8[%dma_start3A_155, %dma_start3A_156, %dma_start3A_157] : memref<2x80x128xf32, #tpu.memory_space<vmem>> -> memref<1x80x128xf32, #tpu.memory_space<vmem>>
      %dma_start3A_159 = tpu.memref_squeeze %dma_start3A_158 : memref<1x80x128xf32, #tpu.memory_space<vmem>> -> memref<80x128xf32, #tpu.memory_space<vmem>>
      %dma_start3A_160 = arith.constant 0 : i32
      %dma_start3A_161 = tpu.memref_slice %arg7[%mul3A_119, %dma_start3A_160] : memref<64x80xi32, #tpu.memory_space<vmem>> -> memref<1x80xi32, #tpu.memory_space<vmem>>
      %dma_start3A_162 = tpu.memref_squeeze %dma_start3A_161 : memref<1x80xi32, #tpu.memory_space<vmem>> -> memref<80xi32, #tpu.memory_space<vmem>>
      %dma_start3A_163 = arith.constant 0 : i32
      %dma_start3A_164 = arith.constant 0 : i32
      %dma_start3A_165 = tpu.memref_slice %arg10[%dma_start3A_163, %dma_start3A_164] : memref<10240x128xf32, #tpu.memory_space<vmem_shared>> -> memref<10240x128xf32, #tpu.memory_space<vmem_shared>>
      tpu.enqueue_indirect_dma source(%dma_start3A_159 : memref<80x128xf32, #tpu.memory_space<vmem>>) target(%dma_start3A_165 : memref<10240x128xf32, #tpu.memory_space<vmem_shared>>) offsets(%dma_start3A_162 : memref<80xi32, #tpu.memory_space<vmem>>) semaphore(%arg13 : memref<!tpu.dma_semaphore, #tpu.memory_space<semaphore_mem>>) {add = true}
      %dma_wait3A_166 = arith.constant 1 : i32
      %dma_wait3A_167 = arith.constant 0 : i32
      %dma_wait3A_168 = arith.constant 0 : i32
      %dma_wait3A_169 = tpu.memref_slice %arg8[%dma_wait3A_166, %dma_wait3A_167, %dma_wait3A_168] : memref<2x80x128xf32, #tpu.memory_space<vmem>> -> memref<1x80x128xf32, #tpu.memory_space<vmem>>
      %dma_wait3A_170 = tpu.memref_squeeze %dma_wait3A_169 : memref<1x80x128xf32, #tpu.memory_space<vmem>> -> memref<80x128xf32, #tpu.memory_space<vmem>>
      %dma_wait3A_171 = arith.constant 0 : i32
      %dma_wait3A_172 = tpu.memref_slice %arg6[%add3A_121, %dma_wait3A_171] : memref<64x80xi32, #tpu.memory_space<vmem>> -> memref<1x80xi32, #tpu.memory_space<vmem>>
      %dma_wait3A_173 = tpu.memref_squeeze %dma_wait3A_172 : memref<1x80xi32, #tpu.memory_space<vmem>> -> memref<80xi32, #tpu.memory_space<vmem>>
      %dma_wait3A_174 = arith.constant 0 : i32
      %dma_wait3A_175 = arith.constant 0 : i32
      %dma_wait3A_176 = tpu.memref_slice %arg2[%dma_wait3A_174, %dma_wait3A_175] : memref<10000x128xf32, #tpu.memory_space<hbm>> -> memref<10000x128xf32, #tpu.memory_space<hbm>>
      tpu.wait_indirect_dma semaphore(%arg12 : memref<!tpu.dma_semaphore, #tpu.memory_space<semaphore_mem>>) src(%dma_wait3A_176 : memref<10000x128xf32, #tpu.memory_space<hbm>>) dst(%dma_wait3A_170 : memref<80x128xf32, #tpu.memory_space<vmem>>)
      %dma_start3A_177 = arith.constant 1 : i32
      %dma_start3A_178 = arith.constant 0 : i32
      %dma_start3A_179 = arith.constant 0 : i32
      %dma_start3A_180 = tpu.memref_slice %arg8[%dma_start3A_177, %dma_start3A_178, %dma_start3A_179] : memref<2x80x128xf32, #tpu.memory_space<vmem>> -> memref<1x80x128xf32, #tpu.memory_space<vmem>>
      %dma_start3A_181 = tpu.memref_squeeze %dma_start3A_180 : memref<1x80x128xf32, #tpu.memory_space<vmem>> -> memref<80x128xf32, #tpu.memory_space<vmem>>
      %dma_start3A_182 = arith.constant 0 : i32
      %dma_start3A_183 = tpu.memref_slice %arg7[%add3A_121, %dma_start3A_182] : memref<64x80xi32, #tpu.memory_space<vmem>> -> memref<1x80xi32, #tpu.memory_space<vmem>>
      %dma_start3A_184 = tpu.memref_squeeze %dma_start3A_183 : memref<1x80xi32, #tpu.memory_space<vmem>> -> memref<80xi32, #tpu.memory_space<vmem>>
      %dma_start3A_185 = arith.constant 0 : i32
      %dma_start3A_186 = arith.constant 0 : i32
      %dma_start3A_187 = tpu.memref_slice %arg10[%dma_start3A_185, %dma_start3A_186] : memref<10240x128xf32, #tpu.memory_space<vmem_shared>> -> memref<10240x128xf32, #tpu.memory_space<vmem_shared>>
      tpu.enqueue_indirect_dma source(%dma_start3A_181 : memref<80x128xf32, #tpu.memory_space<vmem>>) target(%dma_start3A_187 : memref<10240x128xf32, #tpu.memory_space<vmem_shared>>) offsets(%dma_start3A_184 : memref<80xi32, #tpu.memory_space<vmem>>) semaphore(%arg14 : memref<!tpu.dma_semaphore, #tpu.memory_space<semaphore_mem>>) {add = true}
      %dma_wait3A_188 = arith.constant 0 : i32
      %dma_wait3A_189 = arith.constant 0 : i32
      %dma_wait3A_190 = arith.constant 0 : i32
      %dma_wait3A_191 = tpu.memref_slice %arg8[%dma_wait3A_188, %dma_wait3A_189, %dma_wait3A_190] : memref<2x80x128xf32, #tpu.memory_space<vmem>> -> memref<1x80x128xf32, #tpu.memory_space<vmem>>
      %dma_wait3A_192 = tpu.memref_squeeze %dma_wait3A_191 : memref<1x80x128xf32, #tpu.memory_space<vmem>> -> memref<80x128xf32, #tpu.memory_space<vmem>>
      %dma_wait3A_193 = arith.constant 0 : i32
      %dma_wait3A_194 = tpu.memref_slice %arg7[%mul3A_119, %dma_wait3A_193] : memref<64x80xi32, #tpu.memory_space<vmem>> -> memref<1x80xi32, #tpu.memory_space<vmem>>
      %dma_wait3A_195 = tpu.memref_squeeze %dma_wait3A_194 : memref<1x80xi32, #tpu.memory_space<vmem>> -> memref<80xi32, #tpu.memory_space<vmem>>
      %dma_wait3A_196 = arith.constant 0 : i32
      %dma_wait3A_197 = arith.constant 0 : i32
      %dma_wait3A_198 = tpu.memref_slice %arg10[%dma_wait3A_196, %dma_wait3A_197] : memref<10240x128xf32, #tpu.memory_space<vmem_shared>> -> memref<10240x128xf32, #tpu.memory_space<vmem_shared>>
      tpu.wait_indirect_dma semaphore(%arg13 : memref<!tpu.dma_semaphore, #tpu.memory_space<semaphore_mem>>) src(%dma_wait3A_192 : memref<80x128xf32, #tpu.memory_space<vmem>>) dst(%dma_wait3A_198 : memref<10240x128xf32, #tpu.memory_space<vmem_shared>>)
      %dma_wait3A_199 = arith.constant 1 : i32
      %dma_wait3A_200 = arith.constant 0 : i32
      %dma_wait3A_201 = arith.constant 0 : i32
      %dma_wait3A_202 = tpu.memref_slice %arg8[%dma_wait3A_199, %dma_wait3A_200, %dma_wait3A_201] : memref<2x80x128xf32, #tpu.memory_space<vmem>> -> memref<1x80x128xf32, #tpu.memory_space<vmem>>
      %dma_wait3A_203 = tpu.memref_squeeze %dma_wait3A_202 : memref<1x80x128xf32, #tpu.memory_space<vmem>> -> memref<80x128xf32, #tpu.memory_space<vmem>>
      %dma_wait3A_204 = arith.constant 0 : i32
      %dma_wait3A_205 = tpu.memref_slice %arg7[%add3A_121, %dma_wait3A_204] : memref<64x80xi32, #tpu.memory_space<vmem>> -> memref<1x80xi32, #tpu.memory_space<vmem>>
      %dma_wait3A_206 = tpu.memref_squeeze %dma_wait3A_205 : memref<1x80xi32, #tpu.memory_space<vmem>> -> memref<80xi32, #tpu.memory_space<vmem>>
      %dma_wait3A_207 = arith.constant 0 : i32
      %dma_wait3A_208 = arith.constant 0 : i32
      %dma_wait3A_209 = tpu.memref_slice %arg10[%dma_wait3A_207, %dma_wait3A_208] : memref<10240x128xf32, #tpu.memory_space<vmem_shared>> -> memref<10240x128xf32, #tpu.memory_space<vmem_shared>>
      tpu.wait_indirect_dma semaphore(%arg14 : memref<!tpu.dma_semaphore, #tpu.memory_space<semaphore_mem>>) src(%dma_wait3A_203 : memref<80x128xf32, #tpu.memory_space<vmem>>) dst(%dma_wait3A_209 : memref<10240x128xf32, #tpu.memory_space<vmem_shared>>)
    }
    %scan3A_76 = arith.constant 32 : i32
    "tpu.region"() ({
      %run_scoped3A_117 = tpu.sem_alloc : memref<!tpu.dma_semaphore, #tpu.memory_space<semaphore_mem>>
      %dma_start3A_118 = arith.constant 0 : i32
      %dma_start3A_119 = arith.constant 0 : i32
      %dma_start3A_120 = tpu.memref_slice %arg6[%dma_start3A_118, %dma_start3A_119] : memref<64x80xi32, #tpu.memory_space<vmem>> -> memref<56x80xi32, #tpu.memory_space<vmem>>
      %dma_start3A_121 = arith.constant 64 : i32
      %dma_start3A_122 = arith.constant 0 : i32
      %dma_start3A_123 = tpu.memref_slice %arg3[%add3A, %dma_start3A_121, %dma_start3A_122] : memref<32x125x80xi32, #tpu.memory_space<hbm>> -> memref<1x56x80xi32, #tpu.memory_space<hbm>>
      %dma_start3A_124 = tpu.memref_squeeze %dma_start3A_123 : memref<1x56x80xi32, #tpu.memory_space<hbm>> -> memref<56x80xi32, #tpu.memory_space<hbm>>
      %dma_start3A_125 = arith.constant 0 : i32
      %dma_start3A_126 = arith.constant 0 : i32
      %dma_start3A_127 = tpu.memref_slice %arg6[%dma_start3A_125, %dma_start3A_126] : memref<64x80xi32, #tpu.memory_space<vmem>> -> memref<56x80xi32, #tpu.memory_space<vmem>>
      %dma_start3A_128 = arith.constant 64 : i32
      %dma_start3A_129 = arith.constant 0 : i32
      %dma_start3A_130 = tpu.memref_slice %arg3[%add3A, %dma_start3A_128, %dma_start3A_129] : memref<32x125x80xi32, #tpu.memory_space<hbm>> -> memref<1x56x80xi32, #tpu.memory_space<hbm>>
      %dma_start3A_131 = tpu.memref_squeeze %dma_start3A_130 : memref<1x56x80xi32, #tpu.memory_space<hbm>> -> memref<56x80xi32, #tpu.memory_space<hbm>>
      tpu.enqueue_dma source(%dma_start3A_131 : memref<56x80xi32, #tpu.memory_space<hbm>>) target(%dma_start3A_127 : memref<56x80xi32, #tpu.memory_space<vmem>>) target_semaphore(%run_scoped3A_117 : memref<!tpu.dma_semaphore, #tpu.memory_space<semaphore_mem>>)
      %dma_wait3A_132 = arith.constant 0 : i32
      %dma_wait3A_133 = arith.constant 0 : i32
      %dma_wait3A_134 = tpu.memref_slice %arg6[%dma_wait3A_132, %dma_wait3A_133] : memref<64x80xi32, #tpu.memory_space<vmem>> -> memref<56x80xi32, #tpu.memory_space<vmem>>
      %dma_wait3A_135 = arith.constant 64 : i32
      %dma_wait3A_136 = arith.constant 0 : i32
      %dma_wait3A_137 = tpu.memref_slice %arg3[%add3A, %dma_wait3A_135, %dma_wait3A_136] : memref<32x125x80xi32, #tpu.memory_space<hbm>> -> memref<1x56x80xi32, #tpu.memory_space<hbm>>
      %dma_wait3A_138 = tpu.memref_squeeze %dma_wait3A_137 : memref<1x56x80xi32, #tpu.memory_space<hbm>> -> memref<56x80xi32, #tpu.memory_space<hbm>>
      %dma_wait3A_139 = arith.constant 0 : i32
      %dma_wait3A_140 = arith.constant 0 : i32
      %dma_wait3A_141 = tpu.memref_slice %arg6[%dma_wait3A_139, %dma_wait3A_140] : memref<64x80xi32, #tpu.memory_space<vmem>> -> memref<56x80xi32, #tpu.memory_space<vmem>>
      %dma_wait3A_142 = arith.constant 64 : i32
      %dma_wait3A_143 = arith.constant 0 : i32
      %dma_wait3A_144 = tpu.memref_slice %arg3[%add3A, %dma_wait3A_142, %dma_wait3A_143] : memref<32x125x80xi32, #tpu.memory_space<hbm>> -> memref<1x56x80xi32, #tpu.memory_space<hbm>>
      %dma_wait3A_145 = tpu.memref_squeeze %dma_wait3A_144 : memref<1x56x80xi32, #tpu.memory_space<hbm>> -> memref<56x80xi32, #tpu.memory_space<hbm>>
      tpu.wait_dma2 semaphore(%run_scoped3A_117 : memref<!tpu.dma_semaphore, #tpu.memory_space<semaphore_mem>>) src(%dma_wait3A_145 : memref<56x80xi32, #tpu.memory_space<hbm>>) dst(%dma_wait3A_141 : memref<56x80xi32, #tpu.memory_space<vmem>>)
      tpu.yield
    }) : () -> ()
    "tpu.region"() ({
      %run_scoped3A_117 = tpu.sem_alloc : memref<!tpu.dma_semaphore, #tpu.memory_space<semaphore_mem>>
      %dma_start3A_118 = arith.constant 0 : i32
      %dma_start3A_119 = arith.constant 0 : i32
      %dma_start3A_120 = tpu.memref_slice %arg7[%dma_start3A_118, %dma_start3A_119] : memref<64x80xi32, #tpu.memory_space<vmem>> -> memref<56x80xi32, #tpu.memory_space<vmem>>
      %dma_start3A_121 = arith.constant 64 : i32
      %dma_start3A_122 = arith.constant 0 : i32
      %dma_start3A_123 = tpu.memref_slice %arg4[%add3A, %dma_start3A_121, %dma_start3A_122] : memref<32x125x80xi32, #tpu.memory_space<hbm>> -> memref<1x56x80xi32, #tpu.memory_space<hbm>>
      %dma_start3A_124 = tpu.memref_squeeze %dma_start3A_123 : memref<1x56x80xi32, #tpu.memory_space<hbm>> -> memref<56x80xi32, #tpu.memory_space<hbm>>
      %dma_start3A_125 = arith.constant 0 : i32
      %dma_start3A_126 = arith.constant 0 : i32
      %dma_start3A_127 = tpu.memref_slice %arg7[%dma_start3A_125, %dma_start3A_126] : memref<64x80xi32, #tpu.memory_space<vmem>> -> memref<56x80xi32, #tpu.memory_space<vmem>>
      %dma_start3A_128 = arith.constant 64 : i32
      %dma_start3A_129 = arith.constant 0 : i32
      %dma_start3A_130 = tpu.memref_slice %arg4[%add3A, %dma_start3A_128, %dma_start3A_129] : memref<32x125x80xi32, #tpu.memory_space<hbm>> -> memref<1x56x80xi32, #tpu.memory_space<hbm>>
      %dma_start3A_131 = tpu.memref_squeeze %dma_start3A_130 : memref<1x56x80xi32, #tpu.memory_space<hbm>> -> memref<56x80xi32, #tpu.memory_space<hbm>>
      tpu.enqueue_dma source(%dma_start3A_131 : memref<56x80xi32, #tpu.memory_space<hbm>>) target(%dma_start3A_127 : memref<56x80xi32, #tpu.memory_space<vmem>>) target_semaphore(%run_scoped3A_117 : memref<!tpu.dma_semaphore, #tpu.memory_space<semaphore_mem>>)
      %dma_wait3A_132 = arith.constant 0 : i32
      %dma_wait3A_133 = arith.constant 0 : i32
      %dma_wait3A_134 = tpu.memref_slice %arg7[%dma_wait3A_132, %dma_wait3A_133] : memref<64x80xi32, #tpu.memory_space<vmem>> -> memref<56x80xi32, #tpu.memory_space<vmem>>
      %dma_wait3A_135 = arith.constant 64 : i32
      %dma_wait3A_136 = arith.constant 0 : i32
      %dma_wait3A_137 = tpu.memref_slice %arg4[%add3A, %dma_wait3A_135, %dma_wait3A_136] : memref<32x125x80xi32, #tpu.memory_space<hbm>> -> memref<1x56x80xi32, #tpu.memory_space<hbm>>
      %dma_wait3A_138 = tpu.memref_squeeze %dma_wait3A_137 : memref<1x56x80xi32, #tpu.memory_space<hbm>> -> memref<56x80xi32, #tpu.memory_space<hbm>>
      %dma_wait3A_139 = arith.constant 0 : i32
      %dma_wait3A_140 = arith.constant 0 : i32
      %dma_wait3A_141 = tpu.memref_slice %arg7[%dma_wait3A_139, %dma_wait3A_140] : memref<64x80xi32, #tpu.memory_space<vmem>> -> memref<56x80xi32, #tpu.memory_space<vmem>>
      %dma_wait3A_142 = arith.constant 64 : i32
      %dma_wait3A_143 = arith.constant 0 : i32
      %dma_wait3A_144 = tpu.memref_slice %arg4[%add3A, %dma_wait3A_142, %dma_wait3A_143] : memref<32x125x80xi32, #tpu.memory_space<hbm>> -> memref<1x56x80xi32, #tpu.memory_space<hbm>>
      %dma_wait3A_145 = tpu.memref_squeeze %dma_wait3A_144 : memref<1x56x80xi32, #tpu.memory_space<hbm>> -> memref<56x80xi32, #tpu.memory_space<hbm>>
      tpu.wait_dma2 semaphore(%run_scoped3A_117 : memref<!tpu.dma_semaphore, #tpu.memory_space<semaphore_mem>>) src(%dma_wait3A_145 : memref<56x80xi32, #tpu.memory_space<hbm>>) dst(%dma_wait3A_141 : memref<56x80xi32, #tpu.memory_space<vmem>>)
      tpu.yield
    }) : () -> ()
    %scan3A_77 = arith.constant 0 : i32
    %scan3A_78 = arith.constant 0 : i32
    %scan3A_79 = arith.constant 28 : i32
    %scan3A_80 = arith.addi %scan3A_78, %scan3A_79 : i32
    %scan3A_81 = arith.constant 1 : i32
    scf.for %scan3A_117 = %scan3A_78 to %scan3A_80 step %scan3A_81  : i32 {
      %mul3A_118 = arith.constant 2 : i32
      %mul3A_119 = arith.muli %scan3A_117, %mul3A_118 : i32
      %add3A_120 = arith.constant 1 : i32
      %add3A_121 = arith.addi %mul3A_119, %add3A_120 : i32
      %dma_start3A_122 = arith.constant 0 : i32
      %dma_start3A_123 = arith.constant 0 : i32
      %dma_start3A_124 = arith.constant 0 : i32
      %dma_start3A_125 = tpu.memref_slice %arg8[%dma_start3A_122, %dma_start3A_123, %dma_start3A_124] : memref<2x80x128xf32, #tpu.memory_space<vmem>> -> memref<1x80x128xf32, #tpu.memory_space<vmem>>
      %dma_start3A_126 = tpu.memref_squeeze %dma_start3A_125 : memref<1x80x128xf32, #tpu.memory_space<vmem>> -> memref<80x128xf32, #tpu.memory_space<vmem>>
      %dma_start3A_127 = arith.constant 0 : i32
      %dma_start3A_128 = tpu.memref_slice %arg6[%mul3A_119, %dma_start3A_127] : memref<64x80xi32, #tpu.memory_space<vmem>> -> memref<1x80xi32, #tpu.memory_space<vmem>>
      %dma_start3A_129 = tpu.memref_squeeze %dma_start3A_128 : memref<1x80xi32, #tpu.memory_space<vmem>> -> memref<80xi32, #tpu.memory_space<vmem>>
      %dma_start3A_130 = arith.constant 0 : i32
      %dma_start3A_131 = arith.constant 0 : i32
      %dma_start3A_132 = tpu.memref_slice %arg2[%dma_start3A_130, %dma_start3A_131] : memref<10000x128xf32, #tpu.memory_space<hbm>> -> memref<10000x128xf32, #tpu.memory_space<hbm>>
      tpu.enqueue_indirect_dma source(%dma_start3A_132 : memref<10000x128xf32, #tpu.memory_space<hbm>>) target(%dma_start3A_126 : memref<80x128xf32, #tpu.memory_space<vmem>>) offsets(%dma_start3A_129 : memref<80xi32, #tpu.memory_space<vmem>>) semaphore(%arg11 : memref<!tpu.dma_semaphore, #tpu.memory_space<semaphore_mem>>)
      %dma_start3A_133 = arith.constant 1 : i32
      %dma_start3A_134 = arith.constant 0 : i32
      %dma_start3A_135 = arith.constant 0 : i32
      %dma_start3A_136 = tpu.memref_slice %arg8[%dma_start3A_133, %dma_start3A_134, %dma_start3A_135] : memref<2x80x128xf32, #tpu.memory_space<vmem>> -> memref<1x80x128xf32, #tpu.memory_space<vmem>>
      %dma_start3A_137 = tpu.memref_squeeze %dma_start3A_136 : memref<1x80x128xf32, #tpu.memory_space<vmem>> -> memref<80x128xf32, #tpu.memory_space<vmem>>
      %dma_start3A_138 = arith.constant 0 : i32
      %dma_start3A_139 = tpu.memref_slice %arg6[%add3A_121, %dma_start3A_138] : memref<64x80xi32, #tpu.memory_space<vmem>> -> memref<1x80xi32, #tpu.memory_space<vmem>>
      %dma_start3A_140 = tpu.memref_squeeze %dma_start3A_139 : memref<1x80xi32, #tpu.memory_space<vmem>> -> memref<80xi32, #tpu.memory_space<vmem>>
      %dma_start3A_141 = arith.constant 0 : i32
      %dma_start3A_142 = arith.constant 0 : i32
      %dma_start3A_143 = tpu.memref_slice %arg2[%dma_start3A_141, %dma_start3A_142] : memref<10000x128xf32, #tpu.memory_space<hbm>> -> memref<10000x128xf32, #tpu.memory_space<hbm>>
      tpu.enqueue_indirect_dma source(%dma_start3A_143 : memref<10000x128xf32, #tpu.memory_space<hbm>>) target(%dma_start3A_137 : memref<80x128xf32, #tpu.memory_space<vmem>>) offsets(%dma_start3A_140 : memref<80xi32, #tpu.memory_space<vmem>>) semaphore(%arg12 : memref<!tpu.dma_semaphore, #tpu.memory_space<semaphore_mem>>)
      %dma_wait3A_144 = arith.constant 0 : i32
      %dma_wait3A_145 = arith.constant 0 : i32
      %dma_wait3A_146 = arith.constant 0 : i32
      %dma_wait3A_147 = tpu.memref_slice %arg8[%dma_wait3A_144, %dma_wait3A_145, %dma_wait3A_146] : memref<2x80x128xf32, #tpu.memory_space<vmem>> -> memref<1x80x128xf32, #tpu.memory_space<vmem>>
      %dma_wait3A_148 = tpu.memref_squeeze %dma_wait3A_147 : memref<1x80x128xf32, #tpu.memory_space<vmem>> -> memref<80x128xf32, #tpu.memory_space<vmem>>
      %dma_wait3A_149 = arith.constant 0 : i32
      %dma_wait3A_150 = tpu.memref_slice %arg6[%mul3A_119, %dma_wait3A_149] : memref<64x80xi32, #tpu.memory_space<vmem>> -> memref<1x80xi32, #tpu.memory_space<vmem>>
      %dma_wait3A_151 = tpu.memref_squeeze %dma_wait3A_150 : memref<1x80xi32, #tpu.memory_space<vmem>> -> memref<80xi32, #tpu.memory_space<vmem>>
      %dma_wait3A_152 = arith.constant 0 : i32
      %dma_wait3A_153 = arith.constant 0 : i32
      %dma_wait3A_154 = tpu.memref_slice %arg2[%dma_wait3A_152, %dma_wait3A_153] : memref<10000x128xf32, #tpu.memory_space<hbm>> -> memref<10000x128xf32, #tpu.memory_space<hbm>>
      tpu.wait_indirect_dma semaphore(%arg11 : memref<!tpu.dma_semaphore, #tpu.memory_space<semaphore_mem>>) src(%dma_wait3A_154 : memref<10000x128xf32, #tpu.memory_space<hbm>>) dst(%dma_wait3A_148 : memref<80x128xf32, #tpu.memory_space<vmem>>)
      %dma_start3A_155 = arith.constant 0 : i32
      %dma_start3A_156 = arith.constant 0 : i32
      %dma_start3A_157 = arith.constant 0 : i32
      %dma_start3A_158 = tpu.memref_slice %arg8[%dma_start3A_155, %dma_start3A_156, %dma_start3A_157] : memref<2x80x128xf32, #tpu.memory_space<vmem>> -> memref<1x80x128xf32, #tpu.memory_space<vmem>>
      %dma_start3A_159 = tpu.memref_squeeze %dma_start3A_158 : memref<1x80x128xf32, #tpu.memory_space<vmem>> -> memref<80x128xf32, #tpu.memory_space<vmem>>
      %dma_start3A_160 = arith.constant 0 : i32
      %dma_start3A_161 = tpu.memref_slice %arg7[%mul3A_119, %dma_start3A_160] : memref<64x80xi32, #tpu.memory_space<vmem>> -> memref<1x80xi32, #tpu.memory_space<vmem>>
      %dma_start3A_162 = tpu.memref_squeeze %dma_start3A_161 : memref<1x80xi32, #tpu.memory_space<vmem>> -> memref<80xi32, #tpu.memory_space<vmem>>
      %dma_start3A_163 = arith.constant 0 : i32
      %dma_start3A_164 = arith.constant 0 : i32
      %dma_start3A_165 = tpu.memref_slice %arg10[%dma_start3A_163, %dma_start3A_164] : memref<10240x128xf32, #tpu.memory_space<vmem_shared>> -> memref<10240x128xf32, #tpu.memory_space<vmem_shared>>
      tpu.enqueue_indirect_dma source(%dma_start3A_159 : memref<80x128xf32, #tpu.memory_space<vmem>>) target(%dma_start3A_165 : memref<10240x128xf32, #tpu.memory_space<vmem_shared>>) offsets(%dma_start3A_162 : memref<80xi32, #tpu.memory_space<vmem>>) semaphore(%arg13 : memref<!tpu.dma_semaphore, #tpu.memory_space<semaphore_mem>>) {add = true}
      %dma_wait3A_166 = arith.constant 1 : i32
      %dma_wait3A_167 = arith.constant 0 : i32
      %dma_wait3A_168 = arith.constant 0 : i32
      %dma_wait3A_169 = tpu.memref_slice %arg8[%dma_wait3A_166, %dma_wait3A_167, %dma_wait3A_168] : memref<2x80x128xf32, #tpu.memory_space<vmem>> -> memref<1x80x128xf32, #tpu.memory_space<vmem>>
      %dma_wait3A_170 = tpu.memref_squeeze %dma_wait3A_169 : memref<1x80x128xf32, #tpu.memory_space<vmem>> -> memref<80x128xf32, #tpu.memory_space<vmem>>
      %dma_wait3A_171 = arith.constant 0 : i32
      %dma_wait3A_172 = tpu.memref_slice %arg6[%add3A_121, %dma_wait3A_171] : memref<64x80xi32, #tpu.memory_space<vmem>> -> memref<1x80xi32, #tpu.memory_space<vmem>>
      %dma_wait3A_173 = tpu.memref_squeeze %dma_wait3A_172 : memref<1x80xi32, #tpu.memory_space<vmem>> -> memref<80xi32, #tpu.memory_space<vmem>>
      %dma_wait3A_174 = arith.constant 0 : i32
      %dma_wait3A_175 = arith.constant 0 : i32
      %dma_wait3A_176 = tpu.memref_slice %arg2[%dma_wait3A_174, %dma_wait3A_175] : memref<10000x128xf32, #tpu.memory_space<hbm>> -> memref<10000x128xf32, #tpu.memory_space<hbm>>
      tpu.wait_indirect_dma semaphore(%arg12 : memref<!tpu.dma_semaphore, #tpu.memory_space<semaphore_mem>>) src(%dma_wait3A_176 : memref<10000x128xf32, #tpu.memory_space<hbm>>) dst(%dma_wait3A_170 : memref<80x128xf32, #tpu.memory_space<vmem>>)
      %dma_start3A_177 = arith.constant 1 : i32
      %dma_start3A_178 = arith.constant 0 : i32
      %dma_start3A_179 = arith.constant 0 : i32
      %dma_start3A_180 = tpu.memref_slice %arg8[%dma_start3A_177, %dma_start3A_178, %dma_start3A_179] : memref<2x80x128xf32, #tpu.memory_space<vmem>> -> memref<1x80x128xf32, #tpu.memory_space<vmem>>
      %dma_start3A_181 = tpu.memref_squeeze %dma_start3A_180 : memref<1x80x128xf32, #tpu.memory_space<vmem>> -> memref<80x128xf32, #tpu.memory_space<vmem>>
      %dma_start3A_182 = arith.constant 0 : i32
      %dma_start3A_183 = tpu.memref_slice %arg7[%add3A_121, %dma_start3A_182] : memref<64x80xi32, #tpu.memory_space<vmem>> -> memref<1x80xi32, #tpu.memory_space<vmem>>
      %dma_start3A_184 = tpu.memref_squeeze %dma_start3A_183 : memref<1x80xi32, #tpu.memory_space<vmem>> -> memref<80xi32, #tpu.memory_space<vmem>>
      %dma_start3A_185 = arith.constant 0 : i32
      %dma_start3A_186 = arith.constant 0 : i32
      %dma_start3A_187 = tpu.memref_slice %arg10[%dma_start3A_185, %dma_start3A_186] : memref<10240x128xf32, #tpu.memory_space<vmem_shared>> -> memref<10240x128xf32, #tpu.memory_space<vmem_shared>>
      tpu.enqueue_indirect_dma source(%dma_start3A_181 : memref<80x128xf32, #tpu.memory_space<vmem>>) target(%dma_start3A_187 : memref<10240x128xf32, #tpu.memory_space<vmem_shared>>) offsets(%dma_start3A_184 : memref<80xi32, #tpu.memory_space<vmem>>) semaphore(%arg14 : memref<!tpu.dma_semaphore, #tpu.memory_space<semaphore_mem>>) {add = true}
      %dma_wait3A_188 = arith.constant 0 : i32
      %dma_wait3A_189 = arith.constant 0 : i32
      %dma_wait3A_190 = arith.constant 0 : i32
      %dma_wait3A_191 = tpu.memref_slice %arg8[%dma_wait3A_188, %dma_wait3A_189, %dma_wait3A_190] : memref<2x80x128xf32, #tpu.memory_space<vmem>> -> memref<1x80x128xf32, #tpu.memory_space<vmem>>
      %dma_wait3A_192 = tpu.memref_squeeze %dma_wait3A_191 : memref<1x80x128xf32, #tpu.memory_space<vmem>> -> memref<80x128xf32, #tpu.memory_space<vmem>>
      %dma_wait3A_193 = arith.constant 0 : i32
      %dma_wait3A_194 = tpu.memref_slice %arg7[%mul3A_119, %dma_wait3A_193] : memref<64x80xi32, #tpu.memory_space<vmem>> -> memref<1x80xi32, #tpu.memory_space<vmem>>
      %dma_wait3A_195 = tpu.memref_squeeze %dma_wait3A_194 : memref<1x80xi32, #tpu.memory_space<vmem>> -> memref<80xi32, #tpu.memory_space<vmem>>
      %dma_wait3A_196 = arith.constant 0 : i32
      %dma_wait3A_197 = arith.constant 0 : i32
      %dma_wait3A_198 = tpu.memref_slice %arg10[%dma_wait3A_196, %dma_wait3A_197] : memref<10240x128xf32, #tpu.memory_space<vmem_shared>> -> memref<10240x128xf32, #tpu.memory_space<vmem_shared>>
      tpu.wait_indirect_dma semaphore(%arg13 : memref<!tpu.dma_semaphore, #tpu.memory_space<semaphore_mem>>) src(%dma_wait3A_192 : memref<80x128xf32, #tpu.memory_space<vmem>>) dst(%dma_wait3A_198 : memref<10240x128xf32, #tpu.memory_space<vmem_shared>>)
      %dma_wait3A_199 = arith.constant 1 : i32
      %dma_wait3A_200 = arith.constant 0 : i32
      %dma_wait3A_201 = arith.constant 0 : i32
      %dma_wait3A_202 = tpu.memref_slice %arg8[%dma_wait3A_199, %dma_wait3A_200, %dma_wait3A_201] : memref<2x80x128xf32, #tpu.memory_space<vmem>> -> memref<1x80x128xf32, #tpu.memory_space<vmem>>
      %dma_wait3A_203 = tpu.memref_squeeze %dma_wait3A_202 : memref<1x80x128xf32, #tpu.memory_space<vmem>> -> memref<80x128xf32, #tpu.memory_space<vmem>>
      %dma_wait3A_204 = arith.constant 0 : i32
      %dma_wait3A_205 = tpu.memref_slice %arg7[%add3A_121, %dma_wait3A_204] : memref<64x80xi32, #tpu.memory_space<vmem>> -> memref<1x80xi32, #tpu.memory_space<vmem>>
      %dma_wait3A_206 = tpu.memref_squeeze %dma_wait3A_205 : memref<1x80xi32, #tpu.memory_space<vmem>> -> memref<80xi32, #tpu.memory_space<vmem>>
      %dma_wait3A_207 = arith.constant 0 : i32
      %dma_wait3A_208 = arith.constant 0 : i32
      %dma_wait3A_209 = tpu.memref_slice %arg10[%dma_wait3A_207, %dma_wait3A_208] : memref<10240x128xf32, #tpu.memory_space<vmem_shared>> -> memref<10240x128xf32, #tpu.memory_space<vmem_shared>>
      tpu.wait_indirect_dma semaphore(%arg14 : memref<!tpu.dma_semaphore, #tpu.memory_space<semaphore_mem>>) src(%dma_wait3A_203 : memref<80x128xf32, #tpu.memory_space<vmem>>) dst(%dma_wait3A_209 : memref<10240x128xf32, #tpu.memory_space<vmem_shared>>)
    }
    %scan3A_82 = arith.constant 28 : i32
    "tpu.region"() ({
      %run_scoped3A_117 = tpu.sem_alloc : memref<!tpu.dma_semaphore, #tpu.memory_space<semaphore_mem>>
      %dma_start3A_118 = arith.constant 0 : i32
      %dma_start3A_119 = arith.constant 0 : i32
      %dma_start3A_120 = tpu.memref_slice %arg6[%dma_start3A_118, %dma_start3A_119] : memref<64x80xi32, #tpu.memory_space<vmem>> -> memref<5x80xi32, #tpu.memory_space<vmem>>
      %dma_start3A_121 = arith.constant 120 : i32
      %dma_start3A_122 = arith.constant 0 : i32
      %dma_start3A_123 = tpu.memref_slice %arg3[%add3A, %dma_start3A_121, %dma_start3A_122] : memref<32x125x80xi32, #tpu.memory_space<hbm>> -> memref<1x5x80xi32, #tpu.memory_space<hbm>>
      %dma_start3A_124 = tpu.memref_squeeze %dma_start3A_123 : memref<1x5x80xi32, #tpu.memory_space<hbm>> -> memref<5x80xi32, #tpu.memory_space<hbm>>
      %dma_start3A_125 = arith.constant 0 : i32
      %dma_start3A_126 = arith.constant 0 : i32
      %dma_start3A_127 = tpu.memref_slice %arg6[%dma_start3A_125, %dma_start3A_126] : memref<64x80xi32, #tpu.memory_space<vmem>> -> memref<5x80xi32, #tpu.memory_space<vmem>>
      %dma_start3A_128 = arith.constant 120 : i32
      %dma_start3A_129 = arith.constant 0 : i32
      %dma_start3A_130 = tpu.memref_slice %arg3[%add3A, %dma_start3A_128, %dma_start3A_129] : memref<32x125x80xi32, #tpu.memory_space<hbm>> -> memref<1x5x80xi32, #tpu.memory_space<hbm>>
      %dma_start3A_131 = tpu.memref_squeeze %dma_start3A_130 : memref<1x5x80xi32, #tpu.memory_space<hbm>> -> memref<5x80xi32, #tpu.memory_space<hbm>>
      tpu.enqueue_dma source(%dma_start3A_131 : memref<5x80xi32, #tpu.memory_space<hbm>>) target(%dma_start3A_127 : memref<5x80xi32, #tpu.memory_space<vmem>>) target_semaphore(%run_scoped3A_117 : memref<!tpu.dma_semaphore, #tpu.memory_space<semaphore_mem>>)
      %dma_wait3A_132 = arith.constant 0 : i32
      %dma_wait3A_133 = arith.constant 0 : i32
      %dma_wait3A_134 = tpu.memref_slice %arg6[%dma_wait3A_132, %dma_wait3A_133] : memref<64x80xi32, #tpu.memory_space<vmem>> -> memref<5x80xi32, #tpu.memory_space<vmem>>
      %dma_wait3A_135 = arith.constant 120 : i32
      %dma_wait3A_136 = arith.constant 0 : i32
      %dma_wait3A_137 = tpu.memref_slice %arg3[%add3A, %dma_wait3A_135, %dma_wait3A_136] : memref<32x125x80xi32, #tpu.memory_space<hbm>> -> memref<1x5x80xi32, #tpu.memory_space<hbm>>
      %dma_wait3A_138 = tpu.memref_squeeze %dma_wait3A_137 : memref<1x5x80xi32, #tpu.memory_space<hbm>> -> memref<5x80xi32, #tpu.memory_space<hbm>>
      %dma_wait3A_139 = arith.constant 0 : i32
      %dma_wait3A_140 = arith.constant 0 : i32
      %dma_wait3A_141 = tpu.memref_slice %arg6[%dma_wait3A_139, %dma_wait3A_140] : memref<64x80xi32, #tpu.memory_space<vmem>> -> memref<5x80xi32, #tpu.memory_space<vmem>>
      %dma_wait3A_142 = arith.constant 120 : i32
      %dma_wait3A_143 = arith.constant 0 : i32
      %dma_wait3A_144 = tpu.memref_slice %arg3[%add3A, %dma_wait3A_142, %dma_wait3A_143] : memref<32x125x80xi32, #tpu.memory_space<hbm>> -> memref<1x5x80xi32, #tpu.memory_space<hbm>>
      %dma_wait3A_145 = tpu.memref_squeeze %dma_wait3A_144 : memref<1x5x80xi32, #tpu.memory_space<hbm>> -> memref<5x80xi32, #tpu.memory_space<hbm>>
      tpu.wait_dma2 semaphore(%run_scoped3A_117 : memref<!tpu.dma_semaphore, #tpu.memory_space<semaphore_mem>>) src(%dma_wait3A_145 : memref<5x80xi32, #tpu.memory_space<hbm>>) dst(%dma_wait3A_141 : memref<5x80xi32, #tpu.memory_space<vmem>>)
      tpu.yield
    }) : () -> ()
    "tpu.region"() ({
      %run_scoped3A_117 = tpu.sem_alloc : memref<!tpu.dma_semaphore, #tpu.memory_space<semaphore_mem>>
      %dma_start3A_118 = arith.constant 0 : i32
      %dma_start3A_119 = arith.constant 0 : i32
      %dma_start3A_120 = tpu.memref_slice %arg7[%dma_start3A_118, %dma_start3A_119] : memref<64x80xi32, #tpu.memory_space<vmem>> -> memref<5x80xi32, #tpu.memory_space<vmem>>
      %dma_start3A_121 = arith.constant 120 : i32
      %dma_start3A_122 = arith.constant 0 : i32
      %dma_start3A_123 = tpu.memref_slice %arg4[%add3A, %dma_start3A_121, %dma_start3A_122] : memref<32x125x80xi32, #tpu.memory_space<hbm>> -> memref<1x5x80xi32, #tpu.memory_space<hbm>>
      %dma_start3A_124 = tpu.memref_squeeze %dma_start3A_123 : memref<1x5x80xi32, #tpu.memory_space<hbm>> -> memref<5x80xi32, #tpu.memory_space<hbm>>
      %dma_start3A_125 = arith.constant 0 : i32
      %dma_start3A_126 = arith.constant 0 : i32
      %dma_start3A_127 = tpu.memref_slice %arg7[%dma_start3A_125, %dma_start3A_126] : memref<64x80xi32, #tpu.memory_space<vmem>> -> memref<5x80xi32, #tpu.memory_space<vmem>>
      %dma_start3A_128 = arith.constant 120 : i32
      %dma_start3A_129 = arith.constant 0 : i32
      %dma_start3A_130 = tpu.memref_slice %arg4[%add3A, %dma_start3A_128, %dma_start3A_129] : memref<32x125x80xi32, #tpu.memory_space<hbm>> -> memref<1x5x80xi32, #tpu.memory_space<hbm>>
      %dma_start3A_131 = tpu.memref_squeeze %dma_start3A_130 : memref<1x5x80xi32, #tpu.memory_space<hbm>> -> memref<5x80xi32, #tpu.memory_space<hbm>>
      tpu.enqueue_dma source(%dma_start3A_131 : memref<5x80xi32, #tpu.memory_space<hbm>>) target(%dma_start3A_127 : memref<5x80xi32, #tpu.memory_space<vmem>>) target_semaphore(%run_scoped3A_117 : memref<!tpu.dma_semaphore, #tpu.memory_space<semaphore_mem>>)
      %dma_wait3A_132 = arith.constant 0 : i32
      %dma_wait3A_133 = arith.constant 0 : i32
      %dma_wait3A_134 = tpu.memref_slice %arg7[%dma_wait3A_132, %dma_wait3A_133] : memref<64x80xi32, #tpu.memory_space<vmem>> -> memref<5x80xi32, #tpu.memory_space<vmem>>
      %dma_wait3A_135 = arith.constant 120 : i32
      %dma_wait3A_136 = arith.constant 0 : i32
      %dma_wait3A_137 = tpu.memref_slice %arg4[%add3A, %dma_wait3A_135, %dma_wait3A_136] : memref<32x125x80xi32, #tpu.memory_space<hbm>> -> memref<1x5x80xi32, #tpu.memory_space<hbm>>
      %dma_wait3A_138 = tpu.memref_squeeze %dma_wait3A_137 : memref<1x5x80xi32, #tpu.memory_space<hbm>> -> memref<5x80xi32, #tpu.memory_space<hbm>>
      %dma_wait3A_139 = arith.constant 0 : i32
      %dma_wait3A_140 = arith.constant 0 : i32
      %dma_wait3A_141 = tpu.memref_slice %arg7[%dma_wait3A_139, %dma_wait3A_140] : memref<64x80xi32, #tpu.memory_space<vmem>> -> memref<5x80xi32, #tpu.memory_space<vmem>>
      %dma_wait3A_142 = arith.constant 120 : i32
      %dma_wait3A_143 = arith.constant 0 : i32
      %dma_wait3A_144 = tpu.memref_slice %arg4[%add3A, %dma_wait3A_142, %dma_wait3A_143] : memref<32x125x80xi32, #tpu.memory_space<hbm>> -> memref<1x5x80xi32, #tpu.memory_space<hbm>>
      %dma_wait3A_145 = tpu.memref_squeeze %dma_wait3A_144 : memref<1x5x80xi32, #tpu.memory_space<hbm>> -> memref<5x80xi32, #tpu.memory_space<hbm>>
      tpu.wait_dma2 semaphore(%run_scoped3A_117 : memref<!tpu.dma_semaphore, #tpu.memory_space<semaphore_mem>>) src(%dma_wait3A_145 : memref<5x80xi32, #tpu.memory_space<hbm>>) dst(%dma_wait3A_141 : memref<5x80xi32, #tpu.memory_space<vmem>>)
      tpu.yield
    }) : () -> ()
    %scan3A_83 = arith.constant 0 : i32
    %scan3A_84 = arith.constant 0 : i32
    %scan3A_85 = arith.constant 2 : i32
    %scan3A_86 = arith.addi %scan3A_84, %scan3A_85 : i32
    %scan3A_87 = arith.constant 1 : i32
    scf.for %scan3A_117 = %scan3A_84 to %scan3A_86 step %scan3A_87  : i32 {
      %mul3A_118 = arith.constant 2 : i32
      %mul3A_119 = arith.muli %scan3A_117, %mul3A_118 : i32
      %add3A_120 = arith.constant 1 : i32
      %add3A_121 = arith.addi %mul3A_119, %add3A_120 : i32
      %dma_start3A_122 = arith.constant 0 : i32
      %dma_start3A_123 = arith.constant 0 : i32
      %dma_start3A_124 = arith.constant 0 : i32
      %dma_start3A_125 = tpu.memref_slice %arg8[%dma_start3A_122, %dma_start3A_123, %dma_start3A_124] : memref<2x80x128xf32, #tpu.memory_space<vmem>> -> memref<1x80x128xf32, #tpu.memory_space<vmem>>
      %dma_start3A_126 = tpu.memref_squeeze %dma_start3A_125 : memref<1x80x128xf32, #tpu.memory_space<vmem>> -> memref<80x128xf32, #tpu.memory_space<vmem>>
      %dma_start3A_127 = arith.constant 0 : i32
      %dma_start3A_128 = tpu.memref_slice %arg6[%mul3A_119, %dma_start3A_127] : memref<64x80xi32, #tpu.memory_space<vmem>> -> memref<1x80xi32, #tpu.memory_space<vmem>>
      %dma_start3A_129 = tpu.memref_squeeze %dma_start3A_128 : memref<1x80xi32, #tpu.memory_space<vmem>> -> memref<80xi32, #tpu.memory_space<vmem>>
      %dma_start3A_130 = arith.constant 0 : i32
      %dma_start3A_131 = arith.constant 0 : i32
      %dma_start3A_132 = tpu.memref_slice %arg2[%dma_start3A_130, %dma_start3A_131] : memref<10000x128xf32, #tpu.memory_space<hbm>> -> memref<10000x128xf32, #tpu.memory_space<hbm>>
      tpu.enqueue_indirect_dma source(%dma_start3A_132 : memref<10000x128xf32, #tpu.memory_space<hbm>>) target(%dma_start3A_126 : memref<80x128xf32, #tpu.memory_space<vmem>>) offsets(%dma_start3A_129 : memref<80xi32, #tpu.memory_space<vmem>>) semaphore(%arg11 : memref<!tpu.dma_semaphore, #tpu.memory_space<semaphore_mem>>)
      %dma_start3A_133 = arith.constant 1 : i32
      %dma_start3A_134 = arith.constant 0 : i32
      %dma_start3A_135 = arith.constant 0 : i32
      %dma_start3A_136 = tpu.memref_slice %arg8[%dma_start3A_133, %dma_start3A_134, %dma_start3A_135] : memref<2x80x128xf32, #tpu.memory_space<vmem>> -> memref<1x80x128xf32, #tpu.memory_space<vmem>>
      %dma_start3A_137 = tpu.memref_squeeze %dma_start3A_136 : memref<1x80x128xf32, #tpu.memory_space<vmem>> -> memref<80x128xf32, #tpu.memory_space<vmem>>
      %dma_start3A_138 = arith.constant 0 : i32
      %dma_start3A_139 = tpu.memref_slice %arg6[%add3A_121, %dma_start3A_138] : memref<64x80xi32, #tpu.memory_space<vmem>> -> memref<1x80xi32, #tpu.memory_space<vmem>>
      %dma_start3A_140 = tpu.memref_squeeze %dma_start3A_139 : memref<1x80xi32, #tpu.memory_space<vmem>> -> memref<80xi32, #tpu.memory_space<vmem>>
      %dma_start3A_141 = arith.constant 0 : i32
      %dma_start3A_142 = arith.constant 0 : i32
      %dma_start3A_143 = tpu.memref_slice %arg2[%dma_start3A_141, %dma_start3A_142] : memref<10000x128xf32, #tpu.memory_space<hbm>> -> memref<10000x128xf32, #tpu.memory_space<hbm>>
      tpu.enqueue_indirect_dma source(%dma_start3A_143 : memref<10000x128xf32, #tpu.memory_space<hbm>>) target(%dma_start3A_137 : memref<80x128xf32, #tpu.memory_space<vmem>>) offsets(%dma_start3A_140 : memref<80xi32, #tpu.memory_space<vmem>>) semaphore(%arg12 : memref<!tpu.dma_semaphore, #tpu.memory_space<semaphore_mem>>)
      %dma_wait3A_144 = arith.constant 0 : i32
      %dma_wait3A_145 = arith.constant 0 : i32
      %dma_wait3A_146 = arith.constant 0 : i32
      %dma_wait3A_147 = tpu.memref_slice %arg8[%dma_wait3A_144, %dma_wait3A_145, %dma_wait3A_146] : memref<2x80x128xf32, #tpu.memory_space<vmem>> -> memref<1x80x128xf32, #tpu.memory_space<vmem>>
      %dma_wait3A_148 = tpu.memref_squeeze %dma_wait3A_147 : memref<1x80x128xf32, #tpu.memory_space<vmem>> -> memref<80x128xf32, #tpu.memory_space<vmem>>
      %dma_wait3A_149 = arith.constant 0 : i32
      %dma_wait3A_150 = tpu.memref_slice %arg6[%mul3A_119, %dma_wait3A_149] : memref<64x80xi32, #tpu.memory_space<vmem>> -> memref<1x80xi32, #tpu.memory_space<vmem>>
      %dma_wait3A_151 = tpu.memref_squeeze %dma_wait3A_150 : memref<1x80xi32, #tpu.memory_space<vmem>> -> memref<80xi32, #tpu.memory_space<vmem>>
      %dma_wait3A_152 = arith.constant 0 : i32
      %dma_wait3A_153 = arith.constant 0 : i32
      %dma_wait3A_154 = tpu.memref_slice %arg2[%dma_wait3A_152, %dma_wait3A_153] : memref<10000x128xf32, #tpu.memory_space<hbm>> -> memref<10000x128xf32, #tpu.memory_space<hbm>>
      tpu.wait_indirect_dma semaphore(%arg11 : memref<!tpu.dma_semaphore, #tpu.memory_space<semaphore_mem>>) src(%dma_wait3A_154 : memref<10000x128xf32, #tpu.memory_space<hbm>>) dst(%dma_wait3A_148 : memref<80x128xf32, #tpu.memory_space<vmem>>)
      %dma_start3A_155 = arith.constant 0 : i32
      %dma_start3A_156 = arith.constant 0 : i32
      %dma_start3A_157 = arith.constant 0 : i32
      %dma_start3A_158 = tpu.memref_slice %arg8[%dma_start3A_155, %dma_start3A_156, %dma_start3A_157] : memref<2x80x128xf32, #tpu.memory_space<vmem>> -> memref<1x80x128xf32, #tpu.memory_space<vmem>>
      %dma_start3A_159 = tpu.memref_squeeze %dma_start3A_158 : memref<1x80x128xf32, #tpu.memory_space<vmem>> -> memref<80x128xf32, #tpu.memory_space<vmem>>
      %dma_start3A_160 = arith.constant 0 : i32
      %dma_start3A_161 = tpu.memref_slice %arg7[%mul3A_119, %dma_start3A_160] : memref<64x80xi32, #tpu.memory_space<vmem>> -> memref<1x80xi32, #tpu.memory_space<vmem>>
      %dma_start3A_162 = tpu.memref_squeeze %dma_start3A_161 : memref<1x80xi32, #tpu.memory_space<vmem>> -> memref<80xi32, #tpu.memory_space<vmem>>
      %dma_start3A_163 = arith.constant 0 : i32
      %dma_start3A_164 = arith.constant 0 : i32
      %dma_start3A_165 = tpu.memref_slice %arg10[%dma_start3A_163, %dma_start3A_164] : memref<10240x128xf32, #tpu.memory_space<vmem_shared>> -> memref<10240x128xf32, #tpu.memory_space<vmem_shared>>
      tpu.enqueue_indirect_dma source(%dma_start3A_159 : memref<80x128xf32, #tpu.memory_space<vmem>>) target(%dma_start3A_165 : memref<10240x128xf32, #tpu.memory_space<vmem_shared>>) offsets(%dma_start3A_162 : memref<80xi32, #tpu.memory_space<vmem>>) semaphore(%arg13 : memref<!tpu.dma_semaphore, #tpu.memory_space<semaphore_mem>>) {add = true}
      %dma_wait3A_166 = arith.constant 1 : i32
      %dma_wait3A_167 = arith.constant 0 : i32
      %dma_wait3A_168 = arith.constant 0 : i32
      %dma_wait3A_169 = tpu.memref_slice %arg8[%dma_wait3A_166, %dma_wait3A_167, %dma_wait3A_168] : memref<2x80x128xf32, #tpu.memory_space<vmem>> -> memref<1x80x128xf32, #tpu.memory_space<vmem>>
      %dma_wait3A_170 = tpu.memref_squeeze %dma_wait3A_169 : memref<1x80x128xf32, #tpu.memory_space<vmem>> -> memref<80x128xf32, #tpu.memory_space<vmem>>
      %dma_wait3A_171 = arith.constant 0 : i32
      %dma_wait3A_172 = tpu.memref_slice %arg6[%add3A_121, %dma_wait3A_171] : memref<64x80xi32, #tpu.memory_space<vmem>> -> memref<1x80xi32, #tpu.memory_space<vmem>>
      %dma_wait3A_173 = tpu.memref_squeeze %dma_wait3A_172 : memref<1x80xi32, #tpu.memory_space<vmem>> -> memref<80xi32, #tpu.memory_space<vmem>>
      %dma_wait3A_174 = arith.constant 0 : i32
      %dma_wait3A_175 = arith.constant 0 : i32
      %dma_wait3A_176 = tpu.memref_slice %arg2[%dma_wait3A_174, %dma_wait3A_175] : memref<10000x128xf32, #tpu.memory_space<hbm>> -> memref<10000x128xf32, #tpu.memory_space<hbm>>
      tpu.wait_indirect_dma semaphore(%arg12 : memref<!tpu.dma_semaphore, #tpu.memory_space<semaphore_mem>>) src(%dma_wait3A_176 : memref<10000x128xf32, #tpu.memory_space<hbm>>) dst(%dma_wait3A_170 : memref<80x128xf32, #tpu.memory_space<vmem>>)
      %dma_start3A_177 = arith.constant 1 : i32
      %dma_start3A_178 = arith.constant 0 : i32
      %dma_start3A_179 = arith.constant 0 : i32
      %dma_start3A_180 = tpu.memref_slice %arg8[%dma_start3A_177, %dma_start3A_178, %dma_start3A_179] : memref<2x80x128xf32, #tpu.memory_space<vmem>> -> memref<1x80x128xf32, #tpu.memory_space<vmem>>
      %dma_start3A_181 = tpu.memref_squeeze %dma_start3A_180 : memref<1x80x128xf32, #tpu.memory_space<vmem>> -> memref<80x128xf32, #tpu.memory_space<vmem>>
      %dma_start3A_182 = arith.constant 0 : i32
      %dma_start3A_183 = tpu.memref_slice %arg7[%add3A_121, %dma_start3A_182] : memref<64x80xi32, #tpu.memory_space<vmem>> -> memref<1x80xi32, #tpu.memory_space<vmem>>
      %dma_start3A_184 = tpu.memref_squeeze %dma_start3A_183 : memref<1x80xi32, #tpu.memory_space<vmem>> -> memref<80xi32, #tpu.memory_space<vmem>>
      %dma_start3A_185 = arith.constant 0 : i32
      %dma_start3A_186 = arith.constant 0 : i32
      %dma_start3A_187 = tpu.memref_slice %arg10[%dma_start3A_185, %dma_start3A_186] : memref<10240x128xf32, #tpu.memory_space<vmem_shared>> -> memref<10240x128xf32, #tpu.memory_space<vmem_shared>>
      tpu.enqueue_indirect_dma source(%dma_start3A_181 : memref<80x128xf32, #tpu.memory_space<vmem>>) target(%dma_start3A_187 : memref<10240x128xf32, #tpu.memory_space<vmem_shared>>) offsets(%dma_start3A_184 : memref<80xi32, #tpu.memory_space<vmem>>) semaphore(%arg14 : memref<!tpu.dma_semaphore, #tpu.memory_space<semaphore_mem>>) {add = true}
      %dma_wait3A_188 = arith.constant 0 : i32
      %dma_wait3A_189 = arith.constant 0 : i32
      %dma_wait3A_190 = arith.constant 0 : i32
      %dma_wait3A_191 = tpu.memref_slice %arg8[%dma_wait3A_188, %dma_wait3A_189, %dma_wait3A_190] : memref<2x80x128xf32, #tpu.memory_space<vmem>> -> memref<1x80x128xf32, #tpu.memory_space<vmem>>
      %dma_wait3A_192 = tpu.memref_squeeze %dma_wait3A_191 : memref<1x80x128xf32, #tpu.memory_space<vmem>> -> memref<80x128xf32, #tpu.memory_space<vmem>>
      %dma_wait3A_193 = arith.constant 0 : i32
      %dma_wait3A_194 = tpu.memref_slice %arg7[%mul3A_119, %dma_wait3A_193] : memref<64x80xi32, #tpu.memory_space<vmem>> -> memref<1x80xi32, #tpu.memory_space<vmem>>
      %dma_wait3A_195 = tpu.memref_squeeze %dma_wait3A_194 : memref<1x80xi32, #tpu.memory_space<vmem>> -> memref<80xi32, #tpu.memory_space<vmem>>
      %dma_wait3A_196 = arith.constant 0 : i32
      %dma_wait3A_197 = arith.constant 0 : i32
      %dma_wait3A_198 = tpu.memref_slice %arg10[%dma_wait3A_196, %dma_wait3A_197] : memref<10240x128xf32, #tpu.memory_space<vmem_shared>> -> memref<10240x128xf32, #tpu.memory_space<vmem_shared>>
      tpu.wait_indirect_dma semaphore(%arg13 : memref<!tpu.dma_semaphore, #tpu.memory_space<semaphore_mem>>) src(%dma_wait3A_192 : memref<80x128xf32, #tpu.memory_space<vmem>>) dst(%dma_wait3A_198 : memref<10240x128xf32, #tpu.memory_space<vmem_shared>>)
      %dma_wait3A_199 = arith.constant 1 : i32
      %dma_wait3A_200 = arith.constant 0 : i32
      %dma_wait3A_201 = arith.constant 0 : i32
      %dma_wait3A_202 = tpu.memref_slice %arg8[%dma_wait3A_199, %dma_wait3A_200, %dma_wait3A_201] : memref<2x80x128xf32, #tpu.memory_space<vmem>> -> memref<1x80x128xf32, #tpu.memory_space<vmem>>
      %dma_wait3A_203 = tpu.memref_squeeze %dma_wait3A_202 : memref<1x80x128xf32, #tpu.memory_space<vmem>> -> memref<80x128xf32, #tpu.memory_space<vmem>>
      %dma_wait3A_204 = arith.constant 0 : i32
      %dma_wait3A_205 = tpu.memref_slice %arg7[%add3A_121, %dma_wait3A_204] : memref<64x80xi32, #tpu.memory_space<vmem>> -> memref<1x80xi32, #tpu.memory_space<vmem>>
      %dma_wait3A_206 = tpu.memref_squeeze %dma_wait3A_205 : memref<1x80xi32, #tpu.memory_space<vmem>> -> memref<80xi32, #tpu.memory_space<vmem>>
      %dma_wait3A_207 = arith.constant 0 : i32
      %dma_wait3A_208 = arith.constant 0 : i32
      %dma_wait3A_209 = tpu.memref_slice %arg10[%dma_wait3A_207, %dma_wait3A_208] : memref<10240x128xf32, #tpu.memory_space<vmem_shared>> -> memref<10240x128xf32, #tpu.memory_space<vmem_shared>>
      tpu.wait_indirect_dma semaphore(%arg14 : memref<!tpu.dma_semaphore, #tpu.memory_space<semaphore_mem>>) src(%dma_wait3A_203 : memref<80x128xf32, #tpu.memory_space<vmem>>) dst(%dma_wait3A_209 : memref<10240x128xf32, #tpu.memory_space<vmem_shared>>)
    }
    %scan3A_88 = arith.constant 2 : i32
    %dma_start3A = arith.constant 4 : i32
    %dma_start3A_89 = arith.constant 0 : i32
    %dma_start3A_90 = arith.constant 0 : i32
    %dma_start3A_91 = arith.constant 0 : i32
    %dma_start3A_92 = tpu.memref_slice %arg8[%dma_start3A_89, %dma_start3A_90, %dma_start3A_91] : memref<2x80x128xf32, #tpu.memory_space<vmem>> -> memref<1x80x128xf32, #tpu.memory_space<vmem>>
    %dma_start3A_93 = tpu.memref_squeeze %dma_start3A_92 : memref<1x80x128xf32, #tpu.memory_space<vmem>> -> memref<80x128xf32, #tpu.memory_space<vmem>>
    %dma_start3A_94 = arith.constant 0 : i32
    %dma_start3A_95 = tpu.memref_slice %arg6[%dma_start3A, %dma_start3A_94] : memref<64x80xi32, #tpu.memory_space<vmem>> -> memref<1x80xi32, #tpu.memory_space<vmem>>
    %dma_start3A_96 = tpu.memref_squeeze %dma_start3A_95 : memref<1x80xi32, #tpu.memory_space<vmem>> -> memref<80xi32, #tpu.memory_space<vmem>>
    %dma_start3A_97 = arith.constant 0 : i32
    %dma_start3A_98 = arith.constant 0 : i32
    %dma_start3A_99 = tpu.memref_slice %arg2[%dma_start3A_97, %dma_start3A_98] : memref<10000x128xf32, #tpu.memory_space<hbm>> -> memref<10000x128xf32, #tpu.memory_space<hbm>>
    tpu.enqueue_indirect_dma source(%dma_start3A_99 : memref<10000x128xf32, #tpu.memory_space<hbm>>) target(%dma_start3A_93 : memref<80x128xf32, #tpu.memory_space<vmem>>) offsets(%dma_start3A_96 : memref<80xi32, #tpu.memory_space<vmem>>) semaphore(%arg11 : memref<!tpu.dma_semaphore, #tpu.memory_space<semaphore_mem>>)
    %dma_wait3A = arith.constant 4 : i32
    %dma_wait3A_100 = arith.constant 0 : i32
    %dma_wait3A_101 = arith.constant 0 : i32
    %dma_wait3A_102 = arith.constant 0 : i32
    %dma_wait3A_103 = tpu.memref_slice %arg8[%dma_wait3A_100, %dma_wait3A_101, %dma_wait3A_102] : memref<2x80x128xf32, #tpu.memory_space<vmem>> -> memref<1x80x128xf32, #tpu.memory_space<vmem>>
    %dma_wait3A_104 = tpu.memref_squeeze %dma_wait3A_103 : memref<1x80x128xf32, #tpu.memory_space<vmem>> -> memref<80x128xf32, #tpu.memory_space<vmem>>
    %dma_wait3A_105 = arith.constant 0 : i32
    %dma_wait3A_106 = tpu.memref_slice %arg6[%dma_wait3A, %dma_wait3A_105] : memref<64x80xi32, #tpu.memory_space<vmem>> -> memref<1x80xi32, #tpu.memory_space<vmem>>
    %dma_wait3A_107 = tpu.memref_squeeze %dma_wait3A_106 : memref<1x80xi32, #tpu.memory_space<vmem>> -> memref<80xi32, #tpu.memory_space<vmem>>
    %dma_wait3A_108 = arith.constant 0 : i32
    %dma_wait3A_109 = arith.constant 0 : i32
    %dma_wait3A_110 = tpu.memref_slice %arg2[%dma_wait3A_108, %dma_wait3A_109] : memref<10000x128xf32, #tpu.memory_space<hbm>> -> memref<10000x128xf32, #tpu.memory_space<hbm>>
    tpu.wait_indirect_dma semaphore(%arg11 : memref<!tpu.dma_semaphore, #tpu.memory_space<semaphore_mem>>) src(%dma_wait3A_110 : memref<10000x128xf32, #tpu.memory_space<hbm>>) dst(%dma_wait3A_104 : memref<80x128xf32, #tpu.memory_space<vmem>>)
    %run_scoped3A = arith.constant 0 : i32
    %run_scoped3A_111 = arith.constant 4 : i32
    "tpu.region"() ({
      %run_scoped3A_117 = tpu.sem_alloc : memref<!tpu.dma_semaphore, #tpu.memory_space<semaphore_mem>>
      %dma_start3A_118 = arith.constant 0 : i32
      %dma_start3A_119 = arith.constant 0 : i32
      %dma_start3A_120 = tpu.memref_slice %arg8[%run_scoped3A, %dma_start3A_118, %dma_start3A_119] : memref<2x80x128xf32, #tpu.memory_space<vmem>> -> memref<1x80x128xf32, #tpu.memory_space<vmem>>
      %dma_start3A_121 = tpu.memref_squeeze %dma_start3A_120 : memref<1x80x128xf32, #tpu.memory_space<vmem>> -> memref<80x128xf32, #tpu.memory_space<vmem>>
      %dma_start3A_122 = arith.constant 0 : i32
      %dma_start3A_123 = tpu.memref_slice %arg7[%run_scoped3A_111, %dma_start3A_122] : memref<64x80xi32, #tpu.memory_space<vmem>> -> memref<1x80xi32, #tpu.memory_space<vmem>>
      %dma_start3A_124 = tpu.memref_squeeze %dma_start3A_123 : memref<1x80xi32, #tpu.memory_space<vmem>> -> memref<80xi32, #tpu.memory_space<vmem>>
      %dma_start3A_125 = arith.constant 0 : i32
      %dma_start3A_126 = arith.constant 0 : i32
      %dma_start3A_127 = tpu.memref_slice %arg10[%dma_start3A_125, %dma_start3A_126] : memref<10240x128xf32, #tpu.memory_space<vmem_shared>> -> memref<10240x128xf32, #tpu.memory_space<vmem_shared>>
      tpu.enqueue_indirect_dma source(%dma_start3A_121 : memref<80x128xf32, #tpu.memory_space<vmem>>) target(%dma_start3A_127 : memref<10240x128xf32, #tpu.memory_space<vmem_shared>>) offsets(%dma_start3A_124 : memref<80xi32, #tpu.memory_space<vmem>>) semaphore(%run_scoped3A_117 : memref<!tpu.dma_semaphore, #tpu.memory_space<semaphore_mem>>) {add = true}
      %dma_wait3A_128 = arith.constant 0 : i32
      %dma_wait3A_129 = arith.constant 0 : i32
      %dma_wait3A_130 = tpu.memref_slice %arg8[%run_scoped3A, %dma_wait3A_128, %dma_wait3A_129] : memref<2x80x128xf32, #tpu.memory_space<vmem>> -> memref<1x80x128xf32, #tpu.memory_space<vmem>>
      %dma_wait3A_131 = tpu.memref_squeeze %dma_wait3A_130 : memref<1x80x128xf32, #tpu.memory_space<vmem>> -> memref<80x128xf32, #tpu.memory_space<vmem>>
      %dma_wait3A_132 = arith.constant 0 : i32
      %dma_wait3A_133 = tpu.memref_slice %arg7[%run_scoped3A_111, %dma_wait3A_132] : memref<64x80xi32, #tpu.memory_space<vmem>> -> memref<1x80xi32, #tpu.memory_space<vmem>>
      %dma_wait3A_134 = tpu.memref_squeeze %dma_wait3A_133 : memref<1x80xi32, #tpu.memory_space<vmem>> -> memref<80xi32, #tpu.memory_space<vmem>>
      %dma_wait3A_135 = arith.constant 0 : i32
      %dma_wait3A_136 = arith.constant 0 : i32
      %dma_wait3A_137 = tpu.memref_slice %arg10[%dma_wait3A_135, %dma_wait3A_136] : memref<10240x128xf32, #tpu.memory_space<vmem_shared>> -> memref<10240x128xf32, #tpu.memory_space<vmem_shared>>
      tpu.wait_indirect_dma semaphore(%run_scoped3A_117 : memref<!tpu.dma_semaphore, #tpu.memory_space<semaphore_mem>>) src(%dma_wait3A_131 : memref<80x128xf32, #tpu.memory_space<vmem>>) dst(%dma_wait3A_137 : memref<10240x128xf32, #tpu.memory_space<vmem_shared>>)
      tpu.yield
    }) : () -> ()
    %barrier3A_112 = arith.constant 0 : index
    tpu.barrier barrier_id(%barrier3A_112)
    %mul3A_113 = arith.constant 640 : i32
    %mul3A_114 = arith.muli %arg1, %mul3A_113 : i32
    %mul3A_115 = arith.constant 640 : i32
    %mul3A_116 = arith.muli %arg1, %mul3A_115 : i32
    "tpu.region"() ({
      %run_scoped3A_117 = tpu.sem_alloc : memref<!tpu.dma_semaphore, #tpu.memory_space<semaphore_mem>>
      %dma_start3A_118 = arith.constant 0 : i32
      %dma_start3A_119 = tpu.memref_slice %arg5[%arg0, %mul3A_116, %dma_start3A_118] : memref<2x10240x128xf32, #tpu.memory_space<hbm>> -> memref<1x640x128xf32, #tpu.memory_space<hbm>>
      %dma_start3A_120 = tpu.memref_squeeze %dma_start3A_119 : memref<1x640x128xf32, #tpu.memory_space<hbm>> -> memref<640x128xf32, #tpu.memory_space<hbm>>
      %dma_start3A_121 = arith.constant 0 : i32
      %dma_start3A_122 = tpu.memref_slice %arg10[%mul3A_114, %dma_start3A_121] : memref<10240x128xf32, #tpu.memory_space<vmem_shared>> -> memref<640x128xf32, #tpu.memory_space<vmem_shared>>
      tpu.enqueue_dma source(%dma_start3A_122 : memref<640x128xf32, #tpu.memory_space<vmem_shared>>) target(%dma_start3A_120 : memref<640x128xf32, #tpu.memory_space<hbm>>) target_semaphore(%run_scoped3A_117 : memref<!tpu.dma_semaphore, #tpu.memory_space<semaphore_mem>>)
      %dma_wait3A_123 = arith.constant 0 : i32
      %dma_wait3A_124 = tpu.memref_slice %arg5[%arg0, %mul3A_116, %dma_wait3A_123] : memref<2x10240x128xf32, #tpu.memory_space<hbm>> -> memref<1x640x128xf32, #tpu.memory_space<hbm>>
      %dma_wait3A_125 = tpu.memref_squeeze %dma_wait3A_124 : memref<1x640x128xf32, #tpu.memory_space<hbm>> -> memref<640x128xf32, #tpu.memory_space<hbm>>
      %dma_wait3A_126 = arith.constant 0 : i32
      %dma_wait3A_127 = tpu.memref_slice %arg10[%mul3A_114, %dma_wait3A_126] : memref<10240x128xf32, #tpu.memory_space<vmem_shared>> -> memref<640x128xf32, #tpu.memory_space<vmem_shared>>
      tpu.wait_dma2 semaphore(%run_scoped3A_117 : memref<!tpu.dma_semaphore, #tpu.memory_space<semaphore_mem>>) src(%dma_wait3A_127 : memref<640x128xf32, #tpu.memory_space<vmem_shared>>) dst(%dma_wait3A_125 : memref<640x128xf32, #tpu.memory_space<hbm>>)
      tpu.yield
    }) : () -> ()
    return
  }
}

#map = affine_map<(d0, d1) -> (0, 0)>
#map1 = affine_map<(d0, d1) -> (0, 0, 0)>
module attributes {stable_mosaic.version = 14 : i64} {
  func.func @_agg_body(%arg0: i32, %arg1: i32, %arg2: memref<10000x128xf32, #tpu.memory_space<hbm>>, %arg3: memref<32x125x80xi32, #tpu.memory_space<hbm>>, %arg4: memref<32x125x80xi32, #tpu.memory_space<hbm>>, %arg5: memref<2x10240x128xf32, #tpu.memory_space<hbm>>, %arg6: memref<64x80xi32, #tpu.memory_space<vmem>>, %arg7: memref<64x80xi32, #tpu.memory_space<vmem>>, %arg8: memref<2x80x128xf32, #tpu.memory_space<vmem>>, %arg9: memref<40x128xf32, #tpu.memory_space<vmem>>, %arg10: memref<10240x128xf32, #tpu.memory_space<vmem_shared>>, %arg11: memref<!tpu.dma_semaphore, #tpu.memory_space<semaphore_mem>>, %arg12: memref<!tpu.dma_semaphore, #tpu.memory_space<semaphore_mem>>, %arg13: memref<!tpu.dma_semaphore, #tpu.memory_space<semaphore_mem>>, %arg14: memref<!tpu.dma_semaphore, #tpu.memory_space<semaphore_mem>>) attributes {dimension_semantics = [#tpu.dimension_semantics<core_parallel>, #tpu.dimension_semantics<subcore_parallel>], iteration_bounds = array<i64: 2, 16>, scalar_prefetch = 0 : i64, scratch_operands = 9 : i64, tpu.core_type = #tpu.core_type<sc_vector_subcore>, window_params = [{transform_indices = #map}, {transform_indices = #map1}, {transform_indices = #map1}, {transform_indices = #map1}]} {
    %mul3A = arith.constant 16 : i32
    %mul3A_0 = arith.muli %arg0, %mul3A : i32
    %add3A = arith.addi %mul3A_0, %arg1 : i32
    %broadcast_in_dim3A = arith.constant 0.000000e+00 : f32
    %broadcast_in_dim3A_1 = vector.broadcast %broadcast_in_dim3A : f32 to vector<16xf32>
    %scan3A = arith.constant 0 : i32
    %scan3A_2 = arith.constant 0 : i32
    %scan3A_3 = arith.constant 40 : i32
    %scan3A_4 = arith.addi %scan3A_2, %scan3A_3 : i32
    %scan3A_5 = arith.constant 1 : i32
    scf.for %scan3A_117 = %scan3A_2 to %scan3A_4 step %scan3A_5  : i32 {
      %swap3A = arith.index_cast %scan3A_117 : i32 to index
      %swap3A_118 = arith.constant 0 : index
      %swap3A_119 = tpu.vector_load %arg9[%swap3A, %swap3A_118] {strides = array<i32>} : memref<40x128xf32, #tpu.memory_space<vmem>>, vector<1x16xf32>,
      %swap3A_120 = vector.shape_cast %swap3A_119 : vector<1x16xf32> to vector<16xf32>
      %swap3A_121 = vector.shape_cast %broadcast_in_dim3A_1 : vector<16xf32> to vector<1x16xf32>
      tpu.vector_store %arg9[%swap3A, %swap3A_118], %swap3A_121 {strides = array<i32>} : memref<40x128xf32, #tpu.memory_space<vmem>>, vector<1x16xf32>,
      %swap3A_122 = arith.index_cast %scan3A_117 : i32 to index
      %swap3A_123 = arith.constant 16 : index
      %swap3A_124 = tpu.vector_load %arg9[%swap3A_122, %swap3A_123] {strides = array<i32>} : memref<40x128xf32, #tpu.memory_space<vmem>>, vector<1x16xf32>,
      %swap3A_125 = vector.shape_cast %swap3A_124 : vector<1x16xf32> to vector<16xf32>
      %swap3A_126 = vector.shape_cast %broadcast_in_dim3A_1 : vector<16xf32> to vector<1x16xf32>
      tpu.vector_store %arg9[%swap3A_122, %swap3A_123], %swap3A_126 {strides = array<i32>} : memref<40x128xf32, #tpu.memory_space<vmem>>, vector<1x16xf32>,
      %swap3A_127 = arith.index_cast %scan3A_117 : i32 to index
      %swap3A_128 = arith.constant 32 : index
      %swap3A_129 = tpu.vector_load %arg9[%swap3A_127, %swap3A_128] {strides = array<i32>} : memref<40x128xf32, #tpu.memory_space<vmem>>, vector<1x16xf32>,
      %swap3A_130 = vector.shape_cast %swap3A_129 : vector<1x16xf32> to vector<16xf32>
      %swap3A_131 = vector.shape_cast %broadcast_in_dim3A_1 : vector<16xf32> to vector<1x16xf32>
      tpu.vector_store %arg9[%swap3A_127, %swap3A_128], %swap3A_131 {strides = array<i32>} : memref<40x128xf32, #tpu.memory_space<vmem>>, vector<1x16xf32>,
      %swap3A_132 = arith.index_cast %scan3A_117 : i32 to index
      %swap3A_133 = arith.constant 48 : index
      %swap3A_134 = tpu.vector_load %arg9[%swap3A_132, %swap3A_133] {strides = array<i32>} : memref<40x128xf32, #tpu.memory_space<vmem>>, vector<1x16xf32>,
      %swap3A_135 = vector.shape_cast %swap3A_134 : vector<1x16xf32> to vector<16xf32>
      %swap3A_136 = vector.shape_cast %broadcast_in_dim3A_1 : vector<16xf32> to vector<1x16xf32>
      tpu.vector_store %arg9[%swap3A_132, %swap3A_133], %swap3A_136 {strides = array<i32>} : memref<40x128xf32, #tpu.memory_space<vmem>>, vector<1x16xf32>,
      %swap3A_137 = arith.index_cast %scan3A_117 : i32 to index
      %swap3A_138 = arith.constant 64 : index
      %swap3A_139 = tpu.vector_load %arg9[%swap3A_137, %swap3A_138] {strides = array<i32>} : memref<40x128xf32, #tpu.memory_space<vmem>>, vector<1x16xf32>,
      %swap3A_140 = vector.shape_cast %swap3A_139 : vector<1x16xf32> to vector<16xf32>
      %swap3A_141 = vector.shape_cast %broadcast_in_dim3A_1 : vector<16xf32> to vector<1x16xf32>
      tpu.vector_store %arg9[%swap3A_137, %swap3A_138], %swap3A_141 {strides = array<i32>} : memref<40x128xf32, #tpu.memory_space<vmem>>, vector<1x16xf32>,
      %swap3A_142 = arith.index_cast %scan3A_117 : i32 to index
      %swap3A_143 = arith.constant 80 : index
      %swap3A_144 = tpu.vector_load %arg9[%swap3A_142, %swap3A_143] {strides = array<i32>} : memref<40x128xf32, #tpu.memory_space<vmem>>, vector<1x16xf32>,
      %swap3A_145 = vector.shape_cast %swap3A_144 : vector<1x16xf32> to vector<16xf32>
      %swap3A_146 = vector.shape_cast %broadcast_in_dim3A_1 : vector<16xf32> to vector<1x16xf32>
      tpu.vector_store %arg9[%swap3A_142, %swap3A_143], %swap3A_146 {strides = array<i32>} : memref<40x128xf32, #tpu.memory_space<vmem>>, vector<1x16xf32>,
      %swap3A_147 = arith.index_cast %scan3A_117 : i32 to index
      %swap3A_148 = arith.constant 96 : index
      %swap3A_149 = tpu.vector_load %arg9[%swap3A_147, %swap3A_148] {strides = array<i32>} : memref<40x128xf32, #tpu.memory_space<vmem>>, vector<1x16xf32>,
      %swap3A_150 = vector.shape_cast %swap3A_149 : vector<1x16xf32> to vector<16xf32>
      %swap3A_151 = vector.shape_cast %broadcast_in_dim3A_1 : vector<16xf32> to vector<1x16xf32>
      tpu.vector_store %arg9[%swap3A_147, %swap3A_148], %swap3A_151 {strides = array<i32>} : memref<40x128xf32, #tpu.memory_space<vmem>>, vector<1x16xf32>,
      %swap3A_152 = arith.index_cast %scan3A_117 : i32 to index
      %swap3A_153 = arith.constant 112 : index
      %swap3A_154 = tpu.vector_load %arg9[%swap3A_152, %swap3A_153] {strides = array<i32>} : memref<40x128xf32, #tpu.memory_space<vmem>>, vector<1x16xf32>,
      %swap3A_155 = vector.shape_cast %swap3A_154 : vector<1x16xf32> to vector<16xf32>
      %swap3A_156 = vector.shape_cast %broadcast_in_dim3A_1 : vector<16xf32> to vector<1x16xf32>
      tpu.vector_store %arg9[%swap3A_152, %swap3A_153], %swap3A_156 {strides = array<i32>} : memref<40x128xf32, #tpu.memory_space<vmem>>, vector<1x16xf32>,
    }
    %scan3A_6 = arith.constant 40 : i32
    %mul3A_7 = arith.constant 640 : i32
    %mul3A_8 = arith.muli %arg1, %mul3A_7 : i32
    %add3A_9 = arith.constant 0 : i32
    %add3A_10 = arith.addi %mul3A_8, %add3A_9 : i32
    "tpu.region"() ({
      %run_scoped3A_117 = tpu.sem_alloc : memref<!tpu.dma_semaphore, #tpu.memory_space<semaphore_mem>>
      %dma_start3A_118 = arith.constant 0 : i32
      %dma_start3A_119 = tpu.memref_slice %arg10[%add3A_10, %dma_start3A_118] : memref<10240x128xf32, #tpu.memory_space<vmem_shared>> -> memref<40x128xf32, #tpu.memory_space<vmem_shared>>
      %dma_start3A_120 = arith.constant 0 : i32
      %dma_start3A_121 = tpu.memref_slice %arg10[%add3A_10, %dma_start3A_120] : memref<10240x128xf32, #tpu.memory_space<vmem_shared>> -> memref<40x128xf32, #tpu.memory_space<vmem_shared>>
      tpu.enqueue_dma source(%arg9 : memref<40x128xf32, #tpu.memory_space<vmem>>) target(%dma_start3A_121 : memref<40x128xf32, #tpu.memory_space<vmem_shared>>) target_semaphore(%run_scoped3A_117 : memref<!tpu.dma_semaphore, #tpu.memory_space<semaphore_mem>>)
      %dma_wait3A_122 = arith.constant 0 : i32
      %dma_wait3A_123 = tpu.memref_slice %arg10[%add3A_10, %dma_wait3A_122] : memref<10240x128xf32, #tpu.memory_space<vmem_shared>> -> memref<40x128xf32, #tpu.memory_space<vmem_shared>>
      %dma_wait3A_124 = arith.constant 0 : i32
      %dma_wait3A_125 = tpu.memref_slice %arg10[%add3A_10, %dma_wait3A_124] : memref<10240x128xf32, #tpu.memory_space<vmem_shared>> -> memref<40x128xf32, #tpu.memory_space<vmem_shared>>
      tpu.wait_dma2 semaphore(%run_scoped3A_117 : memref<!tpu.dma_semaphore, #tpu.memory_space<semaphore_mem>>) src(%arg9 : memref<40x128xf32, #tpu.memory_space<vmem>>) dst(%dma_wait3A_125 : memref<40x128xf32, #tpu.memory_space<vmem_shared>>)
      tpu.yield
    }) : () -> ()
    %mul3A_11 = arith.constant 640 : i32
    %mul3A_12 = arith.muli %arg1, %mul3A_11 : i32
    %add3A_13 = arith.constant 40 : i32
    %add3A_14 = arith.addi %mul3A_12, %add3A_13 : i32
    "tpu.region"() ({
      %run_scoped3A_117 = tpu.sem_alloc : memref<!tpu.dma_semaphore, #tpu.memory_space<semaphore_mem>>
      %dma_start3A_118 = arith.constant 0 : i32
      %dma_start3A_119 = tpu.memref_slice %arg10[%add3A_14, %dma_start3A_118] : memref<10240x128xf32, #tpu.memory_space<vmem_shared>> -> memref<40x128xf32, #tpu.memory_space<vmem_shared>>
      %dma_start3A_120 = arith.constant 0 : i32
      %dma_start3A_121 = tpu.memref_slice %arg10[%add3A_14, %dma_start3A_120] : memref<10240x128xf32, #tpu.memory_space<vmem_shared>> -> memref<40x128xf32, #tpu.memory_space<vmem_shared>>
      tpu.enqueue_dma source(%arg9 : memref<40x128xf32, #tpu.memory_space<vmem>>) target(%dma_start3A_121 : memref<40x128xf32, #tpu.memory_space<vmem_shared>>) target_semaphore(%run_scoped3A_117 : memref<!tpu.dma_semaphore, #tpu.memory_space<semaphore_mem>>)
      %dma_wait3A_122 = arith.constant 0 : i32
      %dma_wait3A_123 = tpu.memref_slice %arg10[%add3A_14, %dma_wait3A_122] : memref<10240x128xf32, #tpu.memory_space<vmem_shared>> -> memref<40x128xf32, #tpu.memory_space<vmem_shared>>
      %dma_wait3A_124 = arith.constant 0 : i32
      %dma_wait3A_125 = tpu.memref_slice %arg10[%add3A_14, %dma_wait3A_124] : memref<10240x128xf32, #tpu.memory_space<vmem_shared>> -> memref<40x128xf32, #tpu.memory_space<vmem_shared>>
      tpu.wait_dma2 semaphore(%run_scoped3A_117 : memref<!tpu.dma_semaphore, #tpu.memory_space<semaphore_mem>>) src(%arg9 : memref<40x128xf32, #tpu.memory_space<vmem>>) dst(%dma_wait3A_125 : memref<40x128xf32, #tpu.memory_space<vmem_shared>>)
      tpu.yield
    }) : () -> ()
    %mul3A_15 = arith.constant 640 : i32
    %mul3A_16 = arith.muli %arg1, %mul3A_15 : i32
    %add3A_17 = arith.constant 80 : i32
    %add3A_18 = arith.addi %mul3A_16, %add3A_17 : i32
    "tpu.region"() ({
      %run_scoped3A_117 = tpu.sem_alloc : memref<!tpu.dma_semaphore, #tpu.memory_space<semaphore_mem>>
      %dma_start3A_118 = arith.constant 0 : i32
      %dma_start3A_119 = tpu.memref_slice %arg10[%add3A_18, %dma_start3A_118] : memref<10240x128xf32, #tpu.memory_space<vmem_shared>> -> memref<40x128xf32, #tpu.memory_space<vmem_shared>>
      %dma_start3A_120 = arith.constant 0 : i32
      %dma_start3A_121 = tpu.memref_slice %arg10[%add3A_18, %dma_start3A_120] : memref<10240x128xf32, #tpu.memory_space<vmem_shared>> -> memref<40x128xf32, #tpu.memory_space<vmem_shared>>
      tpu.enqueue_dma source(%arg9 : memref<40x128xf32, #tpu.memory_space<vmem>>) target(%dma_start3A_121 : memref<40x128xf32, #tpu.memory_space<vmem_shared>>) target_semaphore(%run_scoped3A_117 : memref<!tpu.dma_semaphore, #tpu.memory_space<semaphore_mem>>)
      %dma_wait3A_122 = arith.constant 0 : i32
      %dma_wait3A_123 = tpu.memref_slice %arg10[%add3A_18, %dma_wait3A_122] : memref<10240x128xf32, #tpu.memory_space<vmem_shared>> -> memref<40x128xf32, #tpu.memory_space<vmem_shared>>
      %dma_wait3A_124 = arith.constant 0 : i32
      %dma_wait3A_125 = tpu.memref_slice %arg10[%add3A_18, %dma_wait3A_124] : memref<10240x128xf32, #tpu.memory_space<vmem_shared>> -> memref<40x128xf32, #tpu.memory_space<vmem_shared>>
      tpu.wait_dma2 semaphore(%run_scoped3A_117 : memref<!tpu.dma_semaphore, #tpu.memory_space<semaphore_mem>>) src(%arg9 : memref<40x128xf32, #tpu.memory_space<vmem>>) dst(%dma_wait3A_125 : memref<40x128xf32, #tpu.memory_space<vmem_shared>>)
      tpu.yield
    }) : () -> ()
    %mul3A_19 = arith.constant 640 : i32
    %mul3A_20 = arith.muli %arg1, %mul3A_19 : i32
    %add3A_21 = arith.constant 120 : i32
    %add3A_22 = arith.addi %mul3A_20, %add3A_21 : i32
    "tpu.region"() ({
      %run_scoped3A_117 = tpu.sem_alloc : memref<!tpu.dma_semaphore, #tpu.memory_space<semaphore_mem>>
      %dma_start3A_118 = arith.constant 0 : i32
      %dma_start3A_119 = tpu.memref_slice %arg10[%add3A_22, %dma_start3A_118] : memref<10240x128xf32, #tpu.memory_space<vmem_shared>> -> memref<40x128xf32, #tpu.memory_space<vmem_shared>>
      %dma_start3A_120 = arith.constant 0 : i32
      %dma_start3A_121 = tpu.memref_slice %arg10[%add3A_22, %dma_start3A_120] : memref<10240x128xf32, #tpu.memory_space<vmem_shared>> -> memref<40x128xf32, #tpu.memory_space<vmem_shared>>
      tpu.enqueue_dma source(%arg9 : memref<40x128xf32, #tpu.memory_space<vmem>>) target(%dma_start3A_121 : memref<40x128xf32, #tpu.memory_space<vmem_shared>>) target_semaphore(%run_scoped3A_117 : memref<!tpu.dma_semaphore, #tpu.memory_space<semaphore_mem>>)
      %dma_wait3A_122 = arith.constant 0 : i32
      %dma_wait3A_123 = tpu.memref_slice %arg10[%add3A_22, %dma_wait3A_122] : memref<10240x128xf32, #tpu.memory_space<vmem_shared>> -> memref<40x128xf32, #tpu.memory_space<vmem_shared>>
      %dma_wait3A_124 = arith.constant 0 : i32
      %dma_wait3A_125 = tpu.memref_slice %arg10[%add3A_22, %dma_wait3A_124] : memref<10240x128xf32, #tpu.memory_space<vmem_shared>> -> memref<40x128xf32, #tpu.memory_space<vmem_shared>>
      tpu.wait_dma2 semaphore(%run_scoped3A_117 : memref<!tpu.dma_semaphore, #tpu.memory_space<semaphore_mem>>) src(%arg9 : memref<40x128xf32, #tpu.memory_space<vmem>>) dst(%dma_wait3A_125 : memref<40x128xf32, #tpu.memory_space<vmem_shared>>)
      tpu.yield
    }) : () -> ()
    %mul3A_23 = arith.constant 640 : i32
    %mul3A_24 = arith.muli %arg1, %mul3A_23 : i32
    %add3A_25 = arith.constant 160 : i32
    %add3A_26 = arith.addi %mul3A_24, %add3A_25 : i32
    "tpu.region"() ({
      %run_scoped3A_117 = tpu.sem_alloc : memref<!tpu.dma_semaphore, #tpu.memory_space<semaphore_mem>>
      %dma_start3A_118 = arith.constant 0 : i32
      %dma_start3A_119 = tpu.memref_slice %arg10[%add3A_26, %dma_start3A_118] : memref<10240x128xf32, #tpu.memory_space<vmem_shared>> -> memref<40x128xf32, #tpu.memory_space<vmem_shared>>
      %dma_start3A_120 = arith.constant 0 : i32
      %dma_start3A_121 = tpu.memref_slice %arg10[%add3A_26, %dma_start3A_120] : memref<10240x128xf32, #tpu.memory_space<vmem_shared>> -> memref<40x128xf32, #tpu.memory_space<vmem_shared>>
      tpu.enqueue_dma source(%arg9 : memref<40x128xf32, #tpu.memory_space<vmem>>) target(%dma_start3A_121 : memref<40x128xf32, #tpu.memory_space<vmem_shared>>) target_semaphore(%run_scoped3A_117 : memref<!tpu.dma_semaphore, #tpu.memory_space<semaphore_mem>>)
      %dma_wait3A_122 = arith.constant 0 : i32
      %dma_wait3A_123 = tpu.memref_slice %arg10[%add3A_26, %dma_wait3A_122] : memref<10240x128xf32, #tpu.memory_space<vmem_shared>> -> memref<40x128xf32, #tpu.memory_space<vmem_shared>>
      %dma_wait3A_124 = arith.constant 0 : i32
      %dma_wait3A_125 = tpu.memref_slice %arg10[%add3A_26, %dma_wait3A_124] : memref<10240x128xf32, #tpu.memory_space<vmem_shared>> -> memref<40x128xf32, #tpu.memory_space<vmem_shared>>
      tpu.wait_dma2 semaphore(%run_scoped3A_117 : memref<!tpu.dma_semaphore, #tpu.memory_space<semaphore_mem>>) src(%arg9 : memref<40x128xf32, #tpu.memory_space<vmem>>) dst(%dma_wait3A_125 : memref<40x128xf32, #tpu.memory_space<vmem_shared>>)
      tpu.yield
    }) : () -> ()
    %mul3A_27 = arith.constant 640 : i32
    %mul3A_28 = arith.muli %arg1, %mul3A_27 : i32
    %add3A_29 = arith.constant 200 : i32
    %add3A_30 = arith.addi %mul3A_28, %add3A_29 : i32
    "tpu.region"() ({
      %run_scoped3A_117 = tpu.sem_alloc : memref<!tpu.dma_semaphore, #tpu.memory_space<semaphore_mem>>
      %dma_start3A_118 = arith.constant 0 : i32
      %dma_start3A_119 = tpu.memref_slice %arg10[%add3A_30, %dma_start3A_118] : memref<10240x128xf32, #tpu.memory_space<vmem_shared>> -> memref<40x128xf32, #tpu.memory_space<vmem_shared>>
      %dma_start3A_120 = arith.constant 0 : i32
      %dma_start3A_121 = tpu.memref_slice %arg10[%add3A_30, %dma_start3A_120] : memref<10240x128xf32, #tpu.memory_space<vmem_shared>> -> memref<40x128xf32, #tpu.memory_space<vmem_shared>>
      tpu.enqueue_dma source(%arg9 : memref<40x128xf32, #tpu.memory_space<vmem>>) target(%dma_start3A_121 : memref<40x128xf32, #tpu.memory_space<vmem_shared>>) target_semaphore(%run_scoped3A_117 : memref<!tpu.dma_semaphore, #tpu.memory_space<semaphore_mem>>)
      %dma_wait3A_122 = arith.constant 0 : i32
      %dma_wait3A_123 = tpu.memref_slice %arg10[%add3A_30, %dma_wait3A_122] : memref<10240x128xf32, #tpu.memory_space<vmem_shared>> -> memref<40x128xf32, #tpu.memory_space<vmem_shared>>
      %dma_wait3A_124 = arith.constant 0 : i32
      %dma_wait3A_125 = tpu.memref_slice %arg10[%add3A_30, %dma_wait3A_124] : memref<10240x128xf32, #tpu.memory_space<vmem_shared>> -> memref<40x128xf32, #tpu.memory_space<vmem_shared>>
      tpu.wait_dma2 semaphore(%run_scoped3A_117 : memref<!tpu.dma_semaphore, #tpu.memory_space<semaphore_mem>>) src(%arg9 : memref<40x128xf32, #tpu.memory_space<vmem>>) dst(%dma_wait3A_125 : memref<40x128xf32, #tpu.memory_space<vmem_shared>>)
      tpu.yield
    }) : () -> ()
    %mul3A_31 = arith.constant 640 : i32
    %mul3A_32 = arith.muli %arg1, %mul3A_31 : i32
    %add3A_33 = arith.constant 240 : i32
    %add3A_34 = arith.addi %mul3A_32, %add3A_33 : i32
    "tpu.region"() ({
      %run_scoped3A_117 = tpu.sem_alloc : memref<!tpu.dma_semaphore, #tpu.memory_space<semaphore_mem>>
      %dma_start3A_118 = arith.constant 0 : i32
      %dma_start3A_119 = tpu.memref_slice %arg10[%add3A_34, %dma_start3A_118] : memref<10240x128xf32, #tpu.memory_space<vmem_shared>> -> memref<40x128xf32, #tpu.memory_space<vmem_shared>>
      %dma_start3A_120 = arith.constant 0 : i32
      %dma_start3A_121 = tpu.memref_slice %arg10[%add3A_34, %dma_start3A_120] : memref<10240x128xf32, #tpu.memory_space<vmem_shared>> -> memref<40x128xf32, #tpu.memory_space<vmem_shared>>
      tpu.enqueue_dma source(%arg9 : memref<40x128xf32, #tpu.memory_space<vmem>>) target(%dma_start3A_121 : memref<40x128xf32, #tpu.memory_space<vmem_shared>>) target_semaphore(%run_scoped3A_117 : memref<!tpu.dma_semaphore, #tpu.memory_space<semaphore_mem>>)
      %dma_wait3A_122 = arith.constant 0 : i32
      %dma_wait3A_123 = tpu.memref_slice %arg10[%add3A_34, %dma_wait3A_122] : memref<10240x128xf32, #tpu.memory_space<vmem_shared>> -> memref<40x128xf32, #tpu.memory_space<vmem_shared>>
      %dma_wait3A_124 = arith.constant 0 : i32
      %dma_wait3A_125 = tpu.memref_slice %arg10[%add3A_34, %dma_wait3A_124] : memref<10240x128xf32, #tpu.memory_space<vmem_shared>> -> memref<40x128xf32, #tpu.memory_space<vmem_shared>>
      tpu.wait_dma2 semaphore(%run_scoped3A_117 : memref<!tpu.dma_semaphore, #tpu.memory_space<semaphore_mem>>) src(%arg9 : memref<40x128xf32, #tpu.memory_space<vmem>>) dst(%dma_wait3A_125 : memref<40x128xf32, #tpu.memory_space<vmem_shared>>)
      tpu.yield
    }) : () -> ()
    %mul3A_35 = arith.constant 640 : i32
    %mul3A_36 = arith.muli %arg1, %mul3A_35 : i32
    %add3A_37 = arith.constant 280 : i32
    %add3A_38 = arith.addi %mul3A_36, %add3A_37 : i32
    "tpu.region"() ({
      %run_scoped3A_117 = tpu.sem_alloc : memref<!tpu.dma_semaphore, #tpu.memory_space<semaphore_mem>>
      %dma_start3A_118 = arith.constant 0 : i32
      %dma_start3A_119 = tpu.memref_slice %arg10[%add3A_38, %dma_start3A_118] : memref<10240x128xf32, #tpu.memory_space<vmem_shared>> -> memref<40x128xf32, #tpu.memory_space<vmem_shared>>
      %dma_start3A_120 = arith.constant 0 : i32
      %dma_start3A_121 = tpu.memref_slice %arg10[%add3A_38, %dma_start3A_120] : memref<10240x128xf32, #tpu.memory_space<vmem_shared>> -> memref<40x128xf32, #tpu.memory_space<vmem_shared>>
      tpu.enqueue_dma source(%arg9 : memref<40x128xf32, #tpu.memory_space<vmem>>) target(%dma_start3A_121 : memref<40x128xf32, #tpu.memory_space<vmem_shared>>) target_semaphore(%run_scoped3A_117 : memref<!tpu.dma_semaphore, #tpu.memory_space<semaphore_mem>>)
      %dma_wait3A_122 = arith.constant 0 : i32
      %dma_wait3A_123 = tpu.memref_slice %arg10[%add3A_38, %dma_wait3A_122] : memref<10240x128xf32, #tpu.memory_space<vmem_shared>> -> memref<40x128xf32, #tpu.memory_space<vmem_shared>>
      %dma_wait3A_124 = arith.constant 0 : i32
      %dma_wait3A_125 = tpu.memref_slice %arg10[%add3A_38, %dma_wait3A_124] : memref<10240x128xf32, #tpu.memory_space<vmem_shared>> -> memref<40x128xf32, #tpu.memory_space<vmem_shared>>
      tpu.wait_dma2 semaphore(%run_scoped3A_117 : memref<!tpu.dma_semaphore, #tpu.memory_space<semaphore_mem>>) src(%arg9 : memref<40x128xf32, #tpu.memory_space<vmem>>) dst(%dma_wait3A_125 : memref<40x128xf32, #tpu.memory_space<vmem_shared>>)
      tpu.yield
    }) : () -> ()
    %mul3A_39 = arith.constant 640 : i32
    %mul3A_40 = arith.muli %arg1, %mul3A_39 : i32
    %add3A_41 = arith.constant 320 : i32
    %add3A_42 = arith.addi %mul3A_40, %add3A_41 : i32
    "tpu.region"() ({
      %run_scoped3A_117 = tpu.sem_alloc : memref<!tpu.dma_semaphore, #tpu.memory_space<semaphore_mem>>
      %dma_start3A_118 = arith.constant 0 : i32
      %dma_start3A_119 = tpu.memref_slice %arg10[%add3A_42, %dma_start3A_118] : memref<10240x128xf32, #tpu.memory_space<vmem_shared>> -> memref<40x128xf32, #tpu.memory_space<vmem_shared>>
      %dma_start3A_120 = arith.constant 0 : i32
      %dma_start3A_121 = tpu.memref_slice %arg10[%add3A_42, %dma_start3A_120] : memref<10240x128xf32, #tpu.memory_space<vmem_shared>> -> memref<40x128xf32, #tpu.memory_space<vmem_shared>>
      tpu.enqueue_dma source(%arg9 : memref<40x128xf32, #tpu.memory_space<vmem>>) target(%dma_start3A_121 : memref<40x128xf32, #tpu.memory_space<vmem_shared>>) target_semaphore(%run_scoped3A_117 : memref<!tpu.dma_semaphore, #tpu.memory_space<semaphore_mem>>)
      %dma_wait3A_122 = arith.constant 0 : i32
      %dma_wait3A_123 = tpu.memref_slice %arg10[%add3A_42, %dma_wait3A_122] : memref<10240x128xf32, #tpu.memory_space<vmem_shared>> -> memref<40x128xf32, #tpu.memory_space<vmem_shared>>
      %dma_wait3A_124 = arith.constant 0 : i32
      %dma_wait3A_125 = tpu.memref_slice %arg10[%add3A_42, %dma_wait3A_124] : memref<10240x128xf32, #tpu.memory_space<vmem_shared>> -> memref<40x128xf32, #tpu.memory_space<vmem_shared>>
      tpu.wait_dma2 semaphore(%run_scoped3A_117 : memref<!tpu.dma_semaphore, #tpu.memory_space<semaphore_mem>>) src(%arg9 : memref<40x128xf32, #tpu.memory_space<vmem>>) dst(%dma_wait3A_125 : memref<40x128xf32, #tpu.memory_space<vmem_shared>>)
      tpu.yield
    }) : () -> ()
    %mul3A_43 = arith.constant 640 : i32
    %mul3A_44 = arith.muli %arg1, %mul3A_43 : i32
    %add3A_45 = arith.constant 360 : i32
    %add3A_46 = arith.addi %mul3A_44, %add3A_45 : i32
    "tpu.region"() ({
      %run_scoped3A_117 = tpu.sem_alloc : memref<!tpu.dma_semaphore, #tpu.memory_space<semaphore_mem>>
      %dma_start3A_118 = arith.constant 0 : i32
      %dma_start3A_119 = tpu.memref_slice %arg10[%add3A_46, %dma_start3A_118] : memref<10240x128xf32, #tpu.memory_space<vmem_shared>> -> memref<40x128xf32, #tpu.memory_space<vmem_shared>>
      %dma_start3A_120 = arith.constant 0 : i32
      %dma_start3A_121 = tpu.memref_slice %arg10[%add3A_46, %dma_start3A_120] : memref<10240x128xf32, #tpu.memory_space<vmem_shared>> -> memref<40x128xf32, #tpu.memory_space<vmem_shared>>
      tpu.enqueue_dma source(%arg9 : memref<40x128xf32, #tpu.memory_space<vmem>>) target(%dma_start3A_121 : memref<40x128xf32, #tpu.memory_space<vmem_shared>>) target_semaphore(%run_scoped3A_117 : memref<!tpu.dma_semaphore, #tpu.memory_space<semaphore_mem>>)
      %dma_wait3A_122 = arith.constant 0 : i32
      %dma_wait3A_123 = tpu.memref_slice %arg10[%add3A_46, %dma_wait3A_122] : memref<10240x128xf32, #tpu.memory_space<vmem_shared>> -> memref<40x128xf32, #tpu.memory_space<vmem_shared>>
      %dma_wait3A_124 = arith.constant 0 : i32
      %dma_wait3A_125 = tpu.memref_slice %arg10[%add3A_46, %dma_wait3A_124] : memref<10240x128xf32, #tpu.memory_space<vmem_shared>> -> memref<40x128xf32, #tpu.memory_space<vmem_shared>>
      tpu.wait_dma2 semaphore(%run_scoped3A_117 : memref<!tpu.dma_semaphore, #tpu.memory_space<semaphore_mem>>) src(%arg9 : memref<40x128xf32, #tpu.memory_space<vmem>>) dst(%dma_wait3A_125 : memref<40x128xf32, #tpu.memory_space<vmem_shared>>)
      tpu.yield
    }) : () -> ()
    %mul3A_47 = arith.constant 640 : i32
    %mul3A_48 = arith.muli %arg1, %mul3A_47 : i32
    %add3A_49 = arith.constant 400 : i32
    %add3A_50 = arith.addi %mul3A_48, %add3A_49 : i32
    "tpu.region"() ({
      %run_scoped3A_117 = tpu.sem_alloc : memref<!tpu.dma_semaphore, #tpu.memory_space<semaphore_mem>>
      %dma_start3A_118 = arith.constant 0 : i32
      %dma_start3A_119 = tpu.memref_slice %arg10[%add3A_50, %dma_start3A_118] : memref<10240x128xf32, #tpu.memory_space<vmem_shared>> -> memref<40x128xf32, #tpu.memory_space<vmem_shared>>
      %dma_start3A_120 = arith.constant 0 : i32
      %dma_start3A_121 = tpu.memref_slice %arg10[%add3A_50, %dma_start3A_120] : memref<10240x128xf32, #tpu.memory_space<vmem_shared>> -> memref<40x128xf32, #tpu.memory_space<vmem_shared>>
      tpu.enqueue_dma source(%arg9 : memref<40x128xf32, #tpu.memory_space<vmem>>) target(%dma_start3A_121 : memref<40x128xf32, #tpu.memory_space<vmem_shared>>) target_semaphore(%run_scoped3A_117 : memref<!tpu.dma_semaphore, #tpu.memory_space<semaphore_mem>>)
      %dma_wait3A_122 = arith.constant 0 : i32
      %dma_wait3A_123 = tpu.memref_slice %arg10[%add3A_50, %dma_wait3A_122] : memref<10240x128xf32, #tpu.memory_space<vmem_shared>> -> memref<40x128xf32, #tpu.memory_space<vmem_shared>>
      %dma_wait3A_124 = arith.constant 0 : i32
      %dma_wait3A_125 = tpu.memref_slice %arg10[%add3A_50, %dma_wait3A_124] : memref<10240x128xf32, #tpu.memory_space<vmem_shared>> -> memref<40x128xf32, #tpu.memory_space<vmem_shared>>
      tpu.wait_dma2 semaphore(%run_scoped3A_117 : memref<!tpu.dma_semaphore, #tpu.memory_space<semaphore_mem>>) src(%arg9 : memref<40x128xf32, #tpu.memory_space<vmem>>) dst(%dma_wait3A_125 : memref<40x128xf32, #tpu.memory_space<vmem_shared>>)
      tpu.yield
    }) : () -> ()
    %mul3A_51 = arith.constant 640 : i32
    %mul3A_52 = arith.muli %arg1, %mul3A_51 : i32
    %add3A_53 = arith.constant 440 : i32
    %add3A_54 = arith.addi %mul3A_52, %add3A_53 : i32
    "tpu.region"() ({
      %run_scoped3A_117 = tpu.sem_alloc : memref<!tpu.dma_semaphore, #tpu.memory_space<semaphore_mem>>
      %dma_start3A_118 = arith.constant 0 : i32
      %dma_start3A_119 = tpu.memref_slice %arg10[%add3A_54, %dma_start3A_118] : memref<10240x128xf32, #tpu.memory_space<vmem_shared>> -> memref<40x128xf32, #tpu.memory_space<vmem_shared>>
      %dma_start3A_120 = arith.constant 0 : i32
      %dma_start3A_121 = tpu.memref_slice %arg10[%add3A_54, %dma_start3A_120] : memref<10240x128xf32, #tpu.memory_space<vmem_shared>> -> memref<40x128xf32, #tpu.memory_space<vmem_shared>>
      tpu.enqueue_dma source(%arg9 : memref<40x128xf32, #tpu.memory_space<vmem>>) target(%dma_start3A_121 : memref<40x128xf32, #tpu.memory_space<vmem_shared>>) target_semaphore(%run_scoped3A_117 : memref<!tpu.dma_semaphore, #tpu.memory_space<semaphore_mem>>)
      %dma_wait3A_122 = arith.constant 0 : i32
      %dma_wait3A_123 = tpu.memref_slice %arg10[%add3A_54, %dma_wait3A_122] : memref<10240x128xf32, #tpu.memory_space<vmem_shared>> -> memref<40x128xf32, #tpu.memory_space<vmem_shared>>
      %dma_wait3A_124 = arith.constant 0 : i32
      %dma_wait3A_125 = tpu.memref_slice %arg10[%add3A_54, %dma_wait3A_124] : memref<10240x128xf32, #tpu.memory_space<vmem_shared>> -> memref<40x128xf32, #tpu.memory_space<vmem_shared>>
      tpu.wait_dma2 semaphore(%run_scoped3A_117 : memref<!tpu.dma_semaphore, #tpu.memory_space<semaphore_mem>>) src(%arg9 : memref<40x128xf32, #tpu.memory_space<vmem>>) dst(%dma_wait3A_125 : memref<40x128xf32, #tpu.memory_space<vmem_shared>>)
      tpu.yield
    }) : () -> ()
    %mul3A_55 = arith.constant 640 : i32
    %mul3A_56 = arith.muli %arg1, %mul3A_55 : i32
    %add3A_57 = arith.constant 480 : i32
    %add3A_58 = arith.addi %mul3A_56, %add3A_57 : i32
    "tpu.region"() ({
      %run_scoped3A_117 = tpu.sem_alloc : memref<!tpu.dma_semaphore, #tpu.memory_space<semaphore_mem>>
      %dma_start3A_118 = arith.constant 0 : i32
      %dma_start3A_119 = tpu.memref_slice %arg10[%add3A_58, %dma_start3A_118] : memref<10240x128xf32, #tpu.memory_space<vmem_shared>> -> memref<40x128xf32, #tpu.memory_space<vmem_shared>>
      %dma_start3A_120 = arith.constant 0 : i32
      %dma_start3A_121 = tpu.memref_slice %arg10[%add3A_58, %dma_start3A_120] : memref<10240x128xf32, #tpu.memory_space<vmem_shared>> -> memref<40x128xf32, #tpu.memory_space<vmem_shared>>
      tpu.enqueue_dma source(%arg9 : memref<40x128xf32, #tpu.memory_space<vmem>>) target(%dma_start3A_121 : memref<40x128xf32, #tpu.memory_space<vmem_shared>>) target_semaphore(%run_scoped3A_117 : memref<!tpu.dma_semaphore, #tpu.memory_space<semaphore_mem>>)
      %dma_wait3A_122 = arith.constant 0 : i32
      %dma_wait3A_123 = tpu.memref_slice %arg10[%add3A_58, %dma_wait3A_122] : memref<10240x128xf32, #tpu.memory_space<vmem_shared>> -> memref<40x128xf32, #tpu.memory_space<vmem_shared>>
      %dma_wait3A_124 = arith.constant 0 : i32
      %dma_wait3A_125 = tpu.memref_slice %arg10[%add3A_58, %dma_wait3A_124] : memref<10240x128xf32, #tpu.memory_space<vmem_shared>> -> memref<40x128xf32, #tpu.memory_space<vmem_shared>>
      tpu.wait_dma2 semaphore(%run_scoped3A_117 : memref<!tpu.dma_semaphore, #tpu.memory_space<semaphore_mem>>) src(%arg9 : memref<40x128xf32, #tpu.memory_space<vmem>>) dst(%dma_wait3A_125 : memref<40x128xf32, #tpu.memory_space<vmem_shared>>)
      tpu.yield
    }) : () -> ()
    %mul3A_59 = arith.constant 640 : i32
    %mul3A_60 = arith.muli %arg1, %mul3A_59 : i32
    %add3A_61 = arith.constant 520 : i32
    %add3A_62 = arith.addi %mul3A_60, %add3A_61 : i32
    "tpu.region"() ({
      %run_scoped3A_117 = tpu.sem_alloc : memref<!tpu.dma_semaphore, #tpu.memory_space<semaphore_mem>>
      %dma_start3A_118 = arith.constant 0 : i32
      %dma_start3A_119 = tpu.memref_slice %arg10[%add3A_62, %dma_start3A_118] : memref<10240x128xf32, #tpu.memory_space<vmem_shared>> -> memref<40x128xf32, #tpu.memory_space<vmem_shared>>
      %dma_start3A_120 = arith.constant 0 : i32
      %dma_start3A_121 = tpu.memref_slice %arg10[%add3A_62, %dma_start3A_120] : memref<10240x128xf32, #tpu.memory_space<vmem_shared>> -> memref<40x128xf32, #tpu.memory_space<vmem_shared>>
      tpu.enqueue_dma source(%arg9 : memref<40x128xf32, #tpu.memory_space<vmem>>) target(%dma_start3A_121 : memref<40x128xf32, #tpu.memory_space<vmem_shared>>) target_semaphore(%run_scoped3A_117 : memref<!tpu.dma_semaphore, #tpu.memory_space<semaphore_mem>>)
      %dma_wait3A_122 = arith.constant 0 : i32
      %dma_wait3A_123 = tpu.memref_slice %arg10[%add3A_62, %dma_wait3A_122] : memref<10240x128xf32, #tpu.memory_space<vmem_shared>> -> memref<40x128xf32, #tpu.memory_space<vmem_shared>>
      %dma_wait3A_124 = arith.constant 0 : i32
      %dma_wait3A_125 = tpu.memref_slice %arg10[%add3A_62, %dma_wait3A_124] : memref<10240x128xf32, #tpu.memory_space<vmem_shared>> -> memref<40x128xf32, #tpu.memory_space<vmem_shared>>
      tpu.wait_dma2 semaphore(%run_scoped3A_117 : memref<!tpu.dma_semaphore, #tpu.memory_space<semaphore_mem>>) src(%arg9 : memref<40x128xf32, #tpu.memory_space<vmem>>) dst(%dma_wait3A_125 : memref<40x128xf32, #tpu.memory_space<vmem_shared>>)
      tpu.yield
    }) : () -> ()
    %mul3A_63 = arith.constant 640 : i32
    %mul3A_64 = arith.muli %arg1, %mul3A_63 : i32
    %add3A_65 = arith.constant 560 : i32
    %add3A_66 = arith.addi %mul3A_64, %add3A_65 : i32
    "tpu.region"() ({
      %run_scoped3A_117 = tpu.sem_alloc : memref<!tpu.dma_semaphore, #tpu.memory_space<semaphore_mem>>
      %dma_start3A_118 = arith.constant 0 : i32
      %dma_start3A_119 = tpu.memref_slice %arg10[%add3A_66, %dma_start3A_118] : memref<10240x128xf32, #tpu.memory_space<vmem_shared>> -> memref<40x128xf32, #tpu.memory_space<vmem_shared>>
      %dma_start3A_120 = arith.constant 0 : i32
      %dma_start3A_121 = tpu.memref_slice %arg10[%add3A_66, %dma_start3A_120] : memref<10240x128xf32, #tpu.memory_space<vmem_shared>> -> memref<40x128xf32, #tpu.memory_space<vmem_shared>>
      tpu.enqueue_dma source(%arg9 : memref<40x128xf32, #tpu.memory_space<vmem>>) target(%dma_start3A_121 : memref<40x128xf32, #tpu.memory_space<vmem_shared>>) target_semaphore(%run_scoped3A_117 : memref<!tpu.dma_semaphore, #tpu.memory_space<semaphore_mem>>)
      %dma_wait3A_122 = arith.constant 0 : i32
      %dma_wait3A_123 = tpu.memref_slice %arg10[%add3A_66, %dma_wait3A_122] : memref<10240x128xf32, #tpu.memory_space<vmem_shared>> -> memref<40x128xf32, #tpu.memory_space<vmem_shared>>
      %dma_wait3A_124 = arith.constant 0 : i32
      %dma_wait3A_125 = tpu.memref_slice %arg10[%add3A_66, %dma_wait3A_124] : memref<10240x128xf32, #tpu.memory_space<vmem_shared>> -> memref<40x128xf32, #tpu.memory_space<vmem_shared>>
      tpu.wait_dma2 semaphore(%run_scoped3A_117 : memref<!tpu.dma_semaphore, #tpu.memory_space<semaphore_mem>>) src(%arg9 : memref<40x128xf32, #tpu.memory_space<vmem>>) dst(%dma_wait3A_125 : memref<40x128xf32, #tpu.memory_space<vmem_shared>>)
      tpu.yield
    }) : () -> ()
    %mul3A_67 = arith.constant 640 : i32
    %mul3A_68 = arith.muli %arg1, %mul3A_67 : i32
    %add3A_69 = arith.constant 600 : i32
    %add3A_70 = arith.addi %mul3A_68, %add3A_69 : i32
    "tpu.region"() ({
      %run_scoped3A_117 = tpu.sem_alloc : memref<!tpu.dma_semaphore, #tpu.memory_space<semaphore_mem>>
      %dma_start3A_118 = arith.constant 0 : i32
      %dma_start3A_119 = tpu.memref_slice %arg10[%add3A_70, %dma_start3A_118] : memref<10240x128xf32, #tpu.memory_space<vmem_shared>> -> memref<40x128xf32, #tpu.memory_space<vmem_shared>>
      %dma_start3A_120 = arith.constant 0 : i32
      %dma_start3A_121 = tpu.memref_slice %arg10[%add3A_70, %dma_start3A_120] : memref<10240x128xf32, #tpu.memory_space<vmem_shared>> -> memref<40x128xf32, #tpu.memory_space<vmem_shared>>
      tpu.enqueue_dma source(%arg9 : memref<40x128xf32, #tpu.memory_space<vmem>>) target(%dma_start3A_121 : memref<40x128xf32, #tpu.memory_space<vmem_shared>>) target_semaphore(%run_scoped3A_117 : memref<!tpu.dma_semaphore, #tpu.memory_space<semaphore_mem>>)
      %dma_wait3A_122 = arith.constant 0 : i32
      %dma_wait3A_123 = tpu.memref_slice %arg10[%add3A_70, %dma_wait3A_122] : memref<10240x128xf32, #tpu.memory_space<vmem_shared>> -> memref<40x128xf32, #tpu.memory_space<vmem_shared>>
      %dma_wait3A_124 = arith.constant 0 : i32
      %dma_wait3A_125 = tpu.memref_slice %arg10[%add3A_70, %dma_wait3A_124] : memref<10240x128xf32, #tpu.memory_space<vmem_shared>> -> memref<40x128xf32, #tpu.memory_space<vmem_shared>>
      tpu.wait_dma2 semaphore(%run_scoped3A_117 : memref<!tpu.dma_semaphore, #tpu.memory_space<semaphore_mem>>) src(%arg9 : memref<40x128xf32, #tpu.memory_space<vmem>>) dst(%dma_wait3A_125 : memref<40x128xf32, #tpu.memory_space<vmem_shared>>)
      tpu.yield
    }) : () -> ()
    %barrier3A = arith.constant 0 : index
    tpu.barrier barrier_id(%barrier3A)
    "tpu.region"() ({
      %run_scoped3A_117 = tpu.sem_alloc : memref<!tpu.dma_semaphore, #tpu.memory_space<semaphore_mem>>
      %dma_start3A_118 = arith.constant 0 : i32
      %dma_start3A_119 = arith.constant 0 : i32
      %dma_start3A_120 = tpu.memref_slice %arg6[%dma_start3A_118, %dma_start3A_119] : memref<64x80xi32, #tpu.memory_space<vmem>> -> memref<64x80xi32, #tpu.memory_space<vmem>>
      %dma_start3A_121 = arith.constant 0 : i32
      %dma_start3A_122 = arith.constant 0 : i32
      %dma_start3A_123 = tpu.memref_slice %arg3[%add3A, %dma_start3A_121, %dma_start3A_122] : memref<32x125x80xi32, #tpu.memory_space<hbm>> -> memref<1x64x80xi32, #tpu.memory_space<hbm>>
      %dma_start3A_124 = tpu.memref_squeeze %dma_start3A_123 : memref<1x64x80xi32, #tpu.memory_space<hbm>> -> memref<64x80xi32, #tpu.memory_space<hbm>>
      %dma_start3A_125 = arith.constant 0 : i32
      %dma_start3A_126 = arith.constant 0 : i32
      %dma_start3A_127 = tpu.memref_slice %arg6[%dma_start3A_125, %dma_start3A_126] : memref<64x80xi32, #tpu.memory_space<vmem>> -> memref<64x80xi32, #tpu.memory_space<vmem>>
      %dma_start3A_128 = arith.constant 0 : i32
      %dma_start3A_129 = arith.constant 0 : i32
      %dma_start3A_130 = tpu.memref_slice %arg3[%add3A, %dma_start3A_128, %dma_start3A_129] : memref<32x125x80xi32, #tpu.memory_space<hbm>> -> memref<1x64x80xi32, #tpu.memory_space<hbm>>
      %dma_start3A_131 = tpu.memref_squeeze %dma_start3A_130 : memref<1x64x80xi32, #tpu.memory_space<hbm>> -> memref<64x80xi32, #tpu.memory_space<hbm>>
      tpu.enqueue_dma source(%dma_start3A_131 : memref<64x80xi32, #tpu.memory_space<hbm>>) target(%dma_start3A_127 : memref<64x80xi32, #tpu.memory_space<vmem>>) target_semaphore(%run_scoped3A_117 : memref<!tpu.dma_semaphore, #tpu.memory_space<semaphore_mem>>)
      %dma_wait3A_132 = arith.constant 0 : i32
      %dma_wait3A_133 = arith.constant 0 : i32
      %dma_wait3A_134 = tpu.memref_slice %arg6[%dma_wait3A_132, %dma_wait3A_133] : memref<64x80xi32, #tpu.memory_space<vmem>> -> memref<64x80xi32, #tpu.memory_space<vmem>>
      %dma_wait3A_135 = arith.constant 0 : i32
      %dma_wait3A_136 = arith.constant 0 : i32
      %dma_wait3A_137 = tpu.memref_slice %arg3[%add3A, %dma_wait3A_135, %dma_wait3A_136] : memref<32x125x80xi32, #tpu.memory_space<hbm>> -> memref<1x64x80xi32, #tpu.memory_space<hbm>>
      %dma_wait3A_138 = tpu.memref_squeeze %dma_wait3A_137 : memref<1x64x80xi32, #tpu.memory_space<hbm>> -> memref<64x80xi32, #tpu.memory_space<hbm>>
      %dma_wait3A_139 = arith.constant 0 : i32
      %dma_wait3A_140 = arith.constant 0 : i32
      %dma_wait3A_141 = tpu.memref_slice %arg6[%dma_wait3A_139, %dma_wait3A_140] : memref<64x80xi32, #tpu.memory_space<vmem>> -> memref<64x80xi32, #tpu.memory_space<vmem>>
      %dma_wait3A_142 = arith.constant 0 : i32
      %dma_wait3A_143 = arith.constant 0 : i32
      %dma_wait3A_144 = tpu.memref_slice %arg3[%add3A, %dma_wait3A_142, %dma_wait3A_143] : memref<32x125x80xi32, #tpu.memory_space<hbm>> -> memref<1x64x80xi32, #tpu.memory_space<hbm>>
      %dma_wait3A_145 = tpu.memref_squeeze %dma_wait3A_144 : memref<1x64x80xi32, #tpu.memory_space<hbm>> -> memref<64x80xi32, #tpu.memory_space<hbm>>
      tpu.wait_dma2 semaphore(%run_scoped3A_117 : memref<!tpu.dma_semaphore, #tpu.memory_space<semaphore_mem>>) src(%dma_wait3A_145 : memref<64x80xi32, #tpu.memory_space<hbm>>) dst(%dma_wait3A_141 : memref<64x80xi32, #tpu.memory_space<vmem>>)
      tpu.yield
    }) : () -> ()
    "tpu.region"() ({
      %run_scoped3A_117 = tpu.sem_alloc : memref<!tpu.dma_semaphore, #tpu.memory_space<semaphore_mem>>
      %dma_start3A_118 = arith.constant 0 : i32
      %dma_start3A_119 = arith.constant 0 : i32
      %dma_start3A_120 = tpu.memref_slice %arg7[%dma_start3A_118, %dma_start3A_119] : memref<64x80xi32, #tpu.memory_space<vmem>> -> memref<64x80xi32, #tpu.memory_space<vmem>>
      %dma_start3A_121 = arith.constant 0 : i32
      %dma_start3A_122 = arith.constant 0 : i32
      %dma_start3A_123 = tpu.memref_slice %arg4[%add3A, %dma_start3A_121, %dma_start3A_122] : memref<32x125x80xi32, #tpu.memory_space<hbm>> -> memref<1x64x80xi32, #tpu.memory_space<hbm>>
      %dma_start3A_124 = tpu.memref_squeeze %dma_start3A_123 : memref<1x64x80xi32, #tpu.memory_space<hbm>> -> memref<64x80xi32, #tpu.memory_space<hbm>>
      %dma_start3A_125 = arith.constant 0 : i32
      %dma_start3A_126 = arith.constant 0 : i32
      %dma_start3A_127 = tpu.memref_slice %arg7[%dma_start3A_125, %dma_start3A_126] : memref<64x80xi32, #tpu.memory_space<vmem>> -> memref<64x80xi32, #tpu.memory_space<vmem>>
      %dma_start3A_128 = arith.constant 0 : i32
      %dma_start3A_129 = arith.constant 0 : i32
      %dma_start3A_130 = tpu.memref_slice %arg4[%add3A, %dma_start3A_128, %dma_start3A_129] : memref<32x125x80xi32, #tpu.memory_space<hbm>> -> memref<1x64x80xi32, #tpu.memory_space<hbm>>
      %dma_start3A_131 = tpu.memref_squeeze %dma_start3A_130 : memref<1x64x80xi32, #tpu.memory_space<hbm>> -> memref<64x80xi32, #tpu.memory_space<hbm>>
      tpu.enqueue_dma source(%dma_start3A_131 : memref<64x80xi32, #tpu.memory_space<hbm>>) target(%dma_start3A_127 : memref<64x80xi32, #tpu.memory_space<vmem>>) target_semaphore(%run_scoped3A_117 : memref<!tpu.dma_semaphore, #tpu.memory_space<semaphore_mem>>)
      %dma_wait3A_132 = arith.constant 0 : i32
      %dma_wait3A_133 = arith.constant 0 : i32
      %dma_wait3A_134 = tpu.memref_slice %arg7[%dma_wait3A_132, %dma_wait3A_133] : memref<64x80xi32, #tpu.memory_space<vmem>> -> memref<64x80xi32, #tpu.memory_space<vmem>>
      %dma_wait3A_135 = arith.constant 0 : i32
      %dma_wait3A_136 = arith.constant 0 : i32
      %dma_wait3A_137 = tpu.memref_slice %arg4[%add3A, %dma_wait3A_135, %dma_wait3A_136] : memref<32x125x80xi32, #tpu.memory_space<hbm>> -> memref<1x64x80xi32, #tpu.memory_space<hbm>>
      %dma_wait3A_138 = tpu.memref_squeeze %dma_wait3A_137 : memref<1x64x80xi32, #tpu.memory_space<hbm>> -> memref<64x80xi32, #tpu.memory_space<hbm>>
      %dma_wait3A_139 = arith.constant 0 : i32
      %dma_wait3A_140 = arith.constant 0 : i32
      %dma_wait3A_141 = tpu.memref_slice %arg7[%dma_wait3A_139, %dma_wait3A_140] : memref<64x80xi32, #tpu.memory_space<vmem>> -> memref<64x80xi32, #tpu.memory_space<vmem>>
      %dma_wait3A_142 = arith.constant 0 : i32
      %dma_wait3A_143 = arith.constant 0 : i32
      %dma_wait3A_144 = tpu.memref_slice %arg4[%add3A, %dma_wait3A_142, %dma_wait3A_143] : memref<32x125x80xi32, #tpu.memory_space<hbm>> -> memref<1x64x80xi32, #tpu.memory_space<hbm>>
      %dma_wait3A_145 = tpu.memref_squeeze %dma_wait3A_144 : memref<1x64x80xi32, #tpu.memory_space<hbm>> -> memref<64x80xi32, #tpu.memory_space<hbm>>
      tpu.wait_dma2 semaphore(%run_scoped3A_117 : memref<!tpu.dma_semaphore, #tpu.memory_space<semaphore_mem>>) src(%dma_wait3A_145 : memref<64x80xi32, #tpu.memory_space<hbm>>) dst(%dma_wait3A_141 : memref<64x80xi32, #tpu.memory_space<vmem>>)
      tpu.yield
    }) : () -> ()
    %scan3A_71 = arith.constant 0 : i32
    %scan3A_72 = arith.constant 0 : i32
    %scan3A_73 = arith.constant 32 : i32
    %scan3A_74 = arith.addi %scan3A_72, %scan3A_73 : i32
    %scan3A_75 = arith.constant 1 : i32
    scf.for %scan3A_117 = %scan3A_72 to %scan3A_74 step %scan3A_75  : i32 {
      %mul3A_118 = arith.constant 2 : i32
      %mul3A_119 = arith.muli %scan3A_117, %mul3A_118 : i32
      %add3A_120 = arith.constant 1 : i32
      %add3A_121 = arith.addi %mul3A_119, %add3A_120 : i32
      %dma_start3A_122 = arith.constant 0 : i32
      %dma_start3A_123 = arith.constant 0 : i32
      %dma_start3A_124 = arith.constant 0 : i32
      %dma_start3A_125 = tpu.memref_slice %arg8[%dma_start3A_122, %dma_start3A_123, %dma_start3A_124] : memref<2x80x128xf32, #tpu.memory_space<vmem>> -> memref<1x80x128xf32, #tpu.memory_space<vmem>>
      %dma_start3A_126 = tpu.memref_squeeze %dma_start3A_125 : memref<1x80x128xf32, #tpu.memory_space<vmem>> -> memref<80x128xf32, #tpu.memory_space<vmem>>
      %dma_start3A_127 = arith.constant 0 : i32
      %dma_start3A_128 = tpu.memref_slice %arg6[%mul3A_119, %dma_start3A_127] : memref<64x80xi32, #tpu.memory_space<vmem>> -> memref<1x80xi32, #tpu.memory_space<vmem>>
      %dma_start3A_129 = tpu.memref_squeeze %dma_start3A_128 : memref<1x80xi32, #tpu.memory_space<vmem>> -> memref<80xi32, #tpu.memory_space<vmem>>
      %dma_start3A_130 = arith.constant 0 : i32
      %dma_start3A_131 = arith.constant 0 : i32
      %dma_start3A_132 = tpu.memref_slice %arg2[%dma_start3A_130, %dma_start3A_131] : memref<10000x128xf32, #tpu.memory_space<hbm>> -> memref<10000x128xf32, #tpu.memory_space<hbm>>
      tpu.enqueue_indirect_dma source(%dma_start3A_132 : memref<10000x128xf32, #tpu.memory_space<hbm>>) target(%dma_start3A_126 : memref<80x128xf32, #tpu.memory_space<vmem>>) offsets(%dma_start3A_129 : memref<80xi32, #tpu.memory_space<vmem>>) semaphore(%arg11 : memref<!tpu.dma_semaphore, #tpu.memory_space<semaphore_mem>>)
      %dma_start3A_133 = arith.constant 1 : i32
      %dma_start3A_134 = arith.constant 0 : i32
      %dma_start3A_135 = arith.constant 0 : i32
      %dma_start3A_136 = tpu.memref_slice %arg8[%dma_start3A_133, %dma_start3A_134, %dma_start3A_135] : memref<2x80x128xf32, #tpu.memory_space<vmem>> -> memref<1x80x128xf32, #tpu.memory_space<vmem>>
      %dma_start3A_137 = tpu.memref_squeeze %dma_start3A_136 : memref<1x80x128xf32, #tpu.memory_space<vmem>> -> memref<80x128xf32, #tpu.memory_space<vmem>>
      %dma_start3A_138 = arith.constant 0 : i32
      %dma_start3A_139 = tpu.memref_slice %arg6[%add3A_121, %dma_start3A_138] : memref<64x80xi32, #tpu.memory_space<vmem>> -> memref<1x80xi32, #tpu.memory_space<vmem>>
      %dma_start3A_140 = tpu.memref_squeeze %dma_start3A_139 : memref<1x80xi32, #tpu.memory_space<vmem>> -> memref<80xi32, #tpu.memory_space<vmem>>
      %dma_start3A_141 = arith.constant 0 : i32
      %dma_start3A_142 = arith.constant 0 : i32
      %dma_start3A_143 = tpu.memref_slice %arg2[%dma_start3A_141, %dma_start3A_142] : memref<10000x128xf32, #tpu.memory_space<hbm>> -> memref<10000x128xf32, #tpu.memory_space<hbm>>
      tpu.enqueue_indirect_dma source(%dma_start3A_143 : memref<10000x128xf32, #tpu.memory_space<hbm>>) target(%dma_start3A_137 : memref<80x128xf32, #tpu.memory_space<vmem>>) offsets(%dma_start3A_140 : memref<80xi32, #tpu.memory_space<vmem>>) semaphore(%arg12 : memref<!tpu.dma_semaphore, #tpu.memory_space<semaphore_mem>>)
      %dma_wait3A_144 = arith.constant 0 : i32
      %dma_wait3A_145 = arith.constant 0 : i32
      %dma_wait3A_146 = arith.constant 0 : i32
      %dma_wait3A_147 = tpu.memref_slice %arg8[%dma_wait3A_144, %dma_wait3A_145, %dma_wait3A_146] : memref<2x80x128xf32, #tpu.memory_space<vmem>> -> memref<1x80x128xf32, #tpu.memory_space<vmem>>
      %dma_wait3A_148 = tpu.memref_squeeze %dma_wait3A_147 : memref<1x80x128xf32, #tpu.memory_space<vmem>> -> memref<80x128xf32, #tpu.memory_space<vmem>>
      %dma_wait3A_149 = arith.constant 0 : i32
      %dma_wait3A_150 = tpu.memref_slice %arg6[%mul3A_119, %dma_wait3A_149] : memref<64x80xi32, #tpu.memory_space<vmem>> -> memref<1x80xi32, #tpu.memory_space<vmem>>
      %dma_wait3A_151 = tpu.memref_squeeze %dma_wait3A_150 : memref<1x80xi32, #tpu.memory_space<vmem>> -> memref<80xi32, #tpu.memory_space<vmem>>
      %dma_wait3A_152 = arith.constant 0 : i32
      %dma_wait3A_153 = arith.constant 0 : i32
      %dma_wait3A_154 = tpu.memref_slice %arg2[%dma_wait3A_152, %dma_wait3A_153] : memref<10000x128xf32, #tpu.memory_space<hbm>> -> memref<10000x128xf32, #tpu.memory_space<hbm>>
      tpu.wait_indirect_dma semaphore(%arg11 : memref<!tpu.dma_semaphore, #tpu.memory_space<semaphore_mem>>) src(%dma_wait3A_154 : memref<10000x128xf32, #tpu.memory_space<hbm>>) dst(%dma_wait3A_148 : memref<80x128xf32, #tpu.memory_space<vmem>>)
      %dma_start3A_155 = arith.constant 0 : i32
      %dma_start3A_156 = arith.constant 0 : i32
      %dma_start3A_157 = arith.constant 0 : i32
      %dma_start3A_158 = tpu.memref_slice %arg8[%dma_start3A_155, %dma_start3A_156, %dma_start3A_157] : memref<2x80x128xf32, #tpu.memory_space<vmem>> -> memref<1x80x128xf32, #tpu.memory_space<vmem>>
      %dma_start3A_159 = tpu.memref_squeeze %dma_start3A_158 : memref<1x80x128xf32, #tpu.memory_space<vmem>> -> memref<80x128xf32, #tpu.memory_space<vmem>>
      %dma_start3A_160 = arith.constant 0 : i32
      %dma_start3A_161 = tpu.memref_slice %arg7[%mul3A_119, %dma_start3A_160] : memref<64x80xi32, #tpu.memory_space<vmem>> -> memref<1x80xi32, #tpu.memory_space<vmem>>
      %dma_start3A_162 = tpu.memref_squeeze %dma_start3A_161 : memref<1x80xi32, #tpu.memory_space<vmem>> -> memref<80xi32, #tpu.memory_space<vmem>>
      %dma_start3A_163 = arith.constant 0 : i32
      %dma_start3A_164 = arith.constant 0 : i32
      %dma_start3A_165 = tpu.memref_slice %arg10[%dma_start3A_163, %dma_start3A_164] : memref<10240x128xf32, #tpu.memory_space<vmem_shared>> -> memref<10240x128xf32, #tpu.memory_space<vmem_shared>>
      tpu.enqueue_indirect_dma source(%dma_start3A_159 : memref<80x128xf32, #tpu.memory_space<vmem>>) target(%dma_start3A_165 : memref<10240x128xf32, #tpu.memory_space<vmem_shared>>) offsets(%dma_start3A_162 : memref<80xi32, #tpu.memory_space<vmem>>) semaphore(%arg13 : memref<!tpu.dma_semaphore, #tpu.memory_space<semaphore_mem>>) {add = true}
      %dma_wait3A_166 = arith.constant 1 : i32
      %dma_wait3A_167 = arith.constant 0 : i32
      %dma_wait3A_168 = arith.constant 0 : i32
      %dma_wait3A_169 = tpu.memref_slice %arg8[%dma_wait3A_166, %dma_wait3A_167, %dma_wait3A_168] : memref<2x80x128xf32, #tpu.memory_space<vmem>> -> memref<1x80x128xf32, #tpu.memory_space<vmem>>
      %dma_wait3A_170 = tpu.memref_squeeze %dma_wait3A_169 : memref<1x80x128xf32, #tpu.memory_space<vmem>> -> memref<80x128xf32, #tpu.memory_space<vmem>>
      %dma_wait3A_171 = arith.constant 0 : i32
      %dma_wait3A_172 = tpu.memref_slice %arg6[%add3A_121, %dma_wait3A_171] : memref<64x80xi32, #tpu.memory_space<vmem>> -> memref<1x80xi32, #tpu.memory_space<vmem>>
      %dma_wait3A_173 = tpu.memref_squeeze %dma_wait3A_172 : memref<1x80xi32, #tpu.memory_space<vmem>> -> memref<80xi32, #tpu.memory_space<vmem>>
      %dma_wait3A_174 = arith.constant 0 : i32
      %dma_wait3A_175 = arith.constant 0 : i32
      %dma_wait3A_176 = tpu.memref_slice %arg2[%dma_wait3A_174, %dma_wait3A_175] : memref<10000x128xf32, #tpu.memory_space<hbm>> -> memref<10000x128xf32, #tpu.memory_space<hbm>>
      tpu.wait_indirect_dma semaphore(%arg12 : memref<!tpu.dma_semaphore, #tpu.memory_space<semaphore_mem>>) src(%dma_wait3A_176 : memref<10000x128xf32, #tpu.memory_space<hbm>>) dst(%dma_wait3A_170 : memref<80x128xf32, #tpu.memory_space<vmem>>)
      %dma_start3A_177 = arith.constant 1 : i32
      %dma_start3A_178 = arith.constant 0 : i32
      %dma_start3A_179 = arith.constant 0 : i32
      %dma_start3A_180 = tpu.memref_slice %arg8[%dma_start3A_177, %dma_start3A_178, %dma_start3A_179] : memref<2x80x128xf32, #tpu.memory_space<vmem>> -> memref<1x80x128xf32, #tpu.memory_space<vmem>>
      %dma_start3A_181 = tpu.memref_squeeze %dma_start3A_180 : memref<1x80x128xf32, #tpu.memory_space<vmem>> -> memref<80x128xf32, #tpu.memory_space<vmem>>
      %dma_start3A_182 = arith.constant 0 : i32
      %dma_start3A_183 = tpu.memref_slice %arg7[%add3A_121, %dma_start3A_182] : memref<64x80xi32, #tpu.memory_space<vmem>> -> memref<1x80xi32, #tpu.memory_space<vmem>>
      %dma_start3A_184 = tpu.memref_squeeze %dma_start3A_183 : memref<1x80xi32, #tpu.memory_space<vmem>> -> memref<80xi32, #tpu.memory_space<vmem>>
      %dma_start3A_185 = arith.constant 0 : i32
      %dma_start3A_186 = arith.constant 0 : i32
      %dma_start3A_187 = tpu.memref_slice %arg10[%dma_start3A_185, %dma_start3A_186] : memref<10240x128xf32, #tpu.memory_space<vmem_shared>> -> memref<10240x128xf32, #tpu.memory_space<vmem_shared>>
      tpu.enqueue_indirect_dma source(%dma_start3A_181 : memref<80x128xf32, #tpu.memory_space<vmem>>) target(%dma_start3A_187 : memref<10240x128xf32, #tpu.memory_space<vmem_shared>>) offsets(%dma_start3A_184 : memref<80xi32, #tpu.memory_space<vmem>>) semaphore(%arg14 : memref<!tpu.dma_semaphore, #tpu.memory_space<semaphore_mem>>) {add = true}
      %dma_wait3A_188 = arith.constant 0 : i32
      %dma_wait3A_189 = arith.constant 0 : i32
      %dma_wait3A_190 = arith.constant 0 : i32
      %dma_wait3A_191 = tpu.memref_slice %arg8[%dma_wait3A_188, %dma_wait3A_189, %dma_wait3A_190] : memref<2x80x128xf32, #tpu.memory_space<vmem>> -> memref<1x80x128xf32, #tpu.memory_space<vmem>>
      %dma_wait3A_192 = tpu.memref_squeeze %dma_wait3A_191 : memref<1x80x128xf32, #tpu.memory_space<vmem>> -> memref<80x128xf32, #tpu.memory_space<vmem>>
      %dma_wait3A_193 = arith.constant 0 : i32
      %dma_wait3A_194 = tpu.memref_slice %arg7[%mul3A_119, %dma_wait3A_193] : memref<64x80xi32, #tpu.memory_space<vmem>> -> memref<1x80xi32, #tpu.memory_space<vmem>>
      %dma_wait3A_195 = tpu.memref_squeeze %dma_wait3A_194 : memref<1x80xi32, #tpu.memory_space<vmem>> -> memref<80xi32, #tpu.memory_space<vmem>>
      %dma_wait3A_196 = arith.constant 0 : i32
      %dma_wait3A_197 = arith.constant 0 : i32
      %dma_wait3A_198 = tpu.memref_slice %arg10[%dma_wait3A_196, %dma_wait3A_197] : memref<10240x128xf32, #tpu.memory_space<vmem_shared>> -> memref<10240x128xf32, #tpu.memory_space<vmem_shared>>
      tpu.wait_indirect_dma semaphore(%arg13 : memref<!tpu.dma_semaphore, #tpu.memory_space<semaphore_mem>>) src(%dma_wait3A_192 : memref<80x128xf32, #tpu.memory_space<vmem>>) dst(%dma_wait3A_198 : memref<10240x128xf32, #tpu.memory_space<vmem_shared>>)
      %dma_wait3A_199 = arith.constant 1 : i32
      %dma_wait3A_200 = arith.constant 0 : i32
      %dma_wait3A_201 = arith.constant 0 : i32
      %dma_wait3A_202 = tpu.memref_slice %arg8[%dma_wait3A_199, %dma_wait3A_200, %dma_wait3A_201] : memref<2x80x128xf32, #tpu.memory_space<vmem>> -> memref<1x80x128xf32, #tpu.memory_space<vmem>>
      %dma_wait3A_203 = tpu.memref_squeeze %dma_wait3A_202 : memref<1x80x128xf32, #tpu.memory_space<vmem>> -> memref<80x128xf32, #tpu.memory_space<vmem>>
      %dma_wait3A_204 = arith.constant 0 : i32
      %dma_wait3A_205 = tpu.memref_slice %arg7[%add3A_121, %dma_wait3A_204] : memref<64x80xi32, #tpu.memory_space<vmem>> -> memref<1x80xi32, #tpu.memory_space<vmem>>
      %dma_wait3A_206 = tpu.memref_squeeze %dma_wait3A_205 : memref<1x80xi32, #tpu.memory_space<vmem>> -> memref<80xi32, #tpu.memory_space<vmem>>
      %dma_wait3A_207 = arith.constant 0 : i32
      %dma_wait3A_208 = arith.constant 0 : i32
      %dma_wait3A_209 = tpu.memref_slice %arg10[%dma_wait3A_207, %dma_wait3A_208] : memref<10240x128xf32, #tpu.memory_space<vmem_shared>> -> memref<10240x128xf32, #tpu.memory_space<vmem_shared>>
      tpu.wait_indirect_dma semaphore(%arg14 : memref<!tpu.dma_semaphore, #tpu.memory_space<semaphore_mem>>) src(%dma_wait3A_203 : memref<80x128xf32, #tpu.memory_space<vmem>>) dst(%dma_wait3A_209 : memref<10240x128xf32, #tpu.memory_space<vmem_shared>>)
    }
    %scan3A_76 = arith.constant 32 : i32
    "tpu.region"() ({
      %run_scoped3A_117 = tpu.sem_alloc : memref<!tpu.dma_semaphore, #tpu.memory_space<semaphore_mem>>
      %dma_start3A_118 = arith.constant 0 : i32
      %dma_start3A_119 = arith.constant 0 : i32
      %dma_start3A_120 = tpu.memref_slice %arg6[%dma_start3A_118, %dma_start3A_119] : memref<64x80xi32, #tpu.memory_space<vmem>> -> memref<56x80xi32, #tpu.memory_space<vmem>>
      %dma_start3A_121 = arith.constant 64 : i32
      %dma_start3A_122 = arith.constant 0 : i32
      %dma_start3A_123 = tpu.memref_slice %arg3[%add3A, %dma_start3A_121, %dma_start3A_122] : memref<32x125x80xi32, #tpu.memory_space<hbm>> -> memref<1x56x80xi32, #tpu.memory_space<hbm>>
      %dma_start3A_124 = tpu.memref_squeeze %dma_start3A_123 : memref<1x56x80xi32, #tpu.memory_space<hbm>> -> memref<56x80xi32, #tpu.memory_space<hbm>>
      %dma_start3A_125 = arith.constant 0 : i32
      %dma_start3A_126 = arith.constant 0 : i32
      %dma_start3A_127 = tpu.memref_slice %arg6[%dma_start3A_125, %dma_start3A_126] : memref<64x80xi32, #tpu.memory_space<vmem>> -> memref<56x80xi32, #tpu.memory_space<vmem>>
      %dma_start3A_128 = arith.constant 64 : i32
      %dma_start3A_129 = arith.constant 0 : i32
      %dma_start3A_130 = tpu.memref_slice %arg3[%add3A, %dma_start3A_128, %dma_start3A_129] : memref<32x125x80xi32, #tpu.memory_space<hbm>> -> memref<1x56x80xi32, #tpu.memory_space<hbm>>
      %dma_start3A_131 = tpu.memref_squeeze %dma_start3A_130 : memref<1x56x80xi32, #tpu.memory_space<hbm>> -> memref<56x80xi32, #tpu.memory_space<hbm>>
      tpu.enqueue_dma source(%dma_start3A_131 : memref<56x80xi32, #tpu.memory_space<hbm>>) target(%dma_start3A_127 : memref<56x80xi32, #tpu.memory_space<vmem>>) target_semaphore(%run_scoped3A_117 : memref<!tpu.dma_semaphore, #tpu.memory_space<semaphore_mem>>)
      %dma_wait3A_132 = arith.constant 0 : i32
      %dma_wait3A_133 = arith.constant 0 : i32
      %dma_wait3A_134 = tpu.memref_slice %arg6[%dma_wait3A_132, %dma_wait3A_133] : memref<64x80xi32, #tpu.memory_space<vmem>> -> memref<56x80xi32, #tpu.memory_space<vmem>>
      %dma_wait3A_135 = arith.constant 64 : i32
      %dma_wait3A_136 = arith.constant 0 : i32
      %dma_wait3A_137 = tpu.memref_slice %arg3[%add3A, %dma_wait3A_135, %dma_wait3A_136] : memref<32x125x80xi32, #tpu.memory_space<hbm>> -> memref<1x56x80xi32, #tpu.memory_space<hbm>>
      %dma_wait3A_138 = tpu.memref_squeeze %dma_wait3A_137 : memref<1x56x80xi32, #tpu.memory_space<hbm>> -> memref<56x80xi32, #tpu.memory_space<hbm>>
      %dma_wait3A_139 = arith.constant 0 : i32
      %dma_wait3A_140 = arith.constant 0 : i32
      %dma_wait3A_141 = tpu.memref_slice %arg6[%dma_wait3A_139, %dma_wait3A_140] : memref<64x80xi32, #tpu.memory_space<vmem>> -> memref<56x80xi32, #tpu.memory_space<vmem>>
      %dma_wait3A_142 = arith.constant 64 : i32
      %dma_wait3A_143 = arith.constant 0 : i32
      %dma_wait3A_144 = tpu.memref_slice %arg3[%add3A, %dma_wait3A_142, %dma_wait3A_143] : memref<32x125x80xi32, #tpu.memory_space<hbm>> -> memref<1x56x80xi32, #tpu.memory_space<hbm>>
      %dma_wait3A_145 = tpu.memref_squeeze %dma_wait3A_144 : memref<1x56x80xi32, #tpu.memory_space<hbm>> -> memref<56x80xi32, #tpu.memory_space<hbm>>
      tpu.wait_dma2 semaphore(%run_scoped3A_117 : memref<!tpu.dma_semaphore, #tpu.memory_space<semaphore_mem>>) src(%dma_wait3A_145 : memref<56x80xi32, #tpu.memory_space<hbm>>) dst(%dma_wait3A_141 : memref<56x80xi32, #tpu.memory_space<vmem>>)
      tpu.yield
    }) : () -> ()
    "tpu.region"() ({
      %run_scoped3A_117 = tpu.sem_alloc : memref<!tpu.dma_semaphore, #tpu.memory_space<semaphore_mem>>
      %dma_start3A_118 = arith.constant 0 : i32
      %dma_start3A_119 = arith.constant 0 : i32
      %dma_start3A_120 = tpu.memref_slice %arg7[%dma_start3A_118, %dma_start3A_119] : memref<64x80xi32, #tpu.memory_space<vmem>> -> memref<56x80xi32, #tpu.memory_space<vmem>>
      %dma_start3A_121 = arith.constant 64 : i32
      %dma_start3A_122 = arith.constant 0 : i32
      %dma_start3A_123 = tpu.memref_slice %arg4[%add3A, %dma_start3A_121, %dma_start3A_122] : memref<32x125x80xi32, #tpu.memory_space<hbm>> -> memref<1x56x80xi32, #tpu.memory_space<hbm>>
      %dma_start3A_124 = tpu.memref_squeeze %dma_start3A_123 : memref<1x56x80xi32, #tpu.memory_space<hbm>> -> memref<56x80xi32, #tpu.memory_space<hbm>>
      %dma_start3A_125 = arith.constant 0 : i32
      %dma_start3A_126 = arith.constant 0 : i32
      %dma_start3A_127 = tpu.memref_slice %arg7[%dma_start3A_125, %dma_start3A_126] : memref<64x80xi32, #tpu.memory_space<vmem>> -> memref<56x80xi32, #tpu.memory_space<vmem>>
      %dma_start3A_128 = arith.constant 64 : i32
      %dma_start3A_129 = arith.constant 0 : i32
      %dma_start3A_130 = tpu.memref_slice %arg4[%add3A, %dma_start3A_128, %dma_start3A_129] : memref<32x125x80xi32, #tpu.memory_space<hbm>> -> memref<1x56x80xi32, #tpu.memory_space<hbm>>
      %dma_start3A_131 = tpu.memref_squeeze %dma_start3A_130 : memref<1x56x80xi32, #tpu.memory_space<hbm>> -> memref<56x80xi32, #tpu.memory_space<hbm>>
      tpu.enqueue_dma source(%dma_start3A_131 : memref<56x80xi32, #tpu.memory_space<hbm>>) target(%dma_start3A_127 : memref<56x80xi32, #tpu.memory_space<vmem>>) target_semaphore(%run_scoped3A_117 : memref<!tpu.dma_semaphore, #tpu.memory_space<semaphore_mem>>)
      %dma_wait3A_132 = arith.constant 0 : i32
      %dma_wait3A_133 = arith.constant 0 : i32
      %dma_wait3A_134 = tpu.memref_slice %arg7[%dma_wait3A_132, %dma_wait3A_133] : memref<64x80xi32, #tpu.memory_space<vmem>> -> memref<56x80xi32, #tpu.memory_space<vmem>>
      %dma_wait3A_135 = arith.constant 64 : i32
      %dma_wait3A_136 = arith.constant 0 : i32
      %dma_wait3A_137 = tpu.memref_slice %arg4[%add3A, %dma_wait3A_135, %dma_wait3A_136] : memref<32x125x80xi32, #tpu.memory_space<hbm>> -> memref<1x56x80xi32, #tpu.memory_space<hbm>>
      %dma_wait3A_138 = tpu.memref_squeeze %dma_wait3A_137 : memref<1x56x80xi32, #tpu.memory_space<hbm>> -> memref<56x80xi32, #tpu.memory_space<hbm>>
      %dma_wait3A_139 = arith.constant 0 : i32
      %dma_wait3A_140 = arith.constant 0 : i32
      %dma_wait3A_141 = tpu.memref_slice %arg7[%dma_wait3A_139, %dma_wait3A_140] : memref<64x80xi32, #tpu.memory_space<vmem>> -> memref<56x80xi32, #tpu.memory_space<vmem>>
      %dma_wait3A_142 = arith.constant 64 : i32
      %dma_wait3A_143 = arith.constant 0 : i32
      %dma_wait3A_144 = tpu.memref_slice %arg4[%add3A, %dma_wait3A_142, %dma_wait3A_143] : memref<32x125x80xi32, #tpu.memory_space<hbm>> -> memref<1x56x80xi32, #tpu.memory_space<hbm>>
      %dma_wait3A_145 = tpu.memref_squeeze %dma_wait3A_144 : memref<1x56x80xi32, #tpu.memory_space<hbm>> -> memref<56x80xi32, #tpu.memory_space<hbm>>
      tpu.wait_dma2 semaphore(%run_scoped3A_117 : memref<!tpu.dma_semaphore, #tpu.memory_space<semaphore_mem>>) src(%dma_wait3A_145 : memref<56x80xi32, #tpu.memory_space<hbm>>) dst(%dma_wait3A_141 : memref<56x80xi32, #tpu.memory_space<vmem>>)
      tpu.yield
    }) : () -> ()
    %scan3A_77 = arith.constant 0 : i32
    %scan3A_78 = arith.constant 0 : i32
    %scan3A_79 = arith.constant 28 : i32
    %scan3A_80 = arith.addi %scan3A_78, %scan3A_79 : i32
    %scan3A_81 = arith.constant 1 : i32
    scf.for %scan3A_117 = %scan3A_78 to %scan3A_80 step %scan3A_81  : i32 {
      %mul3A_118 = arith.constant 2 : i32
      %mul3A_119 = arith.muli %scan3A_117, %mul3A_118 : i32
      %add3A_120 = arith.constant 1 : i32
      %add3A_121 = arith.addi %mul3A_119, %add3A_120 : i32
      %dma_start3A_122 = arith.constant 0 : i32
      %dma_start3A_123 = arith.constant 0 : i32
      %dma_start3A_124 = arith.constant 0 : i32
      %dma_start3A_125 = tpu.memref_slice %arg8[%dma_start3A_122, %dma_start3A_123, %dma_start3A_124] : memref<2x80x128xf32, #tpu.memory_space<vmem>> -> memref<1x80x128xf32, #tpu.memory_space<vmem>>
      %dma_start3A_126 = tpu.memref_squeeze %dma_start3A_125 : memref<1x80x128xf32, #tpu.memory_space<vmem>> -> memref<80x128xf32, #tpu.memory_space<vmem>>
      %dma_start3A_127 = arith.constant 0 : i32
      %dma_start3A_128 = tpu.memref_slice %arg6[%mul3A_119, %dma_start3A_127] : memref<64x80xi32, #tpu.memory_space<vmem>> -> memref<1x80xi32, #tpu.memory_space<vmem>>
      %dma_start3A_129 = tpu.memref_squeeze %dma_start3A_128 : memref<1x80xi32, #tpu.memory_space<vmem>> -> memref<80xi32, #tpu.memory_space<vmem>>
      %dma_start3A_130 = arith.constant 0 : i32
      %dma_start3A_131 = arith.constant 0 : i32
      %dma_start3A_132 = tpu.memref_slice %arg2[%dma_start3A_130, %dma_start3A_131] : memref<10000x128xf32, #tpu.memory_space<hbm>> -> memref<10000x128xf32, #tpu.memory_space<hbm>>
      tpu.enqueue_indirect_dma source(%dma_start3A_132 : memref<10000x128xf32, #tpu.memory_space<hbm>>) target(%dma_start3A_126 : memref<80x128xf32, #tpu.memory_space<vmem>>) offsets(%dma_start3A_129 : memref<80xi32, #tpu.memory_space<vmem>>) semaphore(%arg11 : memref<!tpu.dma_semaphore, #tpu.memory_space<semaphore_mem>>)
      %dma_start3A_133 = arith.constant 1 : i32
      %dma_start3A_134 = arith.constant 0 : i32
      %dma_start3A_135 = arith.constant 0 : i32
      %dma_start3A_136 = tpu.memref_slice %arg8[%dma_start3A_133, %dma_start3A_134, %dma_start3A_135] : memref<2x80x128xf32, #tpu.memory_space<vmem>> -> memref<1x80x128xf32, #tpu.memory_space<vmem>>
      %dma_start3A_137 = tpu.memref_squeeze %dma_start3A_136 : memref<1x80x128xf32, #tpu.memory_space<vmem>> -> memref<80x128xf32, #tpu.memory_space<vmem>>
      %dma_start3A_138 = arith.constant 0 : i32
      %dma_start3A_139 = tpu.memref_slice %arg6[%add3A_121, %dma_start3A_138] : memref<64x80xi32, #tpu.memory_space<vmem>> -> memref<1x80xi32, #tpu.memory_space<vmem>>
      %dma_start3A_140 = tpu.memref_squeeze %dma_start3A_139 : memref<1x80xi32, #tpu.memory_space<vmem>> -> memref<80xi32, #tpu.memory_space<vmem>>
      %dma_start3A_141 = arith.constant 0 : i32
      %dma_start3A_142 = arith.constant 0 : i32
      %dma_start3A_143 = tpu.memref_slice %arg2[%dma_start3A_141, %dma_start3A_142] : memref<10000x128xf32, #tpu.memory_space<hbm>> -> memref<10000x128xf32, #tpu.memory_space<hbm>>
      tpu.enqueue_indirect_dma source(%dma_start3A_143 : memref<10000x128xf32, #tpu.memory_space<hbm>>) target(%dma_start3A_137 : memref<80x128xf32, #tpu.memory_space<vmem>>) offsets(%dma_start3A_140 : memref<80xi32, #tpu.memory_space<vmem>>) semaphore(%arg12 : memref<!tpu.dma_semaphore, #tpu.memory_space<semaphore_mem>>)
      %dma_wait3A_144 = arith.constant 0 : i32
      %dma_wait3A_145 = arith.constant 0 : i32
      %dma_wait3A_146 = arith.constant 0 : i32
      %dma_wait3A_147 = tpu.memref_slice %arg8[%dma_wait3A_144, %dma_wait3A_145, %dma_wait3A_146] : memref<2x80x128xf32, #tpu.memory_space<vmem>> -> memref<1x80x128xf32, #tpu.memory_space<vmem>>
      %dma_wait3A_148 = tpu.memref_squeeze %dma_wait3A_147 : memref<1x80x128xf32, #tpu.memory_space<vmem>> -> memref<80x128xf32, #tpu.memory_space<vmem>>
      %dma_wait3A_149 = arith.constant 0 : i32
      %dma_wait3A_150 = tpu.memref_slice %arg6[%mul3A_119, %dma_wait3A_149] : memref<64x80xi32, #tpu.memory_space<vmem>> -> memref<1x80xi32, #tpu.memory_space<vmem>>
      %dma_wait3A_151 = tpu.memref_squeeze %dma_wait3A_150 : memref<1x80xi32, #tpu.memory_space<vmem>> -> memref<80xi32, #tpu.memory_space<vmem>>
      %dma_wait3A_152 = arith.constant 0 : i32
      %dma_wait3A_153 = arith.constant 0 : i32
      %dma_wait3A_154 = tpu.memref_slice %arg2[%dma_wait3A_152, %dma_wait3A_153] : memref<10000x128xf32, #tpu.memory_space<hbm>> -> memref<10000x128xf32, #tpu.memory_space<hbm>>
      tpu.wait_indirect_dma semaphore(%arg11 : memref<!tpu.dma_semaphore, #tpu.memory_space<semaphore_mem>>) src(%dma_wait3A_154 : memref<10000x128xf32, #tpu.memory_space<hbm>>) dst(%dma_wait3A_148 : memref<80x128xf32, #tpu.memory_space<vmem>>)
      %dma_start3A_155 = arith.constant 0 : i32
      %dma_start3A_156 = arith.constant 0 : i32
      %dma_start3A_157 = arith.constant 0 : i32
      %dma_start3A_158 = tpu.memref_slice %arg8[%dma_start3A_155, %dma_start3A_156, %dma_start3A_157] : memref<2x80x128xf32, #tpu.memory_space<vmem>> -> memref<1x80x128xf32, #tpu.memory_space<vmem>>
      %dma_start3A_159 = tpu.memref_squeeze %dma_start3A_158 : memref<1x80x128xf32, #tpu.memory_space<vmem>> -> memref<80x128xf32, #tpu.memory_space<vmem>>
      %dma_start3A_160 = arith.constant 0 : i32
      %dma_start3A_161 = tpu.memref_slice %arg7[%mul3A_119, %dma_start3A_160] : memref<64x80xi32, #tpu.memory_space<vmem>> -> memref<1x80xi32, #tpu.memory_space<vmem>>
      %dma_start3A_162 = tpu.memref_squeeze %dma_start3A_161 : memref<1x80xi32, #tpu.memory_space<vmem>> -> memref<80xi32, #tpu.memory_space<vmem>>
      %dma_start3A_163 = arith.constant 0 : i32
      %dma_start3A_164 = arith.constant 0 : i32
      %dma_start3A_165 = tpu.memref_slice %arg10[%dma_start3A_163, %dma_start3A_164] : memref<10240x128xf32, #tpu.memory_space<vmem_shared>> -> memref<10240x128xf32, #tpu.memory_space<vmem_shared>>
      tpu.enqueue_indirect_dma source(%dma_start3A_159 : memref<80x128xf32, #tpu.memory_space<vmem>>) target(%dma_start3A_165 : memref<10240x128xf32, #tpu.memory_space<vmem_shared>>) offsets(%dma_start3A_162 : memref<80xi32, #tpu.memory_space<vmem>>) semaphore(%arg13 : memref<!tpu.dma_semaphore, #tpu.memory_space<semaphore_mem>>) {add = true}
      %dma_wait3A_166 = arith.constant 1 : i32
      %dma_wait3A_167 = arith.constant 0 : i32
      %dma_wait3A_168 = arith.constant 0 : i32
      %dma_wait3A_169 = tpu.memref_slice %arg8[%dma_wait3A_166, %dma_wait3A_167, %dma_wait3A_168] : memref<2x80x128xf32, #tpu.memory_space<vmem>> -> memref<1x80x128xf32, #tpu.memory_space<vmem>>
      %dma_wait3A_170 = tpu.memref_squeeze %dma_wait3A_169 : memref<1x80x128xf32, #tpu.memory_space<vmem>> -> memref<80x128xf32, #tpu.memory_space<vmem>>
      %dma_wait3A_171 = arith.constant 0 : i32
      %dma_wait3A_172 = tpu.memref_slice %arg6[%add3A_121, %dma_wait3A_171] : memref<64x80xi32, #tpu.memory_space<vmem>> -> memref<1x80xi32, #tpu.memory_space<vmem>>
      %dma_wait3A_173 = tpu.memref_squeeze %dma_wait3A_172 : memref<1x80xi32, #tpu.memory_space<vmem>> -> memref<80xi32, #tpu.memory_space<vmem>>
      %dma_wait3A_174 = arith.constant 0 : i32
      %dma_wait3A_175 = arith.constant 0 : i32
      %dma_wait3A_176 = tpu.memref_slice %arg2[%dma_wait3A_174, %dma_wait3A_175] : memref<10000x128xf32, #tpu.memory_space<hbm>> -> memref<10000x128xf32, #tpu.memory_space<hbm>>
      tpu.wait_indirect_dma semaphore(%arg12 : memref<!tpu.dma_semaphore, #tpu.memory_space<semaphore_mem>>) src(%dma_wait3A_176 : memref<10000x128xf32, #tpu.memory_space<hbm>>) dst(%dma_wait3A_170 : memref<80x128xf32, #tpu.memory_space<vmem>>)
      %dma_start3A_177 = arith.constant 1 : i32
      %dma_start3A_178 = arith.constant 0 : i32
      %dma_start3A_179 = arith.constant 0 : i32
      %dma_start3A_180 = tpu.memref_slice %arg8[%dma_start3A_177, %dma_start3A_178, %dma_start3A_179] : memref<2x80x128xf32, #tpu.memory_space<vmem>> -> memref<1x80x128xf32, #tpu.memory_space<vmem>>
      %dma_start3A_181 = tpu.memref_squeeze %dma_start3A_180 : memref<1x80x128xf32, #tpu.memory_space<vmem>> -> memref<80x128xf32, #tpu.memory_space<vmem>>
      %dma_start3A_182 = arith.constant 0 : i32
      %dma_start3A_183 = tpu.memref_slice %arg7[%add3A_121, %dma_start3A_182] : memref<64x80xi32, #tpu.memory_space<vmem>> -> memref<1x80xi32, #tpu.memory_space<vmem>>
      %dma_start3A_184 = tpu.memref_squeeze %dma_start3A_183 : memref<1x80xi32, #tpu.memory_space<vmem>> -> memref<80xi32, #tpu.memory_space<vmem>>
      %dma_start3A_185 = arith.constant 0 : i32
      %dma_start3A_186 = arith.constant 0 : i32
      %dma_start3A_187 = tpu.memref_slice %arg10[%dma_start3A_185, %dma_start3A_186] : memref<10240x128xf32, #tpu.memory_space<vmem_shared>> -> memref<10240x128xf32, #tpu.memory_space<vmem_shared>>
      tpu.enqueue_indirect_dma source(%dma_start3A_181 : memref<80x128xf32, #tpu.memory_space<vmem>>) target(%dma_start3A_187 : memref<10240x128xf32, #tpu.memory_space<vmem_shared>>) offsets(%dma_start3A_184 : memref<80xi32, #tpu.memory_space<vmem>>) semaphore(%arg14 : memref<!tpu.dma_semaphore, #tpu.memory_space<semaphore_mem>>) {add = true}
      %dma_wait3A_188 = arith.constant 0 : i32
      %dma_wait3A_189 = arith.constant 0 : i32
      %dma_wait3A_190 = arith.constant 0 : i32
      %dma_wait3A_191 = tpu.memref_slice %arg8[%dma_wait3A_188, %dma_wait3A_189, %dma_wait3A_190] : memref<2x80x128xf32, #tpu.memory_space<vmem>> -> memref<1x80x128xf32, #tpu.memory_space<vmem>>
      %dma_wait3A_192 = tpu.memref_squeeze %dma_wait3A_191 : memref<1x80x128xf32, #tpu.memory_space<vmem>> -> memref<80x128xf32, #tpu.memory_space<vmem>>
      %dma_wait3A_193 = arith.constant 0 : i32
      %dma_wait3A_194 = tpu.memref_slice %arg7[%mul3A_119, %dma_wait3A_193] : memref<64x80xi32, #tpu.memory_space<vmem>> -> memref<1x80xi32, #tpu.memory_space<vmem>>
      %dma_wait3A_195 = tpu.memref_squeeze %dma_wait3A_194 : memref<1x80xi32, #tpu.memory_space<vmem>> -> memref<80xi32, #tpu.memory_space<vmem>>
      %dma_wait3A_196 = arith.constant 0 : i32
      %dma_wait3A_197 = arith.constant 0 : i32
      %dma_wait3A_198 = tpu.memref_slice %arg10[%dma_wait3A_196, %dma_wait3A_197] : memref<10240x128xf32, #tpu.memory_space<vmem_shared>> -> memref<10240x128xf32, #tpu.memory_space<vmem_shared>>
      tpu.wait_indirect_dma semaphore(%arg13 : memref<!tpu.dma_semaphore, #tpu.memory_space<semaphore_mem>>) src(%dma_wait3A_192 : memref<80x128xf32, #tpu.memory_space<vmem>>) dst(%dma_wait3A_198 : memref<10240x128xf32, #tpu.memory_space<vmem_shared>>)
      %dma_wait3A_199 = arith.constant 1 : i32
      %dma_wait3A_200 = arith.constant 0 : i32
      %dma_wait3A_201 = arith.constant 0 : i32
      %dma_wait3A_202 = tpu.memref_slice %arg8[%dma_wait3A_199, %dma_wait3A_200, %dma_wait3A_201] : memref<2x80x128xf32, #tpu.memory_space<vmem>> -> memref<1x80x128xf32, #tpu.memory_space<vmem>>
      %dma_wait3A_203 = tpu.memref_squeeze %dma_wait3A_202 : memref<1x80x128xf32, #tpu.memory_space<vmem>> -> memref<80x128xf32, #tpu.memory_space<vmem>>
      %dma_wait3A_204 = arith.constant 0 : i32
      %dma_wait3A_205 = tpu.memref_slice %arg7[%add3A_121, %dma_wait3A_204] : memref<64x80xi32, #tpu.memory_space<vmem>> -> memref<1x80xi32, #tpu.memory_space<vmem>>
      %dma_wait3A_206 = tpu.memref_squeeze %dma_wait3A_205 : memref<1x80xi32, #tpu.memory_space<vmem>> -> memref<80xi32, #tpu.memory_space<vmem>>
      %dma_wait3A_207 = arith.constant 0 : i32
      %dma_wait3A_208 = arith.constant 0 : i32
      %dma_wait3A_209 = tpu.memref_slice %arg10[%dma_wait3A_207, %dma_wait3A_208] : memref<10240x128xf32, #tpu.memory_space<vmem_shared>> -> memref<10240x128xf32, #tpu.memory_space<vmem_shared>>
      tpu.wait_indirect_dma semaphore(%arg14 : memref<!tpu.dma_semaphore, #tpu.memory_space<semaphore_mem>>) src(%dma_wait3A_203 : memref<80x128xf32, #tpu.memory_space<vmem>>) dst(%dma_wait3A_209 : memref<10240x128xf32, #tpu.memory_space<vmem_shared>>)
    }
    %scan3A_82 = arith.constant 28 : i32
    "tpu.region"() ({
      %run_scoped3A_117 = tpu.sem_alloc : memref<!tpu.dma_semaphore, #tpu.memory_space<semaphore_mem>>
      %dma_start3A_118 = arith.constant 0 : i32
      %dma_start3A_119 = arith.constant 0 : i32
      %dma_start3A_120 = tpu.memref_slice %arg6[%dma_start3A_118, %dma_start3A_119] : memref<64x80xi32, #tpu.memory_space<vmem>> -> memref<5x80xi32, #tpu.memory_space<vmem>>
      %dma_start3A_121 = arith.constant 120 : i32
      %dma_start3A_122 = arith.constant 0 : i32
      %dma_start3A_123 = tpu.memref_slice %arg3[%add3A, %dma_start3A_121, %dma_start3A_122] : memref<32x125x80xi32, #tpu.memory_space<hbm>> -> memref<1x5x80xi32, #tpu.memory_space<hbm>>
      %dma_start3A_124 = tpu.memref_squeeze %dma_start3A_123 : memref<1x5x80xi32, #tpu.memory_space<hbm>> -> memref<5x80xi32, #tpu.memory_space<hbm>>
      %dma_start3A_125 = arith.constant 0 : i32
      %dma_start3A_126 = arith.constant 0 : i32
      %dma_start3A_127 = tpu.memref_slice %arg6[%dma_start3A_125, %dma_start3A_126] : memref<64x80xi32, #tpu.memory_space<vmem>> -> memref<5x80xi32, #tpu.memory_space<vmem>>
      %dma_start3A_128 = arith.constant 120 : i32
      %dma_start3A_129 = arith.constant 0 : i32
      %dma_start3A_130 = tpu.memref_slice %arg3[%add3A, %dma_start3A_128, %dma_start3A_129] : memref<32x125x80xi32, #tpu.memory_space<hbm>> -> memref<1x5x80xi32, #tpu.memory_space<hbm>>
      %dma_start3A_131 = tpu.memref_squeeze %dma_start3A_130 : memref<1x5x80xi32, #tpu.memory_space<hbm>> -> memref<5x80xi32, #tpu.memory_space<hbm>>
      tpu.enqueue_dma source(%dma_start3A_131 : memref<5x80xi32, #tpu.memory_space<hbm>>) target(%dma_start3A_127 : memref<5x80xi32, #tpu.memory_space<vmem>>) target_semaphore(%run_scoped3A_117 : memref<!tpu.dma_semaphore, #tpu.memory_space<semaphore_mem>>)
      %dma_wait3A_132 = arith.constant 0 : i32
      %dma_wait3A_133 = arith.constant 0 : i32
      %dma_wait3A_134 = tpu.memref_slice %arg6[%dma_wait3A_132, %dma_wait3A_133] : memref<64x80xi32, #tpu.memory_space<vmem>> -> memref<5x80xi32, #tpu.memory_space<vmem>>
      %dma_wait3A_135 = arith.constant 120 : i32
      %dma_wait3A_136 = arith.constant 0 : i32
      %dma_wait3A_137 = tpu.memref_slice %arg3[%add3A, %dma_wait3A_135, %dma_wait3A_136] : memref<32x125x80xi32, #tpu.memory_space<hbm>> -> memref<1x5x80xi32, #tpu.memory_space<hbm>>
      %dma_wait3A_138 = tpu.memref_squeeze %dma_wait3A_137 : memref<1x5x80xi32, #tpu.memory_space<hbm>> -> memref<5x80xi32, #tpu.memory_space<hbm>>
      %dma_wait3A_139 = arith.constant 0 : i32
      %dma_wait3A_140 = arith.constant 0 : i32
      %dma_wait3A_141 = tpu.memref_slice %arg6[%dma_wait3A_139, %dma_wait3A_140] : memref<64x80xi32, #tpu.memory_space<vmem>> -> memref<5x80xi32, #tpu.memory_space<vmem>>
      %dma_wait3A_142 = arith.constant 120 : i32
      %dma_wait3A_143 = arith.constant 0 : i32
      %dma_wait3A_144 = tpu.memref_slice %arg3[%add3A, %dma_wait3A_142, %dma_wait3A_143] : memref<32x125x80xi32, #tpu.memory_space<hbm>> -> memref<1x5x80xi32, #tpu.memory_space<hbm>>
      %dma_wait3A_145 = tpu.memref_squeeze %dma_wait3A_144 : memref<1x5x80xi32, #tpu.memory_space<hbm>> -> memref<5x80xi32, #tpu.memory_space<hbm>>
      tpu.wait_dma2 semaphore(%run_scoped3A_117 : memref<!tpu.dma_semaphore, #tpu.memory_space<semaphore_mem>>) src(%dma_wait3A_145 : memref<5x80xi32, #tpu.memory_space<hbm>>) dst(%dma_wait3A_141 : memref<5x80xi32, #tpu.memory_space<vmem>>)
      tpu.yield
    }) : () -> ()
    "tpu.region"() ({
      %run_scoped3A_117 = tpu.sem_alloc : memref<!tpu.dma_semaphore, #tpu.memory_space<semaphore_mem>>
      %dma_start3A_118 = arith.constant 0 : i32
      %dma_start3A_119 = arith.constant 0 : i32
      %dma_start3A_120 = tpu.memref_slice %arg7[%dma_start3A_118, %dma_start3A_119] : memref<64x80xi32, #tpu.memory_space<vmem>> -> memref<5x80xi32, #tpu.memory_space<vmem>>
      %dma_start3A_121 = arith.constant 120 : i32
      %dma_start3A_122 = arith.constant 0 : i32
      %dma_start3A_123 = tpu.memref_slice %arg4[%add3A, %dma_start3A_121, %dma_start3A_122] : memref<32x125x80xi32, #tpu.memory_space<hbm>> -> memref<1x5x80xi32, #tpu.memory_space<hbm>>
      %dma_start3A_124 = tpu.memref_squeeze %dma_start3A_123 : memref<1x5x80xi32, #tpu.memory_space<hbm>> -> memref<5x80xi32, #tpu.memory_space<hbm>>
      %dma_start3A_125 = arith.constant 0 : i32
      %dma_start3A_126 = arith.constant 0 : i32
      %dma_start3A_127 = tpu.memref_slice %arg7[%dma_start3A_125, %dma_start3A_126] : memref<64x80xi32, #tpu.memory_space<vmem>> -> memref<5x80xi32, #tpu.memory_space<vmem>>
      %dma_start3A_128 = arith.constant 120 : i32
      %dma_start3A_129 = arith.constant 0 : i32
      %dma_start3A_130 = tpu.memref_slice %arg4[%add3A, %dma_start3A_128, %dma_start3A_129] : memref<32x125x80xi32, #tpu.memory_space<hbm>> -> memref<1x5x80xi32, #tpu.memory_space<hbm>>
      %dma_start3A_131 = tpu.memref_squeeze %dma_start3A_130 : memref<1x5x80xi32, #tpu.memory_space<hbm>> -> memref<5x80xi32, #tpu.memory_space<hbm>>
      tpu.enqueue_dma source(%dma_start3A_131 : memref<5x80xi32, #tpu.memory_space<hbm>>) target(%dma_start3A_127 : memref<5x80xi32, #tpu.memory_space<vmem>>) target_semaphore(%run_scoped3A_117 : memref<!tpu.dma_semaphore, #tpu.memory_space<semaphore_mem>>)
      %dma_wait3A_132 = arith.constant 0 : i32
      %dma_wait3A_133 = arith.constant 0 : i32
      %dma_wait3A_134 = tpu.memref_slice %arg7[%dma_wait3A_132, %dma_wait3A_133] : memref<64x80xi32, #tpu.memory_space<vmem>> -> memref<5x80xi32, #tpu.memory_space<vmem>>
      %dma_wait3A_135 = arith.constant 120 : i32
      %dma_wait3A_136 = arith.constant 0 : i32
      %dma_wait3A_137 = tpu.memref_slice %arg4[%add3A, %dma_wait3A_135, %dma_wait3A_136] : memref<32x125x80xi32, #tpu.memory_space<hbm>> -> memref<1x5x80xi32, #tpu.memory_space<hbm>>
      %dma_wait3A_138 = tpu.memref_squeeze %dma_wait3A_137 : memref<1x5x80xi32, #tpu.memory_space<hbm>> -> memref<5x80xi32, #tpu.memory_space<hbm>>
      %dma_wait3A_139 = arith.constant 0 : i32
      %dma_wait3A_140 = arith.constant 0 : i32
      %dma_wait3A_141 = tpu.memref_slice %arg7[%dma_wait3A_139, %dma_wait3A_140] : memref<64x80xi32, #tpu.memory_space<vmem>> -> memref<5x80xi32, #tpu.memory_space<vmem>>
      %dma_wait3A_142 = arith.constant 120 : i32
      %dma_wait3A_143 = arith.constant 0 : i32
      %dma_wait3A_144 = tpu.memref_slice %arg4[%add3A, %dma_wait3A_142, %dma_wait3A_143] : memref<32x125x80xi32, #tpu.memory_space<hbm>> -> memref<1x5x80xi32, #tpu.memory_space<hbm>>
      %dma_wait3A_145 = tpu.memref_squeeze %dma_wait3A_144 : memref<1x5x80xi32, #tpu.memory_space<hbm>> -> memref<5x80xi32, #tpu.memory_space<hbm>>
      tpu.wait_dma2 semaphore(%run_scoped3A_117 : memref<!tpu.dma_semaphore, #tpu.memory_space<semaphore_mem>>) src(%dma_wait3A_145 : memref<5x80xi32, #tpu.memory_space<hbm>>) dst(%dma_wait3A_141 : memref<5x80xi32, #tpu.memory_space<vmem>>)
      tpu.yield
    }) : () -> ()
    %scan3A_83 = arith.constant 0 : i32
    %scan3A_84 = arith.constant 0 : i32
    %scan3A_85 = arith.constant 2 : i32
    %scan3A_86 = arith.addi %scan3A_84, %scan3A_85 : i32
    %scan3A_87 = arith.constant 1 : i32
    scf.for %scan3A_117 = %scan3A_84 to %scan3A_86 step %scan3A_87  : i32 {
      %mul3A_118 = arith.constant 2 : i32
      %mul3A_119 = arith.muli %scan3A_117, %mul3A_118 : i32
      %add3A_120 = arith.constant 1 : i32
      %add3A_121 = arith.addi %mul3A_119, %add3A_120 : i32
      %dma_start3A_122 = arith.constant 0 : i32
      %dma_start3A_123 = arith.constant 0 : i32
      %dma_start3A_124 = arith.constant 0 : i32
      %dma_start3A_125 = tpu.memref_slice %arg8[%dma_start3A_122, %dma_start3A_123, %dma_start3A_124] : memref<2x80x128xf32, #tpu.memory_space<vmem>> -> memref<1x80x128xf32, #tpu.memory_space<vmem>>
      %dma_start3A_126 = tpu.memref_squeeze %dma_start3A_125 : memref<1x80x128xf32, #tpu.memory_space<vmem>> -> memref<80x128xf32, #tpu.memory_space<vmem>>
      %dma_start3A_127 = arith.constant 0 : i32
      %dma_start3A_128 = tpu.memref_slice %arg6[%mul3A_119, %dma_start3A_127] : memref<64x80xi32, #tpu.memory_space<vmem>> -> memref<1x80xi32, #tpu.memory_space<vmem>>
      %dma_start3A_129 = tpu.memref_squeeze %dma_start3A_128 : memref<1x80xi32, #tpu.memory_space<vmem>> -> memref<80xi32, #tpu.memory_space<vmem>>
      %dma_start3A_130 = arith.constant 0 : i32
      %dma_start3A_131 = arith.constant 0 : i32
      %dma_start3A_132 = tpu.memref_slice %arg2[%dma_start3A_130, %dma_start3A_131] : memref<10000x128xf32, #tpu.memory_space<hbm>> -> memref<10000x128xf32, #tpu.memory_space<hbm>>
      tpu.enqueue_indirect_dma source(%dma_start3A_132 : memref<10000x128xf32, #tpu.memory_space<hbm>>) target(%dma_start3A_126 : memref<80x128xf32, #tpu.memory_space<vmem>>) offsets(%dma_start3A_129 : memref<80xi32, #tpu.memory_space<vmem>>) semaphore(%arg11 : memref<!tpu.dma_semaphore, #tpu.memory_space<semaphore_mem>>)
      %dma_start3A_133 = arith.constant 1 : i32
      %dma_start3A_134 = arith.constant 0 : i32
      %dma_start3A_135 = arith.constant 0 : i32
      %dma_start3A_136 = tpu.memref_slice %arg8[%dma_start3A_133, %dma_start3A_134, %dma_start3A_135] : memref<2x80x128xf32, #tpu.memory_space<vmem>> -> memref<1x80x128xf32, #tpu.memory_space<vmem>>
      %dma_start3A_137 = tpu.memref_squeeze %dma_start3A_136 : memref<1x80x128xf32, #tpu.memory_space<vmem>> -> memref<80x128xf32, #tpu.memory_space<vmem>>
      %dma_start3A_138 = arith.constant 0 : i32
      %dma_start3A_139 = tpu.memref_slice %arg6[%add3A_121, %dma_start3A_138] : memref<64x80xi32, #tpu.memory_space<vmem>> -> memref<1x80xi32, #tpu.memory_space<vmem>>
      %dma_start3A_140 = tpu.memref_squeeze %dma_start3A_139 : memref<1x80xi32, #tpu.memory_space<vmem>> -> memref<80xi32, #tpu.memory_space<vmem>>
      %dma_start3A_141 = arith.constant 0 : i32
      %dma_start3A_142 = arith.constant 0 : i32
      %dma_start3A_143 = tpu.memref_slice %arg2[%dma_start3A_141, %dma_start3A_142] : memref<10000x128xf32, #tpu.memory_space<hbm>> -> memref<10000x128xf32, #tpu.memory_space<hbm>>
      tpu.enqueue_indirect_dma source(%dma_start3A_143 : memref<10000x128xf32, #tpu.memory_space<hbm>>) target(%dma_start3A_137 : memref<80x128xf32, #tpu.memory_space<vmem>>) offsets(%dma_start3A_140 : memref<80xi32, #tpu.memory_space<vmem>>) semaphore(%arg12 : memref<!tpu.dma_semaphore, #tpu.memory_space<semaphore_mem>>)
      %dma_wait3A_144 = arith.constant 0 : i32
      %dma_wait3A_145 = arith.constant 0 : i32
      %dma_wait3A_146 = arith.constant 0 : i32
      %dma_wait3A_147 = tpu.memref_slice %arg8[%dma_wait3A_144, %dma_wait3A_145, %dma_wait3A_146] : memref<2x80x128xf32, #tpu.memory_space<vmem>> -> memref<1x80x128xf32, #tpu.memory_space<vmem>>
      %dma_wait3A_148 = tpu.memref_squeeze %dma_wait3A_147 : memref<1x80x128xf32, #tpu.memory_space<vmem>> -> memref<80x128xf32, #tpu.memory_space<vmem>>
      %dma_wait3A_149 = arith.constant 0 : i32
      %dma_wait3A_150 = tpu.memref_slice %arg6[%mul3A_119, %dma_wait3A_149] : memref<64x80xi32, #tpu.memory_space<vmem>> -> memref<1x80xi32, #tpu.memory_space<vmem>>
      %dma_wait3A_151 = tpu.memref_squeeze %dma_wait3A_150 : memref<1x80xi32, #tpu.memory_space<vmem>> -> memref<80xi32, #tpu.memory_space<vmem>>
      %dma_wait3A_152 = arith.constant 0 : i32
      %dma_wait3A_153 = arith.constant 0 : i32
      %dma_wait3A_154 = tpu.memref_slice %arg2[%dma_wait3A_152, %dma_wait3A_153] : memref<10000x128xf32, #tpu.memory_space<hbm>> -> memref<10000x128xf32, #tpu.memory_space<hbm>>
      tpu.wait_indirect_dma semaphore(%arg11 : memref<!tpu.dma_semaphore, #tpu.memory_space<semaphore_mem>>) src(%dma_wait3A_154 : memref<10000x128xf32, #tpu.memory_space<hbm>>) dst(%dma_wait3A_148 : memref<80x128xf32, #tpu.memory_space<vmem>>)
      %dma_start3A_155 = arith.constant 0 : i32
      %dma_start3A_156 = arith.constant 0 : i32
      %dma_start3A_157 = arith.constant 0 : i32
      %dma_start3A_158 = tpu.memref_slice %arg8[%dma_start3A_155, %dma_start3A_156, %dma_start3A_157] : memref<2x80x128xf32, #tpu.memory_space<vmem>> -> memref<1x80x128xf32, #tpu.memory_space<vmem>>
      %dma_start3A_159 = tpu.memref_squeeze %dma_start3A_158 : memref<1x80x128xf32, #tpu.memory_space<vmem>> -> memref<80x128xf32, #tpu.memory_space<vmem>>
      %dma_start3A_160 = arith.constant 0 : i32
      %dma_start3A_161 = tpu.memref_slice %arg7[%mul3A_119, %dma_start3A_160] : memref<64x80xi32, #tpu.memory_space<vmem>> -> memref<1x80xi32, #tpu.memory_space<vmem>>
      %dma_start3A_162 = tpu.memref_squeeze %dma_start3A_161 : memref<1x80xi32, #tpu.memory_space<vmem>> -> memref<80xi32, #tpu.memory_space<vmem>>
      %dma_start3A_163 = arith.constant 0 : i32
      %dma_start3A_164 = arith.constant 0 : i32
      %dma_start3A_165 = tpu.memref_slice %arg10[%dma_start3A_163, %dma_start3A_164] : memref<10240x128xf32, #tpu.memory_space<vmem_shared>> -> memref<10240x128xf32, #tpu.memory_space<vmem_shared>>
      tpu.enqueue_indirect_dma source(%dma_start3A_159 : memref<80x128xf32, #tpu.memory_space<vmem>>) target(%dma_start3A_165 : memref<10240x128xf32, #tpu.memory_space<vmem_shared>>) offsets(%dma_start3A_162 : memref<80xi32, #tpu.memory_space<vmem>>) semaphore(%arg13 : memref<!tpu.dma_semaphore, #tpu.memory_space<semaphore_mem>>) {add = true}
      %dma_wait3A_166 = arith.constant 1 : i32
      %dma_wait3A_167 = arith.constant 0 : i32
      %dma_wait3A_168 = arith.constant 0 : i32
      %dma_wait3A_169 = tpu.memref_slice %arg8[%dma_wait3A_166, %dma_wait3A_167, %dma_wait3A_168] : memref<2x80x128xf32, #tpu.memory_space<vmem>> -> memref<1x80x128xf32, #tpu.memory_space<vmem>>
      %dma_wait3A_170 = tpu.memref_squeeze %dma_wait3A_169 : memref<1x80x128xf32, #tpu.memory_space<vmem>> -> memref<80x128xf32, #tpu.memory_space<vmem>>
      %dma_wait3A_171 = arith.constant 0 : i32
      %dma_wait3A_172 = tpu.memref_slice %arg6[%add3A_121, %dma_wait3A_171] : memref<64x80xi32, #tpu.memory_space<vmem>> -> memref<1x80xi32, #tpu.memory_space<vmem>>
      %dma_wait3A_173 = tpu.memref_squeeze %dma_wait3A_172 : memref<1x80xi32, #tpu.memory_space<vmem>> -> memref<80xi32, #tpu.memory_space<vmem>>
      %dma_wait3A_174 = arith.constant 0 : i32
      %dma_wait3A_175 = arith.constant 0 : i32
      %dma_wait3A_176 = tpu.memref_slice %arg2[%dma_wait3A_174, %dma_wait3A_175] : memref<10000x128xf32, #tpu.memory_space<hbm>> -> memref<10000x128xf32, #tpu.memory_space<hbm>>
      tpu.wait_indirect_dma semaphore(%arg12 : memref<!tpu.dma_semaphore, #tpu.memory_space<semaphore_mem>>) src(%dma_wait3A_176 : memref<10000x128xf32, #tpu.memory_space<hbm>>) dst(%dma_wait3A_170 : memref<80x128xf32, #tpu.memory_space<vmem>>)
      %dma_start3A_177 = arith.constant 1 : i32
      %dma_start3A_178 = arith.constant 0 : i32
      %dma_start3A_179 = arith.constant 0 : i32
      %dma_start3A_180 = tpu.memref_slice %arg8[%dma_start3A_177, %dma_start3A_178, %dma_start3A_179] : memref<2x80x128xf32, #tpu.memory_space<vmem>> -> memref<1x80x128xf32, #tpu.memory_space<vmem>>
      %dma_start3A_181 = tpu.memref_squeeze %dma_start3A_180 : memref<1x80x128xf32, #tpu.memory_space<vmem>> -> memref<80x128xf32, #tpu.memory_space<vmem>>
      %dma_start3A_182 = arith.constant 0 : i32
      %dma_start3A_183 = tpu.memref_slice %arg7[%add3A_121, %dma_start3A_182] : memref<64x80xi32, #tpu.memory_space<vmem>> -> memref<1x80xi32, #tpu.memory_space<vmem>>
      %dma_start3A_184 = tpu.memref_squeeze %dma_start3A_183 : memref<1x80xi32, #tpu.memory_space<vmem>> -> memref<80xi32, #tpu.memory_space<vmem>>
      %dma_start3A_185 = arith.constant 0 : i32
      %dma_start3A_186 = arith.constant 0 : i32
      %dma_start3A_187 = tpu.memref_slice %arg10[%dma_start3A_185, %dma_start3A_186] : memref<10240x128xf32, #tpu.memory_space<vmem_shared>> -> memref<10240x128xf32, #tpu.memory_space<vmem_shared>>
      tpu.enqueue_indirect_dma source(%dma_start3A_181 : memref<80x128xf32, #tpu.memory_space<vmem>>) target(%dma_start3A_187 : memref<10240x128xf32, #tpu.memory_space<vmem_shared>>) offsets(%dma_start3A_184 : memref<80xi32, #tpu.memory_space<vmem>>) semaphore(%arg14 : memref<!tpu.dma_semaphore, #tpu.memory_space<semaphore_mem>>) {add = true}
      %dma_wait3A_188 = arith.constant 0 : i32
      %dma_wait3A_189 = arith.constant 0 : i32
      %dma_wait3A_190 = arith.constant 0 : i32
      %dma_wait3A_191 = tpu.memref_slice %arg8[%dma_wait3A_188, %dma_wait3A_189, %dma_wait3A_190] : memref<2x80x128xf32, #tpu.memory_space<vmem>> -> memref<1x80x128xf32, #tpu.memory_space<vmem>>
      %dma_wait3A_192 = tpu.memref_squeeze %dma_wait3A_191 : memref<1x80x128xf32, #tpu.memory_space<vmem>> -> memref<80x128xf32, #tpu.memory_space<vmem>>
      %dma_wait3A_193 = arith.constant 0 : i32
      %dma_wait3A_194 = tpu.memref_slice %arg7[%mul3A_119, %dma_wait3A_193] : memref<64x80xi32, #tpu.memory_space<vmem>> -> memref<1x80xi32, #tpu.memory_space<vmem>>
      %dma_wait3A_195 = tpu.memref_squeeze %dma_wait3A_194 : memref<1x80xi32, #tpu.memory_space<vmem>> -> memref<80xi32, #tpu.memory_space<vmem>>
      %dma_wait3A_196 = arith.constant 0 : i32
      %dma_wait3A_197 = arith.constant 0 : i32
      %dma_wait3A_198 = tpu.memref_slice %arg10[%dma_wait3A_196, %dma_wait3A_197] : memref<10240x128xf32, #tpu.memory_space<vmem_shared>> -> memref<10240x128xf32, #tpu.memory_space<vmem_shared>>
      tpu.wait_indirect_dma semaphore(%arg13 : memref<!tpu.dma_semaphore, #tpu.memory_space<semaphore_mem>>) src(%dma_wait3A_192 : memref<80x128xf32, #tpu.memory_space<vmem>>) dst(%dma_wait3A_198 : memref<10240x128xf32, #tpu.memory_space<vmem_shared>>)
      %dma_wait3A_199 = arith.constant 1 : i32
      %dma_wait3A_200 = arith.constant 0 : i32
      %dma_wait3A_201 = arith.constant 0 : i32
      %dma_wait3A_202 = tpu.memref_slice %arg8[%dma_wait3A_199, %dma_wait3A_200, %dma_wait3A_201] : memref<2x80x128xf32, #tpu.memory_space<vmem>> -> memref<1x80x128xf32, #tpu.memory_space<vmem>>
      %dma_wait3A_203 = tpu.memref_squeeze %dma_wait3A_202 : memref<1x80x128xf32, #tpu.memory_space<vmem>> -> memref<80x128xf32, #tpu.memory_space<vmem>>
      %dma_wait3A_204 = arith.constant 0 : i32
      %dma_wait3A_205 = tpu.memref_slice %arg7[%add3A_121, %dma_wait3A_204] : memref<64x80xi32, #tpu.memory_space<vmem>> -> memref<1x80xi32, #tpu.memory_space<vmem>>
      %dma_wait3A_206 = tpu.memref_squeeze %dma_wait3A_205 : memref<1x80xi32, #tpu.memory_space<vmem>> -> memref<80xi32, #tpu.memory_space<vmem>>
      %dma_wait3A_207 = arith.constant 0 : i32
      %dma_wait3A_208 = arith.constant 0 : i32
      %dma_wait3A_209 = tpu.memref_slice %arg10[%dma_wait3A_207, %dma_wait3A_208] : memref<10240x128xf32, #tpu.memory_space<vmem_shared>> -> memref<10240x128xf32, #tpu.memory_space<vmem_shared>>
      tpu.wait_indirect_dma semaphore(%arg14 : memref<!tpu.dma_semaphore, #tpu.memory_space<semaphore_mem>>) src(%dma_wait3A_203 : memref<80x128xf32, #tpu.memory_space<vmem>>) dst(%dma_wait3A_209 : memref<10240x128xf32, #tpu.memory_space<vmem_shared>>)
    }
    %scan3A_88 = arith.constant 2 : i32
    %dma_start3A = arith.constant 4 : i32
    %dma_start3A_89 = arith.constant 0 : i32
    %dma_start3A_90 = arith.constant 0 : i32
    %dma_start3A_91 = arith.constant 0 : i32
    %dma_start3A_92 = tpu.memref_slice %arg8[%dma_start3A_89, %dma_start3A_90, %dma_start3A_91] : memref<2x80x128xf32, #tpu.memory_space<vmem>> -> memref<1x80x128xf32, #tpu.memory_space<vmem>>
    %dma_start3A_93 = tpu.memref_squeeze %dma_start3A_92 : memref<1x80x128xf32, #tpu.memory_space<vmem>> -> memref<80x128xf32, #tpu.memory_space<vmem>>
    %dma_start3A_94 = arith.constant 0 : i32
    %dma_start3A_95 = tpu.memref_slice %arg6[%dma_start3A, %dma_start3A_94] : memref<64x80xi32, #tpu.memory_space<vmem>> -> memref<1x80xi32, #tpu.memory_space<vmem>>
    %dma_start3A_96 = tpu.memref_squeeze %dma_start3A_95 : memref<1x80xi32, #tpu.memory_space<vmem>> -> memref<80xi32, #tpu.memory_space<vmem>>
    %dma_start3A_97 = arith.constant 0 : i32
    %dma_start3A_98 = arith.constant 0 : i32
    %dma_start3A_99 = tpu.memref_slice %arg2[%dma_start3A_97, %dma_start3A_98] : memref<10000x128xf32, #tpu.memory_space<hbm>> -> memref<10000x128xf32, #tpu.memory_space<hbm>>
    tpu.enqueue_indirect_dma source(%dma_start3A_99 : memref<10000x128xf32, #tpu.memory_space<hbm>>) target(%dma_start3A_93 : memref<80x128xf32, #tpu.memory_space<vmem>>) offsets(%dma_start3A_96 : memref<80xi32, #tpu.memory_space<vmem>>) semaphore(%arg11 : memref<!tpu.dma_semaphore, #tpu.memory_space<semaphore_mem>>)
    %dma_wait3A = arith.constant 4 : i32
    %dma_wait3A_100 = arith.constant 0 : i32
    %dma_wait3A_101 = arith.constant 0 : i32
    %dma_wait3A_102 = arith.constant 0 : i32
    %dma_wait3A_103 = tpu.memref_slice %arg8[%dma_wait3A_100, %dma_wait3A_101, %dma_wait3A_102] : memref<2x80x128xf32, #tpu.memory_space<vmem>> -> memref<1x80x128xf32, #tpu.memory_space<vmem>>
    %dma_wait3A_104 = tpu.memref_squeeze %dma_wait3A_103 : memref<1x80x128xf32, #tpu.memory_space<vmem>> -> memref<80x128xf32, #tpu.memory_space<vmem>>
    %dma_wait3A_105 = arith.constant 0 : i32
    %dma_wait3A_106 = tpu.memref_slice %arg6[%dma_wait3A, %dma_wait3A_105] : memref<64x80xi32, #tpu.memory_space<vmem>> -> memref<1x80xi32, #tpu.memory_space<vmem>>
    %dma_wait3A_107 = tpu.memref_squeeze %dma_wait3A_106 : memref<1x80xi32, #tpu.memory_space<vmem>> -> memref<80xi32, #tpu.memory_space<vmem>>
    %dma_wait3A_108 = arith.constant 0 : i32
    %dma_wait3A_109 = arith.constant 0 : i32
    %dma_wait3A_110 = tpu.memref_slice %arg2[%dma_wait3A_108, %dma_wait3A_109] : memref<10000x128xf32, #tpu.memory_space<hbm>> -> memref<10000x128xf32, #tpu.memory_space<hbm>>
    tpu.wait_indirect_dma semaphore(%arg11 : memref<!tpu.dma_semaphore, #tpu.memory_space<semaphore_mem>>) src(%dma_wait3A_110 : memref<10000x128xf32, #tpu.memory_space<hbm>>) dst(%dma_wait3A_104 : memref<80x128xf32, #tpu.memory_space<vmem>>)
    %run_scoped3A = arith.constant 0 : i32
    %run_scoped3A_111 = arith.constant 4 : i32
    "tpu.region"() ({
      %run_scoped3A_117 = tpu.sem_alloc : memref<!tpu.dma_semaphore, #tpu.memory_space<semaphore_mem>>
      %dma_start3A_118 = arith.constant 0 : i32
      %dma_start3A_119 = arith.constant 0 : i32
      %dma_start3A_120 = tpu.memref_slice %arg8[%run_scoped3A, %dma_start3A_118, %dma_start3A_119] : memref<2x80x128xf32, #tpu.memory_space<vmem>> -> memref<1x80x128xf32, #tpu.memory_space<vmem>>
      %dma_start3A_121 = tpu.memref_squeeze %dma_start3A_120 : memref<1x80x128xf32, #tpu.memory_space<vmem>> -> memref<80x128xf32, #tpu.memory_space<vmem>>
      %dma_start3A_122 = arith.constant 0 : i32
      %dma_start3A_123 = tpu.memref_slice %arg7[%run_scoped3A_111, %dma_start3A_122] : memref<64x80xi32, #tpu.memory_space<vmem>> -> memref<1x80xi32, #tpu.memory_space<vmem>>
      %dma_start3A_124 = tpu.memref_squeeze %dma_start3A_123 : memref<1x80xi32, #tpu.memory_space<vmem>> -> memref<80xi32, #tpu.memory_space<vmem>>
      %dma_start3A_125 = arith.constant 0 : i32
      %dma_start3A_126 = arith.constant 0 : i32
      %dma_start3A_127 = tpu.memref_slice %arg10[%dma_start3A_125, %dma_start3A_126] : memref<10240x128xf32, #tpu.memory_space<vmem_shared>> -> memref<10240x128xf32, #tpu.memory_space<vmem_shared>>
      tpu.enqueue_indirect_dma source(%dma_start3A_121 : memref<80x128xf32, #tpu.memory_space<vmem>>) target(%dma_start3A_127 : memref<10240x128xf32, #tpu.memory_space<vmem_shared>>) offsets(%dma_start3A_124 : memref<80xi32, #tpu.memory_space<vmem>>) semaphore(%run_scoped3A_117 : memref<!tpu.dma_semaphore, #tpu.memory_space<semaphore_mem>>) {add = true}
      %dma_wait3A_128 = arith.constant 0 : i32
      %dma_wait3A_129 = arith.constant 0 : i32
      %dma_wait3A_130 = tpu.memref_slice %arg8[%run_scoped3A, %dma_wait3A_128, %dma_wait3A_129] : memref<2x80x128xf32, #tpu.memory_space<vmem>> -> memref<1x80x128xf32, #tpu.memory_space<vmem>>
      %dma_wait3A_131 = tpu.memref_squeeze %dma_wait3A_130 : memref<1x80x128xf32, #tpu.memory_space<vmem>> -> memref<80x128xf32, #tpu.memory_space<vmem>>
      %dma_wait3A_132 = arith.constant 0 : i32
      %dma_wait3A_133 = tpu.memref_slice %arg7[%run_scoped3A_111, %dma_wait3A_132] : memref<64x80xi32, #tpu.memory_space<vmem>> -> memref<1x80xi32, #tpu.memory_space<vmem>>
      %dma_wait3A_134 = tpu.memref_squeeze %dma_wait3A_133 : memref<1x80xi32, #tpu.memory_space<vmem>> -> memref<80xi32, #tpu.memory_space<vmem>>
      %dma_wait3A_135 = arith.constant 0 : i32
      %dma_wait3A_136 = arith.constant 0 : i32
      %dma_wait3A_137 = tpu.memref_slice %arg10[%dma_wait3A_135, %dma_wait3A_136] : memref<10240x128xf32, #tpu.memory_space<vmem_shared>> -> memref<10240x128xf32, #tpu.memory_space<vmem_shared>>
      tpu.wait_indirect_dma semaphore(%run_scoped3A_117 : memref<!tpu.dma_semaphore, #tpu.memory_space<semaphore_mem>>) src(%dma_wait3A_131 : memref<80x128xf32, #tpu.memory_space<vmem>>) dst(%dma_wait3A_137 : memref<10240x128xf32, #tpu.memory_space<vmem_shared>>)
      tpu.yield
    }) : () -> ()
    %barrier3A_112 = arith.constant 0 : index
    tpu.barrier barrier_id(%barrier3A_112)
    %mul3A_113 = arith.constant 640 : i32
    %mul3A_114 = arith.muli %arg1, %mul3A_113 : i32
    %mul3A_115 = arith.constant 640 : i32
    %mul3A_116 = arith.muli %arg1, %mul3A_115 : i32
    "tpu.region"() ({
      %run_scoped3A_117 = tpu.sem_alloc : memref<!tpu.dma_semaphore, #tpu.memory_space<semaphore_mem>>
      %dma_start3A_118 = arith.constant 0 : i32
      %dma_start3A_119 = tpu.memref_slice %arg5[%arg0, %mul3A_116, %dma_start3A_118] : memref<2x10240x128xf32, #tpu.memory_space<hbm>> -> memref<1x640x128xf32, #tpu.memory_space<hbm>>
      %dma_start3A_120 = tpu.memref_squeeze %dma_start3A_119 : memref<1x640x128xf32, #tpu.memory_space<hbm>> -> memref<640x128xf32, #tpu.memory_space<hbm>>
      %dma_start3A_121 = arith.constant 0 : i32
      %dma_start3A_122 = tpu.memref_slice %arg10[%mul3A_114, %dma_start3A_121] : memref<10240x128xf32, #tpu.memory_space<vmem_shared>> -> memref<640x128xf32, #tpu.memory_space<vmem_shared>>
      tpu.enqueue_dma source(%dma_start3A_122 : memref<640x128xf32, #tpu.memory_space<vmem_shared>>) target(%dma_start3A_120 : memref<640x128xf32, #tpu.memory_space<hbm>>) target_semaphore(%run_scoped3A_117 : memref<!tpu.dma_semaphore, #tpu.memory_space<semaphore_mem>>)
      %dma_wait3A_123 = arith.constant 0 : i32
      %dma_wait3A_124 = tpu.memref_slice %arg5[%arg0, %mul3A_116, %dma_wait3A_123] : memref<2x10240x128xf32, #tpu.memory_space<hbm>> -> memref<1x640x128xf32, #tpu.memory_space<hbm>>
      %dma_wait3A_125 = tpu.memref_squeeze %dma_wait3A_124 : memref<1x640x128xf32, #tpu.memory_space<hbm>> -> memref<640x128xf32, #tpu.memory_space<hbm>>
      %dma_wait3A_126 = arith.constant 0 : i32
      %dma_wait3A_127 = tpu.memref_slice %arg10[%mul3A_114, %dma_wait3A_126] : memref<10240x128xf32, #tpu.memory_space<vmem_shared>> -> memref<640x128xf32, #tpu.memory_space<vmem_shared>>
      tpu.wait_dma2 semaphore(%run_scoped3A_117 : memref<!tpu.dma_semaphore, #tpu.memory_space<semaphore_mem>>) src(%dma_wait3A_127 : memref<640x128xf32, #tpu.memory_space<vmem_shared>>) dst(%dma_wait3A_125 : memref<640x128xf32, #tpu.memory_space<hbm>>)
      tpu.yield
    }) : () -> ()
    return
  }
}

#map = affine_map<(d0, d1) -> (0, 0, 0)>
module attributes {stable_mosaic.version = 14 : i64} {
  func.func @_deg_body(%arg0: i32, %arg1: i32, %arg2: memref<32x125x80xi32, #tpu.memory_space<hbm>>, %arg3: memref<2x10240x128xf32, #tpu.memory_space<hbm>>, %arg4: memref<125x80xi32, #tpu.memory_space<vmem>>, %arg5: memref<80x128xf32, #tpu.memory_space<vmem>>, %arg6: memref<40x128xf32, #tpu.memory_space<vmem>>, %arg7: memref<10240x128xf32, #tpu.memory_space<vmem_shared>>, %arg8: memref<!tpu.dma_semaphore, #tpu.memory_space<semaphore_mem>>) attributes {dimension_semantics = [#tpu.dimension_semantics<core_parallel>, #tpu.dimension_semantics<subcore_parallel>], iteration_bounds = array<i64: 2, 16>, scalar_prefetch = 0 : i64, scratch_operands = 5 : i64, tpu.core_type = #tpu.core_type<sc_vector_subcore>, window_params = [{transform_indices = #map}, {transform_indices = #map}]} {
    %mul3A = arith.constant 16 : i32
    %mul3A_0 = arith.muli %arg0, %mul3A : i32
    %add3A = arith.addi %mul3A_0, %arg1 : i32
    "tpu.region"() ({
      %run_scoped3A = tpu.sem_alloc : memref<!tpu.dma_semaphore, #tpu.memory_space<semaphore_mem>>
      %dma_start3A = arith.constant 0 : i32
      %dma_start3A_90 = arith.constant 0 : i32
      %dma_start3A_91 = tpu.memref_slice %arg2[%add3A, %dma_start3A, %dma_start3A_90] : memref<32x125x80xi32, #tpu.memory_space<hbm>> -> memref<1x125x80xi32, #tpu.memory_space<hbm>>
      %dma_start3A_92 = tpu.memref_squeeze %dma_start3A_91 : memref<1x125x80xi32, #tpu.memory_space<hbm>> -> memref<125x80xi32, #tpu.memory_space<hbm>>
      %dma_start3A_93 = arith.constant 0 : i32
      %dma_start3A_94 = arith.constant 0 : i32
      %dma_start3A_95 = tpu.memref_slice %arg2[%add3A, %dma_start3A_93, %dma_start3A_94] : memref<32x125x80xi32, #tpu.memory_space<hbm>> -> memref<1x125x80xi32, #tpu.memory_space<hbm>>
      %dma_start3A_96 = tpu.memref_squeeze %dma_start3A_95 : memref<1x125x80xi32, #tpu.memory_space<hbm>> -> memref<125x80xi32, #tpu.memory_space<hbm>>
      tpu.enqueue_dma source(%dma_start3A_96 : memref<125x80xi32, #tpu.memory_space<hbm>>) target(%arg4 : memref<125x80xi32, #tpu.memory_space<vmem>>) target_semaphore(%run_scoped3A : memref<!tpu.dma_semaphore, #tpu.memory_space<semaphore_mem>>)
      %dma_wait3A = arith.constant 0 : i32
      %dma_wait3A_97 = arith.constant 0 : i32
      %dma_wait3A_98 = tpu.memref_slice %arg2[%add3A, %dma_wait3A, %dma_wait3A_97] : memref<32x125x80xi32, #tpu.memory_space<hbm>> -> memref<1x125x80xi32, #tpu.memory_space<hbm>>
      %dma_wait3A_99 = tpu.memref_squeeze %dma_wait3A_98 : memref<1x125x80xi32, #tpu.memory_space<hbm>> -> memref<125x80xi32, #tpu.memory_space<hbm>>
      %dma_wait3A_100 = arith.constant 0 : i32
      %dma_wait3A_101 = arith.constant 0 : i32
      %dma_wait3A_102 = tpu.memref_slice %arg2[%add3A, %dma_wait3A_100, %dma_wait3A_101] : memref<32x125x80xi32, #tpu.memory_space<hbm>> -> memref<1x125x80xi32, #tpu.memory_space<hbm>>
      %dma_wait3A_103 = tpu.memref_squeeze %dma_wait3A_102 : memref<1x125x80xi32, #tpu.memory_space<hbm>> -> memref<125x80xi32, #tpu.memory_space<hbm>>
      tpu.wait_dma2 semaphore(%run_scoped3A : memref<!tpu.dma_semaphore, #tpu.memory_space<semaphore_mem>>) src(%dma_wait3A_103 : memref<125x80xi32, #tpu.memory_space<hbm>>) dst(%arg4 : memref<125x80xi32, #tpu.memory_space<vmem>>)
      tpu.yield
    }) : () -> ()
    %broadcast_in_dim3A = arith.constant 1.000000e+00 : f32
    %broadcast_in_dim3A_1 = vector.broadcast %broadcast_in_dim3A : f32 to vector<16xf32>
    %scan3A = arith.constant 0 : i32
    %scan3A_2 = arith.constant 0 : i32
    %scan3A_3 = arith.constant 80 : i32
    %scan3A_4 = arith.addi %scan3A_2, %scan3A_3 : i32
    %scan3A_5 = arith.constant 1 : i32
    scf.for %scan3A_90 = %scan3A_2 to %scan3A_4 step %scan3A_5  : i32 {
      %swap3A = arith.index_cast %scan3A_90 : i32 to index
      %swap3A_91 = arith.constant 0 : index
      %swap3A_92 = tpu.vector_load %arg5[%swap3A, %swap3A_91] {strides = array<i32>} : memref<80x128xf32, #tpu.memory_space<vmem>>, vector<1x16xf32>,
      %swap3A_93 = vector.shape_cast %swap3A_92 : vector<1x16xf32> to vector<16xf32>
      %swap3A_94 = vector.shape_cast %broadcast_in_dim3A_1 : vector<16xf32> to vector<1x16xf32>
      tpu.vector_store %arg5[%swap3A, %swap3A_91], %swap3A_94 {strides = array<i32>} : memref<80x128xf32, #tpu.memory_space<vmem>>, vector<1x16xf32>,
      %swap3A_95 = arith.index_cast %scan3A_90 : i32 to index
      %swap3A_96 = arith.constant 16 : index
      %swap3A_97 = tpu.vector_load %arg5[%swap3A_95, %swap3A_96] {strides = array<i32>} : memref<80x128xf32, #tpu.memory_space<vmem>>, vector<1x16xf32>,
      %swap3A_98 = vector.shape_cast %swap3A_97 : vector<1x16xf32> to vector<16xf32>
      %swap3A_99 = vector.shape_cast %broadcast_in_dim3A_1 : vector<16xf32> to vector<1x16xf32>
      tpu.vector_store %arg5[%swap3A_95, %swap3A_96], %swap3A_99 {strides = array<i32>} : memref<80x128xf32, #tpu.memory_space<vmem>>, vector<1x16xf32>,
      %swap3A_100 = arith.index_cast %scan3A_90 : i32 to index
      %swap3A_101 = arith.constant 32 : index
      %swap3A_102 = tpu.vector_load %arg5[%swap3A_100, %swap3A_101] {strides = array<i32>} : memref<80x128xf32, #tpu.memory_space<vmem>>, vector<1x16xf32>,
      %swap3A_103 = vector.shape_cast %swap3A_102 : vector<1x16xf32> to vector<16xf32>
      %swap3A_104 = vector.shape_cast %broadcast_in_dim3A_1 : vector<16xf32> to vector<1x16xf32>
      tpu.vector_store %arg5[%swap3A_100, %swap3A_101], %swap3A_104 {strides = array<i32>} : memref<80x128xf32, #tpu.memory_space<vmem>>, vector<1x16xf32>,
      %swap3A_105 = arith.index_cast %scan3A_90 : i32 to index
      %swap3A_106 = arith.constant 48 : index
      %swap3A_107 = tpu.vector_load %arg5[%swap3A_105, %swap3A_106] {strides = array<i32>} : memref<80x128xf32, #tpu.memory_space<vmem>>, vector<1x16xf32>,
      %swap3A_108 = vector.shape_cast %swap3A_107 : vector<1x16xf32> to vector<16xf32>
      %swap3A_109 = vector.shape_cast %broadcast_in_dim3A_1 : vector<16xf32> to vector<1x16xf32>
      tpu.vector_store %arg5[%swap3A_105, %swap3A_106], %swap3A_109 {strides = array<i32>} : memref<80x128xf32, #tpu.memory_space<vmem>>, vector<1x16xf32>,
      %swap3A_110 = arith.index_cast %scan3A_90 : i32 to index
      %swap3A_111 = arith.constant 64 : index
      %swap3A_112 = tpu.vector_load %arg5[%swap3A_110, %swap3A_111] {strides = array<i32>} : memref<80x128xf32, #tpu.memory_space<vmem>>, vector<1x16xf32>,
      %swap3A_113 = vector.shape_cast %swap3A_112 : vector<1x16xf32> to vector<16xf32>
      %swap3A_114 = vector.shape_cast %broadcast_in_dim3A_1 : vector<16xf32> to vector<1x16xf32>
      tpu.vector_store %arg5[%swap3A_110, %swap3A_111], %swap3A_114 {strides = array<i32>} : memref<80x128xf32, #tpu.memory_space<vmem>>, vector<1x16xf32>,
      %swap3A_115 = arith.index_cast %scan3A_90 : i32 to index
      %swap3A_116 = arith.constant 80 : index
      %swap3A_117 = tpu.vector_load %arg5[%swap3A_115, %swap3A_116] {strides = array<i32>} : memref<80x128xf32, #tpu.memory_space<vmem>>, vector<1x16xf32>,
      %swap3A_118 = vector.shape_cast %swap3A_117 : vector<1x16xf32> to vector<16xf32>
      %swap3A_119 = vector.shape_cast %broadcast_in_dim3A_1 : vector<16xf32> to vector<1x16xf32>
      tpu.vector_store %arg5[%swap3A_115, %swap3A_116], %swap3A_119 {strides = array<i32>} : memref<80x128xf32, #tpu.memory_space<vmem>>, vector<1x16xf32>,
      %swap3A_120 = arith.index_cast %scan3A_90 : i32 to index
      %swap3A_121 = arith.constant 96 : index
      %swap3A_122 = tpu.vector_load %arg5[%swap3A_120, %swap3A_121] {strides = array<i32>} : memref<80x128xf32, #tpu.memory_space<vmem>>, vector<1x16xf32>,
      %swap3A_123 = vector.shape_cast %swap3A_122 : vector<1x16xf32> to vector<16xf32>
      %swap3A_124 = vector.shape_cast %broadcast_in_dim3A_1 : vector<16xf32> to vector<1x16xf32>
      tpu.vector_store %arg5[%swap3A_120, %swap3A_121], %swap3A_124 {strides = array<i32>} : memref<80x128xf32, #tpu.memory_space<vmem>>, vector<1x16xf32>,
      %swap3A_125 = arith.index_cast %scan3A_90 : i32 to index
      %swap3A_126 = arith.constant 112 : index
      %swap3A_127 = tpu.vector_load %arg5[%swap3A_125, %swap3A_126] {strides = array<i32>} : memref<80x128xf32, #tpu.memory_space<vmem>>, vector<1x16xf32>,
      %swap3A_128 = vector.shape_cast %swap3A_127 : vector<1x16xf32> to vector<16xf32>
      %swap3A_129 = vector.shape_cast %broadcast_in_dim3A_1 : vector<16xf32> to vector<1x16xf32>
      tpu.vector_store %arg5[%swap3A_125, %swap3A_126], %swap3A_129 {strides = array<i32>} : memref<80x128xf32, #tpu.memory_space<vmem>>, vector<1x16xf32>,
    }
    %scan3A_6 = arith.constant 80 : i32
    %broadcast_in_dim3A_7 = arith.constant 0.000000e+00 : f32
    %broadcast_in_dim3A_8 = vector.broadcast %broadcast_in_dim3A_7 : f32 to vector<16xf32>
    %scan3A_9 = arith.constant 0 : i32
    %scan3A_10 = arith.constant 0 : i32
    %scan3A_11 = arith.constant 40 : i32
    %scan3A_12 = arith.addi %scan3A_10, %scan3A_11 : i32
    %scan3A_13 = arith.constant 1 : i32
    scf.for %scan3A_90 = %scan3A_10 to %scan3A_12 step %scan3A_13  : i32 {
      %swap3A = arith.index_cast %scan3A_90 : i32 to index
      %swap3A_91 = arith.constant 0 : index
      %swap3A_92 = tpu.vector_load %arg6[%swap3A, %swap3A_91] {strides = array<i32>} : memref<40x128xf32, #tpu.memory_space<vmem>>, vector<1x16xf32>,
      %swap3A_93 = vector.shape_cast %swap3A_92 : vector<1x16xf32> to vector<16xf32>
      %swap3A_94 = vector.shape_cast %broadcast_in_dim3A_8 : vector<16xf32> to vector<1x16xf32>
      tpu.vector_store %arg6[%swap3A, %swap3A_91], %swap3A_94 {strides = array<i32>} : memref<40x128xf32, #tpu.memory_space<vmem>>, vector<1x16xf32>,
      %swap3A_95 = arith.index_cast %scan3A_90 : i32 to index
      %swap3A_96 = arith.constant 16 : index
      %swap3A_97 = tpu.vector_load %arg6[%swap3A_95, %swap3A_96] {strides = array<i32>} : memref<40x128xf32, #tpu.memory_space<vmem>>, vector<1x16xf32>,
      %swap3A_98 = vector.shape_cast %swap3A_97 : vector<1x16xf32> to vector<16xf32>
      %swap3A_99 = vector.shape_cast %broadcast_in_dim3A_8 : vector<16xf32> to vector<1x16xf32>
      tpu.vector_store %arg6[%swap3A_95, %swap3A_96], %swap3A_99 {strides = array<i32>} : memref<40x128xf32, #tpu.memory_space<vmem>>, vector<1x16xf32>,
      %swap3A_100 = arith.index_cast %scan3A_90 : i32 to index
      %swap3A_101 = arith.constant 32 : index
      %swap3A_102 = tpu.vector_load %arg6[%swap3A_100, %swap3A_101] {strides = array<i32>} : memref<40x128xf32, #tpu.memory_space<vmem>>, vector<1x16xf32>,
      %swap3A_103 = vector.shape_cast %swap3A_102 : vector<1x16xf32> to vector<16xf32>
      %swap3A_104 = vector.shape_cast %broadcast_in_dim3A_8 : vector<16xf32> to vector<1x16xf32>
      tpu.vector_store %arg6[%swap3A_100, %swap3A_101], %swap3A_104 {strides = array<i32>} : memref<40x128xf32, #tpu.memory_space<vmem>>, vector<1x16xf32>,
      %swap3A_105 = arith.index_cast %scan3A_90 : i32 to index
      %swap3A_106 = arith.constant 48 : index
      %swap3A_107 = tpu.vector_load %arg6[%swap3A_105, %swap3A_106] {strides = array<i32>} : memref<40x128xf32, #tpu.memory_space<vmem>>, vector<1x16xf32>,
      %swap3A_108 = vector.shape_cast %swap3A_107 : vector<1x16xf32> to vector<16xf32>
      %swap3A_109 = vector.shape_cast %broadcast_in_dim3A_8 : vector<16xf32> to vector<1x16xf32>
      tpu.vector_store %arg6[%swap3A_105, %swap3A_106], %swap3A_109 {strides = array<i32>} : memref<40x128xf32, #tpu.memory_space<vmem>>, vector<1x16xf32>,
      %swap3A_110 = arith.index_cast %scan3A_90 : i32 to index
      %swap3A_111 = arith.constant 64 : index
      %swap3A_112 = tpu.vector_load %arg6[%swap3A_110, %swap3A_111] {strides = array<i32>} : memref<40x128xf32, #tpu.memory_space<vmem>>, vector<1x16xf32>,
      %swap3A_113 = vector.shape_cast %swap3A_112 : vector<1x16xf32> to vector<16xf32>
      %swap3A_114 = vector.shape_cast %broadcast_in_dim3A_8 : vector<16xf32> to vector<1x16xf32>
      tpu.vector_store %arg6[%swap3A_110, %swap3A_111], %swap3A_114 {strides = array<i32>} : memref<40x128xf32, #tpu.memory_space<vmem>>, vector<1x16xf32>,
      %swap3A_115 = arith.index_cast %scan3A_90 : i32 to index
      %swap3A_116 = arith.constant 80 : index
      %swap3A_117 = tpu.vector_load %arg6[%swap3A_115, %swap3A_116] {strides = array<i32>} : memref<40x128xf32, #tpu.memory_space<vmem>>, vector<1x16xf32>,
      %swap3A_118 = vector.shape_cast %swap3A_117 : vector<1x16xf32> to vector<16xf32>
      %swap3A_119 = vector.shape_cast %broadcast_in_dim3A_8 : vector<16xf32> to vector<1x16xf32>
      tpu.vector_store %arg6[%swap3A_115, %swap3A_116], %swap3A_119 {strides = array<i32>} : memref<40x128xf32, #tpu.memory_space<vmem>>, vector<1x16xf32>,
      %swap3A_120 = arith.index_cast %scan3A_90 : i32 to index
      %swap3A_121 = arith.constant 96 : index
      %swap3A_122 = tpu.vector_load %arg6[%swap3A_120, %swap3A_121] {strides = array<i32>} : memref<40x128xf32, #tpu.memory_space<vmem>>, vector<1x16xf32>,
      %swap3A_123 = vector.shape_cast %swap3A_122 : vector<1x16xf32> to vector<16xf32>
      %swap3A_124 = vector.shape_cast %broadcast_in_dim3A_8 : vector<16xf32> to vector<1x16xf32>
      tpu.vector_store %arg6[%swap3A_120, %swap3A_121], %swap3A_124 {strides = array<i32>} : memref<40x128xf32, #tpu.memory_space<vmem>>, vector<1x16xf32>,
      %swap3A_125 = arith.index_cast %scan3A_90 : i32 to index
      %swap3A_126 = arith.constant 112 : index
      %swap3A_127 = tpu.vector_load %arg6[%swap3A_125, %swap3A_126] {strides = array<i32>} : memref<40x128xf32, #tpu.memory_space<vmem>>, vector<1x16xf32>,
      %swap3A_128 = vector.shape_cast %swap3A_127 : vector<1x16xf32> to vector<16xf32>
      %swap3A_129 = vector.shape_cast %broadcast_in_dim3A_8 : vector<16xf32> to vector<1x16xf32>
      tpu.vector_store %arg6[%swap3A_125, %swap3A_126], %swap3A_129 {strides = array<i32>} : memref<40x128xf32, #tpu.memory_space<vmem>>, vector<1x16xf32>,
    }
    %scan3A_14 = arith.constant 40 : i32
    %mul3A_15 = arith.constant 640 : i32
    %mul3A_16 = arith.muli %arg1, %mul3A_15 : i32
    %add3A_17 = arith.constant 0 : i32
    %add3A_18 = arith.addi %mul3A_16, %add3A_17 : i32
    "tpu.region"() ({
      %run_scoped3A = tpu.sem_alloc : memref<!tpu.dma_semaphore, #tpu.memory_space<semaphore_mem>>
      %dma_start3A = arith.constant 0 : i32
      %dma_start3A_90 = tpu.memref_slice %arg7[%add3A_18, %dma_start3A] : memref<10240x128xf32, #tpu.memory_space<vmem_shared>> -> memref<40x128xf32, #tpu.memory_space<vmem_shared>>
      %dma_start3A_91 = arith.constant 0 : i32
      %dma_start3A_92 = tpu.memref_slice %arg7[%add3A_18, %dma_start3A_91] : memref<10240x128xf32, #tpu.memory_space<vmem_shared>> -> memref<40x128xf32, #tpu.memory_space<vmem_shared>>
      tpu.enqueue_dma source(%arg6 : memref<40x128xf32, #tpu.memory_space<vmem>>) target(%dma_start3A_92 : memref<40x128xf32, #tpu.memory_space<vmem_shared>>) target_semaphore(%run_scoped3A : memref<!tpu.dma_semaphore, #tpu.memory_space<semaphore_mem>>)
      %dma_wait3A = arith.constant 0 : i32
      %dma_wait3A_93 = tpu.memref_slice %arg7[%add3A_18, %dma_wait3A] : memref<10240x128xf32, #tpu.memory_space<vmem_shared>> -> memref<40x128xf32, #tpu.memory_space<vmem_shared>>
      %dma_wait3A_94 = arith.constant 0 : i32
      %dma_wait3A_95 = tpu.memref_slice %arg7[%add3A_18, %dma_wait3A_94] : memref<10240x128xf32, #tpu.memory_space<vmem_shared>> -> memref<40x128xf32, #tpu.memory_space<vmem_shared>>
      tpu.wait_dma2 semaphore(%run_scoped3A : memref<!tpu.dma_semaphore, #tpu.memory_space<semaphore_mem>>) src(%arg6 : memref<40x128xf32, #tpu.memory_space<vmem>>) dst(%dma_wait3A_95 : memref<40x128xf32, #tpu.memory_space<vmem_shared>>)
      tpu.yield
    }) : () -> ()
    %mul3A_19 = arith.constant 640 : i32
    %mul3A_20 = arith.muli %arg1, %mul3A_19 : i32
    %add3A_21 = arith.constant 40 : i32
    %add3A_22 = arith.addi %mul3A_20, %add3A_21 : i32
    "tpu.region"() ({
      %run_scoped3A = tpu.sem_alloc : memref<!tpu.dma_semaphore, #tpu.memory_space<semaphore_mem>>
      %dma_start3A = arith.constant 0 : i32
      %dma_start3A_90 = tpu.memref_slice %arg7[%add3A_22, %dma_start3A] : memref<10240x128xf32, #tpu.memory_space<vmem_shared>> -> memref<40x128xf32, #tpu.memory_space<vmem_shared>>
      %dma_start3A_91 = arith.constant 0 : i32
      %dma_start3A_92 = tpu.memref_slice %arg7[%add3A_22, %dma_start3A_91] : memref<10240x128xf32, #tpu.memory_space<vmem_shared>> -> memref<40x128xf32, #tpu.memory_space<vmem_shared>>
      tpu.enqueue_dma source(%arg6 : memref<40x128xf32, #tpu.memory_space<vmem>>) target(%dma_start3A_92 : memref<40x128xf32, #tpu.memory_space<vmem_shared>>) target_semaphore(%run_scoped3A : memref<!tpu.dma_semaphore, #tpu.memory_space<semaphore_mem>>)
      %dma_wait3A = arith.constant 0 : i32
      %dma_wait3A_93 = tpu.memref_slice %arg7[%add3A_22, %dma_wait3A] : memref<10240x128xf32, #tpu.memory_space<vmem_shared>> -> memref<40x128xf32, #tpu.memory_space<vmem_shared>>
      %dma_wait3A_94 = arith.constant 0 : i32
      %dma_wait3A_95 = tpu.memref_slice %arg7[%add3A_22, %dma_wait3A_94] : memref<10240x128xf32, #tpu.memory_space<vmem_shared>> -> memref<40x128xf32, #tpu.memory_space<vmem_shared>>
      tpu.wait_dma2 semaphore(%run_scoped3A : memref<!tpu.dma_semaphore, #tpu.memory_space<semaphore_mem>>) src(%arg6 : memref<40x128xf32, #tpu.memory_space<vmem>>) dst(%dma_wait3A_95 : memref<40x128xf32, #tpu.memory_space<vmem_shared>>)
      tpu.yield
    }) : () -> ()
    %mul3A_23 = arith.constant 640 : i32
    %mul3A_24 = arith.muli %arg1, %mul3A_23 : i32
    %add3A_25 = arith.constant 80 : i32
    %add3A_26 = arith.addi %mul3A_24, %add3A_25 : i32
    "tpu.region"() ({
      %run_scoped3A = tpu.sem_alloc : memref<!tpu.dma_semaphore, #tpu.memory_space<semaphore_mem>>
      %dma_start3A = arith.constant 0 : i32
      %dma_start3A_90 = tpu.memref_slice %arg7[%add3A_26, %dma_start3A] : memref<10240x128xf32, #tpu.memory_space<vmem_shared>> -> memref<40x128xf32, #tpu.memory_space<vmem_shared>>
      %dma_start3A_91 = arith.constant 0 : i32
      %dma_start3A_92 = tpu.memref_slice %arg7[%add3A_26, %dma_start3A_91] : memref<10240x128xf32, #tpu.memory_space<vmem_shared>> -> memref<40x128xf32, #tpu.memory_space<vmem_shared>>
      tpu.enqueue_dma source(%arg6 : memref<40x128xf32, #tpu.memory_space<vmem>>) target(%dma_start3A_92 : memref<40x128xf32, #tpu.memory_space<vmem_shared>>) target_semaphore(%run_scoped3A : memref<!tpu.dma_semaphore, #tpu.memory_space<semaphore_mem>>)
      %dma_wait3A = arith.constant 0 : i32
      %dma_wait3A_93 = tpu.memref_slice %arg7[%add3A_26, %dma_wait3A] : memref<10240x128xf32, #tpu.memory_space<vmem_shared>> -> memref<40x128xf32, #tpu.memory_space<vmem_shared>>
      %dma_wait3A_94 = arith.constant 0 : i32
      %dma_wait3A_95 = tpu.memref_slice %arg7[%add3A_26, %dma_wait3A_94] : memref<10240x128xf32, #tpu.memory_space<vmem_shared>> -> memref<40x128xf32, #tpu.memory_space<vmem_shared>>
      tpu.wait_dma2 semaphore(%run_scoped3A : memref<!tpu.dma_semaphore, #tpu.memory_space<semaphore_mem>>) src(%arg6 : memref<40x128xf32, #tpu.memory_space<vmem>>) dst(%dma_wait3A_95 : memref<40x128xf32, #tpu.memory_space<vmem_shared>>)
      tpu.yield
    }) : () -> ()
    %mul3A_27 = arith.constant 640 : i32
    %mul3A_28 = arith.muli %arg1, %mul3A_27 : i32
    %add3A_29 = arith.constant 120 : i32
    %add3A_30 = arith.addi %mul3A_28, %add3A_29 : i32
    "tpu.region"() ({
      %run_scoped3A = tpu.sem_alloc : memref<!tpu.dma_semaphore, #tpu.memory_space<semaphore_mem>>
      %dma_start3A = arith.constant 0 : i32
      %dma_start3A_90 = tpu.memref_slice %arg7[%add3A_30, %dma_start3A] : memref<10240x128xf32, #tpu.memory_space<vmem_shared>> -> memref<40x128xf32, #tpu.memory_space<vmem_shared>>
      %dma_start3A_91 = arith.constant 0 : i32
      %dma_start3A_92 = tpu.memref_slice %arg7[%add3A_30, %dma_start3A_91] : memref<10240x128xf32, #tpu.memory_space<vmem_shared>> -> memref<40x128xf32, #tpu.memory_space<vmem_shared>>
      tpu.enqueue_dma source(%arg6 : memref<40x128xf32, #tpu.memory_space<vmem>>) target(%dma_start3A_92 : memref<40x128xf32, #tpu.memory_space<vmem_shared>>) target_semaphore(%run_scoped3A : memref<!tpu.dma_semaphore, #tpu.memory_space<semaphore_mem>>)
      %dma_wait3A = arith.constant 0 : i32
      %dma_wait3A_93 = tpu.memref_slice %arg7[%add3A_30, %dma_wait3A] : memref<10240x128xf32, #tpu.memory_space<vmem_shared>> -> memref<40x128xf32, #tpu.memory_space<vmem_shared>>
      %dma_wait3A_94 = arith.constant 0 : i32
      %dma_wait3A_95 = tpu.memref_slice %arg7[%add3A_30, %dma_wait3A_94] : memref<10240x128xf32, #tpu.memory_space<vmem_shared>> -> memref<40x128xf32, #tpu.memory_space<vmem_shared>>
      tpu.wait_dma2 semaphore(%run_scoped3A : memref<!tpu.dma_semaphore, #tpu.memory_space<semaphore_mem>>) src(%arg6 : memref<40x128xf32, #tpu.memory_space<vmem>>) dst(%dma_wait3A_95 : memref<40x128xf32, #tpu.memory_space<vmem_shared>>)
      tpu.yield
    }) : () -> ()
    %mul3A_31 = arith.constant 640 : i32
    %mul3A_32 = arith.muli %arg1, %mul3A_31 : i32
    %add3A_33 = arith.constant 160 : i32
    %add3A_34 = arith.addi %mul3A_32, %add3A_33 : i32
    "tpu.region"() ({
      %run_scoped3A = tpu.sem_alloc : memref<!tpu.dma_semaphore, #tpu.memory_space<semaphore_mem>>
      %dma_start3A = arith.constant 0 : i32
      %dma_start3A_90 = tpu.memref_slice %arg7[%add3A_34, %dma_start3A] : memref<10240x128xf32, #tpu.memory_space<vmem_shared>> -> memref<40x128xf32, #tpu.memory_space<vmem_shared>>
      %dma_start3A_91 = arith.constant 0 : i32
      %dma_start3A_92 = tpu.memref_slice %arg7[%add3A_34, %dma_start3A_91] : memref<10240x128xf32, #tpu.memory_space<vmem_shared>> -> memref<40x128xf32, #tpu.memory_space<vmem_shared>>
      tpu.enqueue_dma source(%arg6 : memref<40x128xf32, #tpu.memory_space<vmem>>) target(%dma_start3A_92 : memref<40x128xf32, #tpu.memory_space<vmem_shared>>) target_semaphore(%run_scoped3A : memref<!tpu.dma_semaphore, #tpu.memory_space<semaphore_mem>>)
      %dma_wait3A = arith.constant 0 : i32
      %dma_wait3A_93 = tpu.memref_slice %arg7[%add3A_34, %dma_wait3A] : memref<10240x128xf32, #tpu.memory_space<vmem_shared>> -> memref<40x128xf32, #tpu.memory_space<vmem_shared>>
      %dma_wait3A_94 = arith.constant 0 : i32
      %dma_wait3A_95 = tpu.memref_slice %arg7[%add3A_34, %dma_wait3A_94] : memref<10240x128xf32, #tpu.memory_space<vmem_shared>> -> memref<40x128xf32, #tpu.memory_space<vmem_shared>>
      tpu.wait_dma2 semaphore(%run_scoped3A : memref<!tpu.dma_semaphore, #tpu.memory_space<semaphore_mem>>) src(%arg6 : memref<40x128xf32, #tpu.memory_space<vmem>>) dst(%dma_wait3A_95 : memref<40x128xf32, #tpu.memory_space<vmem_shared>>)
      tpu.yield
    }) : () -> ()
    %mul3A_35 = arith.constant 640 : i32
    %mul3A_36 = arith.muli %arg1, %mul3A_35 : i32
    %add3A_37 = arith.constant 200 : i32
    %add3A_38 = arith.addi %mul3A_36, %add3A_37 : i32
    "tpu.region"() ({
      %run_scoped3A = tpu.sem_alloc : memref<!tpu.dma_semaphore, #tpu.memory_space<semaphore_mem>>
      %dma_start3A = arith.constant 0 : i32
      %dma_start3A_90 = tpu.memref_slice %arg7[%add3A_38, %dma_start3A] : memref<10240x128xf32, #tpu.memory_space<vmem_shared>> -> memref<40x128xf32, #tpu.memory_space<vmem_shared>>
      %dma_start3A_91 = arith.constant 0 : i32
      %dma_start3A_92 = tpu.memref_slice %arg7[%add3A_38, %dma_start3A_91] : memref<10240x128xf32, #tpu.memory_space<vmem_shared>> -> memref<40x128xf32, #tpu.memory_space<vmem_shared>>
      tpu.enqueue_dma source(%arg6 : memref<40x128xf32, #tpu.memory_space<vmem>>) target(%dma_start3A_92 : memref<40x128xf32, #tpu.memory_space<vmem_shared>>) target_semaphore(%run_scoped3A : memref<!tpu.dma_semaphore, #tpu.memory_space<semaphore_mem>>)
      %dma_wait3A = arith.constant 0 : i32
      %dma_wait3A_93 = tpu.memref_slice %arg7[%add3A_38, %dma_wait3A] : memref<10240x128xf32, #tpu.memory_space<vmem_shared>> -> memref<40x128xf32, #tpu.memory_space<vmem_shared>>
      %dma_wait3A_94 = arith.constant 0 : i32
      %dma_wait3A_95 = tpu.memref_slice %arg7[%add3A_38, %dma_wait3A_94] : memref<10240x128xf32, #tpu.memory_space<vmem_shared>> -> memref<40x128xf32, #tpu.memory_space<vmem_shared>>
      tpu.wait_dma2 semaphore(%run_scoped3A : memref<!tpu.dma_semaphore, #tpu.memory_space<semaphore_mem>>) src(%arg6 : memref<40x128xf32, #tpu.memory_space<vmem>>) dst(%dma_wait3A_95 : memref<40x128xf32, #tpu.memory_space<vmem_shared>>)
      tpu.yield
    }) : () -> ()
    %mul3A_39 = arith.constant 640 : i32
    %mul3A_40 = arith.muli %arg1, %mul3A_39 : i32
    %add3A_41 = arith.constant 240 : i32
    %add3A_42 = arith.addi %mul3A_40, %add3A_41 : i32
    "tpu.region"() ({
      %run_scoped3A = tpu.sem_alloc : memref<!tpu.dma_semaphore, #tpu.memory_space<semaphore_mem>>
      %dma_start3A = arith.constant 0 : i32
      %dma_start3A_90 = tpu.memref_slice %arg7[%add3A_42, %dma_start3A] : memref<10240x128xf32, #tpu.memory_space<vmem_shared>> -> memref<40x128xf32, #tpu.memory_space<vmem_shared>>
      %dma_start3A_91 = arith.constant 0 : i32
      %dma_start3A_92 = tpu.memref_slice %arg7[%add3A_42, %dma_start3A_91] : memref<10240x128xf32, #tpu.memory_space<vmem_shared>> -> memref<40x128xf32, #tpu.memory_space<vmem_shared>>
      tpu.enqueue_dma source(%arg6 : memref<40x128xf32, #tpu.memory_space<vmem>>) target(%dma_start3A_92 : memref<40x128xf32, #tpu.memory_space<vmem_shared>>) target_semaphore(%run_scoped3A : memref<!tpu.dma_semaphore, #tpu.memory_space<semaphore_mem>>)
      %dma_wait3A = arith.constant 0 : i32
      %dma_wait3A_93 = tpu.memref_slice %arg7[%add3A_42, %dma_wait3A] : memref<10240x128xf32, #tpu.memory_space<vmem_shared>> -> memref<40x128xf32, #tpu.memory_space<vmem_shared>>
      %dma_wait3A_94 = arith.constant 0 : i32
      %dma_wait3A_95 = tpu.memref_slice %arg7[%add3A_42, %dma_wait3A_94] : memref<10240x128xf32, #tpu.memory_space<vmem_shared>> -> memref<40x128xf32, #tpu.memory_space<vmem_shared>>
      tpu.wait_dma2 semaphore(%run_scoped3A : memref<!tpu.dma_semaphore, #tpu.memory_space<semaphore_mem>>) src(%arg6 : memref<40x128xf32, #tpu.memory_space<vmem>>) dst(%dma_wait3A_95 : memref<40x128xf32, #tpu.memory_space<vmem_shared>>)
      tpu.yield
    }) : () -> ()
    %mul3A_43 = arith.constant 640 : i32
    %mul3A_44 = arith.muli %arg1, %mul3A_43 : i32
    %add3A_45 = arith.constant 280 : i32
    %add3A_46 = arith.addi %mul3A_44, %add3A_45 : i32
    "tpu.region"() ({
      %run_scoped3A = tpu.sem_alloc : memref<!tpu.dma_semaphore, #tpu.memory_space<semaphore_mem>>
      %dma_start3A = arith.constant 0 : i32
      %dma_start3A_90 = tpu.memref_slice %arg7[%add3A_46, %dma_start3A] : memref<10240x128xf32, #tpu.memory_space<vmem_shared>> -> memref<40x128xf32, #tpu.memory_space<vmem_shared>>
      %dma_start3A_91 = arith.constant 0 : i32
      %dma_start3A_92 = tpu.memref_slice %arg7[%add3A_46, %dma_start3A_91] : memref<10240x128xf32, #tpu.memory_space<vmem_shared>> -> memref<40x128xf32, #tpu.memory_space<vmem_shared>>
      tpu.enqueue_dma source(%arg6 : memref<40x128xf32, #tpu.memory_space<vmem>>) target(%dma_start3A_92 : memref<40x128xf32, #tpu.memory_space<vmem_shared>>) target_semaphore(%run_scoped3A : memref<!tpu.dma_semaphore, #tpu.memory_space<semaphore_mem>>)
      %dma_wait3A = arith.constant 0 : i32
      %dma_wait3A_93 = tpu.memref_slice %arg7[%add3A_46, %dma_wait3A] : memref<10240x128xf32, #tpu.memory_space<vmem_shared>> -> memref<40x128xf32, #tpu.memory_space<vmem_shared>>
      %dma_wait3A_94 = arith.constant 0 : i32
      %dma_wait3A_95 = tpu.memref_slice %arg7[%add3A_46, %dma_wait3A_94] : memref<10240x128xf32, #tpu.memory_space<vmem_shared>> -> memref<40x128xf32, #tpu.memory_space<vmem_shared>>
      tpu.wait_dma2 semaphore(%run_scoped3A : memref<!tpu.dma_semaphore, #tpu.memory_space<semaphore_mem>>) src(%arg6 : memref<40x128xf32, #tpu.memory_space<vmem>>) dst(%dma_wait3A_95 : memref<40x128xf32, #tpu.memory_space<vmem_shared>>)
      tpu.yield
    }) : () -> ()
    %mul3A_47 = arith.constant 640 : i32
    %mul3A_48 = arith.muli %arg1, %mul3A_47 : i32
    %add3A_49 = arith.constant 320 : i32
    %add3A_50 = arith.addi %mul3A_48, %add3A_49 : i32
    "tpu.region"() ({
      %run_scoped3A = tpu.sem_alloc : memref<!tpu.dma_semaphore, #tpu.memory_space<semaphore_mem>>
      %dma_start3A = arith.constant 0 : i32
      %dma_start3A_90 = tpu.memref_slice %arg7[%add3A_50, %dma_start3A] : memref<10240x128xf32, #tpu.memory_space<vmem_shared>> -> memref<40x128xf32, #tpu.memory_space<vmem_shared>>
      %dma_start3A_91 = arith.constant 0 : i32
      %dma_start3A_92 = tpu.memref_slice %arg7[%add3A_50, %dma_start3A_91] : memref<10240x128xf32, #tpu.memory_space<vmem_shared>> -> memref<40x128xf32, #tpu.memory_space<vmem_shared>>
      tpu.enqueue_dma source(%arg6 : memref<40x128xf32, #tpu.memory_space<vmem>>) target(%dma_start3A_92 : memref<40x128xf32, #tpu.memory_space<vmem_shared>>) target_semaphore(%run_scoped3A : memref<!tpu.dma_semaphore, #tpu.memory_space<semaphore_mem>>)
      %dma_wait3A = arith.constant 0 : i32
      %dma_wait3A_93 = tpu.memref_slice %arg7[%add3A_50, %dma_wait3A] : memref<10240x128xf32, #tpu.memory_space<vmem_shared>> -> memref<40x128xf32, #tpu.memory_space<vmem_shared>>
      %dma_wait3A_94 = arith.constant 0 : i32
      %dma_wait3A_95 = tpu.memref_slice %arg7[%add3A_50, %dma_wait3A_94] : memref<10240x128xf32, #tpu.memory_space<vmem_shared>> -> memref<40x128xf32, #tpu.memory_space<vmem_shared>>
      tpu.wait_dma2 semaphore(%run_scoped3A : memref<!tpu.dma_semaphore, #tpu.memory_space<semaphore_mem>>) src(%arg6 : memref<40x128xf32, #tpu.memory_space<vmem>>) dst(%dma_wait3A_95 : memref<40x128xf32, #tpu.memory_space<vmem_shared>>)
      tpu.yield
    }) : () -> ()
    %mul3A_51 = arith.constant 640 : i32
    %mul3A_52 = arith.muli %arg1, %mul3A_51 : i32
    %add3A_53 = arith.constant 360 : i32
    %add3A_54 = arith.addi %mul3A_52, %add3A_53 : i32
    "tpu.region"() ({
      %run_scoped3A = tpu.sem_alloc : memref<!tpu.dma_semaphore, #tpu.memory_space<semaphore_mem>>
      %dma_start3A = arith.constant 0 : i32
      %dma_start3A_90 = tpu.memref_slice %arg7[%add3A_54, %dma_start3A] : memref<10240x128xf32, #tpu.memory_space<vmem_shared>> -> memref<40x128xf32, #tpu.memory_space<vmem_shared>>
      %dma_start3A_91 = arith.constant 0 : i32
      %dma_start3A_92 = tpu.memref_slice %arg7[%add3A_54, %dma_start3A_91] : memref<10240x128xf32, #tpu.memory_space<vmem_shared>> -> memref<40x128xf32, #tpu.memory_space<vmem_shared>>
      tpu.enqueue_dma source(%arg6 : memref<40x128xf32, #tpu.memory_space<vmem>>) target(%dma_start3A_92 : memref<40x128xf32, #tpu.memory_space<vmem_shared>>) target_semaphore(%run_scoped3A : memref<!tpu.dma_semaphore, #tpu.memory_space<semaphore_mem>>)
      %dma_wait3A = arith.constant 0 : i32
      %dma_wait3A_93 = tpu.memref_slice %arg7[%add3A_54, %dma_wait3A] : memref<10240x128xf32, #tpu.memory_space<vmem_shared>> -> memref<40x128xf32, #tpu.memory_space<vmem_shared>>
      %dma_wait3A_94 = arith.constant 0 : i32
      %dma_wait3A_95 = tpu.memref_slice %arg7[%add3A_54, %dma_wait3A_94] : memref<10240x128xf32, #tpu.memory_space<vmem_shared>> -> memref<40x128xf32, #tpu.memory_space<vmem_shared>>
      tpu.wait_dma2 semaphore(%run_scoped3A : memref<!tpu.dma_semaphore, #tpu.memory_space<semaphore_mem>>) src(%arg6 : memref<40x128xf32, #tpu.memory_space<vmem>>) dst(%dma_wait3A_95 : memref<40x128xf32, #tpu.memory_space<vmem_shared>>)
      tpu.yield
    }) : () -> ()
    %mul3A_55 = arith.constant 640 : i32
    %mul3A_56 = arith.muli %arg1, %mul3A_55 : i32
    %add3A_57 = arith.constant 400 : i32
    %add3A_58 = arith.addi %mul3A_56, %add3A_57 : i32
    "tpu.region"() ({
      %run_scoped3A = tpu.sem_alloc : memref<!tpu.dma_semaphore, #tpu.memory_space<semaphore_mem>>
      %dma_start3A = arith.constant 0 : i32
      %dma_start3A_90 = tpu.memref_slice %arg7[%add3A_58, %dma_start3A] : memref<10240x128xf32, #tpu.memory_space<vmem_shared>> -> memref<40x128xf32, #tpu.memory_space<vmem_shared>>
      %dma_start3A_91 = arith.constant 0 : i32
      %dma_start3A_92 = tpu.memref_slice %arg7[%add3A_58, %dma_start3A_91] : memref<10240x128xf32, #tpu.memory_space<vmem_shared>> -> memref<40x128xf32, #tpu.memory_space<vmem_shared>>
      tpu.enqueue_dma source(%arg6 : memref<40x128xf32, #tpu.memory_space<vmem>>) target(%dma_start3A_92 : memref<40x128xf32, #tpu.memory_space<vmem_shared>>) target_semaphore(%run_scoped3A : memref<!tpu.dma_semaphore, #tpu.memory_space<semaphore_mem>>)
      %dma_wait3A = arith.constant 0 : i32
      %dma_wait3A_93 = tpu.memref_slice %arg7[%add3A_58, %dma_wait3A] : memref<10240x128xf32, #tpu.memory_space<vmem_shared>> -> memref<40x128xf32, #tpu.memory_space<vmem_shared>>
      %dma_wait3A_94 = arith.constant 0 : i32
      %dma_wait3A_95 = tpu.memref_slice %arg7[%add3A_58, %dma_wait3A_94] : memref<10240x128xf32, #tpu.memory_space<vmem_shared>> -> memref<40x128xf32, #tpu.memory_space<vmem_shared>>
      tpu.wait_dma2 semaphore(%run_scoped3A : memref<!tpu.dma_semaphore, #tpu.memory_space<semaphore_mem>>) src(%arg6 : memref<40x128xf32, #tpu.memory_space<vmem>>) dst(%dma_wait3A_95 : memref<40x128xf32, #tpu.memory_space<vmem_shared>>)
      tpu.yield
    }) : () -> ()
    %mul3A_59 = arith.constant 640 : i32
    %mul3A_60 = arith.muli %arg1, %mul3A_59 : i32
    %add3A_61 = arith.constant 440 : i32
    %add3A_62 = arith.addi %mul3A_60, %add3A_61 : i32
    "tpu.region"() ({
      %run_scoped3A = tpu.sem_alloc : memref<!tpu.dma_semaphore, #tpu.memory_space<semaphore_mem>>
      %dma_start3A = arith.constant 0 : i32
      %dma_start3A_90 = tpu.memref_slice %arg7[%add3A_62, %dma_start3A] : memref<10240x128xf32, #tpu.memory_space<vmem_shared>> -> memref<40x128xf32, #tpu.memory_space<vmem_shared>>
      %dma_start3A_91 = arith.constant 0 : i32
      %dma_start3A_92 = tpu.memref_slice %arg7[%add3A_62, %dma_start3A_91] : memref<10240x128xf32, #tpu.memory_space<vmem_shared>> -> memref<40x128xf32, #tpu.memory_space<vmem_shared>>
      tpu.enqueue_dma source(%arg6 : memref<40x128xf32, #tpu.memory_space<vmem>>) target(%dma_start3A_92 : memref<40x128xf32, #tpu.memory_space<vmem_shared>>) target_semaphore(%run_scoped3A : memref<!tpu.dma_semaphore, #tpu.memory_space<semaphore_mem>>)
      %dma_wait3A = arith.constant 0 : i32
      %dma_wait3A_93 = tpu.memref_slice %arg7[%add3A_62, %dma_wait3A] : memref<10240x128xf32, #tpu.memory_space<vmem_shared>> -> memref<40x128xf32, #tpu.memory_space<vmem_shared>>
      %dma_wait3A_94 = arith.constant 0 : i32
      %dma_wait3A_95 = tpu.memref_slice %arg7[%add3A_62, %dma_wait3A_94] : memref<10240x128xf32, #tpu.memory_space<vmem_shared>> -> memref<40x128xf32, #tpu.memory_space<vmem_shared>>
      tpu.wait_dma2 semaphore(%run_scoped3A : memref<!tpu.dma_semaphore, #tpu.memory_space<semaphore_mem>>) src(%arg6 : memref<40x128xf32, #tpu.memory_space<vmem>>) dst(%dma_wait3A_95 : memref<40x128xf32, #tpu.memory_space<vmem_shared>>)
      tpu.yield
    }) : () -> ()
    %mul3A_63 = arith.constant 640 : i32
    %mul3A_64 = arith.muli %arg1, %mul3A_63 : i32
    %add3A_65 = arith.constant 480 : i32
    %add3A_66 = arith.addi %mul3A_64, %add3A_65 : i32
    "tpu.region"() ({
      %run_scoped3A = tpu.sem_alloc : memref<!tpu.dma_semaphore, #tpu.memory_space<semaphore_mem>>
      %dma_start3A = arith.constant 0 : i32
      %dma_start3A_90 = tpu.memref_slice %arg7[%add3A_66, %dma_start3A] : memref<10240x128xf32, #tpu.memory_space<vmem_shared>> -> memref<40x128xf32, #tpu.memory_space<vmem_shared>>
      %dma_start3A_91 = arith.constant 0 : i32
      %dma_start3A_92 = tpu.memref_slice %arg7[%add3A_66, %dma_start3A_91] : memref<10240x128xf32, #tpu.memory_space<vmem_shared>> -> memref<40x128xf32, #tpu.memory_space<vmem_shared>>
      tpu.enqueue_dma source(%arg6 : memref<40x128xf32, #tpu.memory_space<vmem>>) target(%dma_start3A_92 : memref<40x128xf32, #tpu.memory_space<vmem_shared>>) target_semaphore(%run_scoped3A : memref<!tpu.dma_semaphore, #tpu.memory_space<semaphore_mem>>)
      %dma_wait3A = arith.constant 0 : i32
      %dma_wait3A_93 = tpu.memref_slice %arg7[%add3A_66, %dma_wait3A] : memref<10240x128xf32, #tpu.memory_space<vmem_shared>> -> memref<40x128xf32, #tpu.memory_space<vmem_shared>>
      %dma_wait3A_94 = arith.constant 0 : i32
      %dma_wait3A_95 = tpu.memref_slice %arg7[%add3A_66, %dma_wait3A_94] : memref<10240x128xf32, #tpu.memory_space<vmem_shared>> -> memref<40x128xf32, #tpu.memory_space<vmem_shared>>
      tpu.wait_dma2 semaphore(%run_scoped3A : memref<!tpu.dma_semaphore, #tpu.memory_space<semaphore_mem>>) src(%arg6 : memref<40x128xf32, #tpu.memory_space<vmem>>) dst(%dma_wait3A_95 : memref<40x128xf32, #tpu.memory_space<vmem_shared>>)
      tpu.yield
    }) : () -> ()
    %mul3A_67 = arith.constant 640 : i32
    %mul3A_68 = arith.muli %arg1, %mul3A_67 : i32
    %add3A_69 = arith.constant 520 : i32
    %add3A_70 = arith.addi %mul3A_68, %add3A_69 : i32
    "tpu.region"() ({
      %run_scoped3A = tpu.sem_alloc : memref<!tpu.dma_semaphore, #tpu.memory_space<semaphore_mem>>
      %dma_start3A = arith.constant 0 : i32
      %dma_start3A_90 = tpu.memref_slice %arg7[%add3A_70, %dma_start3A] : memref<10240x128xf32, #tpu.memory_space<vmem_shared>> -> memref<40x128xf32, #tpu.memory_space<vmem_shared>>
      %dma_start3A_91 = arith.constant 0 : i32
      %dma_start3A_92 = tpu.memref_slice %arg7[%add3A_70, %dma_start3A_91] : memref<10240x128xf32, #tpu.memory_space<vmem_shared>> -> memref<40x128xf32, #tpu.memory_space<vmem_shared>>
      tpu.enqueue_dma source(%arg6 : memref<40x128xf32, #tpu.memory_space<vmem>>) target(%dma_start3A_92 : memref<40x128xf32, #tpu.memory_space<vmem_shared>>) target_semaphore(%run_scoped3A : memref<!tpu.dma_semaphore, #tpu.memory_space<semaphore_mem>>)
      %dma_wait3A = arith.constant 0 : i32
      %dma_wait3A_93 = tpu.memref_slice %arg7[%add3A_70, %dma_wait3A] : memref<10240x128xf32, #tpu.memory_space<vmem_shared>> -> memref<40x128xf32, #tpu.memory_space<vmem_shared>>
      %dma_wait3A_94 = arith.constant 0 : i32
      %dma_wait3A_95 = tpu.memref_slice %arg7[%add3A_70, %dma_wait3A_94] : memref<10240x128xf32, #tpu.memory_space<vmem_shared>> -> memref<40x128xf32, #tpu.memory_space<vmem_shared>>
      tpu.wait_dma2 semaphore(%run_scoped3A : memref<!tpu.dma_semaphore, #tpu.memory_space<semaphore_mem>>) src(%arg6 : memref<40x128xf32, #tpu.memory_space<vmem>>) dst(%dma_wait3A_95 : memref<40x128xf32, #tpu.memory_space<vmem_shared>>)
      tpu.yield
    }) : () -> ()
    %mul3A_71 = arith.constant 640 : i32
    %mul3A_72 = arith.muli %arg1, %mul3A_71 : i32
    %add3A_73 = arith.constant 560 : i32
    %add3A_74 = arith.addi %mul3A_72, %add3A_73 : i32
    "tpu.region"() ({
      %run_scoped3A = tpu.sem_alloc : memref<!tpu.dma_semaphore, #tpu.memory_space<semaphore_mem>>
      %dma_start3A = arith.constant 0 : i32
      %dma_start3A_90 = tpu.memref_slice %arg7[%add3A_74, %dma_start3A] : memref<10240x128xf32, #tpu.memory_space<vmem_shared>> -> memref<40x128xf32, #tpu.memory_space<vmem_shared>>
      %dma_start3A_91 = arith.constant 0 : i32
      %dma_start3A_92 = tpu.memref_slice %arg7[%add3A_74, %dma_start3A_91] : memref<10240x128xf32, #tpu.memory_space<vmem_shared>> -> memref<40x128xf32, #tpu.memory_space<vmem_shared>>
      tpu.enqueue_dma source(%arg6 : memref<40x128xf32, #tpu.memory_space<vmem>>) target(%dma_start3A_92 : memref<40x128xf32, #tpu.memory_space<vmem_shared>>) target_semaphore(%run_scoped3A : memref<!tpu.dma_semaphore, #tpu.memory_space<semaphore_mem>>)
      %dma_wait3A = arith.constant 0 : i32
      %dma_wait3A_93 = tpu.memref_slice %arg7[%add3A_74, %dma_wait3A] : memref<10240x128xf32, #tpu.memory_space<vmem_shared>> -> memref<40x128xf32, #tpu.memory_space<vmem_shared>>
      %dma_wait3A_94 = arith.constant 0 : i32
      %dma_wait3A_95 = tpu.memref_slice %arg7[%add3A_74, %dma_wait3A_94] : memref<10240x128xf32, #tpu.memory_space<vmem_shared>> -> memref<40x128xf32, #tpu.memory_space<vmem_shared>>
      tpu.wait_dma2 semaphore(%run_scoped3A : memref<!tpu.dma_semaphore, #tpu.memory_space<semaphore_mem>>) src(%arg6 : memref<40x128xf32, #tpu.memory_space<vmem>>) dst(%dma_wait3A_95 : memref<40x128xf32, #tpu.memory_space<vmem_shared>>)
      tpu.yield
    }) : () -> ()
    %mul3A_75 = arith.constant 640 : i32
    %mul3A_76 = arith.muli %arg1, %mul3A_75 : i32
    %add3A_77 = arith.constant 600 : i32
    %add3A_78 = arith.addi %mul3A_76, %add3A_77 : i32
    "tpu.region"() ({
      %run_scoped3A = tpu.sem_alloc : memref<!tpu.dma_semaphore, #tpu.memory_space<semaphore_mem>>
      %dma_start3A = arith.constant 0 : i32
      %dma_start3A_90 = tpu.memref_slice %arg7[%add3A_78, %dma_start3A] : memref<10240x128xf32, #tpu.memory_space<vmem_shared>> -> memref<40x128xf32, #tpu.memory_space<vmem_shared>>
      %dma_start3A_91 = arith.constant 0 : i32
      %dma_start3A_92 = tpu.memref_slice %arg7[%add3A_78, %dma_start3A_91] : memref<10240x128xf32, #tpu.memory_space<vmem_shared>> -> memref<40x128xf32, #tpu.memory_space<vmem_shared>>
      tpu.enqueue_dma source(%arg6 : memref<40x128xf32, #tpu.memory_space<vmem>>) target(%dma_start3A_92 : memref<40x128xf32, #tpu.memory_space<vmem_shared>>) target_semaphore(%run_scoped3A : memref<!tpu.dma_semaphore, #tpu.memory_space<semaphore_mem>>)
      %dma_wait3A = arith.constant 0 : i32
      %dma_wait3A_93 = tpu.memref_slice %arg7[%add3A_78, %dma_wait3A] : memref<10240x128xf32, #tpu.memory_space<vmem_shared>> -> memref<40x128xf32, #tpu.memory_space<vmem_shared>>
      %dma_wait3A_94 = arith.constant 0 : i32
      %dma_wait3A_95 = tpu.memref_slice %arg7[%add3A_78, %dma_wait3A_94] : memref<10240x128xf32, #tpu.memory_space<vmem_shared>> -> memref<40x128xf32, #tpu.memory_space<vmem_shared>>
      tpu.wait_dma2 semaphore(%run_scoped3A : memref<!tpu.dma_semaphore, #tpu.memory_space<semaphore_mem>>) src(%arg6 : memref<40x128xf32, #tpu.memory_space<vmem>>) dst(%dma_wait3A_95 : memref<40x128xf32, #tpu.memory_space<vmem_shared>>)
      tpu.yield
    }) : () -> ()
    %barrier3A = arith.constant 0 : index
    tpu.barrier barrier_id(%barrier3A)
    %scan3A_79 = arith.constant 0 : i32
    %scan3A_80 = arith.constant 0 : i32
    %scan3A_81 = arith.constant 25 : i32
    %scan3A_82 = arith.addi %scan3A_80, %scan3A_81 : i32
    %scan3A_83 = arith.constant 1 : i32
    scf.for %scan3A_90 = %scan3A_80 to %scan3A_82 step %scan3A_83  : i32 {
      %mul3A_91 = arith.constant 5 : i32
      %mul3A_92 = arith.muli %scan3A_90, %mul3A_91 : i32
      %add3A_93 = arith.constant 0 : i32
      %add3A_94 = arith.addi %mul3A_92, %add3A_93 : i32
      %dma_start3A = arith.constant 0 : i32
      %dma_start3A_95 = tpu.memref_slice %arg4[%add3A_94, %dma_start3A] : memref<125x80xi32, #tpu.memory_space<vmem>> -> memref<1x80xi32, #tpu.memory_space<vmem>>
      %dma_start3A_96 = tpu.memref_squeeze %dma_start3A_95 : memref<1x80xi32, #tpu.memory_space<vmem>> -> memref<80xi32, #tpu.memory_space<vmem>>
      %dma_start3A_97 = arith.constant 0 : i32
      %dma_start3A_98 = arith.constant 0 : i32
      %dma_start3A_99 = tpu.memref_slice %arg7[%dma_start3A_97, %dma_start3A_98] : memref<10240x128xf32, #tpu.memory_space<vmem_shared>> -> memref<10240x128xf32, #tpu.memory_space<vmem_shared>>
      tpu.enqueue_indirect_dma source(%arg5 : memref<80x128xf32, #tpu.memory_space<vmem>>) target(%dma_start3A_99 : memref<10240x128xf32, #tpu.memory_space<vmem_shared>>) offsets(%dma_start3A_96 : memref<80xi32, #tpu.memory_space<vmem>>) semaphore(%arg8 : memref<!tpu.dma_semaphore, #tpu.memory_space<semaphore_mem>>) {add = true}
      %mul3A_100 = arith.constant 5 : i32
      %mul3A_101 = arith.muli %scan3A_90, %mul3A_100 : i32
      %add3A_102 = arith.constant 1 : i32
      %add3A_103 = arith.addi %mul3A_101, %add3A_102 : i32
      %dma_start3A_104 = arith.constant 0 : i32
      %dma_start3A_105 = tpu.memref_slice %arg4[%add3A_103, %dma_start3A_104] : memref<125x80xi32, #tpu.memory_space<vmem>> -> memref<1x80xi32, #tpu.memory_space<vmem>>
      %dma_start3A_106 = tpu.memref_squeeze %dma_start3A_105 : memref<1x80xi32, #tpu.memory_space<vmem>> -> memref<80xi32, #tpu.memory_space<vmem>>
      %dma_start3A_107 = arith.constant 0 : i32
      %dma_start3A_108 = arith.constant 0 : i32
      %dma_start3A_109 = tpu.memref_slice %arg7[%dma_start3A_107, %dma_start3A_108] : memref<10240x128xf32, #tpu.memory_space<vmem_shared>> -> memref<10240x128xf32, #tpu.memory_space<vmem_shared>>
      tpu.enqueue_indirect_dma source(%arg5 : memref<80x128xf32, #tpu.memory_space<vmem>>) target(%dma_start3A_109 : memref<10240x128xf32, #tpu.memory_space<vmem_shared>>) offsets(%dma_start3A_106 : memref<80xi32, #tpu.memory_space<vmem>>) semaphore(%arg8 : memref<!tpu.dma_semaphore, #tpu.memory_space<semaphore_mem>>) {add = true}
      %mul3A_110 = arith.constant 5 : i32
      %mul3A_111 = arith.muli %scan3A_90, %mul3A_110 : i32
      %add3A_112 = arith.constant 2 : i32
      %add3A_113 = arith.addi %mul3A_111, %add3A_112 : i32
      %dma_start3A_114 = arith.constant 0 : i32
      %dma_start3A_115 = tpu.memref_slice %arg4[%add3A_113, %dma_start3A_114] : memref<125x80xi32, #tpu.memory_space<vmem>> -> memref<1x80xi32, #tpu.memory_space<vmem>>
      %dma_start3A_116 = tpu.memref_squeeze %dma_start3A_115 : memref<1x80xi32, #tpu.memory_space<vmem>> -> memref<80xi32, #tpu.memory_space<vmem>>
      %dma_start3A_117 = arith.constant 0 : i32
      %dma_start3A_118 = arith.constant 0 : i32
      %dma_start3A_119 = tpu.memref_slice %arg7[%dma_start3A_117, %dma_start3A_118] : memref<10240x128xf32, #tpu.memory_space<vmem_shared>> -> memref<10240x128xf32, #tpu.memory_space<vmem_shared>>
      tpu.enqueue_indirect_dma source(%arg5 : memref<80x128xf32, #tpu.memory_space<vmem>>) target(%dma_start3A_119 : memref<10240x128xf32, #tpu.memory_space<vmem_shared>>) offsets(%dma_start3A_116 : memref<80xi32, #tpu.memory_space<vmem>>) semaphore(%arg8 : memref<!tpu.dma_semaphore, #tpu.memory_space<semaphore_mem>>) {add = true}
      %mul3A_120 = arith.constant 5 : i32
      %mul3A_121 = arith.muli %scan3A_90, %mul3A_120 : i32
      %add3A_122 = arith.constant 3 : i32
      %add3A_123 = arith.addi %mul3A_121, %add3A_122 : i32
      %dma_start3A_124 = arith.constant 0 : i32
      %dma_start3A_125 = tpu.memref_slice %arg4[%add3A_123, %dma_start3A_124] : memref<125x80xi32, #tpu.memory_space<vmem>> -> memref<1x80xi32, #tpu.memory_space<vmem>>
      %dma_start3A_126 = tpu.memref_squeeze %dma_start3A_125 : memref<1x80xi32, #tpu.memory_space<vmem>> -> memref<80xi32, #tpu.memory_space<vmem>>
      %dma_start3A_127 = arith.constant 0 : i32
      %dma_start3A_128 = arith.constant 0 : i32
      %dma_start3A_129 = tpu.memref_slice %arg7[%dma_start3A_127, %dma_start3A_128] : memref<10240x128xf32, #tpu.memory_space<vmem_shared>> -> memref<10240x128xf32, #tpu.memory_space<vmem_shared>>
      tpu.enqueue_indirect_dma source(%arg5 : memref<80x128xf32, #tpu.memory_space<vmem>>) target(%dma_start3A_129 : memref<10240x128xf32, #tpu.memory_space<vmem_shared>>) offsets(%dma_start3A_126 : memref<80xi32, #tpu.memory_space<vmem>>) semaphore(%arg8 : memref<!tpu.dma_semaphore, #tpu.memory_space<semaphore_mem>>) {add = true}
      %mul3A_130 = arith.constant 5 : i32
      %mul3A_131 = arith.muli %scan3A_90, %mul3A_130 : i32
      %add3A_132 = arith.constant 4 : i32
      %add3A_133 = arith.addi %mul3A_131, %add3A_132 : i32
      %dma_start3A_134 = arith.constant 0 : i32
      %dma_start3A_135 = tpu.memref_slice %arg4[%add3A_133, %dma_start3A_134] : memref<125x80xi32, #tpu.memory_space<vmem>> -> memref<1x80xi32, #tpu.memory_space<vmem>>
      %dma_start3A_136 = tpu.memref_squeeze %dma_start3A_135 : memref<1x80xi32, #tpu.memory_space<vmem>> -> memref<80xi32, #tpu.memory_space<vmem>>
      %dma_start3A_137 = arith.constant 0 : i32
      %dma_start3A_138 = arith.constant 0 : i32
      %dma_start3A_139 = tpu.memref_slice %arg7[%dma_start3A_137, %dma_start3A_138] : memref<10240x128xf32, #tpu.memory_space<vmem_shared>> -> memref<10240x128xf32, #tpu.memory_space<vmem_shared>>
      tpu.enqueue_indirect_dma source(%arg5 : memref<80x128xf32, #tpu.memory_space<vmem>>) target(%dma_start3A_139 : memref<10240x128xf32, #tpu.memory_space<vmem_shared>>) offsets(%dma_start3A_136 : memref<80xi32, #tpu.memory_space<vmem>>) semaphore(%arg8 : memref<!tpu.dma_semaphore, #tpu.memory_space<semaphore_mem>>) {add = true}
      %dma_wait3A = arith.constant 0 : i32
      %dma_wait3A_140 = tpu.memref_slice %arg4[%add3A_94, %dma_wait3A] : memref<125x80xi32, #tpu.memory_space<vmem>> -> memref<1x80xi32, #tpu.memory_space<vmem>>
      %dma_wait3A_141 = tpu.memref_squeeze %dma_wait3A_140 : memref<1x80xi32, #tpu.memory_space<vmem>> -> memref<80xi32, #tpu.memory_space<vmem>>
      %dma_wait3A_142 = arith.constant 0 : i32
      %dma_wait3A_143 = arith.constant 0 : i32
      %dma_wait3A_144 = tpu.memref_slice %arg7[%dma_wait3A_142, %dma_wait3A_143] : memref<10240x128xf32, #tpu.memory_space<vmem_shared>> -> memref<10240x128xf32, #tpu.memory_space<vmem_shared>>
      tpu.wait_indirect_dma semaphore(%arg8 : memref<!tpu.dma_semaphore, #tpu.memory_space<semaphore_mem>>) src(%arg5 : memref<80x128xf32, #tpu.memory_space<vmem>>) dst(%dma_wait3A_144 : memref<10240x128xf32, #tpu.memory_space<vmem_shared>>)
      %dma_wait3A_145 = arith.constant 0 : i32
      %dma_wait3A_146 = tpu.memref_slice %arg4[%add3A_103, %dma_wait3A_145] : memref<125x80xi32, #tpu.memory_space<vmem>> -> memref<1x80xi32, #tpu.memory_space<vmem>>
      %dma_wait3A_147 = tpu.memref_squeeze %dma_wait3A_146 : memref<1x80xi32, #tpu.memory_space<vmem>> -> memref<80xi32, #tpu.memory_space<vmem>>
      %dma_wait3A_148 = arith.constant 0 : i32
      %dma_wait3A_149 = arith.constant 0 : i32
      %dma_wait3A_150 = tpu.memref_slice %arg7[%dma_wait3A_148, %dma_wait3A_149] : memref<10240x128xf32, #tpu.memory_space<vmem_shared>> -> memref<10240x128xf32, #tpu.memory_space<vmem_shared>>
      tpu.wait_indirect_dma semaphore(%arg8 : memref<!tpu.dma_semaphore, #tpu.memory_space<semaphore_mem>>) src(%arg5 : memref<80x128xf32, #tpu.memory_space<vmem>>) dst(%dma_wait3A_150 : memref<10240x128xf32, #tpu.memory_space<vmem_shared>>)
      %dma_wait3A_151 = arith.constant 0 : i32
      %dma_wait3A_152 = tpu.memref_slice %arg4[%add3A_113, %dma_wait3A_151] : memref<125x80xi32, #tpu.memory_space<vmem>> -> memref<1x80xi32, #tpu.memory_space<vmem>>
      %dma_wait3A_153 = tpu.memref_squeeze %dma_wait3A_152 : memref<1x80xi32, #tpu.memory_space<vmem>> -> memref<80xi32, #tpu.memory_space<vmem>>
      %dma_wait3A_154 = arith.constant 0 : i32
      %dma_wait3A_155 = arith.constant 0 : i32
      %dma_wait3A_156 = tpu.memref_slice %arg7[%dma_wait3A_154, %dma_wait3A_155] : memref<10240x128xf32, #tpu.memory_space<vmem_shared>> -> memref<10240x128xf32, #tpu.memory_space<vmem_shared>>
      tpu.wait_indirect_dma semaphore(%arg8 : memref<!tpu.dma_semaphore, #tpu.memory_space<semaphore_mem>>) src(%arg5 : memref<80x128xf32, #tpu.memory_space<vmem>>) dst(%dma_wait3A_156 : memref<10240x128xf32, #tpu.memory_space<vmem_shared>>)
      %dma_wait3A_157 = arith.constant 0 : i32
      %dma_wait3A_158 = tpu.memref_slice %arg4[%add3A_123, %dma_wait3A_157] : memref<125x80xi32, #tpu.memory_space<vmem>> -> memref<1x80xi32, #tpu.memory_space<vmem>>
      %dma_wait3A_159 = tpu.memref_squeeze %dma_wait3A_158 : memref<1x80xi32, #tpu.memory_space<vmem>> -> memref<80xi32, #tpu.memory_space<vmem>>
      %dma_wait3A_160 = arith.constant 0 : i32
      %dma_wait3A_161 = arith.constant 0 : i32
      %dma_wait3A_162 = tpu.memref_slice %arg7[%dma_wait3A_160, %dma_wait3A_161] : memref<10240x128xf32, #tpu.memory_space<vmem_shared>> -> memref<10240x128xf32, #tpu.memory_space<vmem_shared>>
      tpu.wait_indirect_dma semaphore(%arg8 : memref<!tpu.dma_semaphore, #tpu.memory_space<semaphore_mem>>) src(%arg5 : memref<80x128xf32, #tpu.memory_space<vmem>>) dst(%dma_wait3A_162 : memref<10240x128xf32, #tpu.memory_space<vmem_shared>>)
      %dma_wait3A_163 = arith.constant 0 : i32
      %dma_wait3A_164 = tpu.memref_slice %arg4[%add3A_133, %dma_wait3A_163] : memref<125x80xi32, #tpu.memory_space<vmem>> -> memref<1x80xi32, #tpu.memory_space<vmem>>
      %dma_wait3A_165 = tpu.memref_squeeze %dma_wait3A_164 : memref<1x80xi32, #tpu.memory_space<vmem>> -> memref<80xi32, #tpu.memory_space<vmem>>
      %dma_wait3A_166 = arith.constant 0 : i32
      %dma_wait3A_167 = arith.constant 0 : i32
      %dma_wait3A_168 = tpu.memref_slice %arg7[%dma_wait3A_166, %dma_wait3A_167] : memref<10240x128xf32, #tpu.memory_space<vmem_shared>> -> memref<10240x128xf32, #tpu.memory_space<vmem_shared>>
      tpu.wait_indirect_dma semaphore(%arg8 : memref<!tpu.dma_semaphore, #tpu.memory_space<semaphore_mem>>) src(%arg5 : memref<80x128xf32, #tpu.memory_space<vmem>>) dst(%dma_wait3A_168 : memref<10240x128xf32, #tpu.memory_space<vmem_shared>>)
    }
    %scan3A_84 = arith.constant 25 : i32
    %barrier3A_85 = arith.constant 0 : index
    tpu.barrier barrier_id(%barrier3A_85)
    %mul3A_86 = arith.constant 640 : i32
    %mul3A_87 = arith.muli %arg1, %mul3A_86 : i32
    %mul3A_88 = arith.constant 640 : i32
    %mul3A_89 = arith.muli %arg1, %mul3A_88 : i32
    "tpu.region"() ({
      %run_scoped3A = tpu.sem_alloc : memref<!tpu.dma_semaphore, #tpu.memory_space<semaphore_mem>>
      %dma_start3A = arith.constant 0 : i32
      %dma_start3A_90 = tpu.memref_slice %arg3[%arg0, %mul3A_89, %dma_start3A] : memref<2x10240x128xf32, #tpu.memory_space<hbm>> -> memref<1x640x128xf32, #tpu.memory_space<hbm>>
      %dma_start3A_91 = tpu.memref_squeeze %dma_start3A_90 : memref<1x640x128xf32, #tpu.memory_space<hbm>> -> memref<640x128xf32, #tpu.memory_space<hbm>>
      %dma_start3A_92 = arith.constant 0 : i32
      %dma_start3A_93 = tpu.memref_slice %arg7[%mul3A_87, %dma_start3A_92] : memref<10240x128xf32, #tpu.memory_space<vmem_shared>> -> memref<640x128xf32, #tpu.memory_space<vmem_shared>>
      tpu.enqueue_dma source(%dma_start3A_93 : memref<640x128xf32, #tpu.memory_space<vmem_shared>>) target(%dma_start3A_91 : memref<640x128xf32, #tpu.memory_space<hbm>>) target_semaphore(%run_scoped3A : memref<!tpu.dma_semaphore, #tpu.memory_space<semaphore_mem>>)
      %dma_wait3A = arith.constant 0 : i32
      %dma_wait3A_94 = tpu.memref_slice %arg3[%arg0, %mul3A_89, %dma_wait3A] : memref<2x10240x128xf32, #tpu.memory_space<hbm>> -> memref<1x640x128xf32, #tpu.memory_space<hbm>>
      %dma_wait3A_95 = tpu.memref_squeeze %dma_wait3A_94 : memref<1x640x128xf32, #tpu.memory_space<hbm>> -> memref<640x128xf32, #tpu.memory_space<hbm>>
      %dma_wait3A_96 = arith.constant 0 : i32
      %dma_wait3A_97 = tpu.memref_slice %arg7[%mul3A_87, %dma_wait3A_96] : memref<10240x128xf32, #tpu.memory_space<vmem_shared>> -> memref<640x128xf32, #tpu.memory_space<vmem_shared>>
      tpu.wait_dma2 semaphore(%run_scoped3A : memref<!tpu.dma_semaphore, #tpu.memory_space<semaphore_mem>>) src(%dma_wait3A_97 : memref<640x128xf32, #tpu.memory_space<vmem_shared>>) dst(%dma_wait3A_95 : memref<640x128xf32, #tpu.memory_space<hbm>>)
      tpu.yield
    }) : () -> ()
    return
  }
}

module attributes {stable_mosaic.version = 14 : i64} {
  func.func @_pre_body(%arg0: memref<10000x128xf32, #tpu.memory_space<vmem>>, %arg1: memref<128x128xf32, #tpu.memory_space<vmem>>, %arg2: memref<2x10240x128xf32, #tpu.memory_space<vmem>>, %arg3: memref<10000x128xf32, #tpu.memory_space<vmem>>, %arg4: memref<10000x128xf32, #tpu.memory_space<vmem>>) attributes {dimension_semantics = [], scalar_prefetch = 0 : i64, scratch_operands = 0 : i64, tpu.core_type = #tpu.core_type<tc>} {
    %get3A = arith.constant 0 : index
    %get3A_0 = arith.constant 0 : index
    %get3A_1 = arith.constant 0 : index
    %get3A_2 = vector.load %arg2[%get3A, %get3A_0, %get3A_1] : memref<2x10240x128xf32, #tpu.memory_space<vmem>>, vector<1x10000x1xf32>
    %get3A_3 = vector.shape_cast %get3A_2 : vector<1x10000x1xf32> to vector<10000x1xf32>
    %get3A_4 = arith.constant 1 : index
    %get3A_5 = arith.constant 0 : index
    %get3A_6 = arith.constant 0 : index
    %get3A_7 = vector.load %arg2[%get3A_4, %get3A_5, %get3A_6] : memref<2x10240x128xf32, #tpu.memory_space<vmem>>, vector<1x10000x1xf32>
    %get3A_8 = vector.shape_cast %get3A_7 : vector<1x10000x1xf32> to vector<10000x1xf32>
    %add3A = arith.addf %get3A_3, %get3A_8 : vector<10000x1xf32>
    %add3A_9 = arith.constant 1.000000e+00 : f32
    %add3A_10 = vector.broadcast %add3A_9 : f32 to vector<10000x1xf32>
    %add3A_11 = arith.addf %add3A, %add3A_10 : vector<10000x1xf32>
    %rsqrt3A = math.rsqrt %add3A_11 : vector<10000x1xf32>
    %broadcast_in_dim3A = vector.shape_cast %rsqrt3A : vector<10000x1xf32> to vector<10000x1xf32>
    %broadcast_in_dim3A_12 = vector.broadcast %broadcast_in_dim3A : vector<10000x1xf32> to vector<10000x128xf32>
    %swap3A = arith.constant 0 : index
    %swap3A_13 = arith.constant 0 : index
    %swap3A_14 = vector.load %arg4[%swap3A, %swap3A_13] : memref<10000x128xf32, #tpu.memory_space<vmem>>, vector<10000x128xf32>
    tpu.vector_store %arg4[%swap3A, %swap3A_13], %broadcast_in_dim3A_12 {strides = array<i32>} : memref<10000x128xf32, #tpu.memory_space<vmem>>, vector<10000x128xf32>,
    %get3A_15 = arith.constant 0 : index
    %get3A_16 = arith.constant 0 : index
    %get3A_17 = vector.load %arg0[%get3A_15, %get3A_16] : memref<10000x128xf32, #tpu.memory_space<vmem>>, vector<10000x128xf32>
    %get3A_18 = arith.constant 0 : index
    %get3A_19 = arith.constant 0 : index
    %get3A_20 = vector.load %arg1[%get3A_18, %get3A_19] : memref<128x128xf32, #tpu.memory_space<vmem>>, vector<128x128xf32>
    %dot_general3A = arith.constant dense<0.000000e+00> : vector<10000x128xf32>
    %dot_general3A_21 = tpu.matmul %get3A_17, %get3A_20, %dot_general3A {dimension_numbers = #tpu.dot_dimension_numbers<[1], [0], [0], [1], [0, 0, 1, 1], [], []>, transpose_lhs_hint = false} : vector<10000x128xf32>, vector<128x128xf32>, vector<10000x128xf32> -> vector<10000x128xf32>
    %mul3A = arith.mulf %dot_general3A_21, %broadcast_in_dim3A_12 : vector<10000x128xf32>
    %swap3A_22 = arith.constant 0 : index
    %swap3A_23 = arith.constant 0 : index
    %swap3A_24 = vector.load %arg3[%swap3A_22, %swap3A_23] : memref<10000x128xf32, #tpu.memory_space<vmem>>, vector<10000x128xf32>
    tpu.vector_store %arg3[%swap3A_22, %swap3A_23], %mul3A {strides = array<i32>} : memref<10000x128xf32, #tpu.memory_space<vmem>>, vector<10000x128xf32>,
    return
  }
}

module attributes {stable_mosaic.version = 14 : i64} {
  func.func @_mid_body(%arg0: memref<10000x128xf32, #tpu.memory_space<vmem>>, %arg1: memref<10000x128xf32, #tpu.memory_space<vmem>>, %arg2: memref<2x10240x128xf32, #tpu.memory_space<vmem>>, %arg3: memref<10000x128xf32, #tpu.memory_space<vmem>>, %arg4: memref<1x128xf32, #tpu.memory_space<vmem>>, %arg5: memref<1x128xf32, #tpu.memory_space<vmem>>, %arg6: memref<1x128xf32, #tpu.memory_space<vmem>>, %arg7: memref<128x128xf32, #tpu.memory_space<vmem>>, %arg8: memref<10000x128xf32, #tpu.memory_space<vmem>>, %arg9: memref<10000x128xf32, #tpu.memory_space<vmem>>) attributes {dimension_semantics = [], scalar_prefetch = 0 : i64, scratch_operands = 0 : i64, tpu.core_type = #tpu.core_type<tc>} {
    %get3A = arith.constant 0 : index
    %get3A_0 = arith.constant 0 : index
    %get3A_1 = vector.load %arg3[%get3A, %get3A_0] : memref<10000x128xf32, #tpu.memory_space<vmem>>, vector<10000x128xf32>
    %get3A_2 = arith.constant 0 : index
    %get3A_3 = arith.constant 0 : index
    %get3A_4 = vector.load %arg0[%get3A_2, %get3A_3] : memref<10000x128xf32, #tpu.memory_space<vmem>>, vector<10000x128xf32>
    %get3A_5 = arith.constant 0 : index
    %get3A_6 = arith.constant 0 : index
    %get3A_7 = vector.load %arg1[%get3A_5, %get3A_6] : memref<10000x128xf32, #tpu.memory_space<vmem>>, vector<10000x128xf32>
    %get3A_8 = arith.constant 0 : index
    %get3A_9 = arith.constant 0 : index
    %get3A_10 = arith.constant 0 : index
    %get3A_11 = vector.load %arg2[%get3A_8, %get3A_9, %get3A_10] : memref<2x10240x128xf32, #tpu.memory_space<vmem>>, vector<1x10000x128xf32>
    %get3A_12 = vector.shape_cast %get3A_11 : vector<1x10000x128xf32> to vector<10000x128xf32>
    %get3A_13 = arith.constant 1 : index
    %get3A_14 = arith.constant 0 : index
    %get3A_15 = arith.constant 0 : index
    %get3A_16 = vector.load %arg2[%get3A_13, %get3A_14, %get3A_15] : memref<2x10240x128xf32, #tpu.memory_space<vmem>>, vector<1x10000x128xf32>
    %get3A_17 = vector.shape_cast %get3A_16 : vector<1x10000x128xf32> to vector<10000x128xf32>
    %get3A_18 = arith.constant 0 : index
    %get3A_19 = arith.constant 0 : index
    %get3A_20 = vector.load %arg4[%get3A_18, %get3A_19] : memref<1x128xf32, #tpu.memory_space<vmem>>, vector<1x128xf32>
    %get3A_21 = arith.constant 0 : index
    %get3A_22 = arith.constant 0 : index
    %get3A_23 = vector.load %arg5[%get3A_21, %get3A_22] : memref<1x128xf32, #tpu.memory_space<vmem>>, vector<1x128xf32>
    %get3A_24 = arith.constant 0 : index
    %get3A_25 = arith.constant 0 : index
    %get3A_26 = vector.load %arg6[%get3A_24, %get3A_25] : memref<1x128xf32, #tpu.memory_space<vmem>>, vector<1x128xf32>
    %add3A = arith.addf %get3A_12, %get3A_17 : vector<10000x128xf32>
    %add3A_27 = arith.addf %add3A, %get3A_7 : vector<10000x128xf32>
    %mul3A = arith.mulf %get3A_1, %add3A_27 : vector<10000x128xf32>
    %add3A_28 = vector.broadcast %get3A_20 : vector<1x128xf32> to vector<10000x128xf32>
    %add3A_29 = arith.addf %mul3A, %add3A_28 : vector<10000x128xf32>
    %add3A_30 = arith.addf %get3A_4, %add3A_29 : vector<10000x128xf32>
    %reduce_sum3A = arith.constant dense<0.000000e+00> : vector<128xf32>
    %reduce_sum3A_31 = vector.multi_reduction <add>, %add3A_30, %reduce_sum3A [0] : vector<10000x128xf32> to vector<128xf32>
    %broadcast_in_dim3A = vector.shape_cast %reduce_sum3A_31 : vector<128xf32> to vector<1x128xf32>
    %div3A = arith.constant 1.000000e+04 : f32
    %div3A_32 = vector.broadcast %div3A : f32 to vector<1x128xf32>
    %div3A_33 = arith.divf %broadcast_in_dim3A, %div3A_32 : vector<1x128xf32>
    %sub3A = vector.broadcast %div3A_33 : vector<1x128xf32> to vector<10000x128xf32>
    %sub3A_34 = arith.subf %add3A_30, %sub3A : vector<10000x128xf32>
    %sub3A_35 = vector.broadcast %div3A_33 : vector<1x128xf32> to vector<10000x128xf32>
    %sub3A_36 = arith.subf %add3A_30, %sub3A_35 : vector<10000x128xf32>
    %mul3A_37 = arith.mulf %sub3A_34, %sub3A_36 : vector<10000x128xf32>
    %reduce_sum3A_38 = arith.constant dense<0.000000e+00> : vector<128xf32>
    %reduce_sum3A_39 = vector.multi_reduction <add>, %mul3A_37, %reduce_sum3A_38 [0] : vector<10000x128xf32> to vector<128xf32>
    %broadcast_in_dim3A_40 = vector.shape_cast %reduce_sum3A_39 : vector<128xf32> to vector<1x128xf32>
    %div3A_41 = arith.constant 1.000000e+04 : f32
    %div3A_42 = vector.broadcast %div3A_41 : f32 to vector<1x128xf32>
    %div3A_43 = arith.divf %broadcast_in_dim3A_40, %div3A_42 : vector<1x128xf32>
    %sub3A_44 = vector.broadcast %div3A_33 : vector<1x128xf32> to vector<10000x128xf32>
    %sub3A_45 = arith.subf %add3A_30, %sub3A_44 : vector<10000x128xf32>
    %add3A_46 = arith.constant 9.99999974E-6 : f32
    %add3A_47 = vector.broadcast %add3A_46 : f32 to vector<1x128xf32>
    %add3A_48 = arith.addf %div3A_43, %add3A_47 : vector<1x128xf32>
    %rsqrt3A = math.rsqrt %add3A_48 : vector<1x128xf32>
    %mul3A_49 = vector.broadcast %rsqrt3A : vector<1x128xf32> to vector<10000x128xf32>
    %mul3A_50 = arith.mulf %sub3A_45, %mul3A_49 : vector<10000x128xf32>
    %mul3A_51 = vector.broadcast %get3A_23 : vector<1x128xf32> to vector<10000x128xf32>
    %mul3A_52 = arith.mulf %mul3A_50, %mul3A_51 : vector<10000x128xf32>
    %add3A_53 = vector.broadcast %get3A_26 : vector<1x128xf32> to vector<10000x128xf32>
    %add3A_54 = arith.addf %mul3A_52, %add3A_53 : vector<10000x128xf32>
    %gt3A = arith.constant 0.000000e+00 : f32
    %gt3A_55 = vector.broadcast %gt3A : f32 to vector<10000x128xf32>
    %gt3A_56 = arith.cmpf ogt, %add3A_54, %gt3A_55 : vector<10000x128xf32>
    %jit3A = arith.constant 0.000000e+00 : f32
    %broadcast_in_dim3A_57 = vector.broadcast %jit3A : f32 to vector<10000x128xf32>
    %select_n3A = arith.select %gt3A_56, %broadcast_in_dim3A_57, %add3A_54 : vector<10000x128xi1>, vector<10000x128xf32>
    %gt3A_58 = arith.constant 0.000000e+00 : f32
    %gt3A_59 = vector.broadcast %gt3A_58 : f32 to vector<10000x128xf32>
    %gt3A_60 = arith.cmpf ogt, %add3A_54, %gt3A_59 : vector<10000x128xf32>
    %exp3A = math.exp %select_n3A : vector<10000x128xf32>
    %sub3A_61 = arith.constant 1.000000e+00 : f32
    %sub3A_62 = vector.broadcast %sub3A_61 : f32 to vector<10000x128xf32>
    %sub3A_63 = arith.subf %exp3A, %sub3A_62 : vector<10000x128xf32>
    %select_n3A_64 = arith.select %gt3A_60, %add3A_54, %sub3A_63 : vector<10000x128xi1>, vector<10000x128xf32>
    %swap3A = arith.constant 0 : index
    %swap3A_65 = arith.constant 0 : index
    %swap3A_66 = vector.load %arg8[%swap3A, %swap3A_65] : memref<10000x128xf32, #tpu.memory_space<vmem>>, vector<10000x128xf32>
    tpu.vector_store %arg8[%swap3A, %swap3A_65], %select_n3A_64 {strides = array<i32>} : memref<10000x128xf32, #tpu.memory_space<vmem>>, vector<10000x128xf32>,
    %get3A_67 = arith.constant 0 : index
    %get3A_68 = arith.constant 0 : index
    %get3A_69 = vector.load %arg7[%get3A_67, %get3A_68] : memref<128x128xf32, #tpu.memory_space<vmem>>, vector<128x128xf32>
    %dot_general3A = arith.constant dense<0.000000e+00> : vector<10000x128xf32>
    %dot_general3A_70 = tpu.matmul %select_n3A_64, %get3A_69, %dot_general3A {dimension_numbers = #tpu.dot_dimension_numbers<[1], [0], [0], [1], [0, 0, 1, 1], [], []>, transpose_lhs_hint = false} : vector<10000x128xf32>, vector<128x128xf32>, vector<10000x128xf32> -> vector<10000x128xf32>
    %mul3A_71 = arith.mulf %dot_general3A_70, %get3A_1 : vector<10000x128xf32>
    %swap3A_72 = arith.constant 0 : index
    %swap3A_73 = arith.constant 0 : index
    %swap3A_74 = vector.load %arg9[%swap3A_72, %swap3A_73] : memref<10000x128xf32, #tpu.memory_space<vmem>>, vector<10000x128xf32>
    tpu.vector_store %arg9[%swap3A_72, %swap3A_73], %mul3A_71 {strides = array<i32>} : memref<10000x128xf32, #tpu.memory_space<vmem>>, vector<10000x128xf32>,
    return
  }
}

module attributes {stable_mosaic.version = 14 : i64} {
  func.func @_mid_body(%arg0: memref<10000x128xf32, #tpu.memory_space<vmem>>, %arg1: memref<10000x128xf32, #tpu.memory_space<vmem>>, %arg2: memref<2x10240x128xf32, #tpu.memory_space<vmem>>, %arg3: memref<10000x128xf32, #tpu.memory_space<vmem>>, %arg4: memref<1x128xf32, #tpu.memory_space<vmem>>, %arg5: memref<1x128xf32, #tpu.memory_space<vmem>>, %arg6: memref<1x128xf32, #tpu.memory_space<vmem>>, %arg7: memref<128x128xf32, #tpu.memory_space<vmem>>, %arg8: memref<10000x128xf32, #tpu.memory_space<vmem>>, %arg9: memref<10000x128xf32, #tpu.memory_space<vmem>>) attributes {dimension_semantics = [], scalar_prefetch = 0 : i64, scratch_operands = 0 : i64, tpu.core_type = #tpu.core_type<tc>} {
    %get3A = arith.constant 0 : index
    %get3A_0 = arith.constant 0 : index
    %get3A_1 = vector.load %arg3[%get3A, %get3A_0] : memref<10000x128xf32, #tpu.memory_space<vmem>>, vector<10000x128xf32>
    %get3A_2 = arith.constant 0 : index
    %get3A_3 = arith.constant 0 : index
    %get3A_4 = vector.load %arg0[%get3A_2, %get3A_3] : memref<10000x128xf32, #tpu.memory_space<vmem>>, vector<10000x128xf32>
    %get3A_5 = arith.constant 0 : index
    %get3A_6 = arith.constant 0 : index
    %get3A_7 = vector.load %arg1[%get3A_5, %get3A_6] : memref<10000x128xf32, #tpu.memory_space<vmem>>, vector<10000x128xf32>
    %get3A_8 = arith.constant 0 : index
    %get3A_9 = arith.constant 0 : index
    %get3A_10 = arith.constant 0 : index
    %get3A_11 = vector.load %arg2[%get3A_8, %get3A_9, %get3A_10] : memref<2x10240x128xf32, #tpu.memory_space<vmem>>, vector<1x10000x128xf32>
    %get3A_12 = vector.shape_cast %get3A_11 : vector<1x10000x128xf32> to vector<10000x128xf32>
    %get3A_13 = arith.constant 1 : index
    %get3A_14 = arith.constant 0 : index
    %get3A_15 = arith.constant 0 : index
    %get3A_16 = vector.load %arg2[%get3A_13, %get3A_14, %get3A_15] : memref<2x10240x128xf32, #tpu.memory_space<vmem>>, vector<1x10000x128xf32>
    %get3A_17 = vector.shape_cast %get3A_16 : vector<1x10000x128xf32> to vector<10000x128xf32>
    %get3A_18 = arith.constant 0 : index
    %get3A_19 = arith.constant 0 : index
    %get3A_20 = vector.load %arg4[%get3A_18, %get3A_19] : memref<1x128xf32, #tpu.memory_space<vmem>>, vector<1x128xf32>
    %get3A_21 = arith.constant 0 : index
    %get3A_22 = arith.constant 0 : index
    %get3A_23 = vector.load %arg5[%get3A_21, %get3A_22] : memref<1x128xf32, #tpu.memory_space<vmem>>, vector<1x128xf32>
    %get3A_24 = arith.constant 0 : index
    %get3A_25 = arith.constant 0 : index
    %get3A_26 = vector.load %arg6[%get3A_24, %get3A_25] : memref<1x128xf32, #tpu.memory_space<vmem>>, vector<1x128xf32>
    %add3A = arith.addf %get3A_12, %get3A_17 : vector<10000x128xf32>
    %add3A_27 = arith.addf %add3A, %get3A_7 : vector<10000x128xf32>
    %mul3A = arith.mulf %get3A_1, %add3A_27 : vector<10000x128xf32>
    %add3A_28 = vector.broadcast %get3A_20 : vector<1x128xf32> to vector<10000x128xf32>
    %add3A_29 = arith.addf %mul3A, %add3A_28 : vector<10000x128xf32>
    %add3A_30 = arith.addf %get3A_4, %add3A_29 : vector<10000x128xf32>
    %reduce_sum3A = arith.constant dense<0.000000e+00> : vector<128xf32>
    %reduce_sum3A_31 = vector.multi_reduction <add>, %add3A_30, %reduce_sum3A [0] : vector<10000x128xf32> to vector<128xf32>
    %broadcast_in_dim3A = vector.shape_cast %reduce_sum3A_31 : vector<128xf32> to vector<1x128xf32>
    %div3A = arith.constant 1.000000e+04 : f32
    %div3A_32 = vector.broadcast %div3A : f32 to vector<1x128xf32>
    %div3A_33 = arith.divf %broadcast_in_dim3A, %div3A_32 : vector<1x128xf32>
    %sub3A = vector.broadcast %div3A_33 : vector<1x128xf32> to vector<10000x128xf32>
    %sub3A_34 = arith.subf %add3A_30, %sub3A : vector<10000x128xf32>
    %sub3A_35 = vector.broadcast %div3A_33 : vector<1x128xf32> to vector<10000x128xf32>
    %sub3A_36 = arith.subf %add3A_30, %sub3A_35 : vector<10000x128xf32>
    %mul3A_37 = arith.mulf %sub3A_34, %sub3A_36 : vector<10000x128xf32>
    %reduce_sum3A_38 = arith.constant dense<0.000000e+00> : vector<128xf32>
    %reduce_sum3A_39 = vector.multi_reduction <add>, %mul3A_37, %reduce_sum3A_38 [0] : vector<10000x128xf32> to vector<128xf32>
    %broadcast_in_dim3A_40 = vector.shape_cast %reduce_sum3A_39 : vector<128xf32> to vector<1x128xf32>
    %div3A_41 = arith.constant 1.000000e+04 : f32
    %div3A_42 = vector.broadcast %div3A_41 : f32 to vector<1x128xf32>
    %div3A_43 = arith.divf %broadcast_in_dim3A_40, %div3A_42 : vector<1x128xf32>
    %sub3A_44 = vector.broadcast %div3A_33 : vector<1x128xf32> to vector<10000x128xf32>
    %sub3A_45 = arith.subf %add3A_30, %sub3A_44 : vector<10000x128xf32>
    %add3A_46 = arith.constant 9.99999974E-6 : f32
    %add3A_47 = vector.broadcast %add3A_46 : f32 to vector<1x128xf32>
    %add3A_48 = arith.addf %div3A_43, %add3A_47 : vector<1x128xf32>
    %rsqrt3A = math.rsqrt %add3A_48 : vector<1x128xf32>
    %mul3A_49 = vector.broadcast %rsqrt3A : vector<1x128xf32> to vector<10000x128xf32>
    %mul3A_50 = arith.mulf %sub3A_45, %mul3A_49 : vector<10000x128xf32>
    %mul3A_51 = vector.broadcast %get3A_23 : vector<1x128xf32> to vector<10000x128xf32>
    %mul3A_52 = arith.mulf %mul3A_50, %mul3A_51 : vector<10000x128xf32>
    %add3A_53 = vector.broadcast %get3A_26 : vector<1x128xf32> to vector<10000x128xf32>
    %add3A_54 = arith.addf %mul3A_52, %add3A_53 : vector<10000x128xf32>
    %gt3A = arith.constant 0.000000e+00 : f32
    %gt3A_55 = vector.broadcast %gt3A : f32 to vector<10000x128xf32>
    %gt3A_56 = arith.cmpf ogt, %add3A_54, %gt3A_55 : vector<10000x128xf32>
    %jit3A = arith.constant 0.000000e+00 : f32
    %broadcast_in_dim3A_57 = vector.broadcast %jit3A : f32 to vector<10000x128xf32>
    %select_n3A = arith.select %gt3A_56, %broadcast_in_dim3A_57, %add3A_54 : vector<10000x128xi1>, vector<10000x128xf32>
    %gt3A_58 = arith.constant 0.000000e+00 : f32
    %gt3A_59 = vector.broadcast %gt3A_58 : f32 to vector<10000x128xf32>
    %gt3A_60 = arith.cmpf ogt, %add3A_54, %gt3A_59 : vector<10000x128xf32>
    %exp3A = math.exp %select_n3A : vector<10000x128xf32>
    %sub3A_61 = arith.constant 1.000000e+00 : f32
    %sub3A_62 = vector.broadcast %sub3A_61 : f32 to vector<10000x128xf32>
    %sub3A_63 = arith.subf %exp3A, %sub3A_62 : vector<10000x128xf32>
    %select_n3A_64 = arith.select %gt3A_60, %add3A_54, %sub3A_63 : vector<10000x128xi1>, vector<10000x128xf32>
    %swap3A = arith.constant 0 : index
    %swap3A_65 = arith.constant 0 : index
    %swap3A_66 = vector.load %arg8[%swap3A, %swap3A_65] : memref<10000x128xf32, #tpu.memory_space<vmem>>, vector<10000x128xf32>
    tpu.vector_store %arg8[%swap3A, %swap3A_65], %select_n3A_64 {strides = array<i32>} : memref<10000x128xf32, #tpu.memory_space<vmem>>, vector<10000x128xf32>,
    %get3A_67 = arith.constant 0 : index
    %get3A_68 = arith.constant 0 : index
    %get3A_69 = vector.load %arg7[%get3A_67, %get3A_68] : memref<128x128xf32, #tpu.memory_space<vmem>>, vector<128x128xf32>
    %dot_general3A = arith.constant dense<0.000000e+00> : vector<10000x128xf32>
    %dot_general3A_70 = tpu.matmul %select_n3A_64, %get3A_69, %dot_general3A {dimension_numbers = #tpu.dot_dimension_numbers<[1], [0], [0], [1], [0, 0, 1, 1], [], []>, transpose_lhs_hint = false} : vector<10000x128xf32>, vector<128x128xf32>, vector<10000x128xf32> -> vector<10000x128xf32>
    %mul3A_71 = arith.mulf %dot_general3A_70, %get3A_1 : vector<10000x128xf32>
    %swap3A_72 = arith.constant 0 : index
    %swap3A_73 = arith.constant 0 : index
    %swap3A_74 = vector.load %arg9[%swap3A_72, %swap3A_73] : memref<10000x128xf32, #tpu.memory_space<vmem>>, vector<10000x128xf32>
    tpu.vector_store %arg9[%swap3A_72, %swap3A_73], %mul3A_71 {strides = array<i32>} : memref<10000x128xf32, #tpu.memory_space<vmem>>, vector<10000x128xf32>,
    return
  }
}

module attributes {stable_mosaic.version = 14 : i64} {
  func.func @_final_body(%arg0: memref<10000x128xf32, #tpu.memory_space<vmem>>, %arg1: memref<10000x128xf32, #tpu.memory_space<vmem>>, %arg2: memref<2x10240x128xf32, #tpu.memory_space<vmem>>, %arg3: memref<10000x128xf32, #tpu.memory_space<vmem>>, %arg4: memref<1x128xf32, #tpu.memory_space<vmem>>, %arg5: memref<1x128xf32, #tpu.memory_space<vmem>>, %arg6: memref<1x128xf32, #tpu.memory_space<vmem>>, %arg7: memref<10000x1xi32, #tpu.memory_space<vmem>>, %arg8: memref<128x2xf32, #tpu.memory_space<vmem>>, %arg9: memref<1x2xf32, #tpu.memory_space<vmem>>, %arg10: memref<128x2xf32, #tpu.memory_space<vmem>>) attributes {dimension_semantics = [], scalar_prefetch = 0 : i64, scratch_operands = 0 : i64, tpu.core_type = #tpu.core_type<tc>} {
    %get3A = arith.constant 0 : index
    %get3A_0 = arith.constant 0 : index
    %get3A_1 = vector.load %arg0[%get3A, %get3A_0] : memref<10000x128xf32, #tpu.memory_space<vmem>>, vector<10000x128xf32>
    %get3A_2 = arith.constant 0 : index
    %get3A_3 = arith.constant 0 : index
    %get3A_4 = vector.load %arg1[%get3A_2, %get3A_3] : memref<10000x128xf32, #tpu.memory_space<vmem>>, vector<10000x128xf32>
    %get3A_5 = arith.constant 0 : index
    %get3A_6 = arith.constant 0 : index
    %get3A_7 = arith.constant 0 : index
    %get3A_8 = vector.load %arg2[%get3A_5, %get3A_6, %get3A_7] : memref<2x10240x128xf32, #tpu.memory_space<vmem>>, vector<1x10000x128xf32>
    %get3A_9 = vector.shape_cast %get3A_8 : vector<1x10000x128xf32> to vector<10000x128xf32>
    %get3A_10 = arith.constant 1 : index
    %get3A_11 = arith.constant 0 : index
    %get3A_12 = arith.constant 0 : index
    %get3A_13 = vector.load %arg2[%get3A_10, %get3A_11, %get3A_12] : memref<2x10240x128xf32, #tpu.memory_space<vmem>>, vector<1x10000x128xf32>
    %get3A_14 = vector.shape_cast %get3A_13 : vector<1x10000x128xf32> to vector<10000x128xf32>
    %get3A_15 = arith.constant 0 : index
    %get3A_16 = arith.constant 0 : index
    %get3A_17 = vector.load %arg3[%get3A_15, %get3A_16] : memref<10000x128xf32, #tpu.memory_space<vmem>>, vector<10000x128xf32>
    %get3A_18 = arith.constant 0 : index
    %get3A_19 = arith.constant 0 : index
    %get3A_20 = vector.load %arg4[%get3A_18, %get3A_19] : memref<1x128xf32, #tpu.memory_space<vmem>>, vector<1x128xf32>
    %get3A_21 = arith.constant 0 : index
    %get3A_22 = arith.constant 0 : index
    %get3A_23 = vector.load %arg5[%get3A_21, %get3A_22] : memref<1x128xf32, #tpu.memory_space<vmem>>, vector<1x128xf32>
    %get3A_24 = arith.constant 0 : index
    %get3A_25 = arith.constant 0 : index
    %get3A_26 = vector.load %arg6[%get3A_24, %get3A_25] : memref<1x128xf32, #tpu.memory_space<vmem>>, vector<1x128xf32>
    %add3A = arith.addf %get3A_9, %get3A_14 : vector<10000x128xf32>
    %add3A_27 = arith.addf %add3A, %get3A_4 : vector<10000x128xf32>
    %mul3A = arith.mulf %get3A_17, %add3A_27 : vector<10000x128xf32>
    %add3A_28 = vector.broadcast %get3A_20 : vector<1x128xf32> to vector<10000x128xf32>
    %add3A_29 = arith.addf %mul3A, %add3A_28 : vector<10000x128xf32>
    %add3A_30 = arith.addf %get3A_1, %add3A_29 : vector<10000x128xf32>
    %reduce_sum3A = arith.constant dense<0.000000e+00> : vector<128xf32>
    %reduce_sum3A_31 = vector.multi_reduction <add>, %add3A_30, %reduce_sum3A [0] : vector<10000x128xf32> to vector<128xf32>
    %broadcast_in_dim3A = vector.shape_cast %reduce_sum3A_31 : vector<128xf32> to vector<1x128xf32>
    %div3A = arith.constant 1.000000e+04 : f32
    %div3A_32 = vector.broadcast %div3A : f32 to vector<1x128xf32>
    %div3A_33 = arith.divf %broadcast_in_dim3A, %div3A_32 : vector<1x128xf32>
    %sub3A = vector.broadcast %div3A_33 : vector<1x128xf32> to vector<10000x128xf32>
    %sub3A_34 = arith.subf %add3A_30, %sub3A : vector<10000x128xf32>
    %sub3A_35 = vector.broadcast %div3A_33 : vector<1x128xf32> to vector<10000x128xf32>
    %sub3A_36 = arith.subf %add3A_30, %sub3A_35 : vector<10000x128xf32>
    %mul3A_37 = arith.mulf %sub3A_34, %sub3A_36 : vector<10000x128xf32>
    %reduce_sum3A_38 = arith.constant dense<0.000000e+00> : vector<128xf32>
    %reduce_sum3A_39 = vector.multi_reduction <add>, %mul3A_37, %reduce_sum3A_38 [0] : vector<10000x128xf32> to vector<128xf32>
    %broadcast_in_dim3A_40 = vector.shape_cast %reduce_sum3A_39 : vector<128xf32> to vector<1x128xf32>
    %div3A_41 = arith.constant 1.000000e+04 : f32
    %div3A_42 = vector.broadcast %div3A_41 : f32 to vector<1x128xf32>
    %div3A_43 = arith.divf %broadcast_in_dim3A_40, %div3A_42 : vector<1x128xf32>
    %sub3A_44 = vector.broadcast %div3A_33 : vector<1x128xf32> to vector<10000x128xf32>
    %sub3A_45 = arith.subf %add3A_30, %sub3A_44 : vector<10000x128xf32>
    %add3A_46 = arith.constant 9.99999974E-6 : f32
    %add3A_47 = vector.broadcast %add3A_46 : f32 to vector<1x128xf32>
    %add3A_48 = arith.addf %div3A_43, %add3A_47 : vector<1x128xf32>
    %rsqrt3A = math.rsqrt %add3A_48 : vector<1x128xf32>
    %mul3A_49 = vector.broadcast %rsqrt3A : vector<1x128xf32> to vector<10000x128xf32>
    %mul3A_50 = arith.mulf %sub3A_45, %mul3A_49 : vector<10000x128xf32>
    %mul3A_51 = vector.broadcast %get3A_23 : vector<1x128xf32> to vector<10000x128xf32>
    %mul3A_52 = arith.mulf %mul3A_50, %mul3A_51 : vector<10000x128xf32>
    %add3A_53 = vector.broadcast %get3A_26 : vector<1x128xf32> to vector<10000x128xf32>
    %add3A_54 = arith.addf %mul3A_52, %add3A_53 : vector<10000x128xf32>
    %gt3A = arith.constant 0.000000e+00 : f32
    %gt3A_55 = vector.broadcast %gt3A : f32 to vector<10000x128xf32>
    %gt3A_56 = arith.cmpf ogt, %add3A_54, %gt3A_55 : vector<10000x128xf32>
    %jit3A = arith.constant 0.000000e+00 : f32
    %broadcast_in_dim3A_57 = vector.broadcast %jit3A : f32 to vector<10000x128xf32>
    %select_n3A = arith.select %gt3A_56, %broadcast_in_dim3A_57, %add3A_54 : vector<10000x128xi1>, vector<10000x128xf32>
    %gt3A_58 = arith.constant 0.000000e+00 : f32
    %gt3A_59 = vector.broadcast %gt3A_58 : f32 to vector<10000x128xf32>
    %gt3A_60 = arith.cmpf ogt, %add3A_54, %gt3A_59 : vector<10000x128xf32>
    %exp3A = math.exp %select_n3A : vector<10000x128xf32>
    %sub3A_61 = arith.constant 1.000000e+00 : f32
    %sub3A_62 = vector.broadcast %sub3A_61 : f32 to vector<10000x128xf32>
    %sub3A_63 = arith.subf %exp3A, %sub3A_62 : vector<10000x128xf32>
    %select_n3A_64 = arith.select %gt3A_60, %add3A_54, %sub3A_63 : vector<10000x128xi1>, vector<10000x128xf32>
    %iota3A = tpu.iota {dimensions = array<i32: 1>} : vector<10000x128xi32>
    %get3A_65 = arith.constant 0 : index
    %get3A_66 = arith.constant 0 : index
    %get3A_67 = vector.load %arg7[%get3A_65, %get3A_66] : memref<10000x1xi32, #tpu.memory_space<vmem>>, vector<10000x1xi32>
    %eq3A = vector.broadcast %get3A_67 : vector<10000x1xi32> to vector<10000x128xi32>
    %eq3A_68 = arith.cmpi eq, %eq3A, %iota3A : vector<10000x128xi32>
    %convert_element_type3A = arith.extui %eq3A_68 : vector<10000x128xi1> to vector<10000x128xi32>
    %convert_element_type3A_69 = arith.sitofp %convert_element_type3A : vector<10000x128xi32> to vector<10000x128xf32>
    %dot_general3A = arith.constant dense<0.000000e+00> : vector<128x128xf32>
    %dot_general3A_70 = tpu.matmul %convert_element_type3A_69, %select_n3A_64, %dot_general3A {dimension_numbers = #tpu.dot_dimension_numbers<[0], [0], [1], [1], [0, 1, 1, 1], [], []>, transpose_lhs_hint = false} : vector<10000x128xf32>, vector<10000x128xf32>, vector<128x128xf32> -> vector<128x128xf32>
    %broadcast_in_dim3A_71 = arith.constant 1.000000e+00 : f32
    %broadcast_in_dim3A_72 = vector.broadcast %broadcast_in_dim3A_71 : f32 to vector<10000x8xf32>
    %dot_general3A_73 = arith.constant dense<0.000000e+00> : vector<128x8xf32>
    %dot_general3A_74 = tpu.matmul %convert_element_type3A_69, %broadcast_in_dim3A_72, %dot_general3A_73 {dimension_numbers = #tpu.dot_dimension_numbers<[0], [0], [1], [1], [0, 1, 1, 1], [], []>, transpose_lhs_hint = false} : vector<10000x128xf32>, vector<10000x8xf32>, vector<128x8xf32> -> vector<128x8xf32>
    %slice3A = vector.extract_strided_slice %dot_general3A_74 {offsets = [0, 0], sizes = [128, 1], strides = [1, 1]} : vector<128x8xf32> to vector<128x1xf32>
    %max3A = arith.constant 1.000000e+00 : f32
    %max3A_75 = vector.broadcast %max3A : f32 to vector<128x1xf32>
    %max3A_76 = arith.maximumf %slice3A, %max3A_75 : vector<128x1xf32>
    %div3A_77 = vector.broadcast %max3A_76 : vector<128x1xf32> to vector<128x128xf32>
    %div3A_78 = arith.divf %dot_general3A_70, %div3A_77 : vector<128x128xf32>
    %get3A_79 = arith.constant 0 : index
    %get3A_80 = arith.constant 0 : index
    %get3A_81 = vector.load %arg8[%get3A_79, %get3A_80] : memref<128x2xf32, #tpu.memory_space<vmem>>, vector<128x2xf32>
    %dot_general3A_82 = arith.constant dense<0.000000e+00> : vector<128x2xf32>
    %dot_general3A_83 = tpu.matmul %div3A_78, %get3A_81, %dot_general3A_82 {dimension_numbers = #tpu.dot_dimension_numbers<[1], [0], [0], [1], [0, 0, 1, 1], [], []>, transpose_lhs_hint = false} : vector<128x128xf32>, vector<128x2xf32>, vector<128x2xf32> -> vector<128x2xf32>
    %get3A_84 = arith.constant 0 : index
    %get3A_85 = arith.constant 0 : index
    %get3A_86 = vector.load %arg9[%get3A_84, %get3A_85] : memref<1x2xf32, #tpu.memory_space<vmem>>, vector<1x2xf32>
    %add3A_87 = vector.broadcast %get3A_86 : vector<1x2xf32> to vector<128x2xf32>
    %add3A_88 = arith.addf %dot_general3A_83, %add3A_87 : vector<128x2xf32>
    %swap3A = arith.constant 0 : index
    %swap3A_89 = arith.constant 0 : index
    %swap3A_90 = vector.load %arg10[%swap3A, %swap3A_89] : memref<128x2xf32, #tpu.memory_space<vmem>>, vector<128x2xf32>
    tpu.vector_store %arg10[%swap3A, %swap3A_89], %add3A_88 {strides = array<i32>} : memref<128x2xf32, #tpu.memory_space<vmem>>, vector<128x2xf32>,
    return
  }
}

</mosaic_0001>

<sc_bundles>
// kernel: kernel.10.cloned.1.call-start
scs
__scs_entry_jumppad:
0x0: {  	(pc) =	sbr.rel $0x88, $3  }
0x1: {  	(tag) =	ssettag $0x0;
	lr =	simm.s32 $0x1  }
0x2: {  	[smem:$0x3F90] =	sst lr;
	_ =	strace $0xD0000000  }
0x3: {  	_ = 	snop  }
0x4: {  	_ = 	snop  }
0x5: {  	_ = 	snop  }
0x6: {  	_ = 	snop  }
0x7: {  	_ = 	snop  }
__scs_overlays_trampoline_lowered:
0x8: {  	[smem:$0x3F9F] =	sst s0  }
0x9: {  	[smem:$0x3FA0] =	sst s1  }
0xa: {  	[smem:$0x3FA1] =	sst s2  }
0xb: {  	[smem:$0x3FA2] =	sst s3  }
0xc: {  	[smem:$0x3FA3] =	sst s4  }
0xd: {  	[smem:$0x3FA4] =	sst s5  }
0xe: {  	[smem:$0x3FA5] =	sst s6  }
0xf: {  	[smem:$0x3FA6] =	sst s7  }
0x10: {  	[smem:$0x3FA7] =	sst s8  }
0x11: {  	[smem:$0x3FA8] =	sst s9;
	s0 =	simm.s32 @!p0 $0x0  }
0x12: {  	s1 =	sld [smem:$0x3F8E];
	s0 =	simm.s32 @p0 $0x1  }
0x13: {  	[smem:$0x3FA9] =	sst s0;
	s0 =	simm.s32 @!p1 $0x0  }
0x14: {  	s2 =	sld [smem:$0x3F8D];
	s0 =	simm.s32 @p1 $0x1  }
0x15: {  	[smem:$0x3FAA] =	sst s0;
	s0 =	simm.s32 @!p2 $0x0  }
0x16: {  	s3 =	sld [smem:$0x3FDB];
	s0 =	simm.s32 @p2 $0x1  }
0x17: {  	s4 =	simm.s32 $0x1BF5;
	[smem:$0x3FAC] =	sst s0  }
0x18: {  	s0 =	sld [smem:$0x3F8F];
	_ =	swait.ge [sflag:s4], $0x0  }
0x19: {  	s7 =	sld [smem:$0x3F90]  }
0x1a: {  	s8 =	sadd.s32 $0xFFFFE003, lr  }
0x1b: {  	s9 =	sadd.s32 $0xFFFFFEF7, lr;
	s5 =	simm.s32 $0xFFFFFFFF;
	p2 =	slt.u32 s8, $0xFFFFF086  }
0x1c: {  	p1 =	slt.u32 s9, $0xF7A;
	s5 =	simm.s32 @!p2 $0x0  }
0x1d: {  	s5 =	simm.s32 @p1 $0x1;
	p0 =	seq.s32 s7, s2  }
0x1e: {  	s7 =	smul.u32 @!p0 $0xF7A, s2;
	p2 =	seq.s32 @!p0 s5, $0x0  }
0x1f: {  	s9 =	smul.u32 $0xF7A, s1;
	s8 =	simm.s32 @!p0 $0x1BF5;
	p2 =	por !p2, p0  }
0x20: {  	[sflag:s8] =	ssyncset.s32 @!p0 $0xFFFFF086;
	s6 =	sadd.s32 @!p0 s3, s7;
	s7 =	simm.s32 @!p0 $0x108  }
0x21: {  	s3 =	sadd.s32 s3, s9;
	s6 =	sadd.s32 @!p0 $0x88, s6;
	s7 =	simm.s32 @p2 $0x1082  }
0x22: {  	[simem:s7], [sflag:s8] =	dma.local @!p0 [hbm:s6], $0xF7A  }
0x23: {  	s9 =	sor.u32 $0xD0000000, s2;
	s6 =	simm.s32 $0x108;
	_ =	swait.ge @!p0 [sflag:s8], $0x0  }
0x24: {  	s3 =	sadd.s32 $0x88, s3;
	s6 =	simm.s32 @!p1 $0x1082;
	[sflag:s4] =	ssyncset.s32 $0xFFFFF086  }
0x25: {  	[simem:s6], [sflag:s4] =	dma.local [hbm:s3], $0xF7A  }
0x26: {  	[smem:$0x3F90] =	sst s1;
	(tag) =	ssettag s2;
	_ =	strace s9  }
0x27: {  	s1 =	sld [smem:$0x3FA0]  }
0x28: {  	s2 =	sld [smem:$0x3FA1]  }
0x29: {  	s4 =	sld [smem:$0x3FA3]  }
0x2a: {  	p0 =	seq.s32 s5, $0x0;
	s5 =	sld [smem:$0x3FA4]  }
0x2b: {  	s6 =	sld [smem:$0x3FA5]  }
0x2c: {  	s7 =	sld [smem:$0x3FA6]  }
0x2d: {  	s3 =	simm.s32 $0x108;
	s8 =	sld [smem:$0x3FA7]  }
0x2e: {  	s3 =	simm.s32 @!p0 $0x1082;
	s9 =	sld [smem:$0x3FA8]  }
0x2f: {  	lr =	sadd.s32 s0, s3;
	s0 =	sld [smem:$0x3F9F]  }
0x30: {  	s3 =	sld [smem:$0x3FA2]  }
0x31: {  	[smem:$0x3FAB] =	sst s10  }
0x32: {  	s10 =	sld [smem:$0x3FA9];
	_ =	sdelay $0x3  }
0x33: {  	p0 =	seq.s32 s10, $0x1;
	s10 =	sld [smem:$0x3FAB];
	_ =	sdelay $0x3  }
0x34: {  	[smem:$0x3FAB] =	sst s10  }
0x35: {  	s10 =	sld [smem:$0x3FAA];
	_ =	sdelay $0x3  }
0x36: {  	p1 =	seq.s32 s10, $0x1;
	s10 =	sld [smem:$0x3FAB];
	_ =	sdelay $0x3  }
0x37: {  	[smem:$0x3FAB] =	sst s10  }
0x38: {  	s10 =	sld [smem:$0x3FAC]  }
0x39: {  	_ = 	snop;
	(pc) =	sbr.ind lr, $3  }
0x3a: {  	_ = 	snop  }
0x3b: {  	_ = 	snop  }
0x3c: {  	p2 =	seq.s32 s10, $0x1;
	s10 =	sld [smem:$0x3FAB]  }
0x3d: {  	_ =	shalt  }
0x3e: {  	_ =	shalt  }
0x3f: {  	_ =	shalt  }
0x40: {  	_ =	shalt  }
0x41: {  	_ =	shalt  }
0x42: {  	_ =	shalt  }
0x43: {  	_ =	shalt  }
0x44: {  	_ =	shalt  }
0x45: {  	_ =	shalt  }
0x46: {  	_ =	shalt  }
0x47: {  	_ =	shalt  }
0x48: {  	_ =	shalt  }
0x49: {  	_ =	shalt  }
0x4a: {  	_ =	shalt  }
0x4b: {  	_ =	shalt  }
0x4c: {  	_ =	shalt  }
0x4d: {  	_ =	shalt  }
0x4e: {  	_ =	shalt  }
0x4f: {  	_ =	shalt  }
0x50: {  	_ =	shalt  }
0x51: {  	_ =	shalt  }
0x52: {  	_ =	shalt  }
0x53: {  	_ =	shalt  }
0x54: {  	_ =	shalt  }
0x55: {  	_ =	shalt  }
0x56: {  	_ =	shalt  }
0x57: {  	_ =	shalt  }
0x58: {  	_ =	shalt  }
0x59: {  	_ =	shalt  }
0x5a: {  	_ =	shalt  }
0x5b: {  	_ =	shalt  }
0x5c: {  	_ =	shalt  }
0x5d: {  	_ =	shalt  }
0x5e: {  	_ =	shalt  }
0x5f: {  	_ =	shalt  }
0x60: {  	_ =	shalt  }
0x61: {  	_ =	shalt  }
0x62: {  	_ =	shalt  }
0x63: {  	_ =	shalt  }
0x64: {  	_ =	shalt  }
0x65: {  	_ =	shalt  }
0x66: {  	_ =	shalt  }
0x67: {  	_ =	shalt  }
0x68: {  	_ =	shalt  }
0x69: {  	_ =	shalt  }
0x6a: {  	_ =	shalt  }
0x6b: {  	_ =	shalt  }
0x6c: {  	_ =	shalt  }
0x6d: {  	_ =	shalt  }
0x6e: {  	_ =	shalt  }
0x6f: {  	_ =	shalt  }
0x70: {  	_ =	shalt  }
0x71: {  	_ =	shalt  }
0x72: {  	_ =	shalt  }
0x73: {  	_ =	shalt  }
0x74: {  	_ =	shalt  }
0x75: {  	_ =	shalt  }
0x76: {  	_ =	shalt  }
0x77: {  	_ =	shalt  }
0x78: {  	_ =	shalt  }
0x79: {  	_ =	shalt  }
0x7a: {  	_ =	shalt  }
0x7b: {  	_ =	shalt  }
0x7c: {  	_ =	shalt  }
0x7d: {  	_ =	shalt  }
0x7e: {  	_ =	shalt  }
0x7f: {  	_ =	shalt  }
0x80: {  	_ =	shalt  }
0x81: {  	_ =	shalt  }
0x82: {  	_ =	shalt  }
0x83: {  	_ =	shalt  }
0x84: {  	_ =	shalt  }
0x85: {  	_ =	shalt  }
0x86: {  	_ =	shalt  }
0x87: {  	_ =	shalt  }
.Lfunc_end0:
.L_simem_size_0:
called_computation_lowered:
.L_overlay_start_0:
0x88: {  	s2 =	sld [smem:$0x3FD9]  }
0x89: {  	s3 =	sld [smem:$0x3FFE];
	_ =	sdelay $0x1  }
0x8a: {  	s1 =	srdreg.scid  }
0x8b: {  	s0 =	sand.u32 $0x1, s1  }
0x8c: {  	s16 =	sshll.u32 s0, $0xA;
	s2 =	sadd.s32 s3, s2  }
0x8d: {  	s2 =	sadd.s32 s2, s16  }
0x8e: {  	[smem:$0x3FB7] =	sst s2  }
0x8f: {  	_ = 	snop  }
0x90: {  	(tm) =	ssettm $0x1  }
0x91: {  	s17 =	sld [smem:$0x3FFB];
	_ =	sdelay $0x3  }
0x92: {  	_ =	strace s17  }
0x93: {  	s2 =	sld [smem:$0x3FFC];
	_ =	sdelay $0x3  }
0x94: {  	_ =	strace s2  }
0x95: {  	s2 =	sld [smem:$0x3FFD];
	_ =	sdelay $0x3  }
0x96: {  	_ =	strace s2  }
0x97: {  	_ =	strace $0x8FFFFFFF  }
0x98: {  	s18 =	sld [smem:$0x3FDB];
	_ =	sdelay $0x1  }
0x99: {  	s19 =	simm.s32 $_scs_section_size  }
0x9a: {  	s4 =	simm.s32 $_size__tile_overlayer_lowered;
	s5 =	simm.s32 $_tile_overlayer_lowered  }
0x9b: {  	s22 =	simm.s32 $0x1BFF;
	s21 =	sshll.u32 s5, $0x1;
	s2 =	sadd.s32 s19, s18  }
0x9c: {  	s6 =	simm.s32 $0x0;
	s20 =	sshll.u32 s4, $0x1;
	s4 =	sadd.s32 s21, s2  }
0x9d: {  	[timem:s6], [sflag:s22] =	dma.local [hbm:s4], s20  }
0x9e: {  	_ =	swait.ge [sflag:s22], s20  }
0x9f: {  	s3 =	ssub.s32 $0x0, s20;
	[sflag:s22] =	ssyncset.done $0x0  }
0xa0: {  	[sflag:s22] =	ssyncadd.s32 s3;
	_ =	sdelay $0x1  }
0xa1: {  	s23 =	simm.s32 $0x1B8B  }
0xa2: {  	_ =	swait.ge [sflag:s23], $0x1  }
0xa3: {  	[sflag:s23] =	ssyncset.done $0x0  }
0xa4: {  	s25 =	simm.s32 $0x1B8E;
	s24 =	sld [smem:$0x3FFE];
	[sflag:s23] =	ssyncadd.s32 $0xFFFFFFFF  }
0xa5: {  	s26 =	simm.s32 $execute0_lowered;
	[smem:$0x3FD2] =	sst s25  }
0xa6: {  	s4 =	sshll.u32 s26, $0x1;
	_ =	strace $0x80000046;
	[dreg:$0x1] =	wrdreg $0xFFFFFFFF  }
0xa7: {  	s28 =	simm.s32 $_size_execute0_lowered;
	s2 =	sadd.s32 s2, s4;
	[dreg:$0x0] =	wrdreg $0x0  }
0xa8: {  	s4 =	sshll.u32 s28, $0x1;
	[dreg:$0x2] =	wrdreg s2  }
0xa9: {  	[dreg:$0x3] =	wrdreg s4  }
0xaa: {  	[dreg:$0x4] =	wrdreg $0xC0  }
0xab: {  	_ =	task [dreg:s6], $0x5FFFF  }
0xac: {  	[dreg:$0x1] =	wrdreg $0xFFFFFFFF  }
0xad: {  	[dreg:$0x0] =	wrdreg $0x60  }
0xae: {  	[dreg:$0x2] =	wrdreg s24  }
0xaf: {  	[dreg:$0x3] =	wrdreg $0x7C000  }
0xb0: {  	[dreg:$0x4] =	wrdreg $0x9  }
0xb1: {  	_ =	task.clear_ibuf [dreg:s6], $0x5FFFF;
	_ =	strace $0x90000046  }
0xb2: {  	s29 =	simm.s32 $0x9;
	_ =	strace $0x80000048  }
0xb3: {  	_ =	swait.ge [sflag:s29], $0x1  }
0xb4: {  	[sflag:s29] =	ssyncadd.s32 $0xFFFFFFFF  }
0xb5: {  	_ =	strace $0x90000048  }
0xb6: {  	_ =	sfence  }
0xb7: {  	s30 =	sld [smem:$0x0];
	_ =	sdelay $0x2  }
0xb8: {  	s31 =	sshll.u32 s1, $0xD;
	s1 =	sshrl.u32 s1, $0x2  }
0xb9: {  	s3 =	sand.u32 $0x4000, s31;
	s1 =	sadd.s32 s1, s30  }
0xba: {  	s0 =	sor.u32 s3, s0;
	s1 =	sshll.u32 s1, $0x11  }
0xbb: {  	s0 =	sor.u32 s1, s0  }
0xbc: {  	s0 =	sadd.s32 $0x8F2B, s0  }
0xbd: {  	[sflag:s0] =	ssyncadd.remote.s32 $0x1  }
0xbe: {  	_ =	sfence.sel $0xFFFF  }
0xbf: {  	[dreg:$0x0] =	wrdreg $0xFFFFFFFF;
	(pc) =	sbr.abs _section_cstart, $3  }
0xc0: {  	[dreg:$0x1] =	wrdreg $0xFFFFFFFF  }
0xc1: {  	_ =	task.clear_ibuf [dreg:s6], $0x2FFFF;
	_ =	strace $0x9FFFFFFF  }
0xc2: {  	(tm) =	ssettm $0x7FFFFFFF  }
0xc3: {  	_ =	shalt  }
tec
execute0_lowered:
.L_overlay_start_1:
0x0: {  	(tag) =	ssettag $0x1  }
0x1: {  	s4 =	rddreg [dreg:$0x0];
	s0 =	srdreg.scid  }
0x2: {  	s2 =	rddreg [dreg:$0x1];
	s1 =	stileid.u32;
	s25 =	simm.s32 $0x0  }
0x3: {  	s23 =	simm.s32 $0x2;
	s24 =	simm.s32 $0x6800;
	s28 =	simm.s32 $0x1  }
0x4: {  	s29 =	simm.s32 $0x0;
	s5 =	sand.u32 $0x1, s0;
	s7 =	smul.u32 $0x14000, s1  }
0x5: {  	[smem:$0x7FF] =	sst s25;
	s26 =	sshll.u32 s1, $0xB;
	s8 =	smul.u32 $0x50000, s1  }
0x6: {  	s25 =	simm.s32 $0x50;
	s6 =	smul.u32 $0x140000, s5;
	s30 =	ssub.s32 $0x2, s5  }
0x7: {  	_ =	strace $0x80000047;
	s5 =	sshll.u32 s5, $0xF;
	s31 =	sshrl.u32 s30, $0x1  }
0x8: {  	s8 =	sshrl.u32 s8, $0x2;
	s6 =	sadd.s32 s7, s6;
	s7 =	sadd.s32 s26, s4  }
0x9: {  	s22 =	ssub.s32 s30, s31;
	s26 =	simm.s32 $0x4000;
	s6 =	sshrl.u32 s6, $0x3  }
0xa: {  	s5 =	sadd.s32 s5, s7;
	s21 =	sadd.s32 s6, s4;
	s4 =	sadd.s32 s8, s2  }
0xb: {  	s22 =	smax.u32 s22, $0x1;
	s5 =	sadd.s32 $0x5A00, s5;
	s6 =	sadd.s32 $0x1400, s4  }
0xc: {  	s7 =	sadd.s32 $0x2800, s4;
	s8 =	sadd.s32 $0x3C00, s4;
	s9 =	sadd.s32 $0x5000, s4  }
0xd: {  	s10 =	sadd.s32 $0x6400, s4;
	s11 =	sadd.s32 $0x7800, s4;
	s12 =	sadd.s32 $0x8C00, s4  }
0xe: {  	s13 =	sadd.s32 $0xA000, s4;
	s14 =	sadd.s32 $0xB400, s4;
	s15 =	sadd.s32 $0xC800, s4  }
0xf: {  	s16 =	sadd.s32 $0xDC00, s4;
	s17 =	sadd.s32 $0xF000, s4;
	s18 =	sadd.s32 $0x10400, s4  }
0x10: {  	v0 =	vimm.f32 $1.000000000e+00;
	v1 =	vimm.f32 $0.0e+00;
	s19 =	sadd.s32 $0x11800, s4;
	s20 =	sadd.s32 $0x12C00, s4;
	s21 =	sadd.s32 $0x15A00, s21  }
.LBB2_1:
0x11: {  	s0 =	simm.s32 $0x0  }
0x12: {  	[tilespmem:s0], [sflag:$0x2] =	stream.linear.gather [hbm4b:s5+s0], $0x3E80, $0x38;
	[tilespmem:$0x1BC00] =	vst v63  }
0x13: {  	_ =	swait.ge [sflag:s23], $0x3E80  }
0x14: {  	[sflag:s23] =	ssyncset.done $0x0  }
0x15: {  	s30 =	simm.s32 $0x0;
	s31 =	simm.s32 $0x200;
	[sflag:s23] =	ssyncadd.s32 $0xFFFFC180  }
.LBB2_2:
0x16: {  	p0 =	sne.s32 s31, $0x9E00;
	[tilespmem:s30+$0x4070] =	vst v0  }
0x17: {  	[tilespmem:s30+$0x4000] =	vst v0  }
0x18: {  	[tilespmem:s30+$0x4010] =	vst v0  }
.Ltmp0:
0x19: {  	[tilespmem:s30+$0x4020] =	vst v0;
	(pc) =	sbr.rel @p0 .LBB2_2-.Ltmp0, $4  }
0x1a: {  	[tilespmem:s30+$0x4030] =	vst v0  }
0x1b: {  	[tilespmem:s30+$0x4040] =	vst v0  }
0x1c: {  	[tilespmem:s30+$0x4050] =	vst v0  }
0x1d: {  	[tilespmem:s30+$0x4060] =	vst v0;
	s30 =	sshra.s32 s31, $0x2;
	s31 =	sadd.s32 $0x200, s31  }
0x1e: {  	[tilespmem:s30+$0x4070] =	vst v0  }
0x1f: {  	[tilespmem:s30+$0x4000] =	vst v0  }
0x20: {  	[tilespmem:s30+$0x4010] =	vst v0  }
0x21: {  	[tilespmem:s30+$0x4020] =	vst v0  }
0x22: {  	[tilespmem:s30+$0x4030] =	vst v0  }
0x23: {  	[tilespmem:s30+$0x4040] =	vst v0  }
0x24: {  	[tilespmem:s30+$0x4050] =	vst v0  }
0x25: {  	[tilespmem:s30+$0x4060] =	vst v0;
	s30 =	simm.s32 $0x0;
	s31 =	simm.s32 $0x200  }
.LBB2_4:
0x26: {  	p0 =	sne.s32 s31, $0x4E00;
	[tilespmem:s30+$0x6870] =	vst v1  }
0x27: {  	[tilespmem:s30+$0x6800] =	vst v1  }
0x28: {  	[tilespmem:s30+$0x6810] =	vst v1  }
.Ltmp1:
0x29: {  	[tilespmem:s30+$0x6820] =	vst v1;
	(pc) =	sbr.rel @p0 .LBB2_4-.Ltmp1, $4  }
0x2a: {  	[tilespmem:s30+$0x6830] =	vst v1  }
0x2b: {  	[tilespmem:s30+$0x6840] =	vst v1  }
0x2c: {  	[tilespmem:s30+$0x6850] =	vst v1  }
0x2d: {  	[tilespmem:s30+$0x6860] =	vst v1;
	s30 =	sshra.s32 s31, $0x2;
	s31 =	sadd.s32 $0x200, s31  }
0x2e: {  	[tilespmem:s30+$0x6870] =	vst v1  }
0x2f: {  	[tilespmem:s30+$0x6800] =	vst v1  }
0x30: {  	[tilespmem:s30+$0x6810] =	vst v1  }
0x31: {  	[tilespmem:s30+$0x6820] =	vst v1  }
0x32: {  	[tilespmem:s30+$0x6830] =	vst v1  }
0x33: {  	[tilespmem:s30+$0x6840] =	vst v1  }
0x34: {  	[tilespmem:s30+$0x6850] =	vst v1  }
0x35: {  	[tilespmem:s30+$0x6860] =	vst v1  }
0x36: {  	[spmem:s4] =	stream.linear.scatter [tilespmem:s24], [sflag:$0x2], $0x1400, $0x38;
	[tilespmem:$0x1BC00] =	vst v63  }
0x37: {  	_ =	swait.ge [sflag:s23], $0x1400  }
0x38: {  	[sflag:s23] =	ssyncset.done $0x0  }
0x39: {  	[sflag:s23] =	ssyncadd.s32 $0xFFFFEC00  }
0x3a: {  	[spmem:s6] =	stream.linear.scatter [tilespmem:s24], [sflag:$0x2], $0x1400, $0x38;
	[tilespmem:$0x1BC00] =	vst v63  }
0x3b: {  	_ =	swait.ge [sflag:s23], $0x1400  }
0x3c: {  	[sflag:s23] =	ssyncset.done $0x0  }
0x3d: {  	[sflag:s23] =	ssyncadd.s32 $0xFFFFEC00  }
0x3e: {  	[spmem:s7] =	stream.linear.scatter [tilespmem:s24], [sflag:$0x2], $0x1400, $0x38;
	[tilespmem:$0x1BC00] =	vst v63  }
0x3f: {  	_ =	swait.ge [sflag:s23], $0x1400  }
0x40: {  	[sflag:s23] =	ssyncset.done $0x0  }
0x41: {  	[sflag:s23] =	ssyncadd.s32 $0xFFFFEC00  }
0x42: {  	[spmem:s8] =	stream.linear.scatter [tilespmem:s24], [sflag:$0x2], $0x1400, $0x38;
	[tilespmem:$0x1BC00] =	vst v63  }
0x43: {  	_ =	swait.ge [sflag:s23], $0x1400  }
0x44: {  	[sflag:s23] =	ssyncset.done $0x0  }
0x45: {  	[sflag:s23] =	ssyncadd.s32 $0xFFFFEC00  }
0x46: {  	[spmem:s9] =	stream.linear.scatter [tilespmem:s24], [sflag:$0x2], $0x1400, $0x38;
	[tilespmem:$0x1BC00] =	vst v63  }
0x47: {  	_ =	swait.ge [sflag:s23], $0x1400  }
0x48: {  	[sflag:s23] =	ssyncset.done $0x0  }
0x49: {  	[sflag:s23] =	ssyncadd.s32 $0xFFFFEC00  }
0x4a: {  	[spmem:s10] =	stream.linear.scatter [tilespmem:s24], [sflag:$0x2], $0x1400, $0x38;
	[tilespmem:$0x1BC00] =	vst v63  }
0x4b: {  	_ =	swait.ge [sflag:s23], $0x1400  }
0x4c: {  	[sflag:s23] =	ssyncset.done $0x0  }
0x4d: {  	[sflag:s23] =	ssyncadd.s32 $0xFFFFEC00  }
0x4e: {  	[spmem:s11] =	stream.linear.scatter [tilespmem:s24], [sflag:$0x2], $0x1400, $0x38;
	[tilespmem:$0x1BC00] =	vst v63  }
0x4f: {  	_ =	swait.ge [sflag:s23], $0x1400  }
0x50: {  	[sflag:s23] =	ssyncset.done $0x0  }
0x51: {  	[sflag:s23] =	ssyncadd.s32 $0xFFFFEC00  }
0x52: {  	[spmem:s12] =	stream.linear.scatter [tilespmem:s24], [sflag:$0x2], $0x1400, $0x38;
	[tilespmem:$0x1BC00] =	vst v63  }
0x53: {  	_ =	swait.ge [sflag:s23], $0x1400  }
0x54: {  	[sflag:s23] =	ssyncset.done $0x0  }
0x55: {  	[sflag:s23] =	ssyncadd.s32 $0xFFFFEC00  }
0x56: {  	[spmem:s13] =	stream.linear.scatter [tilespmem:s24], [sflag:$0x2], $0x1400, $0x38;
	[tilespmem:$0x1BC00] =	vst v63  }
0x57: {  	_ =	swait.ge [sflag:s23], $0x1400  }
0x58: {  	[sflag:s23] =	ssyncset.done $0x0  }
0x59: {  	[sflag:s23] =	ssyncadd.s32 $0xFFFFEC00  }
0x5a: {  	[spmem:s14] =	stream.linear.scatter [tilespmem:s24], [sflag:$0x2], $0x1400, $0x38;
	[tilespmem:$0x1BC00] =	vst v63  }
0x5b: {  	_ =	swait.ge [sflag:s23], $0x1400  }
0x5c: {  	[sflag:s23] =	ssyncset.done $0x0  }
0x5d: {  	[sflag:s23] =	ssyncadd.s32 $0xFFFFEC00  }
0x5e: {  	[spmem:s15] =	stream.linear.scatter [tilespmem:s24], [sflag:$0x2], $0x1400, $0x38;
	[tilespmem:$0x1BC00] =	vst v63  }
0x5f: {  	_ =	swait.ge [sflag:s23], $0x1400  }
0x60: {  	[sflag:s23] =	ssyncset.done $0x0  }
0x61: {  	[sflag:s23] =	ssyncadd.s32 $0xFFFFEC00  }
0x62: {  	[spmem:s16] =	stream.linear.scatter [tilespmem:s24], [sflag:$0x2], $0x1400, $0x38;
	[tilespmem:$0x1BC00] =	vst v63  }
0x63: {  	_ =	swait.ge [sflag:s23], $0x1400  }
0x64: {  	[sflag:s23] =	ssyncset.done $0x0  }
0x65: {  	[sflag:s23] =	ssyncadd.s32 $0xFFFFEC00  }
0x66: {  	[spmem:s17] =	stream.linear.scatter [tilespmem:s24], [sflag:$0x2], $0x1400, $0x38;
	[tilespmem:$0x1BC00] =	vst v63  }
0x67: {  	_ =	swait.ge [sflag:s23], $0x1400  }
0x68: {  	[sflag:s23] =	ssyncset.done $0x0  }
0x69: {  	[sflag:s23] =	ssyncadd.s32 $0xFFFFEC00  }
0x6a: {  	[spmem:s18] =	stream.linear.scatter [tilespmem:s24], [sflag:$0x2], $0x1400, $0x38;
	[tilespmem:$0x1BC00] =	vst v63  }
0x6b: {  	_ =	swait.ge [sflag:s23], $0x1400  }
0x6c: {  	[sflag:s23] =	ssyncset.done $0x0  }
0x6d: {  	[sflag:s23] =	ssyncadd.s32 $0xFFFFEC00  }
0x6e: {  	[spmem:s19] =	stream.linear.scatter [tilespmem:s24], [sflag:$0x2], $0x1400, $0x38;
	[tilespmem:$0x1BC00] =	vst v63  }
0x6f: {  	_ =	swait.ge [sflag:s23], $0x1400  }
0x70: {  	[sflag:s23] =	ssyncset.done $0x0  }
0x71: {  	[sflag:s23] =	ssyncadd.s32 $0xFFFFEC00  }
0x72: {  	[spmem:s20] =	stream.linear.scatter [tilespmem:s24], [sflag:$0x2], $0x1400, $0x38;
	[tilespmem:$0x1BC00] =	vst v63  }
0x73: {  	_ =	swait.ge [sflag:s23], $0x1400  }
0x74: {  	[sflag:s23] =	ssyncset.done $0x0  }
0x75: {  	[sflag:s23] =	ssyncadd.s32 $0xFFFFEC00  }
0x76: {  	s30 =	simm.s32 $0x0;
	[bflag:$0x0] =	sbarrier.arrive $0xFFFF  }
0x77: {  	[spmem:s2] =	stream.indirect.scatter.add.f32 [tilespmem:s26], [sflag:$0x1], $0x80, s30, s25, $0xb8;
	[tilespmem:$0x1BC00] =	vst v63  }
0x78: {  	s30 =	simm.s32 $0x80  }
0x79: {  	[spmem:s2] =	stream.indirect.scatter.add.f32 [tilespmem:s26], [sflag:$0x1], $0x80, s30, s25, $0xb8;
	[tilespmem:$0x1BC00] =	vst v63  }
0x7a: {  	s30 =	simm.s32 $0x100  }
0x7b: {  	[spmem:s2] =	stream.indirect.scatter.add.f32 [tilespmem:s26], [sflag:$0x1], $0x80, s30, s25, $0xb8;
	[tilespmem:$0x1BC00] =	vst v63  }
0x7c: {  	s30 =	simm.s32 $0x180  }
0x7d: {  	[spmem:s2] =	stream.indirect.scatter.add.f32 [tilespmem:s26], [sflag:$0x1], $0x80, s30, s25, $0xb8;
	[tilespmem:$0x1BC00] =	vst v63  }
0x7e: {  	s30 =	simm.s32 $0x200  }
0x7f: {  	[spmem:s2] =	stream.indirect.scatter.add.f32 [tilespmem:s26], [sflag:$0x1], $0x80, s30, s25, $0xb8;
	[tilespmem:$0x1BC00] =	vst v63  }
0x80: {  	_ =	swait.ge [sflag:s28], $0x2800  }
0x81: {  	[sflag:s28] =	ssyncset.done $0x0  }
0x82: {  	[sflag:s28] =	ssyncadd.s32 $0xFFFFD800  }
0x83: {  	_ =	swait.ge [sflag:s28], $0x2800  }
0x84: {  	[sflag:s28] =	ssyncset.done $0x0  }
0x85: {  	[sflag:s28] =	ssyncadd.s32 $0xFFFFD800  }
0x86: {  	_ =	swait.ge [sflag:s28], $0x2800  }
0x87: {  	[sflag:s28] =	ssyncset.done $0x0  }
0x88: {  	[sflag:s28] =	ssyncadd.s32 $0xFFFFD800  }
0x89: {  	_ =	swait.ge [sflag:s28], $0x2800  }
0x8a: {  	[sflag:s28] =	ssyncset.done $0x0  }
0x8b: {  	[sflag:s28] =	ssyncadd.s32 $0xFFFFD800  }
0x8c: {  	_ =	swait.ge [sflag:s28], $0x2800  }
0x8d: {  	s31 =	simm.s32 $0x1400;
	s30 =	simm.s32 $0xA00;
	[sflag:s28] =	ssyncset.done $0x0  }
.LBB2_6:
0x8e: {  	s0 =	sshra.s32 s30, $0x2  }
0x8f: {  	[sflag:s28] =	ssyncadd.s32 $0xFFFFD800;
	s30 =	smov.u32 s31;
	s3 =	sadd.s32 $0xA00, s31  }
0x90: {  	[spmem:s2] =	stream.indirect.scatter.add.f32 [tilespmem:s26], [sflag:$0x1], $0x80, s0, s25, $0xb8;
	[tilespmem:$0x1BC00] =	vst v63  }
0x91: {  	p0 =	sne.s32 s31, $0xF000;
	s31 =	sadd.s32 $0x80, s0  }
0x92: {  	[spmem:s2] =	stream.indirect.scatter.add.f32 [tilespmem:s26], [sflag:$0x1], $0x80, s31, s25, $0xb8;
	[tilespmem:$0x1BC00] =	vst v63  }
0x93: {  	s31 =	sadd.s32 $0x100, s0  }
0x94: {  	[spmem:s2] =	stream.indirect.scatter.add.f32 [tilespmem:s26], [sflag:$0x1], $0x80, s31, s25, $0xb8;
	[tilespmem:$0x1BC00] =	vst v63  }
0x95: {  	s31 =	sadd.s32 $0x180, s0  }
0x96: {  	[spmem:s2] =	stream.indirect.scatter.add.f32 [tilespmem:s26], [sflag:$0x1], $0x80, s31, s25, $0xb8;
	[tilespmem:$0x1BC00] =	vst v63  }
0x97: {  	s0 =	sadd.s32 $0x200, s0  }
0x98: {  	[spmem:s2] =	stream.indirect.scatter.add.f32 [tilespmem:s26], [sflag:$0x1], $0x80, s0, s25, $0xb8;
	[tilespmem:$0x1BC00] =	vst v63  }
0x99: {  	_ =	swait.ge [sflag:s28], $0x2800  }
0x9a: {  	[sflag:s28] =	ssyncset.done $0x0  }
0x9b: {  	[sflag:s28] =	ssyncadd.s32 $0xFFFFD800  }
0x9c: {  	_ =	swait.ge [sflag:s28], $0x2800  }
0x9d: {  	[sflag:s28] =	ssyncset.done $0x0  }
0x9e: {  	[sflag:s28] =	ssyncadd.s32 $0xFFFFD800  }
0x9f: {  	_ =	swait.ge [sflag:s28], $0x2800  }
0xa0: {  	[sflag:s28] =	ssyncset.done $0x0  }
0xa1: {  	[sflag:s28] =	ssyncadd.s32 $0xFFFFD800  }
.Ltmp2:
0xa2: {  	_ =	swait.ge [sflag:s28], $0x2800;
	(pc) =	sbr.rel @p0 .LBB2_6-.Ltmp2, $4  }
0xa3: {  	[sflag:s28] =	ssyncset.done $0x0  }
0xa4: {  	[sflag:s28] =	ssyncadd.s32 $0xFFFFD800  }
0xa5: {  	_ =	swait.ge [sflag:s28], $0x2800  }
0xa6: {  	s31 =	smov.u32 s3;
	[sflag:s28] =	ssyncset.done $0x0  }
0xa7: {  	s0 =	sshra.s32 s30, $0x2;
	[sflag:s28] =	ssyncadd.s32 $0xFFFFD800  }
0xa8: {  	[spmem:s2] =	stream.indirect.scatter.add.f32 [tilespmem:s26], [sflag:$0x1], $0x80, s0, s25, $0xb8;
	[tilespmem:$0x1BC00] =	vst v63  }
0xa9: {  	s3 =	sadd.s32 $0x80, s0  }
0xaa: {  	[spmem:s2] =	stream.indirect.scatter.add.f32 [tilespmem:s26], [sflag:$0x1], $0x80, s3, s25, $0xb8;
	[tilespmem:$0x1BC00] =	vst v63  }
0xab: {  	s30 =	sadd.s32 $0x100, s0  }
0xac: {  	[spmem:s2] =	stream.indirect.scatter.add.f32 [tilespmem:s26], [sflag:$0x1], $0x80, s30, s25, $0xb8;
	[tilespmem:$0x1BC00] =	vst v63  }
0xad: {  	s31 =	sadd.s32 $0x180, s0  }
0xae: {  	[spmem:s2] =	stream.indirect.scatter.add.f32 [tilespmem:s26], [sflag:$0x1], $0x80, s31, s25, $0xb8;
	[tilespmem:$0x1BC00] =	vst v63  }
0xaf: {  	s0 =	sadd.s32 $0x200, s0  }
0xb0: {  	[spmem:s2] =	stream.indirect.scatter.add.f32 [tilespmem:s26], [sflag:$0x1], $0x80, s0, s25, $0xb8;
	[tilespmem:$0x1BC00] =	vst v63  }
0xb1: {  	_ =	swait.ge [sflag:s28], $0x2800  }
0xb2: {  	[sflag:s28] =	ssyncset.done $0x0  }
0xb3: {  	[sflag:s28] =	ssyncadd.s32 $0xFFFFD800  }
0xb4: {  	_ =	swait.ge [sflag:s28], $0x2800  }
0xb5: {  	[sflag:s28] =	ssyncset.done $0x0  }
0xb6: {  	[sflag:s28] =	ssyncadd.s32 $0xFFFFD800  }
0xb7: {  	_ =	swait.ge [sflag:s28], $0x2800  }
0xb8: {  	[sflag:s28] =	ssyncset.done $0x0  }
0xb9: {  	[sflag:s28] =	ssyncadd.s32 $0xFFFFD800  }
0xba: {  	_ =	swait.ge [sflag:s28], $0x2800  }
0xbb: {  	[sflag:s28] =	ssyncset.done $0x0  }
0xbc: {  	[sflag:s28] =	ssyncadd.s32 $0xFFFFD800  }
0xbd: {  	s29 =	sadd.s32 $0x1, s29;
	_ =	swait.ge [sflag:s28], $0x2800  }
0xbe: {  	p0 =	sne.s32 s29, s22;
	[sflag:s28] =	ssyncset.done $0x0  }
0xbf: {  	s30 =	sshll.u32 s1, $0x6;
	s31 =	sshrl.u32 s4, $0x3;
	[sflag:s28] =	ssyncadd.s32 $0xFFFFD800  }
.Ltmp3:
0xc0: {  	s0 =	sor.u32 $0x1C02, s30;
	[bflag:$0x0] =	sbarrier.arrive $0xFFFF;
	(pc) =	sbr.rel @p0 .LBB2_1-.Ltmp3, $4  }
0xc1: {  	[hbm:s21], [sflag:s0] =	dma.local [spmem:s31], $0x2800  }
0xc2: {  	_ =	swait.ge [sflag:s23], $0x2800  }
0xc3: {  	[sflag:s23] =	ssyncset.done $0x0  }
0xc4: {  	[sflag:s23] =	ssyncadd.s32 $0xFFFFD800  }
0xc5: {  	_ =	sfence.sel $0x180000  }
0xc6: {  	[bflag:$0x0] =	sbarrier.arrive $0xFFFF  }
0xc7: {  	_ =	strace $0x90000047  }
0xc8: {  	[bflag:$0x2] =	sbarrier.arrive $0xFFFF  }
0xc9: {  	p0 =	sne.s32 s1, $0x0;
	s0 =	rddreg [dreg:$0x2]  }
0xca: {  	s0 =	sadd.s32 @!p0 $0x100000, s0  }
0xcb: {  	[sflag:s0] =	ssyncadd.tile.s32 @!p0 $0x1;
	_ =	shalt  }
.Lfunc_end2:
_tile_overlayer_lowered:
.L_overlay_start_2:
0xcc: {  	(tag) =	ssettag $0x2  }
0xcd: {  	s0 =	rddreg [dreg:$0x0];
	s2 =	stileid.u32  }
0xce: {  	s1 =	rddreg [dreg:$0x1];
	p0 =	sne.s32 s2, $0x0  }
0xcf: {  	s3 =	rddreg [dreg:$0x2];
	[bflag:$0x3] =	sbarrier.arrive $0xFFFF;
	s2 =	simm.s32 @!p0 $0x1C02  }
0xd0: {  	[timem:s3], [sflag:s2] =	dma.local @!p0 [hbm:s0], s1  }
0xd1: {  	s0 =	simm.s32 @!p0 $0x2  }
0xd2: {  	_ =	swait.ge @!p0 [sflag:s0], s1  }
0xd3: {  	s1 =	ssub.s32 @!p0 $0x0, s1;
	[sflag:s0] =	ssyncset.done @!p0 $0x0  }
0xd4: {  	[sflag:s0] =	ssyncadd.s32 @!p0 s1  }
0xd5: {  	[bflag:$0x3] =	sbarrier.arrive $0xFFFF  }
0xd6: {  	_ =	shalt  }

// kernel: kernel.13.cloned.1.call-start
scs
__scs_entry_jumppad:
0x0: {  	(pc) =	sbr.rel $0x88, $3  }
0x1: {  	(tag) =	ssettag $0x0;
	lr =	simm.s32 $0x1  }
0x2: {  	[smem:$0x3F90] =	sst lr;
	_ =	strace $0xD0000000  }
0x3: {  	_ = 	snop  }
0x4: {  	_ = 	snop  }
0x5: {  	_ = 	snop  }
0x6: {  	_ = 	snop  }
0x7: {  	_ = 	snop  }
__scs_overlays_trampoline_lowered:
0x8: {  	[smem:$0x3F9F] =	sst s0  }
0x9: {  	[smem:$0x3FA0] =	sst s1  }
0xa: {  	[smem:$0x3FA1] =	sst s2  }
0xb: {  	[smem:$0x3FA2] =	sst s3  }
0xc: {  	[smem:$0x3FA3] =	sst s4  }
0xd: {  	[smem:$0x3FA4] =	sst s5  }
0xe: {  	[smem:$0x3FA5] =	sst s6  }
0xf: {  	[smem:$0x3FA6] =	sst s7  }
0x10: {  	[smem:$0x3FA7] =	sst s8  }
0x11: {  	[smem:$0x3FA8] =	sst s9;
	s0 =	simm.s32 @!p0 $0x0  }
0x12: {  	s1 =	sld [smem:$0x3F8E];
	s0 =	simm.s32 @p0 $0x1  }
0x13: {  	[smem:$0x3FA9] =	sst s0;
	s0 =	simm.s32 @!p1 $0x0  }
0x14: {  	s2 =	sld [smem:$0x3F8D];
	s0 =	simm.s32 @p1 $0x1  }
0x15: {  	[smem:$0x3FAA] =	sst s0;
	s0 =	simm.s32 @!p2 $0x0  }
0x16: {  	s3 =	sld [smem:$0x3FDB];
	s0 =	simm.s32 @p2 $0x1  }
0x17: {  	s4 =	simm.s32 $0x1BF5;
	[smem:$0x3FAC] =	sst s0  }
0x18: {  	s0 =	sld [smem:$0x3F8F];
	_ =	swait.ge [sflag:s4], $0x0  }
0x19: {  	s7 =	sld [smem:$0x3F90]  }
0x1a: {  	s8 =	sadd.s32 $0xFFFFE003, lr  }
0x1b: {  	s9 =	sadd.s32 $0xFFFFFEF7, lr;
	s5 =	simm.s32 $0xFFFFFFFF;
	p2 =	slt.u32 s8, $0xFFFFF086  }
0x1c: {  	p1 =	slt.u32 s9, $0xF7A;
	s5 =	simm.s32 @!p2 $0x0  }
0x1d: {  	s5 =	simm.s32 @p1 $0x1;
	p0 =	seq.s32 s7, s2  }
0x1e: {  	s7 =	smul.u32 @!p0 $0xF7A, s2;
	p2 =	seq.s32 @!p0 s5, $0x0  }
0x1f: {  	s9 =	smul.u32 $0xF7A, s1;
	s8 =	simm.s32 @!p0 $0x1BF5;
	p2 =	por !p2, p0  }
0x20: {  	[sflag:s8] =	ssyncset.s32 @!p0 $0xFFFFF086;
	s6 =	sadd.s32 @!p0 s3, s7;
	s7 =	simm.s32 @!p0 $0x108  }
0x21: {  	s3 =	sadd.s32 s3, s9;
	s6 =	sadd.s32 @!p0 $0x88, s6;
	s7 =	simm.s32 @p2 $0x1082  }
0x22: {  	[simem:s7], [sflag:s8] =	dma.local @!p0 [hbm:s6], $0xF7A  }
0x23: {  	s9 =	sor.u32 $0xD0000000, s2;
	s6 =	simm.s32 $0x108;
	_ =	swait.ge @!p0 [sflag:s8], $0x0  }
0x24: {  	s3 =	sadd.s32 $0x88, s3;
	s6 =	simm.s32 @!p1 $0x1082;
	[sflag:s4] =	ssyncset.s32 $0xFFFFF086  }
0x25: {  	[simem:s6], [sflag:s4] =	dma.local [hbm:s3], $0xF7A  }
0x26: {  	[smem:$0x3F90] =	sst s1;
	(tag) =	ssettag s2;
	_ =	strace s9  }
0x27: {  	s1 =	sld [smem:$0x3FA0]  }
0x28: {  	s2 =	sld [smem:$0x3FA1]  }
0x29: {  	s4 =	sld [smem:$0x3FA3]  }
0x2a: {  	p0 =	seq.s32 s5, $0x0;
	s5 =	sld [smem:$0x3FA4]  }
0x2b: {  	s6 =	sld [smem:$0x3FA5]  }
0x2c: {  	s7 =	sld [smem:$0x3FA6]  }
0x2d: {  	s3 =	simm.s32 $0x108;
	s8 =	sld [smem:$0x3FA7]  }
0x2e: {  	s3 =	simm.s32 @!p0 $0x1082;
	s9 =	sld [smem:$0x3FA8]  }
0x2f: {  	lr =	sadd.s32 s0, s3;
	s0 =	sld [smem:$0x3F9F]  }
0x30: {  	s3 =	sld [smem:$0x3FA2]  }
0x31: {  	[smem:$0x3FAB] =	sst s10  }
0x32: {  	s10 =	sld [smem:$0x3FA9];
	_ =	sdelay $0x3  }
0x33: {  	p0 =	seq.s32 s10, $0x1;
	s10 =	sld [smem:$0x3FAB];
	_ =	sdelay $0x3  }
0x34: {  	[smem:$0x3FAB] =	sst s10  }
0x35: {  	s10 =	sld [smem:$0x3FAA];
	_ =	sdelay $0x3  }
0x36: {  	p1 =	seq.s32 s10, $0x1;
	s10 =	sld [smem:$0x3FAB];
	_ =	sdelay $0x3  }
0x37: {  	[smem:$0x3FAB] =	sst s10  }
0x38: {  	s10 =	sld [smem:$0x3FAC]  }
0x39: {  	_ = 	snop;
	(pc) =	sbr.ind lr, $3  }
0x3a: {  	_ = 	snop  }
0x3b: {  	_ = 	snop  }
0x3c: {  	p2 =	seq.s32 s10, $0x1;
	s10 =	sld [smem:$0x3FAB]  }
0x3d: {  	_ =	shalt  }
0x3e: {  	_ =	shalt  }
0x3f: {  	_ =	shalt  }
0x40: {  	_ =	shalt  }
0x41: {  	_ =	shalt  }
0x42: {  	_ =	shalt  }
0x43: {  	_ =	shalt  }
0x44: {  	_ =	shalt  }
0x45: {  	_ =	shalt  }
0x46: {  	_ =	shalt  }
0x47: {  	_ =	shalt  }
0x48: {  	_ =	shalt  }
0x49: {  	_ =	shalt  }
0x4a: {  	_ =	shalt  }
0x4b: {  	_ =	shalt  }
0x4c: {  	_ =	shalt  }
0x4d: {  	_ =	shalt  }
0x4e: {  	_ =	shalt  }
0x4f: {  	_ =	shalt  }
0x50: {  	_ =	shalt  }
0x51: {  	_ =	shalt  }
0x52: {  	_ =	shalt  }
0x53: {  	_ =	shalt  }
0x54: {  	_ =	shalt  }
0x55: {  	_ =	shalt  }
0x56: {  	_ =	shalt  }
0x57: {  	_ =	shalt  }
0x58: {  	_ =	shalt  }
0x59: {  	_ =	shalt  }
0x5a: {  	_ =	shalt  }
0x5b: {  	_ =	shalt  }
0x5c: {  	_ =	shalt  }
0x5d: {  	_ =	shalt  }
0x5e: {  	_ =	shalt  }
0x5f: {  	_ =	shalt  }
0x60: {  	_ =	shalt  }
0x61: {  	_ =	shalt  }
0x62: {  	_ =	shalt  }
0x63: {  	_ =	shalt  }
0x64: {  	_ =	shalt  }
0x65: {  	_ =	shalt  }
0x66: {  	_ =	shalt  }
0x67: {  	_ =	shalt  }
0x68: {  	_ =	shalt  }
0x69: {  	_ =	shalt  }
0x6a: {  	_ =	shalt  }
0x6b: {  	_ =	shalt  }
0x6c: {  	_ =	shalt  }
0x6d: {  	_ =	shalt  }
0x6e: {  	_ =	shalt  }
0x6f: {  	_ =	shalt  }
0x70: {  	_ =	shalt  }
0x71: {  	_ =	shalt  }
0x72: {  	_ =	shalt  }
0x73: {  	_ =	shalt  }
0x74: {  	_ =	shalt  }
0x75: {  	_ =	shalt  }
0x76: {  	_ =	shalt  }
0x77: {  	_ =	shalt  }
0x78: {  	_ =	shalt  }
0x79: {  	_ =	shalt  }
0x7a: {  	_ =	shalt  }
0x7b: {  	_ =	shalt  }
0x7c: {  	_ =	shalt  }
0x7d: {  	_ =	shalt  }
0x7e: {  	_ =	shalt  }
0x7f: {  	_ =	shalt  }
0x80: {  	_ =	shalt  }
0x81: {  	_ =	shalt  }
0x82: {  	_ =	shalt  }
0x83: {  	_ =	shalt  }
0x84: {  	_ =	shalt  }
0x85: {  	_ =	shalt  }
0x86: {  	_ =	shalt  }
0x87: {  	_ =	shalt  }
.Lfunc_end0:
.L_simem_size_0:
called_computation.1_lowered:
.L_overlay_start_0:
0x88: {  	s2 =	sld [smem:$0x3FD9]  }
0x89: {  	s3 =	sld [smem:$0x3FFE];
	_ =	sdelay $0x1  }
0x8a: {  	s1 =	srdreg.scid  }
0x8b: {  	s0 =	sand.u32 $0x1, s1  }
0x8c: {  	s16 =	sshll.u32 s0, $0xA;
	s2 =	sadd.s32 s3, s2  }
0x8d: {  	s2 =	sadd.s32 s2, s16  }
0x8e: {  	[smem:$0x3FB7] =	sst s2  }
0x8f: {  	_ = 	snop  }
0x90: {  	(tm) =	ssettm $0x1  }
0x91: {  	s17 =	sld [smem:$0x3FFB];
	_ =	sdelay $0x3  }
0x92: {  	_ =	strace s17  }
0x93: {  	s2 =	sld [smem:$0x3FFC];
	_ =	sdelay $0x3  }
0x94: {  	_ =	strace s2  }
0x95: {  	s2 =	sld [smem:$0x3FFD];
	_ =	sdelay $0x3  }
0x96: {  	_ =	strace s2  }
0x97: {  	_ =	strace $0x8FFFFFFF  }
0x98: {  	s18 =	sld [smem:$0x3FDB];
	_ =	sdelay $0x1  }
0x99: {  	s19 =	simm.s32 $_scs_section_size  }
0x9a: {  	s4 =	simm.s32 $_size__tile_overlayer_lowered;
	s5 =	simm.s32 $_tile_overlayer_lowered  }
0x9b: {  	s22 =	simm.s32 $0x1BFF;
	s21 =	sshll.u32 s5, $0x1;
	s2 =	sadd.s32 s19, s18  }
0x9c: {  	s6 =	simm.s32 $0x0;
	s20 =	sshll.u32 s4, $0x1;
	s4 =	sadd.s32 s21, s2  }
0x9d: {  	[timem:s6], [sflag:s22] =	dma.local [hbm:s4], s20  }
0x9e: {  	_ =	swait.ge [sflag:s22], s20  }
0x9f: {  	s3 =	ssub.s32 $0x0, s20;
	[sflag:s22] =	ssyncset.done $0x0  }
0xa0: {  	[sflag:s22] =	ssyncadd.s32 s3;
	_ =	sdelay $0x1  }
0xa1: {  	s23 =	simm.s32 $0x1B8B  }
0xa2: {  	_ =	swait.ge [sflag:s23], $0x1  }
0xa3: {  	[sflag:s23] =	ssyncset.done $0x0  }
0xa4: {  	s25 =	simm.s32 $0x1B8E;
	s24 =	sld [smem:$0x3FFE];
	[sflag:s23] =	ssyncadd.s32 $0xFFFFFFFF  }
0xa5: {  	s26 =	simm.s32 $execute0_lowered;
	[smem:$0x3FD2] =	sst s25  }
0xa6: {  	s4 =	sshll.u32 s26, $0x1;
	_ =	strace $0x80000049;
	[dreg:$0x1] =	wrdreg $0xFFFFFFFF  }
0xa7: {  	s28 =	simm.s32 $_size_execute0_lowered;
	s2 =	sadd.s32 s2, s4;
	[dreg:$0x0] =	wrdreg $0x0  }
0xa8: {  	s4 =	sshll.u32 s28, $0x1;
	[dreg:$0x2] =	wrdreg s2  }
0xa9: {  	[dreg:$0x3] =	wrdreg s4  }
0xaa: {  	[dreg:$0x4] =	wrdreg $0xC0  }
0xab: {  	_ =	task [dreg:s6], $0x5FFFF  }
0xac: {  	[dreg:$0x1] =	wrdreg $0xFFFFFFFF  }
0xad: {  	[dreg:$0x0] =	wrdreg $0x60  }
0xae: {  	[dreg:$0x2] =	wrdreg s24  }
0xaf: {  	[dreg:$0x3] =	wrdreg $0xA4000  }
0xb0: {  	[dreg:$0x4] =	wrdreg $0x9  }
0xb1: {  	_ =	task.clear_ibuf [dreg:s6], $0x5FFFF;
	_ =	strace $0x90000049  }
0xb2: {  	s29 =	simm.s32 $0x9;
	_ =	strace $0x8000004B  }
0xb3: {  	_ =	swait.ge [sflag:s29], $0x1  }
0xb4: {  	[sflag:s29] =	ssyncadd.s32 $0xFFFFFFFF  }
0xb5: {  	_ =	strace $0x9000004B  }
0xb6: {  	_ =	sfence  }
0xb7: {  	s30 =	sld [smem:$0x0];
	_ =	sdelay $0x2  }
0xb8: {  	s31 =	sshll.u32 s1, $0xD;
	s1 =	sshrl.u32 s1, $0x2  }
0xb9: {  	s3 =	sand.u32 $0x4000, s31;
	s1 =	sadd.s32 s1, s30  }
0xba: {  	s0 =	sor.u32 s3, s0;
	s1 =	sshll.u32 s1, $0x11  }
0xbb: {  	s0 =	sor.u32 s1, s0  }
0xbc: {  	s0 =	sadd.s32 $0x8F2B, s0  }
0xbd: {  	[sflag:s0] =	ssyncadd.remote.s32 $0x1  }
0xbe: {  	_ =	sfence.sel $0xFFFF  }
0xbf: {  	[dreg:$0x0] =	wrdreg $0xFFFFFFFF;
	(pc) =	sbr.abs _section_cstart, $3  }
0xc0: {  	[dreg:$0x1] =	wrdreg $0xFFFFFFFF  }
0xc1: {  	_ =	task.clear_ibuf [dreg:s6], $0x2FFFF;
	_ =	strace $0x9FFFFFFF  }
0xc2: {  	(tm) =	ssettm $0x7FFFFFFF  }
0xc3: {  	_ =	shalt  }
tec
execute0_lowered:
.L_overlay_start_1:
0x0: {  	(tag) =	ssettag $0x1  }
0x1: {  	s0 =	rddreg [dreg:$0x0]  }
0x2: {  	s2 =	srdreg.scid;
	s11 =	stileid.u32  }
0x3: {  	s1 =	rddreg [dreg:$0x1];
	s2 =	sand.u32 $0x1, s2;
	s6 =	smul.u32 $0x14000, s11  }
0x4: {  	s3 =	simm.s32 $0x0;
	s30 =	simm.s32 $0x9000;
	s5 =	smul.u32 $0x140000, s2  }
0x5: {  	s31 =	simm.s32 $0x5;
	s12 =	simm.s32 $0x0;
	s7 =	smul.u32 $0x50000, s11  }
0x6: {  	[smem:$0x7FF] =	sst s3;
	s4 =	sadd.s32 $0x15A00, s0;
	s5 =	sadd.s32 s6, s5  }
0x7: {  	s8 =	sadd.s32 $0x65A00, s0;
	s7 =	sshrl.u32 s7, $0x2;
	s5 =	sshrl.u32 s5, $0x3  }
0x8: {  	s9 =	sadd.s32 $0x5A00, s0;
	s0 =	sadd.s32 s5, s0;
	s5 =	sadd.s32 s7, s1  }
0x9: {  	s24 =	sshll.u32 s11, $0xB;
	s11 =	simm.s32 $0x4;
	s7 =	sadd.s32 $0x1400, s5  }
0xa: {  	_ =	strace $0x8000004A;
	s16 =	sadd.s32 $0x2800, s5;
	[dreg:$0x3] =	wrdreg s7  }
0xb: {  	s15 =	ssub.s32 $0x2, s2;
	s17 =	sadd.s32 $0x3C00, s5;
	[dreg:$0x4] =	wrdreg s16  }
0xc: {  	s2 =	sshll.u32 s2, $0xF;
	s18 =	sadd.s32 $0x5000, s5;
	[dreg:$0x5] =	wrdreg s17  }
0xd: {  	s10 =	sshrl.u32 s15, $0x1;
	s19 =	sadd.s32 $0x6400, s5;
	[dreg:$0x6] =	wrdreg s18  }
0xe: {  	s2 =	sor.u32 s24, s2;
	s20 =	sadd.s32 $0x7800, s5;
	[dreg:$0x7] =	wrdreg s19  }
0xf: {  	s6 =	ssub.s32 s15, s10;
	s21 =	sadd.s32 $0x8C00, s5;
	[dreg:$0x8] =	wrdreg s20  }
0x10: {  	s10 =	simm.s32 $0x3;
	s22 =	sadd.s32 $0xA000, s5;
	[dreg:$0x9] =	wrdreg s21  }
0x11: {  	s23 =	sadd.s32 $0xB400, s5;
	s25 =	sadd.s32 $0xC800, s5;
	[dreg:$0xa] =	wrdreg s22  }
0x12: {  	s26 =	sadd.s32 $0xDC00, s5;
	s24 =	sadd.s32 $0x75A00, s0;
	[dreg:$0xb] =	wrdreg s23  }
0x13: {  	s28 =	sadd.s32 $0x11800, s5;
	s29 =	sadd.s32 $0x12C00, s5;
	[dreg:$0xc] =	wrdreg s25  }
0x14: {  	s0 =	simm.s32 $0x2000;
	[dreg:$0xd] =	wrdreg s26;
	s17 =	sadd.s32 s8, s2  }
0x15: {  	s18 =	sadd.s32 s9, s2;
	s7 =	sor.u32 $0x400, s2;
	s2 =	sor.u32 $0x780, s2  }
0x16: {  	s23 =	sadd.s32 $0xF000, s5;
	s25 =	smax.u32 s6, $0x1;
	s26 =	sadd.s32 $0x10400, s5  }
0x17: {  	s6 =	simm.s32 $0x4000;
	s19 =	sadd.s32 s8, s7;
	s20 =	sadd.s32 s9, s7  }
0x18: {  	s21 =	sadd.s32 s8, s2;
	s22 =	sadd.s32 s9, s2;
	s2 =	simm.s32 $0x50  }
0x19: {  	v0 =	vimm.f32 $0.0e+00;
	s7 =	simm.s32 $0x6800;
	s8 =	simm.s32 $0x1;
	s9 =	simm.s32 $0x2  }
.LBB2_1:
0x1a: {  	s13 =	simm.s32 $0x0;
	s14 =	simm.s32 $0x200  }
.LBB2_2:
0x1b: {  	p0 =	sne.s32 s14, $0x4E00;
	[tilespmem:s13+$0x9070] =	vst v0  }
0x1c: {  	[tilespmem:s13+$0x9000] =	vst v0  }
0x1d: {  	[tilespmem:s13+$0x9010] =	vst v0  }
.Ltmp0:
0x1e: {  	[tilespmem:s13+$0x9020] =	vst v0;
	(pc) =	sbr.rel @p0 .LBB2_2-.Ltmp0, $4  }
0x1f: {  	[tilespmem:s13+$0x9030] =	vst v0  }
0x20: {  	[tilespmem:s13+$0x9040] =	vst v0  }
0x21: {  	[tilespmem:s13+$0x9050] =	vst v0  }
0x22: {  	[tilespmem:s13+$0x9060] =	vst v0;
	s13 =	sshra.s32 s14, $0x2;
	s14 =	sadd.s32 $0x200, s14  }
0x23: {  	[tilespmem:s13+$0x9070] =	vst v0  }
0x24: {  	[tilespmem:s13+$0x9000] =	vst v0  }
0x25: {  	[tilespmem:s13+$0x9010] =	vst v0  }
0x26: {  	[tilespmem:s13+$0x9020] =	vst v0  }
0x27: {  	[tilespmem:s13+$0x9030] =	vst v0  }
0x28: {  	[tilespmem:s13+$0x9040] =	vst v0  }
0x29: {  	[tilespmem:s13+$0x9050] =	vst v0  }
0x2a: {  	[tilespmem:s13+$0x9060] =	vst v0  }
0x2b: {  	[spmem:s5] =	stream.linear.scatter [tilespmem:s30], [sflag:$0x5], $0x1400, $0x38;
	[tilespmem:$0x1E400] =	vst v63  }
0x2c: {  	_ =	swait.ge [sflag:s31], $0x1400  }
0x2d: {  	[sflag:s31] =	ssyncset.done $0x0  }
0x2e: {  	s16 =	rddreg [dreg:$0x3];
	[sflag:s31] =	ssyncadd.s32 $0xFFFFEC00  }
0x2f: {  	[spmem:s16] =	stream.linear.scatter [tilespmem:s30], [sflag:$0x5], $0x1400, $0x38;
	[tilespmem:$0x1E400] =	vst v63  }
0x30: {  	_ =	swait.ge [sflag:s31], $0x1400  }
0x31: {  	[sflag:s31] =	ssyncset.done $0x0  }
0x32: {  	s14 =	rddreg [dreg:$0x4];
	[sflag:s31] =	ssyncadd.s32 $0xFFFFEC00  }
0x33: {  	[spmem:s14] =	stream.linear.scatter [tilespmem:s30], [sflag:$0x5], $0x1400, $0x38;
	[tilespmem:$0x1E400] =	vst v63  }
0x34: {  	_ =	swait.ge [sflag:s31], $0x1400  }
0x35: {  	[sflag:s31] =	ssyncset.done $0x0  }
0x36: {  	s15 =	rddreg [dreg:$0x5];
	[sflag:s31] =	ssyncadd.s32 $0xFFFFEC00  }
0x37: {  	[spmem:s15] =	stream.linear.scatter [tilespmem:s30], [sflag:$0x5], $0x1400, $0x38;
	[tilespmem:$0x1E400] =	vst v63  }
0x38: {  	_ =	swait.ge [sflag:s31], $0x1400  }
0x39: {  	[sflag:s31] =	ssyncset.done $0x0  }
0x3a: {  	s16 =	rddreg [dreg:$0x6];
	[sflag:s31] =	ssyncadd.s32 $0xFFFFEC00  }
0x3b: {  	[spmem:s16] =	stream.linear.scatter [tilespmem:s30], [sflag:$0x5], $0x1400, $0x38;
	[tilespmem:$0x1E400] =	vst v63  }
0x3c: {  	_ =	swait.ge [sflag:s31], $0x1400  }
0x3d: {  	[sflag:s31] =	ssyncset.done $0x0  }
0x3e: {  	s14 =	rddreg [dreg:$0x7];
	[sflag:s31] =	ssyncadd.s32 $0xFFFFEC00  }
0x3f: {  	[spmem:s14] =	stream.linear.scatter [tilespmem:s30], [sflag:$0x5], $0x1400, $0x38;
	[tilespmem:$0x1E400] =	vst v63  }
0x40: {  	_ =	swait.ge [sflag:s31], $0x1400  }
0x41: {  	[sflag:s31] =	ssyncset.done $0x0  }
0x42: {  	s15 =	rddreg [dreg:$0x8];
	[sflag:s31] =	ssyncadd.s32 $0xFFFFEC00  }
0x43: {  	[spmem:s15] =	stream.linear.scatter [tilespmem:s30], [sflag:$0x5], $0x1400, $0x38;
	[tilespmem:$0x1E400] =	vst v63  }
0x44: {  	_ =	swait.ge [sflag:s31], $0x1400  }
0x45: {  	[sflag:s31] =	ssyncset.done $0x0  }
0x46: {  	s16 =	rddreg [dreg:$0x9];
	[sflag:s31] =	ssyncadd.s32 $0xFFFFEC00  }
0x47: {  	[spmem:s16] =	stream.linear.scatter [tilespmem:s30], [sflag:$0x5], $0x1400, $0x38;
	[tilespmem:$0x1E400] =	vst v63  }
0x48: {  	_ =	swait.ge [sflag:s31], $0x1400  }
0x49: {  	[sflag:s31] =	ssyncset.done $0x0  }
0x4a: {  	s14 =	rddreg [dreg:$0xa];
	[sflag:s31] =	ssyncadd.s32 $0xFFFFEC00  }
0x4b: {  	[spmem:s14] =	stream.linear.scatter [tilespmem:s30], [sflag:$0x5], $0x1400, $0x38;
	[tilespmem:$0x1E400] =	vst v63  }
0x4c: {  	_ =	swait.ge [sflag:s31], $0x1400  }
0x4d: {  	[sflag:s31] =	ssyncset.done $0x0  }
0x4e: {  	s15 =	rddreg [dreg:$0xb];
	[sflag:s31] =	ssyncadd.s32 $0xFFFFEC00  }
0x4f: {  	[spmem:s15] =	stream.linear.scatter [tilespmem:s30], [sflag:$0x5], $0x1400, $0x38;
	[tilespmem:$0x1E400] =	vst v63  }
0x50: {  	_ =	swait.ge [sflag:s31], $0x1400  }
0x51: {  	[sflag:s31] =	ssyncset.done $0x0  }
0x52: {  	s16 =	rddreg [dreg:$0xc];
	[sflag:s31] =	ssyncadd.s32 $0xFFFFEC00  }
0x53: {  	[spmem:s16] =	stream.linear.scatter [tilespmem:s30], [sflag:$0x5], $0x1400, $0x38;
	[tilespmem:$0x1E400] =	vst v63  }
0x54: {  	_ =	swait.ge [sflag:s31], $0x1400  }
0x55: {  	[sflag:s31] =	ssyncset.done $0x0  }
0x56: {  	s14 =	rddreg [dreg:$0xd];
	[sflag:s31] =	ssyncadd.s32 $0xFFFFEC00  }
0x57: {  	[spmem:s14] =	stream.linear.scatter [tilespmem:s30], [sflag:$0x5], $0x1400, $0x38;
	[tilespmem:$0x1E400] =	vst v63  }
0x58: {  	_ =	swait.ge [sflag:s31], $0x1400  }
0x59: {  	[sflag:s31] =	ssyncset.done $0x0  }
0x5a: {  	[sflag:s31] =	ssyncadd.s32 $0xFFFFEC00  }
0x5b: {  	[spmem:s23] =	stream.linear.scatter [tilespmem:s30], [sflag:$0x5], $0x1400, $0x38;
	[tilespmem:$0x1E400] =	vst v63  }
0x5c: {  	_ =	swait.ge [sflag:s31], $0x1400  }
0x5d: {  	[sflag:s31] =	ssyncset.done $0x0  }
0x5e: {  	[sflag:s31] =	ssyncadd.s32 $0xFFFFEC00  }
0x5f: {  	[spmem:s26] =	stream.linear.scatter [tilespmem:s30], [sflag:$0x5], $0x1400, $0x38;
	[tilespmem:$0x1E400] =	vst v63  }
0x60: {  	_ =	swait.ge [sflag:s31], $0x1400  }
0x61: {  	[sflag:s31] =	ssyncset.done $0x0  }
0x62: {  	[sflag:s31] =	ssyncadd.s32 $0xFFFFEC00  }
0x63: {  	[spmem:s28] =	stream.linear.scatter [tilespmem:s30], [sflag:$0x5], $0x1400, $0x38;
	[tilespmem:$0x1E400] =	vst v63  }
0x64: {  	_ =	swait.ge [sflag:s31], $0x1400  }
0x65: {  	[sflag:s31] =	ssyncset.done $0x0  }
0x66: {  	[sflag:s31] =	ssyncadd.s32 $0xFFFFEC00  }
0x67: {  	[spmem:s29] =	stream.linear.scatter [tilespmem:s30], [sflag:$0x5], $0x1400, $0x38;
	[tilespmem:$0x1E400] =	vst v63  }
0x68: {  	_ =	swait.ge [sflag:s31], $0x1400  }
0x69: {  	[sflag:s31] =	ssyncset.done $0x0  }
0x6a: {  	[sflag:s31] =	ssyncadd.s32 $0xFFFFEC00  }
0x6b: {  	s15 =	simm.s32 $0x0;
	[bflag:$0x0] =	sbarrier.arrive $0xFFFF  }
0x6c: {  	[tilespmem:s15], [sflag:$0x5] =	stream.linear.gather [hbm4b:s17+s15], $0x2000, $0x38;
	[tilespmem:$0x1E400] =	vst v63  }
0x6d: {  	_ =	swait.ge [sflag:s31], $0x2000  }
0x6e: {  	[sflag:s31] =	ssyncset.done $0x0  }
0x6f: {  	[sflag:s31] =	ssyncadd.s32 $0xFFFFE000  }
0x70: {  	[tilespmem:s0], [sflag:$0x5] =	stream.linear.gather [hbm4b:s18+s15], $0x2000, $0x38;
	[tilespmem:$0x1E400] =	vst v63  }
0x71: {  	_ =	swait.ge [sflag:s31], $0x2000  }
0x72: {  	[sflag:s31] =	ssyncset.done $0x0  }
0x73: {  	s16 =	simm.s32 $0x0;
	[sflag:s31] =	ssyncadd.s32 $0xFFFFE000  }
0x74: {  	[tilespmem:s6], [sflag:$0x1] =	stream.indirect.gather [hbm4b:s4+s2], $0x80, s16, s2, $0xb8;
	[tilespmem:$0x1E400] =	vst v63  }
0x75: {  	s14 =	simm.s32 $0x80  }
0x76: {  	[tilespmem:s7], [sflag:$0x2] =	stream.indirect.gather [hbm4b:s4+s2], $0x80, s14, s2, $0xb8;
	[tilespmem:$0x1E400] =	vst v63  }
0x77: {  	_ =	swait.ge [sflag:s8], $0x2800  }
0x78: {  	[sflag:s8] =	ssyncset.done $0x0  }
0x79: {  	s15 =	simm.s32 $0x2000;
	[sflag:s8] =	ssyncadd.s32 $0xFFFFD800  }
0x7a: {  	[spmem:s1] =	stream.indirect.scatter.add.f32 [tilespmem:s6], [sflag:$0x3], $0x80, s15, s2, $0xb8;
	[tilespmem:$0x1E400] =	vst v63  }
0x7b: {  	_ =	swait.ge [sflag:s9], $0x2800  }
0x7c: {  	[sflag:s9] =	ssyncset.done $0x0  }
0x7d: {  	s16 =	simm.s32 $0x2080;
	[sflag:s9] =	ssyncadd.s32 $0xFFFFD800  }
0x7e: {  	[spmem:s1] =	stream.indirect.scatter.add.f32 [tilespmem:s7], [sflag:$0x4], $0x80, s16, s2, $0xb8;
	[tilespmem:$0x1E400] =	vst v63  }
0x7f: {  	_ =	swait.ge [sflag:s10], $0x2800  }
0x80: {  	[sflag:s10] =	ssyncset.done $0x0  }
0x81: {  	[sflag:s10] =	ssyncadd.s32 $0xFFFFD800  }
0x82: {  	_ =	swait.ge [sflag:s11], $0x2800  }
0x83: {  	s13 =	simm.s32 $0x400;
	s14 =	simm.s32 $0x800;
	[sflag:s11] =	ssyncset.done $0x0  }
.LBB2_4:
0x84: {  	s15 =	sshra.s32 s13, $0x2  }
0x85: {  	[sflag:s11] =	ssyncadd.s32 $0xFFFFD800;
	s13 =	smov.u32 s14;
	s16 =	sadd.s32 $0x400, s14  }
0x86: {  	[tilespmem:s6], [sflag:$0x1] =	stream.indirect.gather [hbm4b:s4+s2], $0x80, s15, s2, $0xb8;
	[tilespmem:$0x1E400] =	vst v63  }
0x87: {  	p0 =	sne.s32 s14, $0x7C00;
	s14 =	sadd.s32 $0x80, s15  }
0x88: {  	[tilespmem:s7], [sflag:$0x2] =	stream.indirect.gather [hbm4b:s4+s2], $0x80, s14, s2, $0xb8;
	[tilespmem:$0x1E400] =	vst v63  }
0x89: {  	_ =	swait.ge [sflag:s8], $0x2800  }
0x8a: {  	[sflag:s8] =	ssyncset.done $0x0  }
0x8b: {  	s14 =	sadd.s32 $0x2000, s15;
	[sflag:s8] =	ssyncadd.s32 $0xFFFFD800  }
0x8c: {  	[spmem:s1] =	stream.indirect.scatter.add.f32 [tilespmem:s6], [sflag:$0x3], $0x80, s14, s2, $0xb8;
	[tilespmem:$0x1E400] =	vst v63  }
0x8d: {  	_ =	swait.ge [sflag:s9], $0x2800  }
0x8e: {  	[sflag:s9] =	ssyncset.done $0x0  }
0x8f: {  	s14 =	sadd.s32 $0x2080, s15;
	[sflag:s9] =	ssyncadd.s32 $0xFFFFD800  }
0x90: {  	[spmem:s1] =	stream.indirect.scatter.add.f32 [tilespmem:s7], [sflag:$0x4], $0x80, s14, s2, $0xb8;
	[tilespmem:$0x1E400] =	vst v63  }
.Ltmp1:
0x91: {  	_ =	swait.ge [sflag:s10], $0x2800;
	(pc) =	sbr.rel @p0 .LBB2_4-.Ltmp1, $4  }
0x92: {  	[sflag:s10] =	ssyncset.done $0x0  }
0x93: {  	[sflag:s10] =	ssyncadd.s32 $0xFFFFD800  }
0x94: {  	_ =	swait.ge [sflag:s11], $0x2800  }
0x95: {  	s14 =	smov.u32 s16;
	[sflag:s11] =	ssyncset.done $0x0  }
0x96: {  	s13 =	sshra.s32 s13, $0x2;
	[sflag:s11] =	ssyncadd.s32 $0xFFFFD800  }
0x97: {  	[tilespmem:s6], [sflag:$0x1] =	stream.indirect.gather [hbm4b:s4+s2], $0x80, s13, s2, $0xb8;
	[tilespmem:$0x1E400] =	vst v63  }
0x98: {  	s14 =	sadd.s32 $0x80, s13  }
0x99: {  	[tilespmem:s7], [sflag:$0x2] =	stream.indirect.gather [hbm4b:s4+s2], $0x80, s14, s2, $0xb8;
	[tilespmem:$0x1E400] =	vst v63  }
0x9a: {  	_ =	swait.ge [sflag:s8], $0x2800  }
0x9b: {  	[sflag:s8] =	ssyncset.done $0x0  }
0x9c: {  	s16 =	sadd.s32 $0x2000, s13;
	[sflag:s8] =	ssyncadd.s32 $0xFFFFD800  }
0x9d: {  	[spmem:s1] =	stream.indirect.scatter.add.f32 [tilespmem:s6], [sflag:$0x3], $0x80, s16, s2, $0xb8;
	[tilespmem:$0x1E400] =	vst v63  }
0x9e: {  	_ =	swait.ge [sflag:s9], $0x2800  }
0x9f: {  	[sflag:s9] =	ssyncset.done $0x0  }
0xa0: {  	s13 =	sadd.s32 $0x2080, s13;
	[sflag:s9] =	ssyncadd.s32 $0xFFFFD800  }
0xa1: {  	[spmem:s1] =	stream.indirect.scatter.add.f32 [tilespmem:s7], [sflag:$0x4], $0x80, s13, s2, $0xb8;
	[tilespmem:$0x1E400] =	vst v63  }
0xa2: {  	_ =	swait.ge [sflag:s10], $0x2800  }
0xa3: {  	[sflag:s10] =	ssyncset.done $0x0  }
0xa4: {  	[sflag:s10] =	ssyncadd.s32 $0xFFFFD800  }
0xa5: {  	_ =	swait.ge [sflag:s11], $0x2800  }
0xa6: {  	[sflag:s11] =	ssyncset.done $0x0  }
0xa7: {  	s15 =	simm.s32 $0x0;
	[sflag:s11] =	ssyncadd.s32 $0xFFFFD800  }
0xa8: {  	[tilespmem:s15], [sflag:$0x5] =	stream.linear.gather [hbm4b:s19+s15], $0x1C00, $0x38;
	[tilespmem:$0x1E400] =	vst v63  }
0xa9: {  	_ =	swait.ge [sflag:s31], $0x1C00  }
0xaa: {  	[sflag:s31] =	ssyncset.done $0x0  }
0xab: {  	[sflag:s31] =	ssyncadd.s32 $0xFFFFE400  }
0xac: {  	[tilespmem:s0], [sflag:$0x5] =	stream.linear.gather [hbm4b:s20+s15], $0x1C00, $0x38;
	[tilespmem:$0x1E400] =	vst v63  }
0xad: {  	_ =	swait.ge [sflag:s31], $0x1C00  }
0xae: {  	[sflag:s31] =	ssyncset.done $0x0  }
0xaf: {  	s16 =	simm.s32 $0x0;
	[sflag:s31] =	ssyncadd.s32 $0xFFFFE400  }
0xb0: {  	[tilespmem:s6], [sflag:$0x1] =	stream.indirect.gather [hbm4b:s4+s2], $0x80, s16, s2, $0xb8;
	[tilespmem:$0x1E400] =	vst v63  }
0xb1: {  	s14 =	simm.s32 $0x80  }
0xb2: {  	[tilespmem:s7], [sflag:$0x2] =	stream.indirect.gather [hbm4b:s4+s2], $0x80, s14, s2, $0xb8;
	[tilespmem:$0x1E400] =	vst v63  }
0xb3: {  	_ =	swait.ge [sflag:s8], $0x2800  }
0xb4: {  	[sflag:s8] =	ssyncset.done $0x0  }
0xb5: {  	s15 =	simm.s32 $0x2000;
	[sflag:s8] =	ssyncadd.s32 $0xFFFFD800  }
0xb6: {  	[spmem:s1] =	stream.indirect.scatter.add.f32 [tilespmem:s6], [sflag:$0x3], $0x80, s15, s2, $0xb8;
	[tilespmem:$0x1E400] =	vst v63  }
0xb7: {  	_ =	swait.ge [sflag:s9], $0x2800  }
0xb8: {  	[sflag:s9] =	ssyncset.done $0x0  }
0xb9: {  	s16 =	simm.s32 $0x2080;
	[sflag:s9] =	ssyncadd.s32 $0xFFFFD800  }
0xba: {  	[spmem:s1] =	stream.indirect.scatter.add.f32 [tilespmem:s7], [sflag:$0x4], $0x80, s16, s2, $0xb8;
	[tilespmem:$0x1E400] =	vst v63  }
0xbb: {  	_ =	swait.ge [sflag:s10], $0x2800  }
0xbc: {  	[sflag:s10] =	ssyncset.done $0x0  }
0xbd: {  	[sflag:s10] =	ssyncadd.s32 $0xFFFFD800  }
0xbe: {  	_ =	swait.ge [sflag:s11], $0x2800  }
0xbf: {  	s13 =	simm.s32 $0x400;
	s14 =	simm.s32 $0x800;
	[sflag:s11] =	ssyncset.done $0x0  }
.LBB2_6:
0xc0: {  	s15 =	sshra.s32 s13, $0x2  }
0xc1: {  	[sflag:s11] =	ssyncadd.s32 $0xFFFFD800;
	s13 =	smov.u32 s14;
	s16 =	sadd.s32 $0x400, s14  }
0xc2: {  	[tilespmem:s6], [sflag:$0x1] =	stream.indirect.gather [hbm4b:s4+s2], $0x80, s15, s2, $0xb8;
	[tilespmem:$0x1E400] =	vst v63  }
0xc3: {  	p0 =	sne.s32 s14, $0x6C00;
	s14 =	sadd.s32 $0x80, s15  }
0xc4: {  	[tilespmem:s7], [sflag:$0x2] =	stream.indirect.gather [hbm4b:s4+s2], $0x80, s14, s2, $0xb8;
	[tilespmem:$0x1E400] =	vst v63  }
0xc5: {  	_ =	swait.ge [sflag:s8], $0x2800  }
0xc6: {  	[sflag:s8] =	ssyncset.done $0x0  }
0xc7: {  	s14 =	sadd.s32 $0x2000, s15;
	[sflag:s8] =	ssyncadd.s32 $0xFFFFD800  }
0xc8: {  	[spmem:s1] =	stream.indirect.scatter.add.f32 [tilespmem:s6], [sflag:$0x3], $0x80, s14, s2, $0xb8;
	[tilespmem:$0x1E400] =	vst v63  }
0xc9: {  	_ =	swait.ge [sflag:s9], $0x2800  }
0xca: {  	[sflag:s9] =	ssyncset.done $0x0  }
0xcb: {  	s14 =	sadd.s32 $0x2080, s15;
	[sflag:s9] =	ssyncadd.s32 $0xFFFFD800  }
0xcc: {  	[spmem:s1] =	stream.indirect.scatter.add.f32 [tilespmem:s7], [sflag:$0x4], $0x80, s14, s2, $0xb8;
	[tilespmem:$0x1E400] =	vst v63  }
.Ltmp2:
0xcd: {  	_ =	swait.ge [sflag:s10], $0x2800;
	(pc) =	sbr.rel @p0 .LBB2_6-.Ltmp2, $4  }
0xce: {  	[sflag:s10] =	ssyncset.done $0x0  }
0xcf: {  	[sflag:s10] =	ssyncadd.s32 $0xFFFFD800  }
0xd0: {  	_ =	swait.ge [sflag:s11], $0x2800  }
0xd1: {  	s14 =	smov.u32 s16;
	[sflag:s11] =	ssyncset.done $0x0  }
0xd2: {  	s13 =	sshra.s32 s13, $0x2;
	[sflag:s11] =	ssyncadd.s32 $0xFFFFD800  }
0xd3: {  	[tilespmem:s6], [sflag:$0x1] =	stream.indirect.gather [hbm4b:s4+s2], $0x80, s13, s2, $0xb8;
	[tilespmem:$0x1E400] =	vst v63  }
0xd4: {  	s14 =	sadd.s32 $0x80, s13  }
0xd5: {  	[tilespmem:s7], [sflag:$0x2] =	stream.indirect.gather [hbm4b:s4+s2], $0x80, s14, s2, $0xb8;
	[tilespmem:$0x1E400] =	vst v63  }
0xd6: {  	_ =	swait.ge [sflag:s8], $0x2800  }
0xd7: {  	[sflag:s8] =	ssyncset.done $0x0  }
0xd8: {  	s15 =	sadd.s32 $0x2000, s13;
	[sflag:s8] =	ssyncadd.s32 $0xFFFFD800  }
0xd9: {  	[spmem:s1] =	stream.indirect.scatter.add.f32 [tilespmem:s6], [sflag:$0x3], $0x80, s15, s2, $0xb8;
	[tilespmem:$0x1E400] =	vst v63  }
0xda: {  	_ =	swait.ge [sflag:s9], $0x2800  }
0xdb: {  	[sflag:s9] =	ssyncset.done $0x0  }
0xdc: {  	s13 =	sadd.s32 $0x2080, s13;
	[sflag:s9] =	ssyncadd.s32 $0xFFFFD800  }
0xdd: {  	[spmem:s1] =	stream.indirect.scatter.add.f32 [tilespmem:s7], [sflag:$0x4], $0x80, s13, s2, $0xb8;
	[tilespmem:$0x1E400] =	vst v63  }
0xde: {  	_ =	swait.ge [sflag:s10], $0x2800  }
0xdf: {  	[sflag:s10] =	ssyncset.done $0x0  }
0xe0: {  	[sflag:s10] =	ssyncadd.s32 $0xFFFFD800  }
0xe1: {  	_ =	swait.ge [sflag:s11], $0x2800  }
0xe2: {  	[sflag:s11] =	ssyncset.done $0x0  }
0xe3: {  	[sflag:s11] =	ssyncadd.s32 $0xFFFFD800  }
0xe4: {  	[tilespmem:s3], [sflag:$0x5] =	stream.linear.gather [hbm4b:s21+s3], $0x280, $0x38;
	[tilespmem:$0x1E400] =	vst v63  }
0xe5: {  	_ =	swait.ge [sflag:s31], $0x280  }
0xe6: {  	[sflag:s31] =	ssyncset.done $0x0  }
0xe7: {  	[sflag:s31] =	ssyncadd.s32 $0xFFFFFD80  }
0xe8: {  	[tilespmem:s0], [sflag:$0x5] =	stream.linear.gather [hbm4b:s22+s3], $0x280, $0x38;
	[tilespmem:$0x1E400] =	vst v63  }
0xe9: {  	_ =	swait.ge [sflag:s31], $0x280  }
0xea: {  	[sflag:s31] =	ssyncset.done $0x0  }
0xeb: {  	[sflag:s31] =	ssyncadd.s32 $0xFFFFFD80  }
0xec: {  	[tilespmem:s6], [sflag:$0x1] =	stream.indirect.gather [hbm4b:s4+s2], $0x80, s3, s2, $0xb8;
	[tilespmem:$0x1E400] =	vst v63  }
0xed: {  	s16 =	simm.s32 $0x80  }
0xee: {  	[tilespmem:s7], [sflag:$0x2] =	stream.indirect.gather [hbm4b:s4+s2], $0x80, s16, s2, $0xb8;
	[tilespmem:$0x1E400] =	vst v63  }
0xef: {  	_ =	swait.ge [sflag:s8], $0x2800  }
0xf0: {  	[sflag:s8] =	ssyncset.done $0x0  }
0xf1: {  	[sflag:s8] =	ssyncadd.s32 $0xFFFFD800  }
0xf2: {  	[spmem:s1] =	stream.indirect.scatter.add.f32 [tilespmem:s6], [sflag:$0x3], $0x80, s0, s2, $0xb8;
	[tilespmem:$0x1E400] =	vst v63  }
0xf3: {  	_ =	swait.ge [sflag:s9], $0x2800  }
0xf4: {  	[sflag:s9] =	ssyncset.done $0x0  }
0xf5: {  	s14 =	simm.s32 $0x2080;
	[sflag:s9] =	ssyncadd.s32 $0xFFFFD800  }
0xf6: {  	[spmem:s1] =	stream.indirect.scatter.add.f32 [tilespmem:s7], [sflag:$0x4], $0x80, s14, s2, $0xb8;
	[tilespmem:$0x1E400] =	vst v63  }
0xf7: {  	_ =	swait.ge [sflag:s10], $0x2800  }
0xf8: {  	[sflag:s10] =	ssyncset.done $0x0  }
0xf9: {  	[sflag:s10] =	ssyncadd.s32 $0xFFFFD800  }
0xfa: {  	_ =	swait.ge [sflag:s11], $0x2800  }
0xfb: {  	[sflag:s11] =	ssyncset.done $0x0  }
0xfc: {  	s15 =	simm.s32 $0x100;
	[sflag:s11] =	ssyncadd.s32 $0xFFFFD800  }
0xfd: {  	[tilespmem:s6], [sflag:$0x1] =	stream.indirect.gather [hbm4b:s4+s2], $0x80, s15, s2, $0xb8;
	[tilespmem:$0x1E400] =	vst v63  }
0xfe: {  	s16 =	simm.s32 $0x180  }
0xff: {  	[tilespmem:s7], [sflag:$0x2] =	stream.indirect.gather [hbm4b:s4+s2], $0x80, s16, s2, $0xb8;
	[tilespmem:$0x1E400] =	vst v63  }
0x100: {  	_ =	swait.ge [sflag:s8], $0x2800  }
0x101: {  	[sflag:s8] =	ssyncset.done $0x0  }
0x102: {  	s14 =	simm.s32 $0x2100;
	[sflag:s8] =	ssyncadd.s32 $0xFFFFD800  }
0x103: {  	[spmem:s1] =	stream.indirect.scatter.add.f32 [tilespmem:s6], [sflag:$0x3], $0x80, s14, s2, $0xb8;
	[tilespmem:$0x1E400] =	vst v63  }
0x104: {  	_ =	swait.ge [sflag:s9], $0x2800  }
0x105: {  	[sflag:s9] =	ssyncset.done $0x0  }
0x106: {  	s15 =	simm.s32 $0x2180;
	[sflag:s9] =	ssyncadd.s32 $0xFFFFD800  }
0x107: {  	[spmem:s1] =	stream.indirect.scatter.add.f32 [tilespmem:s7], [sflag:$0x4], $0x80, s15, s2, $0xb8;
	[tilespmem:$0x1E400] =	vst v63  }
0x108: {  	_ =	swait.ge [sflag:s10], $0x2800  }
0x109: {  	[sflag:s10] =	ssyncset.done $0x0  }
0x10a: {  	[sflag:s10] =	ssyncadd.s32 $0xFFFFD800  }
0x10b: {  	_ =	swait.ge [sflag:s11], $0x2800  }
0x10c: {  	[sflag:s11] =	ssyncset.done $0x0  }
0x10d: {  	s16 =	simm.s32 $0x200;
	[sflag:s11] =	ssyncadd.s32 $0xFFFFD800  }
0x10e: {  	[tilespmem:s6], [sflag:$0x1] =	stream.indirect.gather [hbm4b:s4+s2], $0x80, s16, s2, $0xb8;
	[tilespmem:$0x1E400] =	vst v63  }
0x10f: {  	_ =	swait.ge [sflag:s8], $0x2800  }
0x110: {  	[sflag:s8] =	ssyncset.done $0x0  }
0x111: {  	s14 =	simm.s32 $0x2200;
	[sflag:s8] =	ssyncadd.s32 $0xFFFFD800  }
0x112: {  	[spmem:s1] =	stream.indirect.scatter.add.f32 [tilespmem:s6], [sflag:$0x5], $0x80, s14, s2, $0xb8;
	[tilespmem:$0x1E400] =	vst v63  }
0x113: {  	s15 =	stileid.u32;
	_ =	swait.ge [sflag:s31], $0x2800  }
0x114: {  	s12 =	sadd.s32 $0x1, s12;
	s13 =	sshll.u32 s15, $0x6;
	[sflag:s31] =	ssyncset.done $0x0  }
0x115: {  	p0 =	sne.s32 s12, s25;
	s13 =	sor.u32 $0x1C05, s13;
	[sflag:s31] =	ssyncadd.s32 $0xFFFFD800  }
.Ltmp3:
0x116: {  	s16 =	sshrl.u32 s5, $0x3;
	[bflag:$0x0] =	sbarrier.arrive $0xFFFF;
	(pc) =	sbr.rel @p0 .LBB2_1-.Ltmp3, $4  }
0x117: {  	[hbm:s24], [sflag:s13] =	dma.local [spmem:s16], $0x2800  }
0x118: {  	_ =	swait.ge [sflag:s31], $0x2800  }
0x119: {  	[sflag:s31] =	ssyncset.done $0x0  }
0x11a: {  	[sflag:s31] =	ssyncadd.s32 $0xFFFFD800  }
0x11b: {  	_ =	sfence.sel $0x180000  }
0x11c: {  	[bflag:$0x0] =	sbarrier.arrive $0xFFFF  }
0x11d: {  	_ =	strace $0x9000004A  }
0x11e: {  	s0 =	stileid.u32;
	[bflag:$0x2] =	sbarrier.arrive $0xFFFF  }
0x11f: {  	p0 =	sne.s32 s0, $0x0;
	s0 =	rddreg [dreg:$0x2]  }
0x120: {  	s0 =	sadd.s32 @!p0 $0x100000, s0  }
0x121: {  	[sflag:s0] =	ssyncadd.tile.s32 @!p0 $0x1;
	_ =	shalt  }
.Lfunc_end2:
_tile_overlayer_lowered:
.L_overlay_start_2:
0x122: {  	(tag) =	ssettag $0x2  }
0x123: {  	s0 =	rddreg [dreg:$0x0];
	s2 =	stileid.u32  }
0x124: {  	s1 =	rddreg [dreg:$0x1];
	p0 =	sne.s32 s2, $0x0  }
0x125: {  	s3 =	rddreg [dreg:$0x2];
	[bflag:$0x3] =	sbarrier.arrive $0xFFFF;
	s2 =	simm.s32 @!p0 $0x1C05  }
0x126: {  	[timem:s3], [sflag:s2] =	dma.local @!p0 [hbm:s0], s1  }
0x127: {  	s0 =	simm.s32 @!p0 $0x5  }
0x128: {  	_ =	swait.ge @!p0 [sflag:s0], s1  }
0x129: {  	s1 =	ssub.s32 @!p0 $0x0, s1;
	[sflag:s0] =	ssyncset.done @!p0 $0x0  }
0x12a: {  	[sflag:s0] =	ssyncadd.s32 @!p0 s1  }
0x12b: {  	[bflag:$0x3] =	sbarrier.arrive $0xFFFF  }
0x12c: {  	_ =	shalt  }

// kernel: kernel.16.cloned.1.call-start
scs
__scs_entry_jumppad:
0x0: {  	(pc) =	sbr.rel $0x88, $3  }
0x1: {  	(tag) =	ssettag $0x0;
	lr =	simm.s32 $0x1  }
0x2: {  	[smem:$0x3F90] =	sst lr;
	_ =	strace $0xD0000000  }
0x3: {  	_ = 	snop  }
0x4: {  	_ = 	snop  }
0x5: {  	_ = 	snop  }
0x6: {  	_ = 	snop  }
0x7: {  	_ = 	snop  }
__scs_overlays_trampoline_lowered:
0x8: {  	[smem:$0x3F9F] =	sst s0  }
0x9: {  	[smem:$0x3FA0] =	sst s1  }
0xa: {  	[smem:$0x3FA1] =	sst s2  }
0xb: {  	[smem:$0x3FA2] =	sst s3  }
0xc: {  	[smem:$0x3FA3] =	sst s4  }
0xd: {  	[smem:$0x3FA4] =	sst s5  }
0xe: {  	[smem:$0x3FA5] =	sst s6  }
0xf: {  	[smem:$0x3FA6] =	sst s7  }
0x10: {  	[smem:$0x3FA7] =	sst s8  }
0x11: {  	[smem:$0x3FA8] =	sst s9;
	s0 =	simm.s32 @!p0 $0x0  }
0x12: {  	s1 =	sld [smem:$0x3F8E];
	s0 =	simm.s32 @p0 $0x1  }
0x13: {  	[smem:$0x3FA9] =	sst s0;
	s0 =	simm.s32 @!p1 $0x0  }
0x14: {  	s2 =	sld [smem:$0x3F8D];
	s0 =	simm.s32 @p1 $0x1  }
0x15: {  	[smem:$0x3FAA] =	sst s0;
	s0 =	simm.s32 @!p2 $0x0  }
0x16: {  	s3 =	sld [smem:$0x3FDB];
	s0 =	simm.s32 @p2 $0x1  }
0x17: {  	s4 =	simm.s32 $0x1BF5;
	[smem:$0x3FAC] =	sst s0  }
0x18: {  	s0 =	sld [smem:$0x3F8F];
	_ =	swait.ge [sflag:s4], $0x0  }
0x19: {  	s7 =	sld [smem:$0x3F90]  }
0x1a: {  	s8 =	sadd.s32 $0xFFFFE003, lr  }
0x1b: {  	s9 =	sadd.s32 $0xFFFFFEF7, lr;
	s5 =	simm.s32 $0xFFFFFFFF;
	p2 =	slt.u32 s8, $0xFFFFF086  }
0x1c: {  	p1 =	slt.u32 s9, $0xF7A;
	s5 =	simm.s32 @!p2 $0x0  }
0x1d: {  	s5 =	simm.s32 @p1 $0x1;
	p0 =	seq.s32 s7, s2  }
0x1e: {  	s7 =	smul.u32 @!p0 $0xF7A, s2;
	p2 =	seq.s32 @!p0 s5, $0x0  }
0x1f: {  	s9 =	smul.u32 $0xF7A, s1;
	s8 =	simm.s32 @!p0 $0x1BF5;
	p2 =	por !p2, p0  }
0x20: {  	[sflag:s8] =	ssyncset.s32 @!p0 $0xFFFFF086;
	s6 =	sadd.s32 @!p0 s3, s7;
	s7 =	simm.s32 @!p0 $0x108  }
0x21: {  	s3 =	sadd.s32 s3, s9;
	s6 =	sadd.s32 @!p0 $0x88, s6;
	s7 =	simm.s32 @p2 $0x1082  }
0x22: {  	[simem:s7], [sflag:s8] =	dma.local @!p0 [hbm:s6], $0xF7A  }
0x23: {  	s9 =	sor.u32 $0xD0000000, s2;
	s6 =	simm.s32 $0x108;
	_ =	swait.ge @!p0 [sflag:s8], $0x0  }
0x24: {  	s3 =	sadd.s32 $0x88, s3;
	s6 =	simm.s32 @!p1 $0x1082;
	[sflag:s4] =	ssyncset.s32 $0xFFFFF086  }
0x25: {  	[simem:s6], [sflag:s4] =	dma.local [hbm:s3], $0xF7A  }
0x26: {  	[smem:$0x3F90] =	sst s1;
	(tag) =	ssettag s2;
	_ =	strace s9  }
0x27: {  	s1 =	sld [smem:$0x3FA0]  }
0x28: {  	s2 =	sld [smem:$0x3FA1]  }
0x29: {  	s4 =	sld [smem:$0x3FA3]  }
0x2a: {  	p0 =	seq.s32 s5, $0x0;
	s5 =	sld [smem:$0x3FA4]  }
0x2b: {  	s6 =	sld [smem:$0x3FA5]  }
0x2c: {  	s7 =	sld [smem:$0x3FA6]  }
0x2d: {  	s3 =	simm.s32 $0x108;
	s8 =	sld [smem:$0x3FA7]  }
0x2e: {  	s3 =	simm.s32 @!p0 $0x1082;
	s9 =	sld [smem:$0x3FA8]  }
0x2f: {  	lr =	sadd.s32 s0, s3;
	s0 =	sld [smem:$0x3F9F]  }
0x30: {  	s3 =	sld [smem:$0x3FA2]  }
0x31: {  	[smem:$0x3FAB] =	sst s10  }
0x32: {  	s10 =	sld [smem:$0x3FA9];
	_ =	sdelay $0x3  }
0x33: {  	p0 =	seq.s32 s10, $0x1;
	s10 =	sld [smem:$0x3FAB];
	_ =	sdelay $0x3  }
0x34: {  	[smem:$0x3FAB] =	sst s10  }
0x35: {  	s10 =	sld [smem:$0x3FAA];
	_ =	sdelay $0x3  }
0x36: {  	p1 =	seq.s32 s10, $0x1;
	s10 =	sld [smem:$0x3FAB];
	_ =	sdelay $0x3  }
0x37: {  	[smem:$0x3FAB] =	sst s10  }
0x38: {  	s10 =	sld [smem:$0x3FAC]  }
0x39: {  	_ = 	snop;
	(pc) =	sbr.ind lr, $3  }
0x3a: {  	_ = 	snop  }
0x3b: {  	_ = 	snop  }
0x3c: {  	p2 =	seq.s32 s10, $0x1;
	s10 =	sld [smem:$0x3FAB]  }
0x3d: {  	_ =	shalt  }
0x3e: {  	_ =	shalt  }
0x3f: {  	_ =	shalt  }
0x40: {  	_ =	shalt  }
0x41: {  	_ =	shalt  }
0x42: {  	_ =	shalt  }
0x43: {  	_ =	shalt  }
0x44: {  	_ =	shalt  }
0x45: {  	_ =	shalt  }
0x46: {  	_ =	shalt  }
0x47: {  	_ =	shalt  }
0x48: {  	_ =	shalt  }
0x49: {  	_ =	shalt  }
0x4a: {  	_ =	shalt  }
0x4b: {  	_ =	shalt  }
0x4c: {  	_ =	shalt  }
0x4d: {  	_ =	shalt  }
0x4e: {  	_ =	shalt  }
0x4f: {  	_ =	shalt  }
0x50: {  	_ =	shalt  }
0x51: {  	_ =	shalt  }
0x52: {  	_ =	shalt  }
0x53: {  	_ =	shalt  }
0x54: {  	_ =	shalt  }
0x55: {  	_ =	shalt  }
0x56: {  	_ =	shalt  }
0x57: {  	_ =	shalt  }
0x58: {  	_ =	shalt  }
0x59: {  	_ =	shalt  }
0x5a: {  	_ =	shalt  }
0x5b: {  	_ =	shalt  }
0x5c: {  	_ =	shalt  }
0x5d: {  	_ =	shalt  }
0x5e: {  	_ =	shalt  }
0x5f: {  	_ =	shalt  }
0x60: {  	_ =	shalt  }
0x61: {  	_ =	shalt  }
0x62: {  	_ =	shalt  }
0x63: {  	_ =	shalt  }
0x64: {  	_ =	shalt  }
0x65: {  	_ =	shalt  }
0x66: {  	_ =	shalt  }
0x67: {  	_ =	shalt  }
0x68: {  	_ =	shalt  }
0x69: {  	_ =	shalt  }
0x6a: {  	_ =	shalt  }
0x6b: {  	_ =	shalt  }
0x6c: {  	_ =	shalt  }
0x6d: {  	_ =	shalt  }
0x6e: {  	_ =	shalt  }
0x6f: {  	_ =	shalt  }
0x70: {  	_ =	shalt  }
0x71: {  	_ =	shalt  }
0x72: {  	_ =	shalt  }
0x73: {  	_ =	shalt  }
0x74: {  	_ =	shalt  }
0x75: {  	_ =	shalt  }
0x76: {  	_ =	shalt  }
0x77: {  	_ =	shalt  }
0x78: {  	_ =	shalt  }
0x79: {  	_ =	shalt  }
0x7a: {  	_ =	shalt  }
0x7b: {  	_ =	shalt  }
0x7c: {  	_ =	shalt  }
0x7d: {  	_ =	shalt  }
0x7e: {  	_ =	shalt  }
0x7f: {  	_ =	shalt  }
0x80: {  	_ =	shalt  }
0x81: {  	_ =	shalt  }
0x82: {  	_ =	shalt  }
0x83: {  	_ =	shalt  }
0x84: {  	_ =	shalt  }
0x85: {  	_ =	shalt  }
0x86: {  	_ =	shalt  }
0x87: {  	_ =	shalt  }
.Lfunc_end0:
.L_simem_size_0:
called_computation.2_lowered:
.L_overlay_start_0:
0x88: {  	s2 =	sld [smem:$0x3FD9]  }
0x89: {  	s3 =	sld [smem:$0x3FFE];
	_ =	sdelay $0x1  }
0x8a: {  	s1 =	srdreg.scid  }
0x8b: {  	s0 =	sand.u32 $0x1, s1  }
0x8c: {  	s16 =	sshll.u32 s0, $0xA;
	s2 =	sadd.s32 s3, s2  }
0x8d: {  	s2 =	sadd.s32 s2, s16  }
0x8e: {  	[smem:$0x3FB7] =	sst s2  }
0x8f: {  	_ = 	snop  }
0x90: {  	(tm) =	ssettm $0x1  }
0x91: {  	s17 =	sld [smem:$0x3FFB];
	_ =	sdelay $0x3  }
0x92: {  	_ =	strace s17  }
0x93: {  	s2 =	sld [smem:$0x3FFC];
	_ =	sdelay $0x3  }
0x94: {  	_ =	strace s2  }
0x95: {  	s2 =	sld [smem:$0x3FFD];
	_ =	sdelay $0x3  }
0x96: {  	_ =	strace s2  }
0x97: {  	_ =	strace $0x8FFFFFFF  }
0x98: {  	s18 =	sld [smem:$0x3FDB];
	_ =	sdelay $0x1  }
0x99: {  	s19 =	simm.s32 $_scs_section_size  }
0x9a: {  	s4 =	simm.s32 $_size__tile_overlayer_lowered;
	s5 =	simm.s32 $_tile_overlayer_lowered  }
0x9b: {  	s22 =	simm.s32 $0x1BFF;
	s21 =	sshll.u32 s5, $0x1;
	s2 =	sadd.s32 s19, s18  }
0x9c: {  	s6 =	simm.s32 $0x0;
	s20 =	sshll.u32 s4, $0x1;
	s4 =	sadd.s32 s21, s2  }
0x9d: {  	[timem:s6], [sflag:s22] =	dma.local [hbm:s4], s20  }
0x9e: {  	_ =	swait.ge [sflag:s22], s20  }
0x9f: {  	s3 =	ssub.s32 $0x0, s20;
	[sflag:s22] =	ssyncset.done $0x0  }
0xa0: {  	[sflag:s22] =	ssyncadd.s32 s3;
	_ =	sdelay $0x1  }
0xa1: {  	s23 =	simm.s32 $0x1B8B  }
0xa2: {  	_ =	swait.ge [sflag:s23], $0x1  }
0xa3: {  	[sflag:s23] =	ssyncset.done $0x0  }
0xa4: {  	s25 =	simm.s32 $0x1B8E;
	s24 =	sld [smem:$0x3FFE];
	[sflag:s23] =	ssyncadd.s32 $0xFFFFFFFF  }
0xa5: {  	s26 =	simm.s32 $execute0_lowered;
	[smem:$0x3FD2] =	sst s25  }
0xa6: {  	s4 =	sshll.u32 s26, $0x1;
	_ =	strace $0x8000004C;
	[dreg:$0x1] =	wrdreg $0xFFFFFFFF  }
0xa7: {  	s28 =	simm.s32 $_size_execute0_lowered;
	s2 =	sadd.s32 s2, s4;
	[dreg:$0x0] =	wrdreg $0x0  }
0xa8: {  	s4 =	sshll.u32 s28, $0x1;
	[dreg:$0x2] =	wrdreg s2  }
0xa9: {  	[dreg:$0x3] =	wrdreg s4  }
0xaa: {  	[dreg:$0x4] =	wrdreg $0xC0  }
0xab: {  	_ =	task [dreg:s6], $0x5FFFF  }
0xac: {  	[dreg:$0x1] =	wrdreg $0xFFFFFFFF  }
0xad: {  	[dreg:$0x0] =	wrdreg $0x60  }
0xae: {  	[dreg:$0x2] =	wrdreg s24  }
0xaf: {  	[dreg:$0x3] =	wrdreg $0xA4000  }
0xb0: {  	[dreg:$0x4] =	wrdreg $0x9  }
0xb1: {  	_ =	task.clear_ibuf [dreg:s6], $0x5FFFF;
	_ =	strace $0x9000004C  }
0xb2: {  	s29 =	simm.s32 $0x9;
	_ =	strace $0x8000004E  }
0xb3: {  	_ =	swait.ge [sflag:s29], $0x1  }
0xb4: {  	[sflag:s29] =	ssyncadd.s32 $0xFFFFFFFF  }
0xb5: {  	_ =	strace $0x9000004E  }
0xb6: {  	_ =	sfence  }
0xb7: {  	s30 =	sld [smem:$0x0];
	_ =	sdelay $0x2  }
0xb8: {  	s31 =	sshll.u32 s1, $0xD;
	s1 =	sshrl.u32 s1, $0x2  }
0xb9: {  	s3 =	sand.u32 $0x4000, s31;
	s1 =	sadd.s32 s1, s30  }
0xba: {  	s0 =	sor.u32 s3, s0;
	s1 =	sshll.u32 s1, $0x11  }
0xbb: {  	s0 =	sor.u32 s1, s0  }
0xbc: {  	s0 =	sadd.s32 $0x8F2B, s0  }
0xbd: {  	[sflag:s0] =	ssyncadd.remote.s32 $0x1  }
0xbe: {  	_ =	sfence.sel $0xFFFF  }
0xbf: {  	[dreg:$0x0] =	wrdreg $0xFFFFFFFF;
	(pc) =	sbr.abs _section_cstart, $3  }
0xc0: {  	[dreg:$0x1] =	wrdreg $0xFFFFFFFF  }
0xc1: {  	_ =	task.clear_ibuf [dreg:s6], $0x2FFFF;
	_ =	strace $0x9FFFFFFF  }
0xc2: {  	(tm) =	ssettm $0x7FFFFFFF  }
0xc3: {  	_ =	shalt  }
tec
execute0_lowered:
.L_overlay_start_1:
0x0: {  	(tag) =	ssettag $0x1  }
0x1: {  	s0 =	rddreg [dreg:$0x0]  }
0x2: {  	s2 =	srdreg.scid;
	s11 =	stileid.u32  }
0x3: {  	s1 =	rddreg [dreg:$0x1];
	s2 =	sand.u32 $0x1, s2;
	s6 =	smul.u32 $0x14000, s11  }
0x4: {  	s3 =	simm.s32 $0x0;
	s30 =	simm.s32 $0x9000;
	s5 =	smul.u32 $0x140000, s2  }
0x5: {  	s31 =	simm.s32 $0x5;
	s12 =	simm.s32 $0x0;
	s7 =	smul.u32 $0x50000, s11  }
0x6: {  	[smem:$0x7FF] =	sst s3;
	s4 =	sadd.s32 $0x15A00, s0;
	s5 =	sadd.s32 s6, s5  }
0x7: {  	s8 =	sadd.s32 $0x65A00, s0;
	s7 =	sshrl.u32 s7, $0x2;
	s5 =	sshrl.u32 s5, $0x3  }
0x8: {  	s9 =	sadd.s32 $0x5A00, s0;
	s0 =	sadd.s32 s5, s0;
	s5 =	sadd.s32 s7, s1  }
0x9: {  	s24 =	sshll.u32 s11, $0xB;
	s11 =	simm.s32 $0x4;
	s7 =	sadd.s32 $0x1400, s5  }
0xa: {  	_ =	strace $0x8000004D;
	s16 =	sadd.s32 $0x2800, s5;
	[dreg:$0x3] =	wrdreg s7  }
0xb: {  	s15 =	ssub.s32 $0x2, s2;
	s17 =	sadd.s32 $0x3C00, s5;
	[dreg:$0x4] =	wrdreg s16  }
0xc: {  	s2 =	sshll.u32 s2, $0xF;
	s18 =	sadd.s32 $0x5000, s5;
	[dreg:$0x5] =	wrdreg s17  }
0xd: {  	s10 =	sshrl.u32 s15, $0x1;
	s19 =	sadd.s32 $0x6400, s5;
	[dreg:$0x6] =	wrdreg s18  }
0xe: {  	s2 =	sor.u32 s24, s2;
	s20 =	sadd.s32 $0x7800, s5;
	[dreg:$0x7] =	wrdreg s19  }
0xf: {  	s6 =	ssub.s32 s15, s10;
	s21 =	sadd.s32 $0x8C00, s5;
	[dreg:$0x8] =	wrdreg s20  }
0x10: {  	s10 =	simm.s32 $0x3;
	s22 =	sadd.s32 $0xA000, s5;
	[dreg:$0x9] =	wrdreg s21  }
0x11: {  	s23 =	sadd.s32 $0xB400, s5;
	s25 =	sadd.s32 $0xC800, s5;
	[dreg:$0xa] =	wrdreg s22  }
0x12: {  	s26 =	sadd.s32 $0xDC00, s5;
	s24 =	sadd.s32 $0x9CC00, s0;
	[dreg:$0xb] =	wrdreg s23  }
0x13: {  	s28 =	sadd.s32 $0x11800, s5;
	s29 =	sadd.s32 $0x12C00, s5;
	[dreg:$0xc] =	wrdreg s25  }
0x14: {  	s0 =	simm.s32 $0x2000;
	[dreg:$0xd] =	wrdreg s26;
	s17 =	sadd.s32 s8, s2  }
0x15: {  	s18 =	sadd.s32 s9, s2;
	s7 =	sor.u32 $0x400, s2;
	s2 =	sor.u32 $0x780, s2  }
0x16: {  	s23 =	sadd.s32 $0xF000, s5;
	s25 =	smax.u32 s6, $0x1;
	s26 =	sadd.s32 $0x10400, s5  }
0x17: {  	s6 =	simm.s32 $0x4000;
	s19 =	sadd.s32 s8, s7;
	s20 =	sadd.s32 s9, s7  }
0x18: {  	s21 =	sadd.s32 s8, s2;
	s22 =	sadd.s32 s9, s2;
	s2 =	simm.s32 $0x50  }
0x19: {  	v0 =	vimm.f32 $0.0e+00;
	s7 =	simm.s32 $0x6800;
	s8 =	simm.s32 $0x1;
	s9 =	simm.s32 $0x2  }
.LBB2_1:
0x1a: {  	s13 =	simm.s32 $0x0;
	s14 =	simm.s32 $0x200  }
.LBB2_2:
0x1b: {  	p0 =	sne.s32 s14, $0x4E00;
	[tilespmem:s13+$0x9070] =	vst v0  }
0x1c: {  	[tilespmem:s13+$0x9000] =	vst v0  }
0x1d: {  	[tilespmem:s13+$0x9010] =	vst v0  }
.Ltmp0:
0x1e: {  	[tilespmem:s13+$0x9020] =	vst v0;
	(pc) =	sbr.rel @p0 .LBB2_2-.Ltmp0, $4  }
0x1f: {  	[tilespmem:s13+$0x9030] =	vst v0  }
0x20: {  	[tilespmem:s13+$0x9040] =	vst v0  }
0x21: {  	[tilespmem:s13+$0x9050] =	vst v0  }
0x22: {  	[tilespmem:s13+$0x9060] =	vst v0;
	s13 =	sshra.s32 s14, $0x2;
	s14 =	sadd.s32 $0x200, s14  }
0x23: {  	[tilespmem:s13+$0x9070] =	vst v0  }
0x24: {  	[tilespmem:s13+$0x9000] =	vst v0  }
0x25: {  	[tilespmem:s13+$0x9010] =	vst v0  }
0x26: {  	[tilespmem:s13+$0x9020] =	vst v0  }
0x27: {  	[tilespmem:s13+$0x9030] =	vst v0  }
0x28: {  	[tilespmem:s13+$0x9040] =	vst v0  }
0x29: {  	[tilespmem:s13+$0x9050] =	vst v0  }
0x2a: {  	[tilespmem:s13+$0x9060] =	vst v0  }
0x2b: {  	[spmem:s5] =	stream.linear.scatter [tilespmem:s30], [sflag:$0x5], $0x1400, $0x38;
	[tilespmem:$0x1E400] =	vst v63  }
0x2c: {  	_ =	swait.ge [sflag:s31], $0x1400  }
0x2d: {  	[sflag:s31] =	ssyncset.done $0x0  }
0x2e: {  	s16 =	rddreg [dreg:$0x3];
	[sflag:s31] =	ssyncadd.s32 $0xFFFFEC00  }
0x2f: {  	[spmem:s16] =	stream.linear.scatter [tilespmem:s30], [sflag:$0x5], $0x1400, $0x38;
	[tilespmem:$0x1E400] =	vst v63  }
0x30: {  	_ =	swait.ge [sflag:s31], $0x1400  }
0x31: {  	[sflag:s31] =	ssyncset.done $0x0  }
0x32: {  	s14 =	rddreg [dreg:$0x4];
	[sflag:s31] =	ssyncadd.s32 $0xFFFFEC00  }
0x33: {  	[spmem:s14] =	stream.linear.scatter [tilespmem:s30], [sflag:$0x5], $0x1400, $0x38;
	[tilespmem:$0x1E400] =	vst v63  }
0x34: {  	_ =	swait.ge [sflag:s31], $0x1400  }
0x35: {  	[sflag:s31] =	ssyncset.done $0x0  }
0x36: {  	s15 =	rddreg [dreg:$0x5];
	[sflag:s31] =	ssyncadd.s32 $0xFFFFEC00  }
0x37: {  	[spmem:s15] =	stream.linear.scatter [tilespmem:s30], [sflag:$0x5], $0x1400, $0x38;
	[tilespmem:$0x1E400] =	vst v63  }
0x38: {  	_ =	swait.ge [sflag:s31], $0x1400  }
0x39: {  	[sflag:s31] =	ssyncset.done $0x0  }
0x3a: {  	s16 =	rddreg [dreg:$0x6];
	[sflag:s31] =	ssyncadd.s32 $0xFFFFEC00  }
0x3b: {  	[spmem:s16] =	stream.linear.scatter [tilespmem:s30], [sflag:$0x5], $0x1400, $0x38;
	[tilespmem:$0x1E400] =	vst v63  }
0x3c: {  	_ =	swait.ge [sflag:s31], $0x1400  }
0x3d: {  	[sflag:s31] =	ssyncset.done $0x0  }
0x3e: {  	s14 =	rddreg [dreg:$0x7];
	[sflag:s31] =	ssyncadd.s32 $0xFFFFEC00  }
0x3f: {  	[spmem:s14] =	stream.linear.scatter [tilespmem:s30], [sflag:$0x5], $0x1400, $0x38;
	[tilespmem:$0x1E400] =	vst v63  }
0x40: {  	_ =	swait.ge [sflag:s31], $0x1400  }
0x41: {  	[sflag:s31] =	ssyncset.done $0x0  }
0x42: {  	s15 =	rddreg [dreg:$0x8];
	[sflag:s31] =	ssyncadd.s32 $0xFFFFEC00  }
0x43: {  	[spmem:s15] =	stream.linear.scatter [tilespmem:s30], [sflag:$0x5], $0x1400, $0x38;
	[tilespmem:$0x1E400] =	vst v63  }
0x44: {  	_ =	swait.ge [sflag:s31], $0x1400  }
0x45: {  	[sflag:s31] =	ssyncset.done $0x0  }
0x46: {  	s16 =	rddreg [dreg:$0x9];
	[sflag:s31] =	ssyncadd.s32 $0xFFFFEC00  }
0x47: {  	[spmem:s16] =	stream.linear.scatter [tilespmem:s30], [sflag:$0x5], $0x1400, $0x38;
	[tilespmem:$0x1E400] =	vst v63  }
0x48: {  	_ =	swait.ge [sflag:s31], $0x1400  }
0x49: {  	[sflag:s31] =	ssyncset.done $0x0  }
0x4a: {  	s14 =	rddreg [dreg:$0xa];
	[sflag:s31] =	ssyncadd.s32 $0xFFFFEC00  }
0x4b: {  	[spmem:s14] =	stream.linear.scatter [tilespmem:s30], [sflag:$0x5], $0x1400, $0x38;
	[tilespmem:$0x1E400] =	vst v63  }
0x4c: {  	_ =	swait.ge [sflag:s31], $0x1400  }
0x4d: {  	[sflag:s31] =	ssyncset.done $0x0  }
0x4e: {  	s15 =	rddreg [dreg:$0xb];
	[sflag:s31] =	ssyncadd.s32 $0xFFFFEC00  }
0x4f: {  	[spmem:s15] =	stream.linear.scatter [tilespmem:s30], [sflag:$0x5], $0x1400, $0x38;
	[tilespmem:$0x1E400] =	vst v63  }
0x50: {  	_ =	swait.ge [sflag:s31], $0x1400  }
0x51: {  	[sflag:s31] =	ssyncset.done $0x0  }
0x52: {  	s16 =	rddreg [dreg:$0xc];
	[sflag:s31] =	ssyncadd.s32 $0xFFFFEC00  }
0x53: {  	[spmem:s16] =	stream.linear.scatter [tilespmem:s30], [sflag:$0x5], $0x1400, $0x38;
	[tilespmem:$0x1E400] =	vst v63  }
0x54: {  	_ =	swait.ge [sflag:s31], $0x1400  }
0x55: {  	[sflag:s31] =	ssyncset.done $0x0  }
0x56: {  	s14 =	rddreg [dreg:$0xd];
	[sflag:s31] =	ssyncadd.s32 $0xFFFFEC00  }
0x57: {  	[spmem:s14] =	stream.linear.scatter [tilespmem:s30], [sflag:$0x5], $0x1400, $0x38;
	[tilespmem:$0x1E400] =	vst v63  }
0x58: {  	_ =	swait.ge [sflag:s31], $0x1400  }
0x59: {  	[sflag:s31] =	ssyncset.done $0x0  }
0x5a: {  	[sflag:s31] =	ssyncadd.s32 $0xFFFFEC00  }
0x5b: {  	[spmem:s23] =	stream.linear.scatter [tilespmem:s30], [sflag:$0x5], $0x1400, $0x38;
	[tilespmem:$0x1E400] =	vst v63  }
0x5c: {  	_ =	swait.ge [sflag:s31], $0x1400  }
0x5d: {  	[sflag:s31] =	ssyncset.done $0x0  }
0x5e: {  	[sflag:s31] =	ssyncadd.s32 $0xFFFFEC00  }
0x5f: {  	[spmem:s26] =	stream.linear.scatter [tilespmem:s30], [sflag:$0x5], $0x1400, $0x38;
	[tilespmem:$0x1E400] =	vst v63  }
0x60: {  	_ =	swait.ge [sflag:s31], $0x1400  }
0x61: {  	[sflag:s31] =	ssyncset.done $0x0  }
0x62: {  	[sflag:s31] =	ssyncadd.s32 $0xFFFFEC00  }
0x63: {  	[spmem:s28] =	stream.linear.scatter [tilespmem:s30], [sflag:$0x5], $0x1400, $0x38;
	[tilespmem:$0x1E400] =	vst v63  }
0x64: {  	_ =	swait.ge [sflag:s31], $0x1400  }
0x65: {  	[sflag:s31] =	ssyncset.done $0x0  }
0x66: {  	[sflag:s31] =	ssyncadd.s32 $0xFFFFEC00  }
0x67: {  	[spmem:s29] =	stream.linear.scatter [tilespmem:s30], [sflag:$0x5], $0x1400, $0x38;
	[tilespmem:$0x1E400] =	vst v63  }
0x68: {  	_ =	swait.ge [sflag:s31], $0x1400  }
0x69: {  	[sflag:s31] =	ssyncset.done $0x0  }
0x6a: {  	[sflag:s31] =	ssyncadd.s32 $0xFFFFEC00  }
0x6b: {  	s15 =	simm.s32 $0x0;
	[bflag:$0x0] =	sbarrier.arrive $0xFFFF  }
0x6c: {  	[tilespmem:s15], [sflag:$0x5] =	stream.linear.gather [hbm4b:s17+s15], $0x2000, $0x38;
	[tilespmem:$0x1E400] =	vst v63  }
0x6d: {  	_ =	swait.ge [sflag:s31], $0x2000  }
0x6e: {  	[sflag:s31] =	ssyncset.done $0x0  }
0x6f: {  	[sflag:s31] =	ssyncadd.s32 $0xFFFFE000  }
0x70: {  	[tilespmem:s0], [sflag:$0x5] =	stream.linear.gather [hbm4b:s18+s15], $0x2000, $0x38;
	[tilespmem:$0x1E400] =	vst v63  }
0x71: {  	_ =	swait.ge [sflag:s31], $0x2000  }
0x72: {  	[sflag:s31] =	ssyncset.done $0x0  }
0x73: {  	s16 =	simm.s32 $0x0;
	[sflag:s31] =	ssyncadd.s32 $0xFFFFE000  }
0x74: {  	[tilespmem:s6], [sflag:$0x1] =	stream.indirect.gather [hbm4b:s4+s2], $0x80, s16, s2, $0xb8;
	[tilespmem:$0x1E400] =	vst v63  }
0x75: {  	s14 =	simm.s32 $0x80  }
0x76: {  	[tilespmem:s7], [sflag:$0x2] =	stream.indirect.gather [hbm4b:s4+s2], $0x80, s14, s2, $0xb8;
	[tilespmem:$0x1E400] =	vst v63  }
0x77: {  	_ =	swait.ge [sflag:s8], $0x2800  }
0x78: {  	[sflag:s8] =	ssyncset.done $0x0  }
0x79: {  	s15 =	simm.s32 $0x2000;
	[sflag:s8] =	ssyncadd.s32 $0xFFFFD800  }
0x7a: {  	[spmem:s1] =	stream.indirect.scatter.add.f32 [tilespmem:s6], [sflag:$0x3], $0x80, s15, s2, $0xb8;
	[tilespmem:$0x1E400] =	vst v63  }
0x7b: {  	_ =	swait.ge [sflag:s9], $0x2800  }
0x7c: {  	[sflag:s9] =	ssyncset.done $0x0  }
0x7d: {  	s16 =	simm.s32 $0x2080;
	[sflag:s9] =	ssyncadd.s32 $0xFFFFD800  }
0x7e: {  	[spmem:s1] =	stream.indirect.scatter.add.f32 [tilespmem:s7], [sflag:$0x4], $0x80, s16, s2, $0xb8;
	[tilespmem:$0x1E400] =	vst v63  }
0x7f: {  	_ =	swait.ge [sflag:s10], $0x2800  }
0x80: {  	[sflag:s10] =	ssyncset.done $0x0  }
0x81: {  	[sflag:s10] =	ssyncadd.s32 $0xFFFFD800  }
0x82: {  	_ =	swait.ge [sflag:s11], $0x2800  }
0x83: {  	s13 =	simm.s32 $0x400;
	s14 =	simm.s32 $0x800;
	[sflag:s11] =	ssyncset.done $0x0  }
.LBB2_4:
0x84: {  	s15 =	sshra.s32 s13, $0x2  }
0x85: {  	[sflag:s11] =	ssyncadd.s32 $0xFFFFD800;
	s13 =	smov.u32 s14;
	s16 =	sadd.s32 $0x400, s14  }
0x86: {  	[tilespmem:s6], [sflag:$0x1] =	stream.indirect.gather [hbm4b:s4+s2], $0x80, s15, s2, $0xb8;
	[tilespmem:$0x1E400] =	vst v63  }
0x87: {  	p0 =	sne.s32 s14, $0x7C00;
	s14 =	sadd.s32 $0x80, s15  }
0x88: {  	[tilespmem:s7], [sflag:$0x2] =	stream.indirect.gather [hbm4b:s4+s2], $0x80, s14, s2, $0xb8;
	[tilespmem:$0x1E400] =	vst v63  }
0x89: {  	_ =	swait.ge [sflag:s8], $0x2800  }
0x8a: {  	[sflag:s8] =	ssyncset.done $0x0  }
0x8b: {  	s14 =	sadd.s32 $0x2000, s15;
	[sflag:s8] =	ssyncadd.s32 $0xFFFFD800  }
0x8c: {  	[spmem:s1] =	stream.indirect.scatter.add.f32 [tilespmem:s6], [sflag:$0x3], $0x80, s14, s2, $0xb8;
	[tilespmem:$0x1E400] =	vst v63  }
0x8d: {  	_ =	swait.ge [sflag:s9], $0x2800  }
0x8e: {  	[sflag:s9] =	ssyncset.done $0x0  }
0x8f: {  	s14 =	sadd.s32 $0x2080, s15;
	[sflag:s9] =	ssyncadd.s32 $0xFFFFD800  }
0x90: {  	[spmem:s1] =	stream.indirect.scatter.add.f32 [tilespmem:s7], [sflag:$0x4], $0x80, s14, s2, $0xb8;
	[tilespmem:$0x1E400] =	vst v63  }
.Ltmp1:
0x91: {  	_ =	swait.ge [sflag:s10], $0x2800;
	(pc) =	sbr.rel @p0 .LBB2_4-.Ltmp1, $4  }
0x92: {  	[sflag:s10] =	ssyncset.done $0x0  }
0x93: {  	[sflag:s10] =	ssyncadd.s32 $0xFFFFD800  }
0x94: {  	_ =	swait.ge [sflag:s11], $0x2800  }
0x95: {  	s14 =	smov.u32 s16;
	[sflag:s11] =	ssyncset.done $0x0  }
0x96: {  	s13 =	sshra.s32 s13, $0x2;
	[sflag:s11] =	ssyncadd.s32 $0xFFFFD800  }
0x97: {  	[tilespmem:s6], [sflag:$0x1] =	stream.indirect.gather [hbm4b:s4+s2], $0x80, s13, s2, $0xb8;
	[tilespmem:$0x1E400] =	vst v63  }
0x98: {  	s14 =	sadd.s32 $0x80, s13  }
0x99: {  	[tilespmem:s7], [sflag:$0x2] =	stream.indirect.gather [hbm4b:s4+s2], $0x80, s14, s2, $0xb8;
	[tilespmem:$0x1E400] =	vst v63  }
0x9a: {  	_ =	swait.ge [sflag:s8], $0x2800  }
0x9b: {  	[sflag:s8] =	ssyncset.done $0x0  }
0x9c: {  	s16 =	sadd.s32 $0x2000, s13;
	[sflag:s8] =	ssyncadd.s32 $0xFFFFD800  }
0x9d: {  	[spmem:s1] =	stream.indirect.scatter.add.f32 [tilespmem:s6], [sflag:$0x3], $0x80, s16, s2, $0xb8;
	[tilespmem:$0x1E400] =	vst v63  }
0x9e: {  	_ =	swait.ge [sflag:s9], $0x2800  }
0x9f: {  	[sflag:s9] =	ssyncset.done $0x0  }
0xa0: {  	s13 =	sadd.s32 $0x2080, s13;
	[sflag:s9] =	ssyncadd.s32 $0xFFFFD800  }
0xa1: {  	[spmem:s1] =	stream.indirect.scatter.add.f32 [tilespmem:s7], [sflag:$0x4], $0x80, s13, s2, $0xb8;
	[tilespmem:$0x1E400] =	vst v63  }
0xa2: {  	_ =	swait.ge [sflag:s10], $0x2800  }
0xa3: {  	[sflag:s10] =	ssyncset.done $0x0  }
0xa4: {  	[sflag:s10] =	ssyncadd.s32 $0xFFFFD800  }
0xa5: {  	_ =	swait.ge [sflag:s11], $0x2800  }
0xa6: {  	[sflag:s11] =	ssyncset.done $0x0  }
0xa7: {  	s15 =	simm.s32 $0x0;
	[sflag:s11] =	ssyncadd.s32 $0xFFFFD800  }
0xa8: {  	[tilespmem:s15], [sflag:$0x5] =	stream.linear.gather [hbm4b:s19+s15], $0x1C00, $0x38;
	[tilespmem:$0x1E400] =	vst v63  }
0xa9: {  	_ =	swait.ge [sflag:s31], $0x1C00  }
0xaa: {  	[sflag:s31] =	ssyncset.done $0x0  }
0xab: {  	[sflag:s31] =	ssyncadd.s32 $0xFFFFE400  }
0xac: {  	[tilespmem:s0], [sflag:$0x5] =	stream.linear.gather [hbm4b:s20+s15], $0x1C00, $0x38;
	[tilespmem:$0x1E400] =	vst v63  }
0xad: {  	_ =	swait.ge [sflag:s31], $0x1C00  }
0xae: {  	[sflag:s31] =	ssyncset.done $0x0  }
0xaf: {  	s16 =	simm.s32 $0x0;
	[sflag:s31] =	ssyncadd.s32 $0xFFFFE400  }
0xb0: {  	[tilespmem:s6], [sflag:$0x1] =	stream.indirect.gather [hbm4b:s4+s2], $0x80, s16, s2, $0xb8;
	[tilespmem:$0x1E400] =	vst v63  }
0xb1: {  	s14 =	simm.s32 $0x80  }
0xb2: {  	[tilespmem:s7], [sflag:$0x2] =	stream.indirect.gather [hbm4b:s4+s2], $0x80, s14, s2, $0xb8;
	[tilespmem:$0x1E400] =	vst v63  }
0xb3: {  	_ =	swait.ge [sflag:s8], $0x2800  }
0xb4: {  	[sflag:s8] =	ssyncset.done $0x0  }
0xb5: {  	s15 =	simm.s32 $0x2000;
	[sflag:s8] =	ssyncadd.s32 $0xFFFFD800  }
0xb6: {  	[spmem:s1] =	stream.indirect.scatter.add.f32 [tilespmem:s6], [sflag:$0x3], $0x80, s15, s2, $0xb8;
	[tilespmem:$0x1E400] =	vst v63  }
0xb7: {  	_ =	swait.ge [sflag:s9], $0x2800  }
0xb8: {  	[sflag:s9] =	ssyncset.done $0x0  }
0xb9: {  	s16 =	simm.s32 $0x2080;
	[sflag:s9] =	ssyncadd.s32 $0xFFFFD800  }
0xba: {  	[spmem:s1] =	stream.indirect.scatter.add.f32 [tilespmem:s7], [sflag:$0x4], $0x80, s16, s2, $0xb8;
	[tilespmem:$0x1E400] =	vst v63  }
0xbb: {  	_ =	swait.ge [sflag:s10], $0x2800  }
0xbc: {  	[sflag:s10] =	ssyncset.done $0x0  }
0xbd: {  	[sflag:s10] =	ssyncadd.s32 $0xFFFFD800  }
0xbe: {  	_ =	swait.ge [sflag:s11], $0x2800  }
0xbf: {  	s13 =	simm.s32 $0x400;
	s14 =	simm.s32 $0x800;
	[sflag:s11] =	ssyncset.done $0x0  }
.LBB2_6:
0xc0: {  	s15 =	sshra.s32 s13, $0x2  }
0xc1: {  	[sflag:s11] =	ssyncadd.s32 $0xFFFFD800;
	s13 =	smov.u32 s14;
	s16 =	sadd.s32 $0x400, s14  }
0xc2: {  	[tilespmem:s6], [sflag:$0x1] =	stream.indirect.gather [hbm4b:s4+s2], $0x80, s15, s2, $0xb8;
	[tilespmem:$0x1E400] =	vst v63  }
0xc3: {  	p0 =	sne.s32 s14, $0x6C00;
	s14 =	sadd.s32 $0x80, s15  }
0xc4: {  	[tilespmem:s7], [sflag:$0x2] =	stream.indirect.gather [hbm4b:s4+s2], $0x80, s14, s2, $0xb8;
	[tilespmem:$0x1E400] =	vst v63  }
0xc5: {  	_ =	swait.ge [sflag:s8], $0x2800  }
0xc6: {  	[sflag:s8] =	ssyncset.done $0x0  }
0xc7: {  	s14 =	sadd.s32 $0x2000, s15;
	[sflag:s8] =	ssyncadd.s32 $0xFFFFD800  }
0xc8: {  	[spmem:s1] =	stream.indirect.scatter.add.f32 [tilespmem:s6], [sflag:$0x3], $0x80, s14, s2, $0xb8;
	[tilespmem:$0x1E400] =	vst v63  }
0xc9: {  	_ =	swait.ge [sflag:s9], $0x2800  }
0xca: {  	[sflag:s9] =	ssyncset.done $0x0  }
0xcb: {  	s14 =	sadd.s32 $0x2080, s15;
	[sflag:s9] =	ssyncadd.s32 $0xFFFFD800  }
0xcc: {  	[spmem:s1] =	stream.indirect.scatter.add.f32 [tilespmem:s7], [sflag:$0x4], $0x80, s14, s2, $0xb8;
	[tilespmem:$0x1E400] =	vst v63  }
.Ltmp2:
0xcd: {  	_ =	swait.ge [sflag:s10], $0x2800;
	(pc) =	sbr.rel @p0 .LBB2_6-.Ltmp2, $4  }
0xce: {  	[sflag:s10] =	ssyncset.done $0x0  }
0xcf: {  	[sflag:s10] =	ssyncadd.s32 $0xFFFFD800  }
0xd0: {  	_ =	swait.ge [sflag:s11], $0x2800  }
0xd1: {  	s14 =	smov.u32 s16;
	[sflag:s11] =	ssyncset.done $0x0  }
0xd2: {  	s13 =	sshra.s32 s13, $0x2;
	[sflag:s11] =	ssyncadd.s32 $0xFFFFD800  }
0xd3: {  	[tilespmem:s6], [sflag:$0x1] =	stream.indirect.gather [hbm4b:s4+s2], $0x80, s13, s2, $0xb8;
	[tilespmem:$0x1E400] =	vst v63  }
0xd4: {  	s14 =	sadd.s32 $0x80, s13  }
0xd5: {  	[tilespmem:s7], [sflag:$0x2] =	stream.indirect.gather [hbm4b:s4+s2], $0x80, s14, s2, $0xb8;
	[tilespmem:$0x1E400] =	vst v63  }
0xd6: {  	_ =	swait.ge [sflag:s8], $0x2800  }
0xd7: {  	[sflag:s8] =	ssyncset.done $0x0  }
0xd8: {  	s15 =	sadd.s32 $0x2000, s13;
	[sflag:s8] =	ssyncadd.s32 $0xFFFFD800  }
0xd9: {  	[spmem:s1] =	stream.indirect.scatter.add.f32 [tilespmem:s6], [sflag:$0x3], $0x80, s15, s2, $0xb8;
	[tilespmem:$0x1E400] =	vst v63  }
0xda: {  	_ =	swait.ge [sflag:s9], $0x2800  }
0xdb: {  	[sflag:s9] =	ssyncset.done $0x0  }
0xdc: {  	s13 =	sadd.s32 $0x2080, s13;
	[sflag:s9] =	ssyncadd.s32 $0xFFFFD800  }
0xdd: {  	[spmem:s1] =	stream.indirect.scatter.add.f32 [tilespmem:s7], [sflag:$0x4], $0x80, s13, s2, $0xb8;
	[tilespmem:$0x1E400] =	vst v63  }
0xde: {  	_ =	swait.ge [sflag:s10], $0x2800  }
0xdf: {  	[sflag:s10] =	ssyncset.done $0x0  }
0xe0: {  	[sflag:s10] =	ssyncadd.s32 $0xFFFFD800  }
0xe1: {  	_ =	swait.ge [sflag:s11], $0x2800  }
0xe2: {  	[sflag:s11] =	ssyncset.done $0x0  }
0xe3: {  	[sflag:s11] =	ssyncadd.s32 $0xFFFFD800  }
0xe4: {  	[tilespmem:s3], [sflag:$0x5] =	stream.linear.gather [hbm4b:s21+s3], $0x280, $0x38;
	[tilespmem:$0x1E400] =	vst v63  }
0xe5: {  	_ =	swait.ge [sflag:s31], $0x280  }
0xe6: {  	[sflag:s31] =	ssyncset.done $0x0  }
0xe7: {  	[sflag:s31] =	ssyncadd.s32 $0xFFFFFD80  }
0xe8: {  	[tilespmem:s0], [sflag:$0x5] =	stream.linear.gather [hbm4b:s22+s3], $0x280, $0x38;
	[tilespmem:$0x1E400] =	vst v63  }
0xe9: {  	_ =	swait.ge [sflag:s31], $0x280  }
0xea: {  	[sflag:s31] =	ssyncset.done $0x0  }
0xeb: {  	[sflag:s31] =	ssyncadd.s32 $0xFFFFFD80  }
0xec: {  	[tilespmem:s6], [sflag:$0x1] =	stream.indirect.gather [hbm4b:s4+s2], $0x80, s3, s2, $0xb8;
	[tilespmem:$0x1E400] =	vst v63  }
0xed: {  	s16 =	simm.s32 $0x80  }
0xee: {  	[tilespmem:s7], [sflag:$0x2] =	stream.indirect.gather [hbm4b:s4+s2], $0x80, s16, s2, $0xb8;
	[tilespmem:$0x1E400] =	vst v63  }
0xef: {  	_ =	swait.ge [sflag:s8], $0x2800  }
0xf0: {  	[sflag:s8] =	ssyncset.done $0x0  }
0xf1: {  	[sflag:s8] =	ssyncadd.s32 $0xFFFFD800  }
0xf2: {  	[spmem:s1] =	stream.indirect.scatter.add.f32 [tilespmem:s6], [sflag:$0x3], $0x80, s0, s2, $0xb8;
	[tilespmem:$0x1E400] =	vst v63  }
0xf3: {  	_ =	swait.ge [sflag:s9], $0x2800  }
0xf4: {  	[sflag:s9] =	ssyncset.done $0x0  }
0xf5: {  	s14 =	simm.s32 $0x2080;
	[sflag:s9] =	ssyncadd.s32 $0xFFFFD800  }
0xf6: {  	[spmem:s1] =	stream.indirect.scatter.add.f32 [tilespmem:s7], [sflag:$0x4], $0x80, s14, s2, $0xb8;
	[tilespmem:$0x1E400] =	vst v63  }
0xf7: {  	_ =	swait.ge [sflag:s10], $0x2800  }
0xf8: {  	[sflag:s10] =	ssyncset.done $0x0  }
0xf9: {  	[sflag:s10] =	ssyncadd.s32 $0xFFFFD800  }
0xfa: {  	_ =	swait.ge [sflag:s11], $0x2800  }
0xfb: {  	[sflag:s11] =	ssyncset.done $0x0  }
0xfc: {  	s15 =	simm.s32 $0x100;
	[sflag:s11] =	ssyncadd.s32 $0xFFFFD800  }
0xfd: {  	[tilespmem:s6], [sflag:$0x1] =	stream.indirect.gather [hbm4b:s4+s2], $0x80, s15, s2, $0xb8;
	[tilespmem:$0x1E400] =	vst v63  }
0xfe: {  	s16 =	simm.s32 $0x180  }
0xff: {  	[tilespmem:s7], [sflag:$0x2] =	stream.indirect.gather [hbm4b:s4+s2], $0x80, s16, s2, $0xb8;
	[tilespmem:$0x1E400] =	vst v63  }
0x100: {  	_ =	swait.ge [sflag:s8], $0x2800  }
0x101: {  	[sflag:s8] =	ssyncset.done $0x0  }
0x102: {  	s14 =	simm.s32 $0x2100;
	[sflag:s8] =	ssyncadd.s32 $0xFFFFD800  }
0x103: {  	[spmem:s1] =	stream.indirect.scatter.add.f32 [tilespmem:s6], [sflag:$0x3], $0x80, s14, s2, $0xb8;
	[tilespmem:$0x1E400] =	vst v63  }
0x104: {  	_ =	swait.ge [sflag:s9], $0x2800  }
0x105: {  	[sflag:s9] =	ssyncset.done $0x0  }
0x106: {  	s15 =	simm.s32 $0x2180;
	[sflag:s9] =	ssyncadd.s32 $0xFFFFD800  }
0x107: {  	[spmem:s1] =	stream.indirect.scatter.add.f32 [tilespmem:s7], [sflag:$0x4], $0x80, s15, s2, $0xb8;
	[tilespmem:$0x1E400] =	vst v63  }
0x108: {  	_ =	swait.ge [sflag:s10], $0x2800  }
0x109: {  	[sflag:s10] =	ssyncset.done $0x0  }
0x10a: {  	[sflag:s10] =	ssyncadd.s32 $0xFFFFD800  }
0x10b: {  	_ =	swait.ge [sflag:s11], $0x2800  }
0x10c: {  	[sflag:s11] =	ssyncset.done $0x0  }
0x10d: {  	s16 =	simm.s32 $0x200;
	[sflag:s11] =	ssyncadd.s32 $0xFFFFD800  }
0x10e: {  	[tilespmem:s6], [sflag:$0x1] =	stream.indirect.gather [hbm4b:s4+s2], $0x80, s16, s2, $0xb8;
	[tilespmem:$0x1E400] =	vst v63  }
0x10f: {  	_ =	swait.ge [sflag:s8], $0x2800  }
0x110: {  	[sflag:s8] =	ssyncset.done $0x0  }
0x111: {  	s14 =	simm.s32 $0x2200;
	[sflag:s8] =	ssyncadd.s32 $0xFFFFD800  }
0x112: {  	[spmem:s1] =	stream.indirect.scatter.add.f32 [tilespmem:s6], [sflag:$0x5], $0x80, s14, s2, $0xb8;
	[tilespmem:$0x1E400] =	vst v63  }
0x113: {  	s15 =	stileid.u32;
	_ =	swait.ge [sflag:s31], $0x2800  }
0x114: {  	s12 =	sadd.s32 $0x1, s12;
	s13 =	sshll.u32 s15, $0x6;
	[sflag:s31] =	ssyncset.done $0x0  }
0x115: {  	p0 =	sne.s32 s12, s25;
	s13 =	sor.u32 $0x1C05, s13;
	[sflag:s31] =	ssyncadd.s32 $0xFFFFD800  }
.Ltmp3:
0x116: {  	s16 =	sshrl.u32 s5, $0x3;
	[bflag:$0x0] =	sbarrier.arrive $0xFFFF;
	(pc) =	sbr.rel @p0 .LBB2_1-.Ltmp3, $4  }
0x117: {  	[hbm:s24], [sflag:s13] =	dma.local [spmem:s16], $0x2800  }
0x118: {  	_ =	swait.ge [sflag:s31], $0x2800  }
0x119: {  	[sflag:s31] =	ssyncset.done $0x0  }
0x11a: {  	[sflag:s31] =	ssyncadd.s32 $0xFFFFD800  }
0x11b: {  	_ =	sfence.sel $0x180000  }
0x11c: {  	[bflag:$0x0] =	sbarrier.arrive $0xFFFF  }
0x11d: {  	_ =	strace $0x9000004D  }
0x11e: {  	s0 =	stileid.u32;
	[bflag:$0x2] =	sbarrier.arrive $0xFFFF  }
0x11f: {  	p0 =	sne.s32 s0, $0x0;
	s0 =	rddreg [dreg:$0x2]  }
0x120: {  	s0 =	sadd.s32 @!p0 $0x100000, s0  }
0x121: {  	[sflag:s0] =	ssyncadd.tile.s32 @!p0 $0x1;
	_ =	shalt  }
.Lfunc_end2:
_tile_overlayer_lowered:
.L_overlay_start_2:
0x122: {  	(tag) =	ssettag $0x2  }
0x123: {  	s0 =	rddreg [dreg:$0x0];
	s2 =	stileid.u32  }
0x124: {  	s1 =	rddreg [dreg:$0x1];
	p0 =	sne.s32 s2, $0x0  }
0x125: {  	s3 =	rddreg [dreg:$0x2];
	[bflag:$0x3] =	sbarrier.arrive $0xFFFF;
	s2 =	simm.s32 @!p0 $0x1C05  }
0x126: {  	[timem:s3], [sflag:s2] =	dma.local @!p0 [hbm:s0], s1  }
0x127: {  	s0 =	simm.s32 @!p0 $0x5  }
0x128: {  	_ =	swait.ge @!p0 [sflag:s0], s1  }
0x129: {  	s1 =	ssub.s32 @!p0 $0x0, s1;
	[sflag:s0] =	ssyncset.done @!p0 $0x0  }
0x12a: {  	[sflag:s0] =	ssyncadd.s32 @!p0 s1  }
0x12b: {  	[bflag:$0x3] =	sbarrier.arrive $0xFFFF  }
0x12c: {  	_ =	shalt  }

// kernel: kernel.19.cloned.1.call-start
scs
__scs_entry_jumppad:
0x0: {  	(pc) =	sbr.rel $0x88, $3  }
0x1: {  	(tag) =	ssettag $0x0;
	lr =	simm.s32 $0x1  }
0x2: {  	[smem:$0x3F90] =	sst lr;
	_ =	strace $0xD0000000  }
0x3: {  	_ = 	snop  }
0x4: {  	_ = 	snop  }
0x5: {  	_ = 	snop  }
0x6: {  	_ = 	snop  }
0x7: {  	_ = 	snop  }
__scs_overlays_trampoline_lowered:
0x8: {  	[smem:$0x3F9F] =	sst s0  }
0x9: {  	[smem:$0x3FA0] =	sst s1  }
0xa: {  	[smem:$0x3FA1] =	sst s2  }
0xb: {  	[smem:$0x3FA2] =	sst s3  }
0xc: {  	[smem:$0x3FA3] =	sst s4  }
0xd: {  	[smem:$0x3FA4] =	sst s5  }
0xe: {  	[smem:$0x3FA5] =	sst s6  }
0xf: {  	[smem:$0x3FA6] =	sst s7  }
0x10: {  	[smem:$0x3FA7] =	sst s8  }
0x11: {  	[smem:$0x3FA8] =	sst s9;
	s0 =	simm.s32 @!p0 $0x0  }
0x12: {  	s1 =	sld [smem:$0x3F8E];
	s0 =	simm.s32 @p0 $0x1  }
0x13: {  	[smem:$0x3FA9] =	sst s0;
	s0 =	simm.s32 @!p1 $0x0  }
0x14: {  	s2 =	sld [smem:$0x3F8D];
	s0 =	simm.s32 @p1 $0x1  }
0x15: {  	[smem:$0x3FAA] =	sst s0;
	s0 =	simm.s32 @!p2 $0x0  }
0x16: {  	s3 =	sld [smem:$0x3FDB];
	s0 =	simm.s32 @p2 $0x1  }
0x17: {  	s4 =	simm.s32 $0x1BF5;
	[smem:$0x3FAC] =	sst s0  }
0x18: {  	s0 =	sld [smem:$0x3F8F];
	_ =	swait.ge [sflag:s4], $0x0  }
0x19: {  	s7 =	sld [smem:$0x3F90]  }
0x1a: {  	s8 =	sadd.s32 $0xFFFFE003, lr  }
0x1b: {  	s9 =	sadd.s32 $0xFFFFFEF7, lr;
	s5 =	simm.s32 $0xFFFFFFFF;
	p2 =	slt.u32 s8, $0xFFFFF086  }
0x1c: {  	p1 =	slt.u32 s9, $0xF7A;
	s5 =	simm.s32 @!p2 $0x0  }
0x1d: {  	s5 =	simm.s32 @p1 $0x1;
	p0 =	seq.s32 s7, s2  }
0x1e: {  	s7 =	smul.u32 @!p0 $0xF7A, s2;
	p2 =	seq.s32 @!p0 s5, $0x0  }
0x1f: {  	s9 =	smul.u32 $0xF7A, s1;
	s8 =	simm.s32 @!p0 $0x1BF5;
	p2 =	por !p2, p0  }
0x20: {  	[sflag:s8] =	ssyncset.s32 @!p0 $0xFFFFF086;
	s6 =	sadd.s32 @!p0 s3, s7;
	s7 =	simm.s32 @!p0 $0x108  }
0x21: {  	s3 =	sadd.s32 s3, s9;
	s6 =	sadd.s32 @!p0 $0x88, s6;
	s7 =	simm.s32 @p2 $0x1082  }
0x22: {  	[simem:s7], [sflag:s8] =	dma.local @!p0 [hbm:s6], $0xF7A  }
0x23: {  	s9 =	sor.u32 $0xD0000000, s2;
	s6 =	simm.s32 $0x108;
	_ =	swait.ge @!p0 [sflag:s8], $0x0  }
0x24: {  	s3 =	sadd.s32 $0x88, s3;
	s6 =	simm.s32 @!p1 $0x1082;
	[sflag:s4] =	ssyncset.s32 $0xFFFFF086  }
0x25: {  	[simem:s6], [sflag:s4] =	dma.local [hbm:s3], $0xF7A  }
0x26: {  	[smem:$0x3F90] =	sst s1;
	(tag) =	ssettag s2;
	_ =	strace s9  }
0x27: {  	s1 =	sld [smem:$0x3FA0]  }
0x28: {  	s2 =	sld [smem:$0x3FA1]  }
0x29: {  	s4 =	sld [smem:$0x3FA3]  }
0x2a: {  	p0 =	seq.s32 s5, $0x0;
	s5 =	sld [smem:$0x3FA4]  }
0x2b: {  	s6 =	sld [smem:$0x3FA5]  }
0x2c: {  	s7 =	sld [smem:$0x3FA6]  }
0x2d: {  	s3 =	simm.s32 $0x108;
	s8 =	sld [smem:$0x3FA7]  }
0x2e: {  	s3 =	simm.s32 @!p0 $0x1082;
	s9 =	sld [smem:$0x3FA8]  }
0x2f: {  	lr =	sadd.s32 s0, s3;
	s0 =	sld [smem:$0x3F9F]  }
0x30: {  	s3 =	sld [smem:$0x3FA2]  }
0x31: {  	[smem:$0x3FAB] =	sst s10  }
0x32: {  	s10 =	sld [smem:$0x3FA9];
	_ =	sdelay $0x3  }
0x33: {  	p0 =	seq.s32 s10, $0x1;
	s10 =	sld [smem:$0x3FAB];
	_ =	sdelay $0x3  }
0x34: {  	[smem:$0x3FAB] =	sst s10  }
0x35: {  	s10 =	sld [smem:$0x3FAA];
	_ =	sdelay $0x3  }
0x36: {  	p1 =	seq.s32 s10, $0x1;
	s10 =	sld [smem:$0x3FAB];
	_ =	sdelay $0x3  }
0x37: {  	[smem:$0x3FAB] =	sst s10  }
0x38: {  	s10 =	sld [smem:$0x3FAC]  }
0x39: {  	_ = 	snop;
	(pc) =	sbr.ind lr, $3  }
0x3a: {  	_ = 	snop  }
0x3b: {  	_ = 	snop  }
0x3c: {  	p2 =	seq.s32 s10, $0x1;
	s10 =	sld [smem:$0x3FAB]  }
0x3d: {  	_ =	shalt  }
0x3e: {  	_ =	shalt  }
0x3f: {  	_ =	shalt  }
0x40: {  	_ =	shalt  }
0x41: {  	_ =	shalt  }
0x42: {  	_ =	shalt  }
0x43: {  	_ =	shalt  }
0x44: {  	_ =	shalt  }
0x45: {  	_ =	shalt  }
0x46: {  	_ =	shalt  }
0x47: {  	_ =	shalt  }
0x48: {  	_ =	shalt  }
0x49: {  	_ =	shalt  }
0x4a: {  	_ =	shalt  }
0x4b: {  	_ =	shalt  }
0x4c: {  	_ =	shalt  }
0x4d: {  	_ =	shalt  }
0x4e: {  	_ =	shalt  }
0x4f: {  	_ =	shalt  }
0x50: {  	_ =	shalt  }
0x51: {  	_ =	shalt  }
0x52: {  	_ =	shalt  }
0x53: {  	_ =	shalt  }
0x54: {  	_ =	shalt  }
0x55: {  	_ =	shalt  }
0x56: {  	_ =	shalt  }
0x57: {  	_ =	shalt  }
0x58: {  	_ =	shalt  }
0x59: {  	_ =	shalt  }
0x5a: {  	_ =	shalt  }
0x5b: {  	_ =	shalt  }
0x5c: {  	_ =	shalt  }
0x5d: {  	_ =	shalt  }
0x5e: {  	_ =	shalt  }
0x5f: {  	_ =	shalt  }
0x60: {  	_ =	shalt  }
0x61: {  	_ =	shalt  }
0x62: {  	_ =	shalt  }
0x63: {  	_ =	shalt  }
0x64: {  	_ =	shalt  }
0x65: {  	_ =	shalt  }
0x66: {  	_ =	shalt  }
0x67: {  	_ =	shalt  }
0x68: {  	_ =	shalt  }
0x69: {  	_ =	shalt  }
0x6a: {  	_ =	shalt  }
0x6b: {  	_ =	shalt  }
0x6c: {  	_ =	shalt  }
0x6d: {  	_ =	shalt  }
0x6e: {  	_ =	shalt  }
0x6f: {  	_ =	shalt  }
0x70: {  	_ =	shalt  }
0x71: {  	_ =	shalt  }
0x72: {  	_ =	shalt  }
0x73: {  	_ =	shalt  }
0x74: {  	_ =	shalt  }
0x75: {  	_ =	shalt  }
0x76: {  	_ =	shalt  }
0x77: {  	_ =	shalt  }
0x78: {  	_ =	shalt  }
0x79: {  	_ =	shalt  }
0x7a: {  	_ =	shalt  }
0x7b: {  	_ =	shalt  }
0x7c: {  	_ =	shalt  }
0x7d: {  	_ =	shalt  }
0x7e: {  	_ =	shalt  }
0x7f: {  	_ =	shalt  }
0x80: {  	_ =	shalt  }
0x81: {  	_ =	shalt  }
0x82: {  	_ =	shalt  }
0x83: {  	_ =	shalt  }
0x84: {  	_ =	shalt  }
0x85: {  	_ =	shalt  }
0x86: {  	_ =	shalt  }
0x87: {  	_ =	shalt  }
.Lfunc_end0:
.L_simem_size_0:
called_computation.3_lowered:
.L_overlay_start_0:
0x88: {  	s2 =	sld [smem:$0x3FD9]  }
0x89: {  	s3 =	sld [smem:$0x3FFE];
	_ =	sdelay $0x1  }
0x8a: {  	s1 =	srdreg.scid  }
0x8b: {  	s0 =	sand.u32 $0x1, s1  }
0x8c: {  	s16 =	sshll.u32 s0, $0xA;
	s2 =	sadd.s32 s3, s2  }
0x8d: {  	s2 =	sadd.s32 s2, s16  }
0x8e: {  	[smem:$0x3FB7] =	sst s2  }
0x8f: {  	_ = 	snop  }
0x90: {  	(tm) =	ssettm $0x1  }
0x91: {  	s17 =	sld [smem:$0x3FFB];
	_ =	sdelay $0x3  }
0x92: {  	_ =	strace s17  }
0x93: {  	s2 =	sld [smem:$0x3FFC];
	_ =	sdelay $0x3  }
0x94: {  	_ =	strace s2  }
0x95: {  	s2 =	sld [smem:$0x3FFD];
	_ =	sdelay $0x3  }
0x96: {  	_ =	strace s2  }
0x97: {  	_ =	strace $0x8FFFFFFF  }
0x98: {  	s18 =	sld [smem:$0x3FDB];
	_ =	sdelay $0x1  }
0x99: {  	s19 =	simm.s32 $_scs_section_size  }
0x9a: {  	s4 =	simm.s32 $_size__tile_overlayer_lowered;
	s5 =	simm.s32 $_tile_overlayer_lowered  }
0x9b: {  	s22 =	simm.s32 $0x1BFF;
	s21 =	sshll.u32 s5, $0x1;
	s2 =	sadd.s32 s19, s18  }
0x9c: {  	s6 =	simm.s32 $0x0;
	s20 =	sshll.u32 s4, $0x1;
	s4 =	sadd.s32 s21, s2  }
0x9d: {  	[timem:s6], [sflag:s22] =	dma.local [hbm:s4], s20  }
0x9e: {  	_ =	swait.ge [sflag:s22], s20  }
0x9f: {  	s3 =	ssub.s32 $0x0, s20;
	[sflag:s22] =	ssyncset.done $0x0  }
0xa0: {  	[sflag:s22] =	ssyncadd.s32 s3;
	_ =	sdelay $0x1  }
0xa1: {  	s23 =	simm.s32 $0x1B8B  }
0xa2: {  	_ =	swait.ge [sflag:s23], $0x1  }
0xa3: {  	[sflag:s23] =	ssyncset.done $0x0  }
0xa4: {  	s25 =	simm.s32 $0x1B8E;
	s24 =	sld [smem:$0x3FFE];
	[sflag:s23] =	ssyncadd.s32 $0xFFFFFFFF  }
0xa5: {  	s26 =	simm.s32 $execute0_lowered;
	[smem:$0x3FD2] =	sst s25  }
0xa6: {  	s4 =	sshll.u32 s26, $0x1;
	_ =	strace $0x8000004F;
	[dreg:$0x1] =	wrdreg $0xFFFFFFFF  }
0xa7: {  	s28 =	simm.s32 $_size_execute0_lowered;
	s2 =	sadd.s32 s2, s4;
	[dreg:$0x0] =	wrdreg $0x0  }
0xa8: {  	s4 =	sshll.u32 s28, $0x1;
	[dreg:$0x2] =	wrdreg s2  }
0xa9: {  	[dreg:$0x3] =	wrdreg s4  }
0xaa: {  	[dreg:$0x4] =	wrdreg $0xC0  }
0xab: {  	_ =	task [dreg:s6], $0x5FFFF  }
0xac: {  	[dreg:$0x1] =	wrdreg $0xFFFFFFFF  }
0xad: {  	[dreg:$0x0] =	wrdreg $0x60  }
0xae: {  	[dreg:$0x2] =	wrdreg s24  }
0xaf: {  	[dreg:$0x3] =	wrdreg $0xA4000  }
0xb0: {  	[dreg:$0x4] =	wrdreg $0x9  }
0xb1: {  	_ =	task.clear_ibuf [dreg:s6], $0x5FFFF;
	_ =	strace $0x9000004F  }
0xb2: {  	s29 =	simm.s32 $0x9;
	_ =	strace $0x80000051  }
0xb3: {  	_ =	swait.ge [sflag:s29], $0x1  }
0xb4: {  	[sflag:s29] =	ssyncadd.s32 $0xFFFFFFFF  }
0xb5: {  	_ =	strace $0x90000051  }
0xb6: {  	_ =	sfence  }
0xb7: {  	s30 =	sld [smem:$0x0];
	_ =	sdelay $0x2  }
0xb8: {  	s31 =	sshll.u32 s1, $0xD;
	s1 =	sshrl.u32 s1, $0x2  }
0xb9: {  	s3 =	sand.u32 $0x4000, s31;
	s1 =	sadd.s32 s1, s30  }
0xba: {  	s0 =	sor.u32 s3, s0;
	s1 =	sshll.u32 s1, $0x11  }
0xbb: {  	s0 =	sor.u32 s1, s0  }
0xbc: {  	s0 =	sadd.s32 $0x8F2B, s0  }
0xbd: {  	[sflag:s0] =	ssyncadd.remote.s32 $0x1  }
0xbe: {  	_ =	sfence.sel $0xFFFF  }
0xbf: {  	[dreg:$0x0] =	wrdreg $0xFFFFFFFF;
	(pc) =	sbr.abs _section_cstart, $3  }
0xc0: {  	[dreg:$0x1] =	wrdreg $0xFFFFFFFF  }
0xc1: {  	_ =	task.clear_ibuf [dreg:s6], $0x2FFFF;
	_ =	strace $0x9FFFFFFF  }
0xc2: {  	(tm) =	ssettm $0x7FFFFFFF  }
0xc3: {  	_ =	shalt  }
tec
execute0_lowered:
.L_overlay_start_1:
0x0: {  	(tag) =	ssettag $0x1  }
0x1: {  	s0 =	rddreg [dreg:$0x0]  }
0x2: {  	s2 =	srdreg.scid;
	s11 =	stileid.u32  }
0x3: {  	s1 =	rddreg [dreg:$0x1];
	s2 =	sand.u32 $0x1, s2;
	s6 =	smul.u32 $0x14000, s11  }
0x4: {  	s3 =	simm.s32 $0x0;
	s30 =	simm.s32 $0x9000;
	s5 =	smul.u32 $0x140000, s2  }
0x5: {  	s31 =	simm.s32 $0x5;
	s12 =	simm.s32 $0x0;
	s7 =	smul.u32 $0x50000, s11  }
0x6: {  	[smem:$0x7FF] =	sst s3;
	s4 =	sadd.s32 $0x15A00, s0;
	s5 =	sadd.s32 s6, s5  }
0x7: {  	s8 =	sadd.s32 $0x65A00, s0;
	s7 =	sshrl.u32 s7, $0x2;
	s5 =	sshrl.u32 s5, $0x3  }
0x8: {  	s9 =	sadd.s32 $0x5A00, s0;
	s0 =	sadd.s32 s5, s0;
	s5 =	sadd.s32 s7, s1  }
0x9: {  	s24 =	sshll.u32 s11, $0xB;
	s11 =	simm.s32 $0x4;
	s7 =	sadd.s32 $0x1400, s5  }
0xa: {  	_ =	strace $0x80000050;
	s16 =	sadd.s32 $0x2800, s5;
	[dreg:$0x3] =	wrdreg s7  }
0xb: {  	s15 =	ssub.s32 $0x2, s2;
	s17 =	sadd.s32 $0x3C00, s5;
	[dreg:$0x4] =	wrdreg s16  }
0xc: {  	s2 =	sshll.u32 s2, $0xF;
	s18 =	sadd.s32 $0x5000, s5;
	[dreg:$0x5] =	wrdreg s17  }
0xd: {  	s10 =	sshrl.u32 s15, $0x1;
	s19 =	sadd.s32 $0x6400, s5;
	[dreg:$0x6] =	wrdreg s18  }
0xe: {  	s2 =	sor.u32 s24, s2;
	s20 =	sadd.s32 $0x7800, s5;
	[dreg:$0x7] =	wrdreg s19  }
0xf: {  	s6 =	ssub.s32 s15, s10;
	s21 =	sadd.s32 $0x8C00, s5;
	[dreg:$0x8] =	wrdreg s20  }
0x10: {  	s10 =	simm.s32 $0x3;
	s22 =	sadd.s32 $0xA000, s5;
	[dreg:$0x9] =	wrdreg s21  }
0x11: {  	s23 =	sadd.s32 $0xB400, s5;
	s25 =	sadd.s32 $0xC800, s5;
	[dreg:$0xa] =	wrdreg s22  }
0x12: {  	s26 =	sadd.s32 $0xDC00, s5;
	s24 =	sadd.s32 $0x9CC00, s0;
	[dreg:$0xb] =	wrdreg s23  }
0x13: {  	s28 =	sadd.s32 $0x11800, s5;
	s29 =	sadd.s32 $0x12C00, s5;
	[dreg:$0xc] =	wrdreg s25  }
0x14: {  	s0 =	simm.s32 $0x2000;
	[dreg:$0xd] =	wrdreg s26;
	s17 =	sadd.s32 s8, s2  }
0x15: {  	s18 =	sadd.s32 s9, s2;
	s7 =	sor.u32 $0x400, s2;
	s2 =	sor.u32 $0x780, s2  }
0x16: {  	s23 =	sadd.s32 $0xF000, s5;
	s25 =	smax.u32 s6, $0x1;
	s26 =	sadd.s32 $0x10400, s5  }
0x17: {  	s6 =	simm.s32 $0x4000;
	s19 =	sadd.s32 s8, s7;
	s20 =	sadd.s32 s9, s7  }
0x18: {  	s21 =	sadd.s32 s8, s2;
	s22 =	sadd.s32 s9, s2;
	s2 =	simm.s32 $0x50  }
0x19: {  	v0 =	vimm.f32 $0.0e+00;
	s7 =	simm.s32 $0x6800;
	s8 =	simm.s32 $0x1;
	s9 =	simm.s32 $0x2  }
.LBB2_1:
0x1a: {  	s13 =	simm.s32 $0x0;
	s14 =	simm.s32 $0x200  }
.LBB2_2:
0x1b: {  	p0 =	sne.s32 s14, $0x4E00;
	[tilespmem:s13+$0x9070] =	vst v0  }
0x1c: {  	[tilespmem:s13+$0x9000] =	vst v0  }
0x1d: {  	[tilespmem:s13+$0x9010] =	vst v0  }
.Ltmp0:
0x1e: {  	[tilespmem:s13+$0x9020] =	vst v0;
	(pc) =	sbr.rel @p0 .LBB2_2-.Ltmp0, $4  }
0x1f: {  	[tilespmem:s13+$0x9030] =	vst v0  }
0x20: {  	[tilespmem:s13+$0x9040] =	vst v0  }
0x21: {  	[tilespmem:s13+$0x9050] =	vst v0  }
0x22: {  	[tilespmem:s13+$0x9060] =	vst v0;
	s13 =	sshra.s32 s14, $0x2;
	s14 =	sadd.s32 $0x200, s14  }
0x23: {  	[tilespmem:s13+$0x9070] =	vst v0  }
0x24: {  	[tilespmem:s13+$0x9000] =	vst v0  }
0x25: {  	[tilespmem:s13+$0x9010] =	vst v0  }
0x26: {  	[tilespmem:s13+$0x9020] =	vst v0  }
0x27: {  	[tilespmem:s13+$0x9030] =	vst v0  }
0x28: {  	[tilespmem:s13+$0x9040] =	vst v0  }
0x29: {  	[tilespmem:s13+$0x9050] =	vst v0  }
0x2a: {  	[tilespmem:s13+$0x9060] =	vst v0  }
0x2b: {  	[spmem:s5] =	stream.linear.scatter [tilespmem:s30], [sflag:$0x5], $0x1400, $0x38;
	[tilespmem:$0x1E400] =	vst v63  }
0x2c: {  	_ =	swait.ge [sflag:s31], $0x1400  }
0x2d: {  	[sflag:s31] =	ssyncset.done $0x0  }
0x2e: {  	s16 =	rddreg [dreg:$0x3];
	[sflag:s31] =	ssyncadd.s32 $0xFFFFEC00  }
0x2f: {  	[spmem:s16] =	stream.linear.scatter [tilespmem:s30], [sflag:$0x5], $0x1400, $0x38;
	[tilespmem:$0x1E400] =	vst v63  }
0x30: {  	_ =	swait.ge [sflag:s31], $0x1400  }
0x31: {  	[sflag:s31] =	ssyncset.done $0x0  }
0x32: {  	s14 =	rddreg [dreg:$0x4];
	[sflag:s31] =	ssyncadd.s32 $0xFFFFEC00  }
0x33: {  	[spmem:s14] =	stream.linear.scatter [tilespmem:s30], [sflag:$0x5], $0x1400, $0x38;
	[tilespmem:$0x1E400] =	vst v63  }
0x34: {  	_ =	swait.ge [sflag:s31], $0x1400  }
0x35: {  	[sflag:s31] =	ssyncset.done $0x0  }
0x36: {  	s15 =	rddreg [dreg:$0x5];
	[sflag:s31] =	ssyncadd.s32 $0xFFFFEC00  }
0x37: {  	[spmem:s15] =	stream.linear.scatter [tilespmem:s30], [sflag:$0x5], $0x1400, $0x38;
	[tilespmem:$0x1E400] =	vst v63  }
0x38: {  	_ =	swait.ge [sflag:s31], $0x1400  }
0x39: {  	[sflag:s31] =	ssyncset.done $0x0  }
0x3a: {  	s16 =	rddreg [dreg:$0x6];
	[sflag:s31] =	ssyncadd.s32 $0xFFFFEC00  }
0x3b: {  	[spmem:s16] =	stream.linear.scatter [tilespmem:s30], [sflag:$0x5], $0x1400, $0x38;
	[tilespmem:$0x1E400] =	vst v63  }
0x3c: {  	_ =	swait.ge [sflag:s31], $0x1400  }
0x3d: {  	[sflag:s31] =	ssyncset.done $0x0  }
0x3e: {  	s14 =	rddreg [dreg:$0x7];
	[sflag:s31] =	ssyncadd.s32 $0xFFFFEC00  }
0x3f: {  	[spmem:s14] =	stream.linear.scatter [tilespmem:s30], [sflag:$0x5], $0x1400, $0x38;
	[tilespmem:$0x1E400] =	vst v63  }
0x40: {  	_ =	swait.ge [sflag:s31], $0x1400  }
0x41: {  	[sflag:s31] =	ssyncset.done $0x0  }
0x42: {  	s15 =	rddreg [dreg:$0x8];
	[sflag:s31] =	ssyncadd.s32 $0xFFFFEC00  }
0x43: {  	[spmem:s15] =	stream.linear.scatter [tilespmem:s30], [sflag:$0x5], $0x1400, $0x38;
	[tilespmem:$0x1E400] =	vst v63  }
0x44: {  	_ =	swait.ge [sflag:s31], $0x1400  }
0x45: {  	[sflag:s31] =	ssyncset.done $0x0  }
0x46: {  	s16 =	rddreg [dreg:$0x9];
	[sflag:s31] =	ssyncadd.s32 $0xFFFFEC00  }
0x47: {  	[spmem:s16] =	stream.linear.scatter [tilespmem:s30], [sflag:$0x5], $0x1400, $0x38;
	[tilespmem:$0x1E400] =	vst v63  }
0x48: {  	_ =	swait.ge [sflag:s31], $0x1400  }
0x49: {  	[sflag:s31] =	ssyncset.done $0x0  }
0x4a: {  	s14 =	rddreg [dreg:$0xa];
	[sflag:s31] =	ssyncadd.s32 $0xFFFFEC00  }
0x4b: {  	[spmem:s14] =	stream.linear.scatter [tilespmem:s30], [sflag:$0x5], $0x1400, $0x38;
	[tilespmem:$0x1E400] =	vst v63  }
0x4c: {  	_ =	swait.ge [sflag:s31], $0x1400  }
0x4d: {  	[sflag:s31] =	ssyncset.done $0x0  }
0x4e: {  	s15 =	rddreg [dreg:$0xb];
	[sflag:s31] =	ssyncadd.s32 $0xFFFFEC00  }
0x4f: {  	[spmem:s15] =	stream.linear.scatter [tilespmem:s30], [sflag:$0x5], $0x1400, $0x38;
	[tilespmem:$0x1E400] =	vst v63  }
0x50: {  	_ =	swait.ge [sflag:s31], $0x1400  }
0x51: {  	[sflag:s31] =	ssyncset.done $0x0  }
0x52: {  	s16 =	rddreg [dreg:$0xc];
	[sflag:s31] =	ssyncadd.s32 $0xFFFFEC00  }
0x53: {  	[spmem:s16] =	stream.linear.scatter [tilespmem:s30], [sflag:$0x5], $0x1400, $0x38;
	[tilespmem:$0x1E400] =	vst v63  }
0x54: {  	_ =	swait.ge [sflag:s31], $0x1400  }
0x55: {  	[sflag:s31] =	ssyncset.done $0x0  }
0x56: {  	s14 =	rddreg [dreg:$0xd];
	[sflag:s31] =	ssyncadd.s32 $0xFFFFEC00  }
0x57: {  	[spmem:s14] =	stream.linear.scatter [tilespmem:s30], [sflag:$0x5], $0x1400, $0x38;
	[tilespmem:$0x1E400] =	vst v63  }
0x58: {  	_ =	swait.ge [sflag:s31], $0x1400  }
0x59: {  	[sflag:s31] =	ssyncset.done $0x0  }
0x5a: {  	[sflag:s31] =	ssyncadd.s32 $0xFFFFEC00  }
0x5b: {  	[spmem:s23] =	stream.linear.scatter [tilespmem:s30], [sflag:$0x5], $0x1400, $0x38;
	[tilespmem:$0x1E400] =	vst v63  }
0x5c: {  	_ =	swait.ge [sflag:s31], $0x1400  }
0x5d: {  	[sflag:s31] =	ssyncset.done $0x0  }
0x5e: {  	[sflag:s31] =	ssyncadd.s32 $0xFFFFEC00  }
0x5f: {  	[spmem:s26] =	stream.linear.scatter [tilespmem:s30], [sflag:$0x5], $0x1400, $0x38;
	[tilespmem:$0x1E400] =	vst v63  }
0x60: {  	_ =	swait.ge [sflag:s31], $0x1400  }
0x61: {  	[sflag:s31] =	ssyncset.done $0x0  }
0x62: {  	[sflag:s31] =	ssyncadd.s32 $0xFFFFEC00  }
0x63: {  	[spmem:s28] =	stream.linear.scatter [tilespmem:s30], [sflag:$0x5], $0x1400, $0x38;
	[tilespmem:$0x1E400] =	vst v63  }
0x64: {  	_ =	swait.ge [sflag:s31], $0x1400  }
0x65: {  	[sflag:s31] =	ssyncset.done $0x0  }
0x66: {  	[sflag:s31] =	ssyncadd.s32 $0xFFFFEC00  }
0x67: {  	[spmem:s29] =	stream.linear.scatter [tilespmem:s30], [sflag:$0x5], $0x1400, $0x38;
	[tilespmem:$0x1E400] =	vst v63  }
0x68: {  	_ =	swait.ge [sflag:s31], $0x1400  }
0x69: {  	[sflag:s31] =	ssyncset.done $0x0  }
0x6a: {  	[sflag:s31] =	ssyncadd.s32 $0xFFFFEC00  }
0x6b: {  	s15 =	simm.s32 $0x0;
	[bflag:$0x0] =	sbarrier.arrive $0xFFFF  }
0x6c: {  	[tilespmem:s15], [sflag:$0x5] =	stream.linear.gather [hbm4b:s17+s15], $0x2000, $0x38;
	[tilespmem:$0x1E400] =	vst v63  }
0x6d: {  	_ =	swait.ge [sflag:s31], $0x2000  }
0x6e: {  	[sflag:s31] =	ssyncset.done $0x0  }
0x6f: {  	[sflag:s31] =	ssyncadd.s32 $0xFFFFE000  }
0x70: {  	[tilespmem:s0], [sflag:$0x5] =	stream.linear.gather [hbm4b:s18+s15], $0x2000, $0x38;
	[tilespmem:$0x1E400] =	vst v63  }
0x71: {  	_ =	swait.ge [sflag:s31], $0x2000  }
0x72: {  	[sflag:s31] =	ssyncset.done $0x0  }
0x73: {  	s16 =	simm.s32 $0x0;
	[sflag:s31] =	ssyncadd.s32 $0xFFFFE000  }
0x74: {  	[tilespmem:s6], [sflag:$0x1] =	stream.indirect.gather [hbm4b:s4+s2], $0x80, s16, s2, $0xb8;
	[tilespmem:$0x1E400] =	vst v63  }
0x75: {  	s14 =	simm.s32 $0x80  }
0x76: {  	[tilespmem:s7], [sflag:$0x2] =	stream.indirect.gather [hbm4b:s4+s2], $0x80, s14, s2, $0xb8;
	[tilespmem:$0x1E400] =	vst v63  }
0x77: {  	_ =	swait.ge [sflag:s8], $0x2800  }
0x78: {  	[sflag:s8] =	ssyncset.done $0x0  }
0x79: {  	s15 =	simm.s32 $0x2000;
	[sflag:s8] =	ssyncadd.s32 $0xFFFFD800  }
0x7a: {  	[spmem:s1] =	stream.indirect.scatter.add.f32 [tilespmem:s6], [sflag:$0x3], $0x80, s15, s2, $0xb8;
	[tilespmem:$0x1E400] =	vst v63  }
0x7b: {  	_ =	swait.ge [sflag:s9], $0x2800  }
0x7c: {  	[sflag:s9] =	ssyncset.done $0x0  }
0x7d: {  	s16 =	simm.s32 $0x2080;
	[sflag:s9] =	ssyncadd.s32 $0xFFFFD800  }
0x7e: {  	[spmem:s1] =	stream.indirect.scatter.add.f32 [tilespmem:s7], [sflag:$0x4], $0x80, s16, s2, $0xb8;
	[tilespmem:$0x1E400] =	vst v63  }
0x7f: {  	_ =	swait.ge [sflag:s10], $0x2800  }
0x80: {  	[sflag:s10] =	ssyncset.done $0x0  }
0x81: {  	[sflag:s10] =	ssyncadd.s32 $0xFFFFD800  }
0x82: {  	_ =	swait.ge [sflag:s11], $0x2800  }
0x83: {  	s13 =	simm.s32 $0x400;
	s14 =	simm.s32 $0x800;
	[sflag:s11] =	ssyncset.done $0x0  }
.LBB2_4:
0x84: {  	s15 =	sshra.s32 s13, $0x2  }
0x85: {  	[sflag:s11] =	ssyncadd.s32 $0xFFFFD800;
	s13 =	smov.u32 s14;
	s16 =	sadd.s32 $0x400, s14  }
0x86: {  	[tilespmem:s6], [sflag:$0x1] =	stream.indirect.gather [hbm4b:s4+s2], $0x80, s15, s2, $0xb8;
	[tilespmem:$0x1E400] =	vst v63  }
0x87: {  	p0 =	sne.s32 s14, $0x7C00;
	s14 =	sadd.s32 $0x80, s15  }
0x88: {  	[tilespmem:s7], [sflag:$0x2] =	stream.indirect.gather [hbm4b:s4+s2], $0x80, s14, s2, $0xb8;
	[tilespmem:$0x1E400] =	vst v63  }
0x89: {  	_ =	swait.ge [sflag:s8], $0x2800  }
0x8a: {  	[sflag:s8] =	ssyncset.done $0x0  }
0x8b: {  	s14 =	sadd.s32 $0x2000, s15;
	[sflag:s8] =	ssyncadd.s32 $0xFFFFD800  }
0x8c: {  	[spmem:s1] =	stream.indirect.scatter.add.f32 [tilespmem:s6], [sflag:$0x3], $0x80, s14, s2, $0xb8;
	[tilespmem:$0x1E400] =	vst v63  }
0x8d: {  	_ =	swait.ge [sflag:s9], $0x2800  }
0x8e: {  	[sflag:s9] =	ssyncset.done $0x0  }
0x8f: {  	s14 =	sadd.s32 $0x2080, s15;
	[sflag:s9] =	ssyncadd.s32 $0xFFFFD800  }
0x90: {  	[spmem:s1] =	stream.indirect.scatter.add.f32 [tilespmem:s7], [sflag:$0x4], $0x80, s14, s2, $0xb8;
	[tilespmem:$0x1E400] =	vst v63  }
.Ltmp1:
0x91: {  	_ =	swait.ge [sflag:s10], $0x2800;
	(pc) =	sbr.rel @p0 .LBB2_4-.Ltmp1, $4  }
0x92: {  	[sflag:s10] =	ssyncset.done $0x0  }
0x93: {  	[sflag:s10] =	ssyncadd.s32 $0xFFFFD800  }
0x94: {  	_ =	swait.ge [sflag:s11], $0x2800  }
0x95: {  	s14 =	smov.u32 s16;
	[sflag:s11] =	ssyncset.done $0x0  }
0x96: {  	s13 =	sshra.s32 s13, $0x2;
	[sflag:s11] =	ssyncadd.s32 $0xFFFFD800  }
0x97: {  	[tilespmem:s6], [sflag:$0x1] =	stream.indirect.gather [hbm4b:s4+s2], $0x80, s13, s2, $0xb8;
	[tilespmem:$0x1E400] =	vst v63  }
0x98: {  	s14 =	sadd.s32 $0x80, s13  }
0x99: {  	[tilespmem:s7], [sflag:$0x2] =	stream.indirect.gather [hbm4b:s4+s2], $0x80, s14, s2, $0xb8;
	[tilespmem:$0x1E400] =	vst v63  }
0x9a: {  	_ =	swait.ge [sflag:s8], $0x2800  }
0x9b: {  	[sflag:s8] =	ssyncset.done $0x0  }
0x9c: {  	s16 =	sadd.s32 $0x2000, s13;
	[sflag:s8] =	ssyncadd.s32 $0xFFFFD800  }
0x9d: {  	[spmem:s1] =	stream.indirect.scatter.add.f32 [tilespmem:s6], [sflag:$0x3], $0x80, s16, s2, $0xb8;
	[tilespmem:$0x1E400] =	vst v63  }
0x9e: {  	_ =	swait.ge [sflag:s9], $0x2800  }
0x9f: {  	[sflag:s9] =	ssyncset.done $0x0  }
0xa0: {  	s13 =	sadd.s32 $0x2080, s13;
	[sflag:s9] =	ssyncadd.s32 $0xFFFFD800  }
0xa1: {  	[spmem:s1] =	stream.indirect.scatter.add.f32 [tilespmem:s7], [sflag:$0x4], $0x80, s13, s2, $0xb8;
	[tilespmem:$0x1E400] =	vst v63  }
0xa2: {  	_ =	swait.ge [sflag:s10], $0x2800  }
0xa3: {  	[sflag:s10] =	ssyncset.done $0x0  }
0xa4: {  	[sflag:s10] =	ssyncadd.s32 $0xFFFFD800  }
0xa5: {  	_ =	swait.ge [sflag:s11], $0x2800  }
0xa6: {  	[sflag:s11] =	ssyncset.done $0x0  }
0xa7: {  	s15 =	simm.s32 $0x0;
	[sflag:s11] =	ssyncadd.s32 $0xFFFFD800  }
0xa8: {  	[tilespmem:s15], [sflag:$0x5] =	stream.linear.gather [hbm4b:s19+s15], $0x1C00, $0x38;
	[tilespmem:$0x1E400] =	vst v63  }
0xa9: {  	_ =	swait.ge [sflag:s31], $0x1C00  }
0xaa: {  	[sflag:s31] =	ssyncset.done $0x0  }
0xab: {  	[sflag:s31] =	ssyncadd.s32 $0xFFFFE400  }
0xac: {  	[tilespmem:s0], [sflag:$0x5] =	stream.linear.gather [hbm4b:s20+s15], $0x1C00, $0x38;
	[tilespmem:$0x1E400] =	vst v63  }
0xad: {  	_ =	swait.ge [sflag:s31], $0x1C00  }
0xae: {  	[sflag:s31] =	ssyncset.done $0x0  }
0xaf: {  	s16 =	simm.s32 $0x0;
	[sflag:s31] =	ssyncadd.s32 $0xFFFFE400  }
0xb0: {  	[tilespmem:s6], [sflag:$0x1] =	stream.indirect.gather [hbm4b:s4+s2], $0x80, s16, s2, $0xb8;
	[tilespmem:$0x1E400] =	vst v63  }
0xb1: {  	s14 =	simm.s32 $0x80  }
0xb2: {  	[tilespmem:s7], [sflag:$0x2] =	stream.indirect.gather [hbm4b:s4+s2], $0x80, s14, s2, $0xb8;
	[tilespmem:$0x1E400] =	vst v63  }
0xb3: {  	_ =	swait.ge [sflag:s8], $0x2800  }
0xb4: {  	[sflag:s8] =	ssyncset.done $0x0  }
0xb5: {  	s15 =	simm.s32 $0x2000;
	[sflag:s8] =	ssyncadd.s32 $0xFFFFD800  }
0xb6: {  	[spmem:s1] =	stream.indirect.scatter.add.f32 [tilespmem:s6], [sflag:$0x3], $0x80, s15, s2, $0xb8;
	[tilespmem:$0x1E400] =	vst v63  }
0xb7: {  	_ =	swait.ge [sflag:s9], $0x2800  }
0xb8: {  	[sflag:s9] =	ssyncset.done $0x0  }
0xb9: {  	s16 =	simm.s32 $0x2080;
	[sflag:s9] =	ssyncadd.s32 $0xFFFFD800  }
0xba: {  	[spmem:s1] =	stream.indirect.scatter.add.f32 [tilespmem:s7], [sflag:$0x4], $0x80, s16, s2, $0xb8;
	[tilespmem:$0x1E400] =	vst v63  }
0xbb: {  	_ =	swait.ge [sflag:s10], $0x2800  }
0xbc: {  	[sflag:s10] =	ssyncset.done $0x0  }
0xbd: {  	[sflag:s10] =	ssyncadd.s32 $0xFFFFD800  }
0xbe: {  	_ =	swait.ge [sflag:s11], $0x2800  }
0xbf: {  	s13 =	simm.s32 $0x400;
	s14 =	simm.s32 $0x800;
	[sflag:s11] =	ssyncset.done $0x0  }
.LBB2_6:
0xc0: {  	s15 =	sshra.s32 s13, $0x2  }
0xc1: {  	[sflag:s11] =	ssyncadd.s32 $0xFFFFD800;
	s13 =	smov.u32 s14;
	s16 =	sadd.s32 $0x400, s14  }
0xc2: {  	[tilespmem:s6], [sflag:$0x1] =	stream.indirect.gather [hbm4b:s4+s2], $0x80, s15, s2, $0xb8;
	[tilespmem:$0x1E400] =	vst v63  }
0xc3: {  	p0 =	sne.s32 s14, $0x6C00;
	s14 =	sadd.s32 $0x80, s15  }
0xc4: {  	[tilespmem:s7], [sflag:$0x2] =	stream.indirect.gather [hbm4b:s4+s2], $0x80, s14, s2, $0xb8;
	[tilespmem:$0x1E400] =	vst v63  }
0xc5: {  	_ =	swait.ge [sflag:s8], $0x2800  }
0xc6: {  	[sflag:s8] =	ssyncset.done $0x0  }
0xc7: {  	s14 =	sadd.s32 $0x2000, s15;
	[sflag:s8] =	ssyncadd.s32 $0xFFFFD800  }
0xc8: {  	[spmem:s1] =	stream.indirect.scatter.add.f32 [tilespmem:s6], [sflag:$0x3], $0x80, s14, s2, $0xb8;
	[tilespmem:$0x1E400] =	vst v63  }
0xc9: {  	_ =	swait.ge [sflag:s9], $0x2800  }
0xca: {  	[sflag:s9] =	ssyncset.done $0x0  }
0xcb: {  	s14 =	sadd.s32 $0x2080, s15;
	[sflag:s9] =	ssyncadd.s32 $0xFFFFD800  }
0xcc: {  	[spmem:s1] =	stream.indirect.scatter.add.f32 [tilespmem:s7], [sflag:$0x4], $0x80, s14, s2, $0xb8;
	[tilespmem:$0x1E400] =	vst v63  }
.Ltmp2:
0xcd: {  	_ =	swait.ge [sflag:s10], $0x2800;
	(pc) =	sbr.rel @p0 .LBB2_6-.Ltmp2, $4  }
0xce: {  	[sflag:s10] =	ssyncset.done $0x0  }
0xcf: {  	[sflag:s10] =	ssyncadd.s32 $0xFFFFD800  }
0xd0: {  	_ =	swait.ge [sflag:s11], $0x2800  }
0xd1: {  	s14 =	smov.u32 s16;
	[sflag:s11] =	ssyncset.done $0x0  }
0xd2: {  	s13 =	sshra.s32 s13, $0x2;
	[sflag:s11] =	ssyncadd.s32 $0xFFFFD800  }
0xd3: {  	[tilespmem:s6], [sflag:$0x1] =	stream.indirect.gather [hbm4b:s4+s2], $0x80, s13, s2, $0xb8;
	[tilespmem:$0x1E400] =	vst v63  }
0xd4: {  	s14 =	sadd.s32 $0x80, s13  }
0xd5: {  	[tilespmem:s7], [sflag:$0x2] =	stream.indirect.gather [hbm4b:s4+s2], $0x80, s14, s2, $0xb8;
	[tilespmem:$0x1E400] =	vst v63  }
0xd6: {  	_ =	swait.ge [sflag:s8], $0x2800  }
0xd7: {  	[sflag:s8] =	ssyncset.done $0x0  }
0xd8: {  	s15 =	sadd.s32 $0x2000, s13;
	[sflag:s8] =	ssyncadd.s32 $0xFFFFD800  }
0xd9: {  	[spmem:s1] =	stream.indirect.scatter.add.f32 [tilespmem:s6], [sflag:$0x3], $0x80, s15, s2, $0xb8;
	[tilespmem:$0x1E400] =	vst v63  }
0xda: {  	_ =	swait.ge [sflag:s9], $0x2800  }
0xdb: {  	[sflag:s9] =	ssyncset.done $0x0  }
0xdc: {  	s13 =	sadd.s32 $0x2080, s13;
	[sflag:s9] =	ssyncadd.s32 $0xFFFFD800  }
0xdd: {  	[spmem:s1] =	stream.indirect.scatter.add.f32 [tilespmem:s7], [sflag:$0x4], $0x80, s13, s2, $0xb8;
	[tilespmem:$0x1E400] =	vst v63  }
0xde: {  	_ =	swait.ge [sflag:s10], $0x2800  }
0xdf: {  	[sflag:s10] =	ssyncset.done $0x0  }
0xe0: {  	[sflag:s10] =	ssyncadd.s32 $0xFFFFD800  }
0xe1: {  	_ =	swait.ge [sflag:s11], $0x2800  }
0xe2: {  	[sflag:s11] =	ssyncset.done $0x0  }
0xe3: {  	[sflag:s11] =	ssyncadd.s32 $0xFFFFD800  }
0xe4: {  	[tilespmem:s3], [sflag:$0x5] =	stream.linear.gather [hbm4b:s21+s3], $0x280, $0x38;
	[tilespmem:$0x1E400] =	vst v63  }
0xe5: {  	_ =	swait.ge [sflag:s31], $0x280  }
0xe6: {  	[sflag:s31] =	ssyncset.done $0x0  }
0xe7: {  	[sflag:s31] =	ssyncadd.s32 $0xFFFFFD80  }
0xe8: {  	[tilespmem:s0], [sflag:$0x5] =	stream.linear.gather [hbm4b:s22+s3], $0x280, $0x38;
	[tilespmem:$0x1E400] =	vst v63  }
0xe9: {  	_ =	swait.ge [sflag:s31], $0x280  }
0xea: {  	[sflag:s31] =	ssyncset.done $0x0  }
0xeb: {  	[sflag:s31] =	ssyncadd.s32 $0xFFFFFD80  }
0xec: {  	[tilespmem:s6], [sflag:$0x1] =	stream.indirect.gather [hbm4b:s4+s2], $0x80, s3, s2, $0xb8;
	[tilespmem:$0x1E400] =	vst v63  }
0xed: {  	s16 =	simm.s32 $0x80  }
0xee: {  	[tilespmem:s7], [sflag:$0x2] =	stream.indirect.gather [hbm4b:s4+s2], $0x80, s16, s2, $0xb8;
	[tilespmem:$0x1E400] =	vst v63  }
0xef: {  	_ =	swait.ge [sflag:s8], $0x2800  }
0xf0: {  	[sflag:s8] =	ssyncset.done $0x0  }
0xf1: {  	[sflag:s8] =	ssyncadd.s32 $0xFFFFD800  }
0xf2: {  	[spmem:s1] =	stream.indirect.scatter.add.f32 [tilespmem:s6], [sflag:$0x3], $0x80, s0, s2, $0xb8;
	[tilespmem:$0x1E400] =	vst v63  }
0xf3: {  	_ =	swait.ge [sflag:s9], $0x2800  }
0xf4: {  	[sflag:s9] =	ssyncset.done $0x0  }
0xf5: {  	s14 =	simm.s32 $0x2080;
	[sflag:s9] =	ssyncadd.s32 $0xFFFFD800  }
0xf6: {  	[spmem:s1] =	stream.indirect.scatter.add.f32 [tilespmem:s7], [sflag:$0x4], $0x80, s14, s2, $0xb8;
	[tilespmem:$0x1E400] =	vst v63  }
0xf7: {  	_ =	swait.ge [sflag:s10], $0x2800  }
0xf8: {  	[sflag:s10] =	ssyncset.done $0x0  }
0xf9: {  	[sflag:s10] =	ssyncadd.s32 $0xFFFFD800  }
0xfa: {  	_ =	swait.ge [sflag:s11], $0x2800  }
0xfb: {  	[sflag:s11] =	ssyncset.done $0x0  }
0xfc: {  	s15 =	simm.s32 $0x100;
	[sflag:s11] =	ssyncadd.s32 $0xFFFFD800  }
0xfd: {  	[tilespmem:s6], [sflag:$0x1] =	stream.indirect.gather [hbm4b:s4+s2], $0x80, s15, s2, $0xb8;
	[tilespmem:$0x1E400] =	vst v63  }
0xfe: {  	s16 =	simm.s32 $0x180  }
0xff: {  	[tilespmem:s7], [sflag:$0x2] =	stream.indirect.gather [hbm4b:s4+s2], $0x80, s16, s2, $0xb8;
	[tilespmem:$0x1E400] =	vst v63  }
0x100: {  	_ =	swait.ge [sflag:s8], $0x2800  }
0x101: {  	[sflag:s8] =	ssyncset.done $0x0  }
0x102: {  	s14 =	simm.s32 $0x2100;
	[sflag:s8] =	ssyncadd.s32 $0xFFFFD800  }
0x103: {  	[spmem:s1] =	stream.indirect.scatter.add.f32 [tilespmem:s6], [sflag:$0x3], $0x80, s14, s2, $0xb8;
	[tilespmem:$0x1E400] =	vst v63  }
0x104: {  	_ =	swait.ge [sflag:s9], $0x2800  }
0x105: {  	[sflag:s9] =	ssyncset.done $0x0  }
0x106: {  	s15 =	simm.s32 $0x2180;
	[sflag:s9] =	ssyncadd.s32 $0xFFFFD800  }
0x107: {  	[spmem:s1] =	stream.indirect.scatter.add.f32 [tilespmem:s7], [sflag:$0x4], $0x80, s15, s2, $0xb8;
	[tilespmem:$0x1E400] =	vst v63  }
0x108: {  	_ =	swait.ge [sflag:s10], $0x2800  }
0x109: {  	[sflag:s10] =	ssyncset.done $0x0  }
0x10a: {  	[sflag:s10] =	ssyncadd.s32 $0xFFFFD800  }
0x10b: {  	_ =	swait.ge [sflag:s11], $0x2800  }
0x10c: {  	[sflag:s11] =	ssyncset.done $0x0  }
0x10d: {  	s16 =	simm.s32 $0x200;
	[sflag:s11] =	ssyncadd.s32 $0xFFFFD800  }
0x10e: {  	[tilespmem:s6], [sflag:$0x1] =	stream.indirect.gather [hbm4b:s4+s2], $0x80, s16, s2, $0xb8;
	[tilespmem:$0x1E400] =	vst v63  }
0x10f: {  	_ =	swait.ge [sflag:s8], $0x2800  }
0x110: {  	[sflag:s8] =	ssyncset.done $0x0  }
0x111: {  	s14 =	simm.s32 $0x2200;
	[sflag:s8] =	ssyncadd.s32 $0xFFFFD800  }
0x112: {  	[spmem:s1] =	stream.indirect.scatter.add.f32 [tilespmem:s6], [sflag:$0x5], $0x80, s14, s2, $0xb8;
	[tilespmem:$0x1E400] =	vst v63  }
0x113: {  	s15 =	stileid.u32;
	_ =	swait.ge [sflag:s31], $0x2800  }
0x114: {  	s12 =	sadd.s32 $0x1, s12;
	s13 =	sshll.u32 s15, $0x6;
	[sflag:s31] =	ssyncset.done $0x0  }
0x115: {  	p0 =	sne.s32 s12, s25;
	s13 =	sor.u32 $0x1C05, s13;
	[sflag:s31] =	ssyncadd.s32 $0xFFFFD800  }
.Ltmp3:
0x116: {  	s16 =	sshrl.u32 s5, $0x3;
	[bflag:$0x0] =	sbarrier.arrive $0xFFFF;
	(pc) =	sbr.rel @p0 .LBB2_1-.Ltmp3, $4  }
0x117: {  	[hbm:s24], [sflag:s13] =	dma.local [spmem:s16], $0x2800  }
0x118: {  	_ =	swait.ge [sflag:s31], $0x2800  }
0x119: {  	[sflag:s31] =	ssyncset.done $0x0  }
0x11a: {  	[sflag:s31] =	ssyncadd.s32 $0xFFFFD800  }
0x11b: {  	_ =	sfence.sel $0x180000  }
0x11c: {  	[bflag:$0x0] =	sbarrier.arrive $0xFFFF  }
0x11d: {  	_ =	strace $0x90000050  }
0x11e: {  	s0 =	stileid.u32;
	[bflag:$0x2] =	sbarrier.arrive $0xFFFF  }
0x11f: {  	p0 =	sne.s32 s0, $0x0;
	s0 =	rddreg [dreg:$0x2]  }
0x120: {  	s0 =	sadd.s32 @!p0 $0x100000, s0  }
0x121: {  	[sflag:s0] =	ssyncadd.tile.s32 @!p0 $0x1;
	_ =	shalt  }
.Lfunc_end2:
_tile_overlayer_lowered:
.L_overlay_start_2:
0x122: {  	(tag) =	ssettag $0x2  }
0x123: {  	s0 =	rddreg [dreg:$0x0];
	s2 =	stileid.u32  }
0x124: {  	s1 =	rddreg [dreg:$0x1];
	p0 =	sne.s32 s2, $0x0  }
0x125: {  	s3 =	rddreg [dreg:$0x2];
	[bflag:$0x3] =	sbarrier.arrive $0xFFFF;
	s2 =	simm.s32 @!p0 $0x1C05  }
0x126: {  	[timem:s3], [sflag:s2] =	dma.local @!p0 [hbm:s0], s1  }
0x127: {  	s0 =	simm.s32 @!p0 $0x5  }
0x128: {  	_ =	swait.ge @!p0 [sflag:s0], s1  }
0x129: {  	s1 =	ssub.s32 @!p0 $0x0, s1;
	[sflag:s0] =	ssyncset.done @!p0 $0x0  }
0x12a: {  	[sflag:s0] =	ssyncadd.s32 @!p0 s1  }
0x12b: {  	[bflag:$0x3] =	sbarrier.arrive $0xFFFF  }
0x12c: {  	_ =	shalt  }

</sc_bundles>
